<compile_context>
chip_gen: v7x
topology: tpu7x:2x2x1
jax: 0.10.2.dev20260603
libtpu: 0.0.44.dev20260713+nightly
codegen_flags: <defaults>
</compile_context>

<pallas_src>
import jax
import jax.numpy as jnp
from jax import lax
from jax.experimental import pallas as pl
from jax.experimental.pallas import tpu as pltpu
from jax.experimental.pallas import tpu_sc as plsc

N = 10000
E = 320000
DIM = 128

NC = 2
NS = 16
NW = NC * NS
K = 80
ROWS_PER_W = 125
EPAD = NW * ROWS_PER_W * K
NPAD = 10240
STRIPE = NPAD // NS
DUMP = NPAD - 1


def _mesh():
    return plsc.VectorSubcoreMesh(core_axis_name="c", subcore_axis_name="s")


def _deg_body(edges_hbm, out_hbm, idx_v, ones_v, zero_v, deg_sh, sem):
    c = lax.axis_index("c")
    s = lax.axis_index("s")
    w = s * NC + c
    pltpu.sync_copy(edges_hbm.at[w], idx_v)
    for i in range(K // 16):
        ones_v[pl.ds(i * 16, 16)] = jnp.ones((16,), jnp.float32)

    def zb(t, carry):
        zero_v[pl.ds(t * 16, 16)] = jnp.zeros((16,), jnp.float32)
        return carry

    lax.fori_loop(0, STRIPE // 16, zb, 0)
    pltpu.sync_copy(zero_v, deg_sh.at[pl.ds(s * STRIPE, STRIPE)])
    plsc.subcore_barrier()

    def step(j, carry):
        pltpu.sync_copy(ones_v, deg_sh.at[idx_v.at[j, 1]], add=True)
        return carry

    lax.fori_loop(0, ROWS_PER_W, step, 0)
    plsc.subcore_barrier()
    pltpu.sync_copy(deg_sh.at[pl.ds(s * STRIPE, STRIPE)],
                    out_hbm.at[c, 0, pl.ds(s * STRIPE, STRIPE)])


def _sc_degree(edges4d):
    kern = pl.kernel(
        _deg_body,
        out_type=jax.ShapeDtypeStruct((NC, 1, NPAD), jnp.float32),
        mesh=_mesh(),
        scratch_types=[
            pltpu.VMEM((ROWS_PER_W, 2, K), jnp.int32),
            pltpu.VMEM((K,), jnp.float32),
            pltpu.VMEM((STRIPE,), jnp.float32),
            pltpu.VMEM_SHARED((NPAD,), jnp.float32),
            pltpu.SemaphoreType.DMA,
        ],
    )
    return kern(edges4d)


NBUF = 4
PHASE = 25


def _msg_body(edges_hbm, hs_hbm, out_hbm, idx_v, rows_v, acc_sh, *sems):
    c = lax.axis_index("c")
    s = lax.axis_index("s")
    w = s * NC + c

    def slot(b):
        return rows_v.at[b]

    def zr(t, carry):
        rows_v[0, t >> 3, pl.ds((t & 7) * 16, 16)] = jnp.zeros((16,),
                                                               jnp.float32)
        return carry

    lax.fori_loop(0, K * (DIM // 16), zr, 0)
    for t in range(STRIPE // K):
        pltpu.sync_copy(slot(0), acc_sh.at[pl.ds(s * STRIPE + t * K, K)])
    plsc.subcore_barrier()

    sem = sems[0]

    def batch(g2, carry):
        g = g2 * NBUF
        for b in range(NBUF):
            pltpu.async_copy(hs_hbm.at[idx_v.at[g + b, 0]], slot(b), sem)
        for b in range(NBUF):
            pltpu.make_async_copy(hs_hbm.at[pl.ds(0, K)], slot(b), sem).wait()
            pltpu.sync_copy(slot(b), acc_sh.at[idx_v.at[g + b, 1]], add=True)
        return carry

    for phase in range(ROWS_PER_W // PHASE):
        pltpu.sync_copy(edges_hbm.at[w, pl.ds(phase * PHASE, PHASE)], idx_v)
        lax.fori_loop(0, PHASE // NBUF, batch, 0)
        for r in range(PHASE % NBUF):
            j = PHASE - (PHASE % NBUF) + r
            pltpu.async_copy(hs_hbm.at[idx_v.at[j, 0]], slot(r), sem)
            pltpu.make_async_copy(hs_hbm.at[pl.ds(0, K)], slot(r), sem).wait()
            pltpu.sync_copy(slot(r), acc_sh.at[idx_v.at[j, 1]], add=True)

    plsc.subcore_barrier()
    pltpu.sync_copy(acc_sh.at[pl.ds(s * STRIPE, STRIPE)],
                    out_hbm.at[c, pl.ds(s * STRIPE, STRIPE)])


def _sc_edges(edges4d, hs):
    kern = pl.kernel(
        _msg_body,
        out_type=jax.ShapeDtypeStruct((NC, NPAD, DIM), jnp.float32),
        mesh=_mesh(),
        scratch_types=(
            [pltpu.VMEM((PHASE, 2, K), jnp.int32)]
            + [pltpu.VMEM((NBUF, K, DIM), jnp.float32)]
            + [pltpu.VMEM_SHARED((NPAD, DIM), jnp.float32)]
            + [pltpu.SemaphoreType.DMA]
        ),
    )
    return kern(edges4d, hs)


def _prep1_body(x_ref, w_ref, g_ref, bt_ref, h_ref):
    x = x_ref[...]
    mu = jnp.mean(x, axis=-1, keepdims=True)
    var = jnp.mean(x * x, axis=-1, keepdims=True) - mu * mu
    xr = (x - mu) * lax.rsqrt(var + 1e-5) * g_ref[...] + bt_ref[...]
    h_ref[...] = jnp.dot(xr, w_ref[...], preferred_element_type=jnp.float32)


def _tc_prep1(x, W, gamma, beta):
    B = 1000
    return pl.pallas_call(
        _prep1_body,
        grid=(N // B,),
        in_specs=[
            pl.BlockSpec((B, DIM), lambda i: (i, 0)),
            pl.BlockSpec((DIM, DIM), lambda i: (0, 0)),
            pl.BlockSpec((DIM,), lambda i: (0,)),
            pl.BlockSpec((DIM,), lambda i: (0,)),
        ],
        out_specs=pl.BlockSpec((B, DIM), lambda i: (i, 0)),
        out_shape=jax.ShapeDtypeStruct((N, DIM), jnp.float32),
    )(x, W, gamma, beta)


def _prep2_body(h_ref, deg_ref, hs_ref):
    deg = jnp.sum(deg_ref[...], axis=-1, keepdims=True) + 1.0
    hs_ref[...] = h_ref[...] * lax.rsqrt(deg)


def _tc_prep2(h, deg2):
    B = 1000
    return pl.pallas_call(
        _prep2_body,
        grid=(N // B,),
        in_specs=[
            pl.BlockSpec((B, DIM), lambda i: (i, 0)),
            pl.BlockSpec((B, 2), lambda i: (i, 0)),
        ],
        out_specs=pl.BlockSpec((B, DIM), lambda i: (i, 0)),
        out_shape=jax.ShapeDtypeStruct((N, DIM), jnp.float32),
    )(h, deg2)


def _final_body(x_ref, hs_ref, acc_ref, deg_ref, b_ref, o_ref):
    q = acc_ref[0] + acc_ref[1] + hs_ref[...]
    deg = jnp.sum(deg_ref[...], axis=-1, keepdims=True) + 1.0
    agg = q * lax.rsqrt(deg)
    o_ref[...] = x_ref[...] + jnp.maximum(agg + b_ref[...], 0.0)


def _tc_final(x, hs, acc, deg2, b):
    B = 1000
    return pl.pallas_call(
        _final_body,
        grid=(N // B,),
        in_specs=[
            pl.BlockSpec((B, DIM), lambda i: (i, 0)),
            pl.BlockSpec((B, DIM), lambda i: (i, 0)),
            pl.BlockSpec((NC, B, DIM), lambda i: (0, i, 0)),
            pl.BlockSpec((B, 2), lambda i: (i, 0)),
            pl.BlockSpec((DIM,), lambda i: (0,)),
        ],
        out_specs=pl.BlockSpec((B, DIM), lambda i: (i, 0)),
        out_shape=jax.ShapeDtypeStruct((N, DIM), jnp.float32),
    )(x, hs, acc, deg2, b)


def kernel(x, edge_index, A_norm, edge_attr, W, b, gamma, beta):
    pad = EPAD - E
    src3d = jnp.concatenate(
        [edge_index[0], jnp.zeros((pad,), jnp.int32)]).reshape(
            NW, ROWS_PER_W, K)
    dst3d = jnp.concatenate(
        [edge_index[1], jnp.full((pad,), DUMP, jnp.int32)]).reshape(
            NW, ROWS_PER_W, K)
    edges4d = jnp.stack([src3d, dst3d], axis=2)
    h = _tc_prep1(x, W, gamma, beta)
    deg_part = _sc_degree(edges4d)
    deg2 = deg_part.reshape(NC, NPAD)[:, :N].T
    hs = _tc_prep2(h, deg2)
    acc = _sc_edges(edges4d, hs)
    x_out = _tc_final(x, hs, acc, deg2, b)
    return (x_out, edge_attr)

# --- scband reference (transcript-rebuilt; emitter-appended) ---
"""Pipeline reference for scband-residual-module-wrapper-88364657148494 (READ-ONLY COPY).

The authoritative reference and input builder live on the scoring server;
editing this copy changes nothing except your own understanding.
"""

import jax, jax.numpy as jnp
import numpy as np

N = 10000
E = 320000
DIM = 128
DE = 16

def setup_inputs(seed: int = 0) -> dict:
    key = jax.random.key(seed)
    ks = jax.random.split(key, 8)
    x = jax.random.normal(ks[0], (N, DIM), dtype=jnp.float32)
    edge_index = jax.random.randint(ks[1], (2, E), 0, N, dtype=jnp.int32)
    A_norm = jnp.zeros((1, 1), dtype=jnp.float32)
    edge_attr = jax.random.normal(ks[2], (E, DE), dtype=jnp.float32)
    W = jax.random.normal(ks[3], (DIM, DIM), dtype=jnp.float32) * (1.0 / np.sqrt(DIM))
    b = jnp.zeros((DIM,), dtype=jnp.float32)
    gamma = jnp.ones((DIM,), dtype=jnp.float32)
    beta = jnp.zeros((DIM,), dtype=jnp.float32)
    return {"x": x, "edge_index": edge_index, "A_norm": A_norm, "edge_attr": edge_attr,
            "W": W, "b": b, "gamma": gamma, "beta": beta}

def reference(x, edge_index, A_norm, edge_attr, W, b, gamma, beta):
    n = x.shape[0]
    # ResidualModuleWrapper: LayerNorm pre-normalization
    mu = jnp.mean(x, axis=-1, keepdims=True)
    var = jnp.var(x, axis=-1, keepdims=True)
    x_res = (x - mu) / jnp.sqrt(var + 1e-5) * gamma + beta
    # GCNConv: linear transform, then symmetric-normalized propagation with self-loops
    h = x_res @ W
    loop = jnp.arange(n, dtype=edge_index.dtype)
    src = jnp.concatenate([edge_index[0], loop])
    dst = jnp.concatenate([edge_index[1], loop])
    deg = jax.ops.segment_sum(jnp.ones_like(dst, dtype=h.dtype), dst, num_segments=n)
    dinv = jnp.where(deg > 0, 1.0 / jnp.sqrt(deg), 0.0)
    norm = dinv[src] * dinv[dst]
    msg = h[src] * norm[:, None]
    agg = jax.ops.segment_sum(msg, dst, num_segments=n)
    out = jax.nn.relu(agg + b)
    # dropout is identity in eval mode; residual add (GCNModule branch: x = x + x_res)
    x_out = x + out
    return (x_out, edge_attr)

if __name__ == "__main__":
    import jax
    _d = setup_inputs()
    print(jax.jit(kernel)(*tuple(_d.values())))

</pallas_src>

<mosaic_0001>
#map = affine_map<(d0, d1) -> (0, 0, 0, 0)>
#map1 = affine_map<(d0, d1) -> (0, 0)>
#map2 = affine_map<(d0, d1) -> (0, 0, 0)>
module attributes {stable_mosaic.version = 14 : i64} {
  func.func @_msg_body(%arg0: i32, %arg1: i32, %arg2: memref<32x125x2x80xi32, #tpu.memory_space<hbm>>, %arg3: memref<10000x128xf32, #tpu.memory_space<hbm>>, %arg4: memref<2x10240x128xf32, #tpu.memory_space<hbm>>, %arg5: memref<25x2x80xi32, #tpu.memory_space<vmem>>, %arg6: memref<4x80x128xf32, #tpu.memory_space<vmem>>, %arg7: memref<10240x128xf32, #tpu.memory_space<vmem_shared>>, %arg8: memref<!tpu.dma_semaphore, #tpu.memory_space<semaphore_mem>>) attributes {dimension_semantics = [#tpu.dimension_semantics<core_parallel>, #tpu.dimension_semantics<subcore_parallel>], iteration_bounds = array<i64: 2, 16>, scalar_prefetch = 0 : i64, scratch_operands = 4 : i64, tpu.core_type = #tpu.core_type<sc_vector_subcore>, window_params = [{transform_indices = #map}, {transform_indices = #map1}, {transform_indices = #map2}]} {
    %mul3A = arith.constant 2 : i32
    %mul3A_0 = arith.muli %arg1, %mul3A : i32
    %add3A = arith.addi %mul3A_0, %arg0 : i32
    %scan3A = arith.constant 0 : i32
    %scan3A_1 = arith.constant 0 : i32
    %scan3A_2 = arith.constant 640 : i32
    %scan3A_3 = arith.addi %scan3A_1, %scan3A_2 : i32
    %scan3A_4 = arith.constant 1 : i32
    scf.for %scan3A_233 = %scan3A_1 to %scan3A_3 step %scan3A_4  : i32 {
      %broadcast_in_dim3A = arith.constant 0.000000e+00 : f32
      %broadcast_in_dim3A_234 = vector.broadcast %broadcast_in_dim3A : f32 to vector<16xf32>
      %shift_right_arithmetic3A = arith.constant 3 : i32
      %shift_right_arithmetic3A_235 = arith.shrsi %scan3A_233, %shift_right_arithmetic3A : i32
      %and3A = arith.constant 7 : i32
      %and3A_236 = arith.andi %scan3A_233, %and3A : i32
      %mul3A_237 = arith.constant 16 : i32
      %mul3A_238 = arith.muli %and3A_236, %mul3A_237 : i32
      %swap3A = arith.constant 0 : i32
      %swap3A_239 = arith.index_cast %swap3A : i32 to index
      %swap3A_240 = arith.index_cast %shift_right_arithmetic3A_235 : i32 to index
      %swap3A_241 = arith.index_cast %mul3A_238 : i32 to index
      %swap3A_242 = tpu.vector_load %arg6[%swap3A_239, %swap3A_240, %swap3A_241] {strides = array<i32>} : memref<4x80x128xf32, #tpu.memory_space<vmem>>, vector<1x1x16xf32>,
      %swap3A_243 = vector.shape_cast %swap3A_242 : vector<1x1x16xf32> to vector<16xf32>
      %swap3A_244 = vector.shape_cast %broadcast_in_dim3A_234 : vector<16xf32> to vector<1x1x16xf32>
      tpu.vector_store %arg6[%swap3A_239, %swap3A_240, %swap3A_241], %swap3A_244 {strides = array<i32>} : memref<4x80x128xf32, #tpu.memory_space<vmem>>, vector<1x1x16xf32>,
    }
    %scan3A_5 = arith.constant 640 : i32
    %mul3A_6 = arith.constant 640 : i32
    %mul3A_7 = arith.muli %arg1, %mul3A_6 : i32
    %add3A_8 = arith.constant 0 : i32
    %add3A_9 = arith.addi %mul3A_7, %add3A_8 : i32
    %run_scoped3A = arith.constant 0 : i32
    "tpu.region"() ({
      %run_scoped3A_233 = tpu.sem_alloc : memref<!tpu.dma_semaphore, #tpu.memory_space<semaphore_mem>>
      %dma_start3A_234 = arith.constant 0 : i32
      %dma_start3A_235 = arith.constant 0 : i32
      %dma_start3A_236 = tpu.memref_slice %arg6[%run_scoped3A, %dma_start3A_234, %dma_start3A_235] : memref<4x80x128xf32, #tpu.memory_space<vmem>> -> memref<1x80x128xf32, #tpu.memory_space<vmem>>
      %dma_start3A_237 = tpu.memref_squeeze %dma_start3A_236 : memref<1x80x128xf32, #tpu.memory_space<vmem>> -> memref<80x128xf32, #tpu.memory_space<vmem>>
      %dma_start3A_238 = arith.constant 0 : i32
      %dma_start3A_239 = tpu.memref_slice %arg7[%add3A_9, %dma_start3A_238] : memref<10240x128xf32, #tpu.memory_space<vmem_shared>> -> memref<80x128xf32, #tpu.memory_space<vmem_shared>>
      %dma_start3A_240 = arith.constant 0 : i32
      %dma_start3A_241 = tpu.memref_slice %arg7[%add3A_9, %dma_start3A_240] : memref<10240x128xf32, #tpu.memory_space<vmem_shared>> -> memref<80x128xf32, #tpu.memory_space<vmem_shared>>
      %dma_start3A_242 = arith.constant 0 : i32
      %dma_start3A_243 = arith.constant 0 : i32
      %dma_start3A_244 = tpu.memref_slice %arg6[%run_scoped3A, %dma_start3A_242, %dma_start3A_243] : memref<4x80x128xf32, #tpu.memory_space<vmem>> -> memref<1x80x128xf32, #tpu.memory_space<vmem>>
      %dma_start3A_245 = tpu.memref_squeeze %dma_start3A_244 : memref<1x80x128xf32, #tpu.memory_space<vmem>> -> memref<80x128xf32, #tpu.memory_space<vmem>>
      tpu.enqueue_dma source(%dma_start3A_245 : memref<80x128xf32, #tpu.memory_space<vmem>>) target(%dma_start3A_241 : memref<80x128xf32, #tpu.memory_space<vmem_shared>>) target_semaphore(%run_scoped3A_233 : memref<!tpu.dma_semaphore, #tpu.memory_space<semaphore_mem>>)
      %dma_wait3A_246 = arith.constant 0 : i32
      %dma_wait3A_247 = arith.constant 0 : i32
      %dma_wait3A_248 = tpu.memref_slice %arg6[%run_scoped3A, %dma_wait3A_246, %dma_wait3A_247] : memref<4x80x128xf32, #tpu.memory_space<vmem>> -> memref<1x80x128xf32, #tpu.memory_space<vmem>>
      %dma_wait3A_249 = tpu.memref_squeeze %dma_wait3A_248 : memref<1x80x128xf32, #tpu.memory_space<vmem>> -> memref<80x128xf32, #tpu.memory_space<vmem>>
      %dma_wait3A_250 = arith.constant 0 : i32
      %dma_wait3A_251 = tpu.memref_slice %arg7[%add3A_9, %dma_wait3A_250] : memref<10240x128xf32, #tpu.memory_space<vmem_shared>> -> memref<80x128xf32, #tpu.memory_space<vmem_shared>>
      %dma_wait3A_252 = arith.constant 0 : i32
      %dma_wait3A_253 = tpu.memref_slice %arg7[%add3A_9, %dma_wait3A_252] : memref<10240x128xf32, #tpu.memory_space<vmem_shared>> -> memref<80x128xf32, #tpu.memory_space<vmem_shared>>
      %dma_wait3A_254 = arith.constant 0 : i32
      %dma_wait3A_255 = arith.constant 0 : i32
      %dma_wait3A_256 = tpu.memref_slice %arg6[%run_scoped3A, %dma_wait3A_254, %dma_wait3A_255] : memref<4x80x128xf32, #tpu.memory_space<vmem>> -> memref<1x80x128xf32, #tpu.memory_space<vmem>>
      %dma_wait3A_257 = tpu.memref_squeeze %dma_wait3A_256 : memref<1x80x128xf32, #tpu.memory_space<vmem>> -> memref<80x128xf32, #tpu.memory_space<vmem>>
      tpu.wait_dma2 semaphore(%run_scoped3A_233 : memref<!tpu.dma_semaphore, #tpu.memory_space<semaphore_mem>>) src(%dma_wait3A_257 : memref<80x128xf32, #tpu.memory_space<vmem>>) dst(%dma_wait3A_253 : memref<80x128xf32, #tpu.memory_space<vmem_shared>>)
      tpu.yield
    }) : () -> ()
    %mul3A_10 = arith.constant 640 : i32
    %mul3A_11 = arith.muli %arg1, %mul3A_10 : i32
    %add3A_12 = arith.constant 80 : i32
    %add3A_13 = arith.addi %mul3A_11, %add3A_12 : i32
    %run_scoped3A_14 = arith.constant 0 : i32
    "tpu.region"() ({
      %run_scoped3A_233 = tpu.sem_alloc : memref<!tpu.dma_semaphore, #tpu.memory_space<semaphore_mem>>
      %dma_start3A_234 = arith.constant 0 : i32
      %dma_start3A_235 = arith.constant 0 : i32
      %dma_start3A_236 = tpu.memref_slice %arg6[%run_scoped3A_14, %dma_start3A_234, %dma_start3A_235] : memref<4x80x128xf32, #tpu.memory_space<vmem>> -> memref<1x80x128xf32, #tpu.memory_space<vmem>>
      %dma_start3A_237 = tpu.memref_squeeze %dma_start3A_236 : memref<1x80x128xf32, #tpu.memory_space<vmem>> -> memref<80x128xf32, #tpu.memory_space<vmem>>
      %dma_start3A_238 = arith.constant 0 : i32
      %dma_start3A_239 = tpu.memref_slice %arg7[%add3A_13, %dma_start3A_238] : memref<10240x128xf32, #tpu.memory_space<vmem_shared>> -> memref<80x128xf32, #tpu.memory_space<vmem_shared>>
      %dma_start3A_240 = arith.constant 0 : i32
      %dma_start3A_241 = tpu.memref_slice %arg7[%add3A_13, %dma_start3A_240] : memref<10240x128xf32, #tpu.memory_space<vmem_shared>> -> memref<80x128xf32, #tpu.memory_space<vmem_shared>>
      %dma_start3A_242 = arith.constant 0 : i32
      %dma_start3A_243 = arith.constant 0 : i32
      %dma_start3A_244 = tpu.memref_slice %arg6[%run_scoped3A_14, %dma_start3A_242, %dma_start3A_243] : memref<4x80x128xf32, #tpu.memory_space<vmem>> -> memref<1x80x128xf32, #tpu.memory_space<vmem>>
      %dma_start3A_245 = tpu.memref_squeeze %dma_start3A_244 : memref<1x80x128xf32, #tpu.memory_space<vmem>> -> memref<80x128xf32, #tpu.memory_space<vmem>>
      tpu.enqueue_dma source(%dma_start3A_245 : memref<80x128xf32, #tpu.memory_space<vmem>>) target(%dma_start3A_241 : memref<80x128xf32, #tpu.memory_space<vmem_shared>>) target_semaphore(%run_scoped3A_233 : memref<!tpu.dma_semaphore, #tpu.memory_space<semaphore_mem>>)
      %dma_wait3A_246 = arith.constant 0 : i32
      %dma_wait3A_247 = arith.constant 0 : i32
      %dma_wait3A_248 = tpu.memref_slice %arg6[%run_scoped3A_14, %dma_wait3A_246, %dma_wait3A_247] : memref<4x80x128xf32, #tpu.memory_space<vmem>> -> memref<1x80x128xf32, #tpu.memory_space<vmem>>
      %dma_wait3A_249 = tpu.memref_squeeze %dma_wait3A_248 : memref<1x80x128xf32, #tpu.memory_space<vmem>> -> memref<80x128xf32, #tpu.memory_space<vmem>>
      %dma_wait3A_250 = arith.constant 0 : i32
      %dma_wait3A_251 = tpu.memref_slice %arg7[%add3A_13, %dma_wait3A_250] : memref<10240x128xf32, #tpu.memory_space<vmem_shared>> -> memref<80x128xf32, #tpu.memory_space<vmem_shared>>
      %dma_wait3A_252 = arith.constant 0 : i32
      %dma_wait3A_253 = tpu.memref_slice %arg7[%add3A_13, %dma_wait3A_252] : memref<10240x128xf32, #tpu.memory_space<vmem_shared>> -> memref<80x128xf32, #tpu.memory_space<vmem_shared>>
      %dma_wait3A_254 = arith.constant 0 : i32
      %dma_wait3A_255 = arith.constant 0 : i32
      %dma_wait3A_256 = tpu.memref_slice %arg6[%run_scoped3A_14, %dma_wait3A_254, %dma_wait3A_255] : memref<4x80x128xf32, #tpu.memory_space<vmem>> -> memref<1x80x128xf32, #tpu.memory_space<vmem>>
      %dma_wait3A_257 = tpu.memref_squeeze %dma_wait3A_256 : memref<1x80x128xf32, #tpu.memory_space<vmem>> -> memref<80x128xf32, #tpu.memory_space<vmem>>
      tpu.wait_dma2 semaphore(%run_scoped3A_233 : memref<!tpu.dma_semaphore, #tpu.memory_space<semaphore_mem>>) src(%dma_wait3A_257 : memref<80x128xf32, #tpu.memory_space<vmem>>) dst(%dma_wait3A_253 : memref<80x128xf32, #tpu.memory_space<vmem_shared>>)
      tpu.yield
    }) : () -> ()
    %mul3A_15 = arith.constant 640 : i32
    %mul3A_16 = arith.muli %arg1, %mul3A_15 : i32
    %add3A_17 = arith.constant 160 : i32
    %add3A_18 = arith.addi %mul3A_16, %add3A_17 : i32
    %run_scoped3A_19 = arith.constant 0 : i32
    "tpu.region"() ({
      %run_scoped3A_233 = tpu.sem_alloc : memref<!tpu.dma_semaphore, #tpu.memory_space<semaphore_mem>>
      %dma_start3A_234 = arith.constant 0 : i32
      %dma_start3A_235 = arith.constant 0 : i32
      %dma_start3A_236 = tpu.memref_slice %arg6[%run_scoped3A_19, %dma_start3A_234, %dma_start3A_235] : memref<4x80x128xf32, #tpu.memory_space<vmem>> -> memref<1x80x128xf32, #tpu.memory_space<vmem>>
      %dma_start3A_237 = tpu.memref_squeeze %dma_start3A_236 : memref<1x80x128xf32, #tpu.memory_space<vmem>> -> memref<80x128xf32, #tpu.memory_space<vmem>>
      %dma_start3A_238 = arith.constant 0 : i32
      %dma_start3A_239 = tpu.memref_slice %arg7[%add3A_18, %dma_start3A_238] : memref<10240x128xf32, #tpu.memory_space<vmem_shared>> -> memref<80x128xf32, #tpu.memory_space<vmem_shared>>
      %dma_start3A_240 = arith.constant 0 : i32
      %dma_start3A_241 = tpu.memref_slice %arg7[%add3A_18, %dma_start3A_240] : memref<10240x128xf32, #tpu.memory_space<vmem_shared>> -> memref<80x128xf32, #tpu.memory_space<vmem_shared>>
      %dma_start3A_242 = arith.constant 0 : i32
      %dma_start3A_243 = arith.constant 0 : i32
      %dma_start3A_244 = tpu.memref_slice %arg6[%run_scoped3A_19, %dma_start3A_242, %dma_start3A_243] : memref<4x80x128xf32, #tpu.memory_space<vmem>> -> memref<1x80x128xf32, #tpu.memory_space<vmem>>
      %dma_start3A_245 = tpu.memref_squeeze %dma_start3A_244 : memref<1x80x128xf32, #tpu.memory_space<vmem>> -> memref<80x128xf32, #tpu.memory_space<vmem>>
      tpu.enqueue_dma source(%dma_start3A_245 : memref<80x128xf32, #tpu.memory_space<vmem>>) target(%dma_start3A_241 : memref<80x128xf32, #tpu.memory_space<vmem_shared>>) target_semaphore(%run_scoped3A_233 : memref<!tpu.dma_semaphore, #tpu.memory_space<semaphore_mem>>)
      %dma_wait3A_246 = arith.constant 0 : i32
      %dma_wait3A_247 = arith.constant 0 : i32
      %dma_wait3A_248 = tpu.memref_slice %arg6[%run_scoped3A_19, %dma_wait3A_246, %dma_wait3A_247] : memref<4x80x128xf32, #tpu.memory_space<vmem>> -> memref<1x80x128xf32, #tpu.memory_space<vmem>>
      %dma_wait3A_249 = tpu.memref_squeeze %dma_wait3A_248 : memref<1x80x128xf32, #tpu.memory_space<vmem>> -> memref<80x128xf32, #tpu.memory_space<vmem>>
      %dma_wait3A_250 = arith.constant 0 : i32
      %dma_wait3A_251 = tpu.memref_slice %arg7[%add3A_18, %dma_wait3A_250] : memref<10240x128xf32, #tpu.memory_space<vmem_shared>> -> memref<80x128xf32, #tpu.memory_space<vmem_shared>>
      %dma_wait3A_252 = arith.constant 0 : i32
      %dma_wait3A_253 = tpu.memref_slice %arg7[%add3A_18, %dma_wait3A_252] : memref<10240x128xf32, #tpu.memory_space<vmem_shared>> -> memref<80x128xf32, #tpu.memory_space<vmem_shared>>
      %dma_wait3A_254 = arith.constant 0 : i32
      %dma_wait3A_255 = arith.constant 0 : i32
      %dma_wait3A_256 = tpu.memref_slice %arg6[%run_scoped3A_19, %dma_wait3A_254, %dma_wait3A_255] : memref<4x80x128xf32, #tpu.memory_space<vmem>> -> memref<1x80x128xf32, #tpu.memory_space<vmem>>
      %dma_wait3A_257 = tpu.memref_squeeze %dma_wait3A_256 : memref<1x80x128xf32, #tpu.memory_space<vmem>> -> memref<80x128xf32, #tpu.memory_space<vmem>>
      tpu.wait_dma2 semaphore(%run_scoped3A_233 : memref<!tpu.dma_semaphore, #tpu.memory_space<semaphore_mem>>) src(%dma_wait3A_257 : memref<80x128xf32, #tpu.memory_space<vmem>>) dst(%dma_wait3A_253 : memref<80x128xf32, #tpu.memory_space<vmem_shared>>)
      tpu.yield
    }) : () -> ()
    %mul3A_20 = arith.constant 640 : i32
    %mul3A_21 = arith.muli %arg1, %mul3A_20 : i32
    %add3A_22 = arith.constant 240 : i32
    %add3A_23 = arith.addi %mul3A_21, %add3A_22 : i32
    %run_scoped3A_24 = arith.constant 0 : i32
    "tpu.region"() ({
      %run_scoped3A_233 = tpu.sem_alloc : memref<!tpu.dma_semaphore, #tpu.memory_space<semaphore_mem>>
      %dma_start3A_234 = arith.constant 0 : i32
      %dma_start3A_235 = arith.constant 0 : i32
      %dma_start3A_236 = tpu.memref_slice %arg6[%run_scoped3A_24, %dma_start3A_234, %dma_start3A_235] : memref<4x80x128xf32, #tpu.memory_space<vmem>> -> memref<1x80x128xf32, #tpu.memory_space<vmem>>
      %dma_start3A_237 = tpu.memref_squeeze %dma_start3A_236 : memref<1x80x128xf32, #tpu.memory_space<vmem>> -> memref<80x128xf32, #tpu.memory_space<vmem>>
      %dma_start3A_238 = arith.constant 0 : i32
      %dma_start3A_239 = tpu.memref_slice %arg7[%add3A_23, %dma_start3A_238] : memref<10240x128xf32, #tpu.memory_space<vmem_shared>> -> memref<80x128xf32, #tpu.memory_space<vmem_shared>>
      %dma_start3A_240 = arith.constant 0 : i32
      %dma_start3A_241 = tpu.memref_slice %arg7[%add3A_23, %dma_start3A_240] : memref<10240x128xf32, #tpu.memory_space<vmem_shared>> -> memref<80x128xf32, #tpu.memory_space<vmem_shared>>
      %dma_start3A_242 = arith.constant 0 : i32
      %dma_start3A_243 = arith.constant 0 : i32
      %dma_start3A_244 = tpu.memref_slice %arg6[%run_scoped3A_24, %dma_start3A_242, %dma_start3A_243] : memref<4x80x128xf32, #tpu.memory_space<vmem>> -> memref<1x80x128xf32, #tpu.memory_space<vmem>>
      %dma_start3A_245 = tpu.memref_squeeze %dma_start3A_244 : memref<1x80x128xf32, #tpu.memory_space<vmem>> -> memref<80x128xf32, #tpu.memory_space<vmem>>
      tpu.enqueue_dma source(%dma_start3A_245 : memref<80x128xf32, #tpu.memory_space<vmem>>) target(%dma_start3A_241 : memref<80x128xf32, #tpu.memory_space<vmem_shared>>) target_semaphore(%run_scoped3A_233 : memref<!tpu.dma_semaphore, #tpu.memory_space<semaphore_mem>>)
      %dma_wait3A_246 = arith.constant 0 : i32
      %dma_wait3A_247 = arith.constant 0 : i32
      %dma_wait3A_248 = tpu.memref_slice %arg6[%run_scoped3A_24, %dma_wait3A_246, %dma_wait3A_247] : memref<4x80x128xf32, #tpu.memory_space<vmem>> -> memref<1x80x128xf32, #tpu.memory_space<vmem>>
      %dma_wait3A_249 = tpu.memref_squeeze %dma_wait3A_248 : memref<1x80x128xf32, #tpu.memory_space<vmem>> -> memref<80x128xf32, #tpu.memory_space<vmem>>
      %dma_wait3A_250 = arith.constant 0 : i32
      %dma_wait3A_251 = tpu.memref_slice %arg7[%add3A_23, %dma_wait3A_250] : memref<10240x128xf32, #tpu.memory_space<vmem_shared>> -> memref<80x128xf32, #tpu.memory_space<vmem_shared>>
      %dma_wait3A_252 = arith.constant 0 : i32
      %dma_wait3A_253 = tpu.memref_slice %arg7[%add3A_23, %dma_wait3A_252] : memref<10240x128xf32, #tpu.memory_space<vmem_shared>> -> memref<80x128xf32, #tpu.memory_space<vmem_shared>>
      %dma_wait3A_254 = arith.constant 0 : i32
      %dma_wait3A_255 = arith.constant 0 : i32
      %dma_wait3A_256 = tpu.memref_slice %arg6[%run_scoped3A_24, %dma_wait3A_254, %dma_wait3A_255] : memref<4x80x128xf32, #tpu.memory_space<vmem>> -> memref<1x80x128xf32, #tpu.memory_space<vmem>>
      %dma_wait3A_257 = tpu.memref_squeeze %dma_wait3A_256 : memref<1x80x128xf32, #tpu.memory_space<vmem>> -> memref<80x128xf32, #tpu.memory_space<vmem>>
      tpu.wait_dma2 semaphore(%run_scoped3A_233 : memref<!tpu.dma_semaphore, #tpu.memory_space<semaphore_mem>>) src(%dma_wait3A_257 : memref<80x128xf32, #tpu.memory_space<vmem>>) dst(%dma_wait3A_253 : memref<80x128xf32, #tpu.memory_space<vmem_shared>>)
      tpu.yield
    }) : () -> ()
    %mul3A_25 = arith.constant 640 : i32
    %mul3A_26 = arith.muli %arg1, %mul3A_25 : i32
    %add3A_27 = arith.constant 320 : i32
    %add3A_28 = arith.addi %mul3A_26, %add3A_27 : i32
    %run_scoped3A_29 = arith.constant 0 : i32
    "tpu.region"() ({
      %run_scoped3A_233 = tpu.sem_alloc : memref<!tpu.dma_semaphore, #tpu.memory_space<semaphore_mem>>
      %dma_start3A_234 = arith.constant 0 : i32
      %dma_start3A_235 = arith.constant 0 : i32
      %dma_start3A_236 = tpu.memref_slice %arg6[%run_scoped3A_29, %dma_start3A_234, %dma_start3A_235] : memref<4x80x128xf32, #tpu.memory_space<vmem>> -> memref<1x80x128xf32, #tpu.memory_space<vmem>>
      %dma_start3A_237 = tpu.memref_squeeze %dma_start3A_236 : memref<1x80x128xf32, #tpu.memory_space<vmem>> -> memref<80x128xf32, #tpu.memory_space<vmem>>
      %dma_start3A_238 = arith.constant 0 : i32
      %dma_start3A_239 = tpu.memref_slice %arg7[%add3A_28, %dma_start3A_238] : memref<10240x128xf32, #tpu.memory_space<vmem_shared>> -> memref<80x128xf32, #tpu.memory_space<vmem_shared>>
      %dma_start3A_240 = arith.constant 0 : i32
      %dma_start3A_241 = tpu.memref_slice %arg7[%add3A_28, %dma_start3A_240] : memref<10240x128xf32, #tpu.memory_space<vmem_shared>> -> memref<80x128xf32, #tpu.memory_space<vmem_shared>>
      %dma_start3A_242 = arith.constant 0 : i32
      %dma_start3A_243 = arith.constant 0 : i32
      %dma_start3A_244 = tpu.memref_slice %arg6[%run_scoped3A_29, %dma_start3A_242, %dma_start3A_243] : memref<4x80x128xf32, #tpu.memory_space<vmem>> -> memref<1x80x128xf32, #tpu.memory_space<vmem>>
      %dma_start3A_245 = tpu.memref_squeeze %dma_start3A_244 : memref<1x80x128xf32, #tpu.memory_space<vmem>> -> memref<80x128xf32, #tpu.memory_space<vmem>>
      tpu.enqueue_dma source(%dma_start3A_245 : memref<80x128xf32, #tpu.memory_space<vmem>>) target(%dma_start3A_241 : memref<80x128xf32, #tpu.memory_space<vmem_shared>>) target_semaphore(%run_scoped3A_233 : memref<!tpu.dma_semaphore, #tpu.memory_space<semaphore_mem>>)
      %dma_wait3A_246 = arith.constant 0 : i32
      %dma_wait3A_247 = arith.constant 0 : i32
      %dma_wait3A_248 = tpu.memref_slice %arg6[%run_scoped3A_29, %dma_wait3A_246, %dma_wait3A_247] : memref<4x80x128xf32, #tpu.memory_space<vmem>> -> memref<1x80x128xf32, #tpu.memory_space<vmem>>
      %dma_wait3A_249 = tpu.memref_squeeze %dma_wait3A_248 : memref<1x80x128xf32, #tpu.memory_space<vmem>> -> memref<80x128xf32, #tpu.memory_space<vmem>>
      %dma_wait3A_250 = arith.constant 0 : i32
      %dma_wait3A_251 = tpu.memref_slice %arg7[%add3A_28, %dma_wait3A_250] : memref<10240x128xf32, #tpu.memory_space<vmem_shared>> -> memref<80x128xf32, #tpu.memory_space<vmem_shared>>
      %dma_wait3A_252 = arith.constant 0 : i32
      %dma_wait3A_253 = tpu.memref_slice %arg7[%add3A_28, %dma_wait3A_252] : memref<10240x128xf32, #tpu.memory_space<vmem_shared>> -> memref<80x128xf32, #tpu.memory_space<vmem_shared>>
      %dma_wait3A_254 = arith.constant 0 : i32
      %dma_wait3A_255 = arith.constant 0 : i32
      %dma_wait3A_256 = tpu.memref_slice %arg6[%run_scoped3A_29, %dma_wait3A_254, %dma_wait3A_255] : memref<4x80x128xf32, #tpu.memory_space<vmem>> -> memref<1x80x128xf32, #tpu.memory_space<vmem>>
      %dma_wait3A_257 = tpu.memref_squeeze %dma_wait3A_256 : memref<1x80x128xf32, #tpu.memory_space<vmem>> -> memref<80x128xf32, #tpu.memory_space<vmem>>
      tpu.wait_dma2 semaphore(%run_scoped3A_233 : memref<!tpu.dma_semaphore, #tpu.memory_space<semaphore_mem>>) src(%dma_wait3A_257 : memref<80x128xf32, #tpu.memory_space<vmem>>) dst(%dma_wait3A_253 : memref<80x128xf32, #tpu.memory_space<vmem_shared>>)
      tpu.yield
    }) : () -> ()
    %mul3A_30 = arith.constant 640 : i32
    %mul3A_31 = arith.muli %arg1, %mul3A_30 : i32
    %add3A_32 = arith.constant 400 : i32
    %add3A_33 = arith.addi %mul3A_31, %add3A_32 : i32
    %run_scoped3A_34 = arith.constant 0 : i32
    "tpu.region"() ({
      %run_scoped3A_233 = tpu.sem_alloc : memref<!tpu.dma_semaphore, #tpu.memory_space<semaphore_mem>>
      %dma_start3A_234 = arith.constant 0 : i32
      %dma_start3A_235 = arith.constant 0 : i32
      %dma_start3A_236 = tpu.memref_slice %arg6[%run_scoped3A_34, %dma_start3A_234, %dma_start3A_235] : memref<4x80x128xf32, #tpu.memory_space<vmem>> -> memref<1x80x128xf32, #tpu.memory_space<vmem>>
      %dma_start3A_237 = tpu.memref_squeeze %dma_start3A_236 : memref<1x80x128xf32, #tpu.memory_space<vmem>> -> memref<80x128xf32, #tpu.memory_space<vmem>>
      %dma_start3A_238 = arith.constant 0 : i32
      %dma_start3A_239 = tpu.memref_slice %arg7[%add3A_33, %dma_start3A_238] : memref<10240x128xf32, #tpu.memory_space<vmem_shared>> -> memref<80x128xf32, #tpu.memory_space<vmem_shared>>
      %dma_start3A_240 = arith.constant 0 : i32
      %dma_start3A_241 = tpu.memref_slice %arg7[%add3A_33, %dma_start3A_240] : memref<10240x128xf32, #tpu.memory_space<vmem_shared>> -> memref<80x128xf32, #tpu.memory_space<vmem_shared>>
      %dma_start3A_242 = arith.constant 0 : i32
      %dma_start3A_243 = arith.constant 0 : i32
      %dma_start3A_244 = tpu.memref_slice %arg6[%run_scoped3A_34, %dma_start3A_242, %dma_start3A_243] : memref<4x80x128xf32, #tpu.memory_space<vmem>> -> memref<1x80x128xf32, #tpu.memory_space<vmem>>
      %dma_start3A_245 = tpu.memref_squeeze %dma_start3A_244 : memref<1x80x128xf32, #tpu.memory_space<vmem>> -> memref<80x128xf32, #tpu.memory_space<vmem>>
      tpu.enqueue_dma source(%dma_start3A_245 : memref<80x128xf32, #tpu.memory_space<vmem>>) target(%dma_start3A_241 : memref<80x128xf32, #tpu.memory_space<vmem_shared>>) target_semaphore(%run_scoped3A_233 : memref<!tpu.dma_semaphore, #tpu.memory_space<semaphore_mem>>)
      %dma_wait3A_246 = arith.constant 0 : i32
      %dma_wait3A_247 = arith.constant 0 : i32
      %dma_wait3A_248 = tpu.memref_slice %arg6[%run_scoped3A_34, %dma_wait3A_246, %dma_wait3A_247] : memref<4x80x128xf32, #tpu.memory_space<vmem>> -> memref<1x80x128xf32, #tpu.memory_space<vmem>>
      %dma_wait3A_249 = tpu.memref_squeeze %dma_wait3A_248 : memref<1x80x128xf32, #tpu.memory_space<vmem>> -> memref<80x128xf32, #tpu.memory_space<vmem>>
      %dma_wait3A_250 = arith.constant 0 : i32
      %dma_wait3A_251 = tpu.memref_slice %arg7[%add3A_33, %dma_wait3A_250] : memref<10240x128xf32, #tpu.memory_space<vmem_shared>> -> memref<80x128xf32, #tpu.memory_space<vmem_shared>>
      %dma_wait3A_252 = arith.constant 0 : i32
      %dma_wait3A_253 = tpu.memref_slice %arg7[%add3A_33, %dma_wait3A_252] : memref<10240x128xf32, #tpu.memory_space<vmem_shared>> -> memref<80x128xf32, #tpu.memory_space<vmem_shared>>
      %dma_wait3A_254 = arith.constant 0 : i32
      %dma_wait3A_255 = arith.constant 0 : i32
      %dma_wait3A_256 = tpu.memref_slice %arg6[%run_scoped3A_34, %dma_wait3A_254, %dma_wait3A_255] : memref<4x80x128xf32, #tpu.memory_space<vmem>> -> memref<1x80x128xf32, #tpu.memory_space<vmem>>
      %dma_wait3A_257 = tpu.memref_squeeze %dma_wait3A_256 : memref<1x80x128xf32, #tpu.memory_space<vmem>> -> memref<80x128xf32, #tpu.memory_space<vmem>>
      tpu.wait_dma2 semaphore(%run_scoped3A_233 : memref<!tpu.dma_semaphore, #tpu.memory_space<semaphore_mem>>) src(%dma_wait3A_257 : memref<80x128xf32, #tpu.memory_space<vmem>>) dst(%dma_wait3A_253 : memref<80x128xf32, #tpu.memory_space<vmem_shared>>)
      tpu.yield
    }) : () -> ()
    %mul3A_35 = arith.constant 640 : i32
    %mul3A_36 = arith.muli %arg1, %mul3A_35 : i32
    %add3A_37 = arith.constant 480 : i32
    %add3A_38 = arith.addi %mul3A_36, %add3A_37 : i32
    %run_scoped3A_39 = arith.constant 0 : i32
    "tpu.region"() ({
      %run_scoped3A_233 = tpu.sem_alloc : memref<!tpu.dma_semaphore, #tpu.memory_space<semaphore_mem>>
      %dma_start3A_234 = arith.constant 0 : i32
      %dma_start3A_235 = arith.constant 0 : i32
      %dma_start3A_236 = tpu.memref_slice %arg6[%run_scoped3A_39, %dma_start3A_234, %dma_start3A_235] : memref<4x80x128xf32, #tpu.memory_space<vmem>> -> memref<1x80x128xf32, #tpu.memory_space<vmem>>
      %dma_start3A_237 = tpu.memref_squeeze %dma_start3A_236 : memref<1x80x128xf32, #tpu.memory_space<vmem>> -> memref<80x128xf32, #tpu.memory_space<vmem>>
      %dma_start3A_238 = arith.constant 0 : i32
      %dma_start3A_239 = tpu.memref_slice %arg7[%add3A_38, %dma_start3A_238] : memref<10240x128xf32, #tpu.memory_space<vmem_shared>> -> memref<80x128xf32, #tpu.memory_space<vmem_shared>>
      %dma_start3A_240 = arith.constant 0 : i32
      %dma_start3A_241 = tpu.memref_slice %arg7[%add3A_38, %dma_start3A_240] : memref<10240x128xf32, #tpu.memory_space<vmem_shared>> -> memref<80x128xf32, #tpu.memory_space<vmem_shared>>
      %dma_start3A_242 = arith.constant 0 : i32
      %dma_start3A_243 = arith.constant 0 : i32
      %dma_start3A_244 = tpu.memref_slice %arg6[%run_scoped3A_39, %dma_start3A_242, %dma_start3A_243] : memref<4x80x128xf32, #tpu.memory_space<vmem>> -> memref<1x80x128xf32, #tpu.memory_space<vmem>>
      %dma_start3A_245 = tpu.memref_squeeze %dma_start3A_244 : memref<1x80x128xf32, #tpu.memory_space<vmem>> -> memref<80x128xf32, #tpu.memory_space<vmem>>
      tpu.enqueue_dma source(%dma_start3A_245 : memref<80x128xf32, #tpu.memory_space<vmem>>) target(%dma_start3A_241 : memref<80x128xf32, #tpu.memory_space<vmem_shared>>) target_semaphore(%run_scoped3A_233 : memref<!tpu.dma_semaphore, #tpu.memory_space<semaphore_mem>>)
      %dma_wait3A_246 = arith.constant 0 : i32
      %dma_wait3A_247 = arith.constant 0 : i32
      %dma_wait3A_248 = tpu.memref_slice %arg6[%run_scoped3A_39, %dma_wait3A_246, %dma_wait3A_247] : memref<4x80x128xf32, #tpu.memory_space<vmem>> -> memref<1x80x128xf32, #tpu.memory_space<vmem>>
      %dma_wait3A_249 = tpu.memref_squeeze %dma_wait3A_248 : memref<1x80x128xf32, #tpu.memory_space<vmem>> -> memref<80x128xf32, #tpu.memory_space<vmem>>
      %dma_wait3A_250 = arith.constant 0 : i32
      %dma_wait3A_251 = tpu.memref_slice %arg7[%add3A_38, %dma_wait3A_250] : memref<10240x128xf32, #tpu.memory_space<vmem_shared>> -> memref<80x128xf32, #tpu.memory_space<vmem_shared>>
      %dma_wait3A_252 = arith.constant 0 : i32
      %dma_wait3A_253 = tpu.memref_slice %arg7[%add3A_38, %dma_wait3A_252] : memref<10240x128xf32, #tpu.memory_space<vmem_shared>> -> memref<80x128xf32, #tpu.memory_space<vmem_shared>>
      %dma_wait3A_254 = arith.constant 0 : i32
      %dma_wait3A_255 = arith.constant 0 : i32
      %dma_wait3A_256 = tpu.memref_slice %arg6[%run_scoped3A_39, %dma_wait3A_254, %dma_wait3A_255] : memref<4x80x128xf32, #tpu.memory_space<vmem>> -> memref<1x80x128xf32, #tpu.memory_space<vmem>>
      %dma_wait3A_257 = tpu.memref_squeeze %dma_wait3A_256 : memref<1x80x128xf32, #tpu.memory_space<vmem>> -> memref<80x128xf32, #tpu.memory_space<vmem>>
      tpu.wait_dma2 semaphore(%run_scoped3A_233 : memref<!tpu.dma_semaphore, #tpu.memory_space<semaphore_mem>>) src(%dma_wait3A_257 : memref<80x128xf32, #tpu.memory_space<vmem>>) dst(%dma_wait3A_253 : memref<80x128xf32, #tpu.memory_space<vmem_shared>>)
      tpu.yield
    }) : () -> ()
    %mul3A_40 = arith.constant 640 : i32
    %mul3A_41 = arith.muli %arg1, %mul3A_40 : i32
    %add3A_42 = arith.constant 560 : i32
    %add3A_43 = arith.addi %mul3A_41, %add3A_42 : i32
    %run_scoped3A_44 = arith.constant 0 : i32
    "tpu.region"() ({
      %run_scoped3A_233 = tpu.sem_alloc : memref<!tpu.dma_semaphore, #tpu.memory_space<semaphore_mem>>
      %dma_start3A_234 = arith.constant 0 : i32
      %dma_start3A_235 = arith.constant 0 : i32
      %dma_start3A_236 = tpu.memref_slice %arg6[%run_scoped3A_44, %dma_start3A_234, %dma_start3A_235] : memref<4x80x128xf32, #tpu.memory_space<vmem>> -> memref<1x80x128xf32, #tpu.memory_space<vmem>>
      %dma_start3A_237 = tpu.memref_squeeze %dma_start3A_236 : memref<1x80x128xf32, #tpu.memory_space<vmem>> -> memref<80x128xf32, #tpu.memory_space<vmem>>
      %dma_start3A_238 = arith.constant 0 : i32
      %dma_start3A_239 = tpu.memref_slice %arg7[%add3A_43, %dma_start3A_238] : memref<10240x128xf32, #tpu.memory_space<vmem_shared>> -> memref<80x128xf32, #tpu.memory_space<vmem_shared>>
      %dma_start3A_240 = arith.constant 0 : i32
      %dma_start3A_241 = tpu.memref_slice %arg7[%add3A_43, %dma_start3A_240] : memref<10240x128xf32, #tpu.memory_space<vmem_shared>> -> memref<80x128xf32, #tpu.memory_space<vmem_shared>>
      %dma_start3A_242 = arith.constant 0 : i32
      %dma_start3A_243 = arith.constant 0 : i32
      %dma_start3A_244 = tpu.memref_slice %arg6[%run_scoped3A_44, %dma_start3A_242, %dma_start3A_243] : memref<4x80x128xf32, #tpu.memory_space<vmem>> -> memref<1x80x128xf32, #tpu.memory_space<vmem>>
      %dma_start3A_245 = tpu.memref_squeeze %dma_start3A_244 : memref<1x80x128xf32, #tpu.memory_space<vmem>> -> memref<80x128xf32, #tpu.memory_space<vmem>>
      tpu.enqueue_dma source(%dma_start3A_245 : memref<80x128xf32, #tpu.memory_space<vmem>>) target(%dma_start3A_241 : memref<80x128xf32, #tpu.memory_space<vmem_shared>>) target_semaphore(%run_scoped3A_233 : memref<!tpu.dma_semaphore, #tpu.memory_space<semaphore_mem>>)
      %dma_wait3A_246 = arith.constant 0 : i32
      %dma_wait3A_247 = arith.constant 0 : i32
      %dma_wait3A_248 = tpu.memref_slice %arg6[%run_scoped3A_44, %dma_wait3A_246, %dma_wait3A_247] : memref<4x80x128xf32, #tpu.memory_space<vmem>> -> memref<1x80x128xf32, #tpu.memory_space<vmem>>
      %dma_wait3A_249 = tpu.memref_squeeze %dma_wait3A_248 : memref<1x80x128xf32, #tpu.memory_space<vmem>> -> memref<80x128xf32, #tpu.memory_space<vmem>>
      %dma_wait3A_250 = arith.constant 0 : i32
      %dma_wait3A_251 = tpu.memref_slice %arg7[%add3A_43, %dma_wait3A_250] : memref<10240x128xf32, #tpu.memory_space<vmem_shared>> -> memref<80x128xf32, #tpu.memory_space<vmem_shared>>
      %dma_wait3A_252 = arith.constant 0 : i32
      %dma_wait3A_253 = tpu.memref_slice %arg7[%add3A_43, %dma_wait3A_252] : memref<10240x128xf32, #tpu.memory_space<vmem_shared>> -> memref<80x128xf32, #tpu.memory_space<vmem_shared>>
      %dma_wait3A_254 = arith.constant 0 : i32
      %dma_wait3A_255 = arith.constant 0 : i32
      %dma_wait3A_256 = tpu.memref_slice %arg6[%run_scoped3A_44, %dma_wait3A_254, %dma_wait3A_255] : memref<4x80x128xf32, #tpu.memory_space<vmem>> -> memref<1x80x128xf32, #tpu.memory_space<vmem>>
      %dma_wait3A_257 = tpu.memref_squeeze %dma_wait3A_256 : memref<1x80x128xf32, #tpu.memory_space<vmem>> -> memref<80x128xf32, #tpu.memory_space<vmem>>
      tpu.wait_dma2 semaphore(%run_scoped3A_233 : memref<!tpu.dma_semaphore, #tpu.memory_space<semaphore_mem>>) src(%dma_wait3A_257 : memref<80x128xf32, #tpu.memory_space<vmem>>) dst(%dma_wait3A_253 : memref<80x128xf32, #tpu.memory_space<vmem_shared>>)
      tpu.yield
    }) : () -> ()
    %barrier3A = arith.constant 0 : index
    tpu.barrier barrier_id(%barrier3A)
    "tpu.region"() ({
      %run_scoped3A_233 = tpu.sem_alloc : memref<!tpu.dma_semaphore, #tpu.memory_space<semaphore_mem>>
      %dma_start3A_234 = arith.constant 0 : i32
      %dma_start3A_235 = arith.constant 0 : i32
      %dma_start3A_236 = arith.constant 0 : i32
      %dma_start3A_237 = tpu.memref_slice %arg2[%add3A, %dma_start3A_234, %dma_start3A_235, %dma_start3A_236] : memref<32x125x2x80xi32, #tpu.memory_space<hbm>> -> memref<1x25x2x80xi32, #tpu.memory_space<hbm>>
      %dma_start3A_238 = tpu.memref_squeeze %dma_start3A_237 : memref<1x25x2x80xi32, #tpu.memory_space<hbm>> -> memref<25x2x80xi32, #tpu.memory_space<hbm>>
      %dma_start3A_239 = arith.constant 0 : i32
      %dma_start3A_240 = arith.constant 0 : i32
      %dma_start3A_241 = arith.constant 0 : i32
      %dma_start3A_242 = tpu.memref_slice %arg2[%add3A, %dma_start3A_239, %dma_start3A_240, %dma_start3A_241] : memref<32x125x2x80xi32, #tpu.memory_space<hbm>> -> memref<1x25x2x80xi32, #tpu.memory_space<hbm>>
      %dma_start3A_243 = tpu.memref_squeeze %dma_start3A_242 : memref<1x25x2x80xi32, #tpu.memory_space<hbm>> -> memref<25x2x80xi32, #tpu.memory_space<hbm>>
      tpu.enqueue_dma source(%dma_start3A_243 : memref<25x2x80xi32, #tpu.memory_space<hbm>>) target(%arg5 : memref<25x2x80xi32, #tpu.memory_space<vmem>>) target_semaphore(%run_scoped3A_233 : memref<!tpu.dma_semaphore, #tpu.memory_space<semaphore_mem>>)
      %dma_wait3A_244 = arith.constant 0 : i32
      %dma_wait3A_245 = arith.constant 0 : i32
      %dma_wait3A_246 = arith.constant 0 : i32
      %dma_wait3A_247 = tpu.memref_slice %arg2[%add3A, %dma_wait3A_244, %dma_wait3A_245, %dma_wait3A_246] : memref<32x125x2x80xi32, #tpu.memory_space<hbm>> -> memref<1x25x2x80xi32, #tpu.memory_space<hbm>>
      %dma_wait3A_248 = tpu.memref_squeeze %dma_wait3A_247 : memref<1x25x2x80xi32, #tpu.memory_space<hbm>> -> memref<25x2x80xi32, #tpu.memory_space<hbm>>
      %dma_wait3A_249 = arith.constant 0 : i32
      %dma_wait3A_250 = arith.constant 0 : i32
      %dma_wait3A_251 = arith.constant 0 : i32
      %dma_wait3A_252 = tpu.memref_slice %arg2[%add3A, %dma_wait3A_249, %dma_wait3A_250, %dma_wait3A_251] : memref<32x125x2x80xi32, #tpu.memory_space<hbm>> -> memref<1x25x2x80xi32, #tpu.memory_space<hbm>>
      %dma_wait3A_253 = tpu.memref_squeeze %dma_wait3A_252 : memref<1x25x2x80xi32, #tpu.memory_space<hbm>> -> memref<25x2x80xi32, #tpu.memory_space<hbm>>
      tpu.wait_dma2 semaphore(%run_scoped3A_233 : memref<!tpu.dma_semaphore, #tpu.memory_space<semaphore_mem>>) src(%dma_wait3A_253 : memref<25x2x80xi32, #tpu.memory_space<hbm>>) dst(%arg5 : memref<25x2x80xi32, #tpu.memory_space<vmem>>)
      tpu.yield
    }) : () -> ()
    %scan3A_45 = arith.constant 0 : i32
    %scan3A_46 = arith.constant 0 : i32
    %scan3A_47 = arith.constant 6 : i32
    %scan3A_48 = arith.addi %scan3A_46, %scan3A_47 : i32
    %scan3A_49 = arith.constant 1 : i32
    scf.for %scan3A_233 = %scan3A_46 to %scan3A_48 step %scan3A_49  : i32 {
      %mul3A_234 = arith.constant 4 : i32
      %mul3A_235 = arith.muli %scan3A_233, %mul3A_234 : i32
      %add3A_236 = arith.constant 0 : i32
      %add3A_237 = arith.addi %mul3A_235, %add3A_236 : i32
      %dma_start3A_238 = arith.constant 0 : i32
      %dma_start3A_239 = arith.constant 0 : i32
      %dma_start3A_240 = arith.constant 0 : i32
      %dma_start3A_241 = arith.constant 0 : i32
      %dma_start3A_242 = tpu.memref_slice %arg6[%dma_start3A_239, %dma_start3A_240, %dma_start3A_241] : memref<4x80x128xf32, #tpu.memory_space<vmem>> -> memref<1x80x128xf32, #tpu.memory_space<vmem>>
      %dma_start3A_243 = tpu.memref_squeeze %dma_start3A_242 : memref<1x80x128xf32, #tpu.memory_space<vmem>> -> memref<80x128xf32, #tpu.memory_space<vmem>>
      %dma_start3A_244 = arith.constant 0 : i32
      %dma_start3A_245 = tpu.memref_slice %arg5[%add3A_237, %dma_start3A_238, %dma_start3A_244] : memref<25x2x80xi32, #tpu.memory_space<vmem>> -> memref<1x1x80xi32, #tpu.memory_space<vmem>>
      %dma_start3A_246 = tpu.memref_squeeze %dma_start3A_245 : memref<1x1x80xi32, #tpu.memory_space<vmem>> -> memref<80xi32, #tpu.memory_space<vmem>>
      %dma_start3A_247 = arith.constant 0 : i32
      %dma_start3A_248 = arith.constant 0 : i32
      %dma_start3A_249 = tpu.memref_slice %arg3[%dma_start3A_247, %dma_start3A_248] : memref<10000x128xf32, #tpu.memory_space<hbm>> -> memref<10000x128xf32, #tpu.memory_space<hbm>>
      tpu.enqueue_indirect_dma source(%dma_start3A_249 : memref<10000x128xf32, #tpu.memory_space<hbm>>) target(%dma_start3A_243 : memref<80x128xf32, #tpu.memory_space<vmem>>) offsets(%dma_start3A_246 : memref<80xi32, #tpu.memory_space<vmem>>) semaphore(%arg8 : memref<!tpu.dma_semaphore, #tpu.memory_space<semaphore_mem>>)
      %add3A_250 = arith.constant 1 : i32
      %add3A_251 = arith.addi %mul3A_235, %add3A_250 : i32
      %dma_start3A_252 = arith.constant 0 : i32
      %dma_start3A_253 = arith.constant 1 : i32
      %dma_start3A_254 = arith.constant 0 : i32
      %dma_start3A_255 = arith.constant 0 : i32
      %dma_start3A_256 = tpu.memref_slice %arg6[%dma_start3A_253, %dma_start3A_254, %dma_start3A_255] : memref<4x80x128xf32, #tpu.memory_space<vmem>> -> memref<1x80x128xf32, #tpu.memory_space<vmem>>
      %dma_start3A_257 = tpu.memref_squeeze %dma_start3A_256 : memref<1x80x128xf32, #tpu.memory_space<vmem>> -> memref<80x128xf32, #tpu.memory_space<vmem>>
      %dma_start3A_258 = arith.constant 0 : i32
      %dma_start3A_259 = tpu.memref_slice %arg5[%add3A_251, %dma_start3A_252, %dma_start3A_258] : memref<25x2x80xi32, #tpu.memory_space<vmem>> -> memref<1x1x80xi32, #tpu.memory_space<vmem>>
      %dma_start3A_260 = tpu.memref_squeeze %dma_start3A_259 : memref<1x1x80xi32, #tpu.memory_space<vmem>> -> memref<80xi32, #tpu.memory_space<vmem>>
      %dma_start3A_261 = arith.constant 0 : i32
      %dma_start3A_262 = arith.constant 0 : i32
      %dma_start3A_263 = tpu.memref_slice %arg3[%dma_start3A_261, %dma_start3A_262] : memref<10000x128xf32, #tpu.memory_space<hbm>> -> memref<10000x128xf32, #tpu.memory_space<hbm>>
      tpu.enqueue_indirect_dma source(%dma_start3A_263 : memref<10000x128xf32, #tpu.memory_space<hbm>>) target(%dma_start3A_257 : memref<80x128xf32, #tpu.memory_space<vmem>>) offsets(%dma_start3A_260 : memref<80xi32, #tpu.memory_space<vmem>>) semaphore(%arg8 : memref<!tpu.dma_semaphore, #tpu.memory_space<semaphore_mem>>)
      %add3A_264 = arith.constant 2 : i32
      %add3A_265 = arith.addi %mul3A_235, %add3A_264 : i32
      %dma_start3A_266 = arith.constant 0 : i32
      %dma_start3A_267 = arith.constant 2 : i32
      %dma_start3A_268 = arith.constant 0 : i32
      %dma_start3A_269 = arith.constant 0 : i32
      %dma_start3A_270 = tpu.memref_slice %arg6[%dma_start3A_267, %dma_start3A_268, %dma_start3A_269] : memref<4x80x128xf32, #tpu.memory_space<vmem>> -> memref<1x80x128xf32, #tpu.memory_space<vmem>>
      %dma_start3A_271 = tpu.memref_squeeze %dma_start3A_270 : memref<1x80x128xf32, #tpu.memory_space<vmem>> -> memref<80x128xf32, #tpu.memory_space<vmem>>
      %dma_start3A_272 = arith.constant 0 : i32
      %dma_start3A_273 = tpu.memref_slice %arg5[%add3A_265, %dma_start3A_266, %dma_start3A_272] : memref<25x2x80xi32, #tpu.memory_space<vmem>> -> memref<1x1x80xi32, #tpu.memory_space<vmem>>
      %dma_start3A_274 = tpu.memref_squeeze %dma_start3A_273 : memref<1x1x80xi32, #tpu.memory_space<vmem>> -> memref<80xi32, #tpu.memory_space<vmem>>
      %dma_start3A_275 = arith.constant 0 : i32
      %dma_start3A_276 = arith.constant 0 : i32
      %dma_start3A_277 = tpu.memref_slice %arg3[%dma_start3A_275, %dma_start3A_276] : memref<10000x128xf32, #tpu.memory_space<hbm>> -> memref<10000x128xf32, #tpu.memory_space<hbm>>
      tpu.enqueue_indirect_dma source(%dma_start3A_277 : memref<10000x128xf32, #tpu.memory_space<hbm>>) target(%dma_start3A_271 : memref<80x128xf32, #tpu.memory_space<vmem>>) offsets(%dma_start3A_274 : memref<80xi32, #tpu.memory_space<vmem>>) semaphore(%arg8 : memref<!tpu.dma_semaphore, #tpu.memory_space<semaphore_mem>>)
      %add3A_278 = arith.constant 3 : i32
      %add3A_279 = arith.addi %mul3A_235, %add3A_278 : i32
      %dma_start3A_280 = arith.constant 0 : i32
      %dma_start3A_281 = arith.constant 3 : i32
      %dma_start3A_282 = arith.constant 0 : i32
      %dma_start3A_283 = arith.constant 0 : i32
      %dma_start3A_284 = tpu.memref_slice %arg6[%dma_start3A_281, %dma_start3A_282, %dma_start3A_283] : memref<4x80x128xf32, #tpu.memory_space<vmem>> -> memref<1x80x128xf32, #tpu.memory_space<vmem>>
      %dma_start3A_285 = tpu.memref_squeeze %dma_start3A_284 : memref<1x80x128xf32, #tpu.memory_space<vmem>> -> memref<80x128xf32, #tpu.memory_space<vmem>>
      %dma_start3A_286 = arith.constant 0 : i32
      %dma_start3A_287 = tpu.memref_slice %arg5[%add3A_279, %dma_start3A_280, %dma_start3A_286] : memref<25x2x80xi32, #tpu.memory_space<vmem>> -> memref<1x1x80xi32, #tpu.memory_space<vmem>>
      %dma_start3A_288 = tpu.memref_squeeze %dma_start3A_287 : memref<1x1x80xi32, #tpu.memory_space<vmem>> -> memref<80xi32, #tpu.memory_space<vmem>>
      %dma_start3A_289 = arith.constant 0 : i32
      %dma_start3A_290 = arith.constant 0 : i32
      %dma_start3A_291 = tpu.memref_slice %arg3[%dma_start3A_289, %dma_start3A_290] : memref<10000x128xf32, #tpu.memory_space<hbm>> -> memref<10000x128xf32, #tpu.memory_space<hbm>>
      tpu.enqueue_indirect_dma source(%dma_start3A_291 : memref<10000x128xf32, #tpu.memory_space<hbm>>) target(%dma_start3A_285 : memref<80x128xf32, #tpu.memory_space<vmem>>) offsets(%dma_start3A_288 : memref<80xi32, #tpu.memory_space<vmem>>) semaphore(%arg8 : memref<!tpu.dma_semaphore, #tpu.memory_space<semaphore_mem>>)
      %dma_wait3A_292 = arith.constant 0 : i32
      %dma_wait3A_293 = arith.constant 0 : i32
      %dma_wait3A_294 = arith.constant 0 : i32
      %dma_wait3A_295 = tpu.memref_slice %arg6[%dma_wait3A_292, %dma_wait3A_293, %dma_wait3A_294] : memref<4x80x128xf32, #tpu.memory_space<vmem>> -> memref<1x80x128xf32, #tpu.memory_space<vmem>>
      %dma_wait3A_296 = tpu.memref_squeeze %dma_wait3A_295 : memref<1x80x128xf32, #tpu.memory_space<vmem>> -> memref<80x128xf32, #tpu.memory_space<vmem>>
      %dma_wait3A_297 = arith.constant 0 : i32
      %dma_wait3A_298 = arith.constant 0 : i32
      %dma_wait3A_299 = tpu.memref_slice %arg3[%dma_wait3A_297, %dma_wait3A_298] : memref<10000x128xf32, #tpu.memory_space<hbm>> -> memref<80x128xf32, #tpu.memory_space<hbm>>
      %dma_wait3A_300 = arith.constant 0 : i32
      %dma_wait3A_301 = arith.constant 0 : i32
      %dma_wait3A_302 = tpu.memref_slice %arg6[%dma_wait3A_292, %dma_wait3A_300, %dma_wait3A_301] : memref<4x80x128xf32, #tpu.memory_space<vmem>> -> memref<1x80x128xf32, #tpu.memory_space<vmem>>
      %dma_wait3A_303 = tpu.memref_squeeze %dma_wait3A_302 : memref<1x80x128xf32, #tpu.memory_space<vmem>> -> memref<80x128xf32, #tpu.memory_space<vmem>>
      %dma_wait3A_304 = arith.constant 0 : i32
      %dma_wait3A_305 = arith.constant 0 : i32
      %dma_wait3A_306 = tpu.memref_slice %arg3[%dma_wait3A_304, %dma_wait3A_305] : memref<10000x128xf32, #tpu.memory_space<hbm>> -> memref<80x128xf32, #tpu.memory_space<hbm>>
      tpu.wait_dma2 semaphore(%arg8 : memref<!tpu.dma_semaphore, #tpu.memory_space<semaphore_mem>>) src(%dma_wait3A_306 : memref<80x128xf32, #tpu.memory_space<hbm>>) dst(%dma_wait3A_303 : memref<80x128xf32, #tpu.memory_space<vmem>>)
      %add3A_307 = arith.constant 0 : i32
      %add3A_308 = arith.addi %mul3A_235, %add3A_307 : i32
      %run_scoped3A_309 = arith.constant 0 : i32
      %run_scoped3A_310 = arith.constant 1 : i32
      "tpu.region"() ({
        %run_scoped3A_368 = tpu.sem_alloc : memref<!tpu.dma_semaphore, #tpu.memory_space<semaphore_mem>>
        %dma_start3A_369 = arith.constant 0 : i32
        %dma_start3A_370 = arith.constant 0 : i32
        %dma_start3A_371 = tpu.memref_slice %arg6[%run_scoped3A_309, %dma_start3A_369, %dma_start3A_370] : memref<4x80x128xf32, #tpu.memory_space<vmem>> -> memref<1x80x128xf32, #tpu.memory_space<vmem>>
        %dma_start3A_372 = tpu.memref_squeeze %dma_start3A_371 : memref<1x80x128xf32, #tpu.memory_space<vmem>> -> memref<80x128xf32, #tpu.memory_space<vmem>>
        %dma_start3A_373 = arith.constant 0 : i32
        %dma_start3A_374 = tpu.memref_slice %arg5[%add3A_308, %run_scoped3A_310, %dma_start3A_373] : memref<25x2x80xi32, #tpu.memory_space<vmem>> -> memref<1x1x80xi32, #tpu.memory_space<vmem>>
        %dma_start3A_375 = tpu.memref_squeeze %dma_start3A_374 : memref<1x1x80xi32, #tpu.memory_space<vmem>> -> memref<80xi32, #tpu.memory_space<vmem>>
        %dma_start3A_376 = arith.constant 0 : i32
        %dma_start3A_377 = arith.constant 0 : i32
        %dma_start3A_378 = tpu.memref_slice %arg7[%dma_start3A_376, %dma_start3A_377] : memref<10240x128xf32, #tpu.memory_space<vmem_shared>> -> memref<10240x128xf32, #tpu.memory_space<vmem_shared>>
        tpu.enqueue_indirect_dma source(%dma_start3A_372 : memref<80x128xf32, #tpu.memory_space<vmem>>) target(%dma_start3A_378 : memref<10240x128xf32, #tpu.memory_space<vmem_shared>>) offsets(%dma_start3A_375 : memref<80xi32, #tpu.memory_space<vmem>>) semaphore(%run_scoped3A_368 : memref<!tpu.dma_semaphore, #tpu.memory_space<semaphore_mem>>) {add = true}
        %dma_wait3A_379 = arith.constant 0 : i32
        %dma_wait3A_380 = arith.constant 0 : i32
        %dma_wait3A_381 = tpu.memref_slice %arg6[%run_scoped3A_309, %dma_wait3A_379, %dma_wait3A_380] : memref<4x80x128xf32, #tpu.memory_space<vmem>> -> memref<1x80x128xf32, #tpu.memory_space<vmem>>
        %dma_wait3A_382 = tpu.memref_squeeze %dma_wait3A_381 : memref<1x80x128xf32, #tpu.memory_space<vmem>> -> memref<80x128xf32, #tpu.memory_space<vmem>>
        %dma_wait3A_383 = arith.constant 0 : i32
        %dma_wait3A_384 = tpu.memref_slice %arg5[%add3A_308, %run_scoped3A_310, %dma_wait3A_383] : memref<25x2x80xi32, #tpu.memory_space<vmem>> -> memref<1x1x80xi32, #tpu.memory_space<vmem>>
        %dma_wait3A_385 = tpu.memref_squeeze %dma_wait3A_384 : memref<1x1x80xi32, #tpu.memory_space<vmem>> -> memref<80xi32, #tpu.memory_space<vmem>>
        %dma_wait3A_386 = arith.constant 0 : i32
        %dma_wait3A_387 = arith.constant 0 : i32
        %dma_wait3A_388 = tpu.memref_slice %arg7[%dma_wait3A_386, %dma_wait3A_387] : memref<10240x128xf32, #tpu.memory_space<vmem_shared>> -> memref<10240x128xf32, #tpu.memory_space<vmem_shared>>
        tpu.wait_indirect_dma semaphore(%run_scoped3A_368 : memref<!tpu.dma_semaphore, #tpu.memory_space<semaphore_mem>>) src(%dma_wait3A_382 : memref<80x128xf32, #tpu.memory_space<vmem>>) dst(%dma_wait3A_388 : memref<10240x128xf32, #tpu.memory_space<vmem_shared>>)
        tpu.yield
      }) : () -> ()
      %dma_wait3A_311 = arith.constant 1 : i32
      %dma_wait3A_312 = arith.constant 0 : i32
      %dma_wait3A_313 = arith.constant 0 : i32
      %dma_wait3A_314 = tpu.memref_slice %arg6[%dma_wait3A_311, %dma_wait3A_312, %dma_wait3A_313] : memref<4x80x128xf32, #tpu.memory_space<vmem>> -> memref<1x80x128xf32, #tpu.memory_space<vmem>>
      %dma_wait3A_315 = tpu.memref_squeeze %dma_wait3A_314 : memref<1x80x128xf32, #tpu.memory_space<vmem>> -> memref<80x128xf32, #tpu.memory_space<vmem>>
      %dma_wait3A_316 = arith.constant 0 : i32
      %dma_wait3A_317 = arith.constant 0 : i32
      %dma_wait3A_318 = tpu.memref_slice %arg3[%dma_wait3A_316, %dma_wait3A_317] : memref<10000x128xf32, #tpu.memory_space<hbm>> -> memref<80x128xf32, #tpu.memory_space<hbm>>
      %dma_wait3A_319 = arith.constant 0 : i32
      %dma_wait3A_320 = arith.constant 0 : i32
      %dma_wait3A_321 = tpu.memref_slice %arg6[%dma_wait3A_311, %dma_wait3A_319, %dma_wait3A_320] : memref<4x80x128xf32, #tpu.memory_space<vmem>> -> memref<1x80x128xf32, #tpu.memory_space<vmem>>
      %dma_wait3A_322 = tpu.memref_squeeze %dma_wait3A_321 : memref<1x80x128xf32, #tpu.memory_space<vmem>> -> memref<80x128xf32, #tpu.memory_space<vmem>>
      %dma_wait3A_323 = arith.constant 0 : i32
      %dma_wait3A_324 = arith.constant 0 : i32
      %dma_wait3A_325 = tpu.memref_slice %arg3[%dma_wait3A_323, %dma_wait3A_324] : memref<10000x128xf32, #tpu.memory_space<hbm>> -> memref<80x128xf32, #tpu.memory_space<hbm>>
      tpu.wait_dma2 semaphore(%arg8 : memref<!tpu.dma_semaphore, #tpu.memory_space<semaphore_mem>>) src(%dma_wait3A_325 : memref<80x128xf32, #tpu.memory_space<hbm>>) dst(%dma_wait3A_322 : memref<80x128xf32, #tpu.memory_space<vmem>>)
      %add3A_326 = arith.constant 1 : i32
      %add3A_327 = arith.addi %mul3A_235, %add3A_326 : i32
      %run_scoped3A_328 = arith.constant 1 : i32
      %run_scoped3A_329 = arith.constant 1 : i32
      "tpu.region"() ({
        %run_scoped3A_368 = tpu.sem_alloc : memref<!tpu.dma_semaphore, #tpu.memory_space<semaphore_mem>>
        %dma_start3A_369 = arith.constant 0 : i32
        %dma_start3A_370 = arith.constant 0 : i32
        %dma_start3A_371 = tpu.memref_slice %arg6[%run_scoped3A_328, %dma_start3A_369, %dma_start3A_370] : memref<4x80x128xf32, #tpu.memory_space<vmem>> -> memref<1x80x128xf32, #tpu.memory_space<vmem>>
        %dma_start3A_372 = tpu.memref_squeeze %dma_start3A_371 : memref<1x80x128xf32, #tpu.memory_space<vmem>> -> memref<80x128xf32, #tpu.memory_space<vmem>>
        %dma_start3A_373 = arith.constant 0 : i32
        %dma_start3A_374 = tpu.memref_slice %arg5[%add3A_327, %run_scoped3A_329, %dma_start3A_373] : memref<25x2x80xi32, #tpu.memory_space<vmem>> -> memref<1x1x80xi32, #tpu.memory_space<vmem>>
        %dma_start3A_375 = tpu.memref_squeeze %dma_start3A_374 : memref<1x1x80xi32, #tpu.memory_space<vmem>> -> memref<80xi32, #tpu.memory_space<vmem>>
        %dma_start3A_376 = arith.constant 0 : i32
        %dma_start3A_377 = arith.constant 0 : i32
        %dma_start3A_378 = tpu.memref_slice %arg7[%dma_start3A_376, %dma_start3A_377] : memref<10240x128xf32, #tpu.memory_space<vmem_shared>> -> memref<10240x128xf32, #tpu.memory_space<vmem_shared>>
        tpu.enqueue_indirect_dma source(%dma_start3A_372 : memref<80x128xf32, #tpu.memory_space<vmem>>) target(%dma_start3A_378 : memref<10240x128xf32, #tpu.memory_space<vmem_shared>>) offsets(%dma_start3A_375 : memref<80xi32, #tpu.memory_space<vmem>>) semaphore(%run_scoped3A_368 : memref<!tpu.dma_semaphore, #tpu.memory_space<semaphore_mem>>) {add = true}
        %dma_wait3A_379 = arith.constant 0 : i32
        %dma_wait3A_380 = arith.constant 0 : i32
        %dma_wait3A_381 = tpu.memref_slice %arg6[%run_scoped3A_328, %dma_wait3A_379, %dma_wait3A_380] : memref<4x80x128xf32, #tpu.memory_space<vmem>> -> memref<1x80x128xf32, #tpu.memory_space<vmem>>
        %dma_wait3A_382 = tpu.memref_squeeze %dma_wait3A_381 : memref<1x80x128xf32, #tpu.memory_space<vmem>> -> memref<80x128xf32, #tpu.memory_space<vmem>>
        %dma_wait3A_383 = arith.constant 0 : i32
        %dma_wait3A_384 = tpu.memref_slice %arg5[%add3A_327, %run_scoped3A_329, %dma_wait3A_383] : memref<25x2x80xi32, #tpu.memory_space<vmem>> -> memref<1x1x80xi32, #tpu.memory_space<vmem>>
        %dma_wait3A_385 = tpu.memref_squeeze %dma_wait3A_384 : memref<1x1x80xi32, #tpu.memory_space<vmem>> -> memref<80xi32, #tpu.memory_space<vmem>>
        %dma_wait3A_386 = arith.constant 0 : i32
        %dma_wait3A_387 = arith.constant 0 : i32
        %dma_wait3A_388 = tpu.memref_slice %arg7[%dma_wait3A_386, %dma_wait3A_387] : memref<10240x128xf32, #tpu.memory_space<vmem_shared>> -> memref<10240x128xf32, #tpu.memory_space<vmem_shared>>
        tpu.wait_indirect_dma semaphore(%run_scoped3A_368 : memref<!tpu.dma_semaphore, #tpu.memory_space<semaphore_mem>>) src(%dma_wait3A_382 : memref<80x128xf32, #tpu.memory_space<vmem>>) dst(%dma_wait3A_388 : memref<10240x128xf32, #tpu.memory_space<vmem_shared>>)
        tpu.yield
      }) : () -> ()
      %dma_wait3A_330 = arith.constant 2 : i32
      %dma_wait3A_331 = arith.constant 0 : i32
      %dma_wait3A_332 = arith.constant 0 : i32
      %dma_wait3A_333 = tpu.memref_slice %arg6[%dma_wait3A_330, %dma_wait3A_331, %dma_wait3A_332] : memref<4x80x128xf32, #tpu.memory_space<vmem>> -> memref<1x80x128xf32, #tpu.memory_space<vmem>>
      %dma_wait3A_334 = tpu.memref_squeeze %dma_wait3A_333 : memref<1x80x128xf32, #tpu.memory_space<vmem>> -> memref<80x128xf32, #tpu.memory_space<vmem>>
      %dma_wait3A_335 = arith.constant 0 : i32
      %dma_wait3A_336 = arith.constant 0 : i32
      %dma_wait3A_337 = tpu.memref_slice %arg3[%dma_wait3A_335, %dma_wait3A_336] : memref<10000x128xf32, #tpu.memory_space<hbm>> -> memref<80x128xf32, #tpu.memory_space<hbm>>
      %dma_wait3A_338 = arith.constant 0 : i32
      %dma_wait3A_339 = arith.constant 0 : i32
      %dma_wait3A_340 = tpu.memref_slice %arg6[%dma_wait3A_330, %dma_wait3A_338, %dma_wait3A_339] : memref<4x80x128xf32, #tpu.memory_space<vmem>> -> memref<1x80x128xf32, #tpu.memory_space<vmem>>
      %dma_wait3A_341 = tpu.memref_squeeze %dma_wait3A_340 : memref<1x80x128xf32, #tpu.memory_space<vmem>> -> memref<80x128xf32, #tpu.memory_space<vmem>>
      %dma_wait3A_342 = arith.constant 0 : i32
      %dma_wait3A_343 = arith.constant 0 : i32
      %dma_wait3A_344 = tpu.memref_slice %arg3[%dma_wait3A_342, %dma_wait3A_343] : memref<10000x128xf32, #tpu.memory_space<hbm>> -> memref<80x128xf32, #tpu.memory_space<hbm>>
      tpu.wait_dma2 semaphore(%arg8 : memref<!tpu.dma_semaphore, #tpu.memory_space<semaphore_mem>>) src(%dma_wait3A_344 : memref<80x128xf32, #tpu.memory_space<hbm>>) dst(%dma_wait3A_341 : memref<80x128xf32, #tpu.memory_space<vmem>>)
      %add3A_345 = arith.constant 2 : i32
      %add3A_346 = arith.addi %mul3A_235, %add3A_345 : i32
      %run_scoped3A_347 = arith.constant 2 : i32
      %run_scoped3A_348 = arith.constant 1 : i32
      "tpu.region"() ({
        %run_scoped3A_368 = tpu.sem_alloc : memref<!tpu.dma_semaphore, #tpu.memory_space<semaphore_mem>>
        %dma_start3A_369 = arith.constant 0 : i32
        %dma_start3A_370 = arith.constant 0 : i32
        %dma_start3A_371 = tpu.memref_slice %arg6[%run_scoped3A_347, %dma_start3A_369, %dma_start3A_370] : memref<4x80x128xf32, #tpu.memory_space<vmem>> -> memref<1x80x128xf32, #tpu.memory_space<vmem>>
        %dma_start3A_372 = tpu.memref_squeeze %dma_start3A_371 : memref<1x80x128xf32, #tpu.memory_space<vmem>> -> memref<80x128xf32, #tpu.memory_space<vmem>>
        %dma_start3A_373 = arith.constant 0 : i32
        %dma_start3A_374 = tpu.memref_slice %arg5[%add3A_346, %run_scoped3A_348, %dma_start3A_373] : memref<25x2x80xi32, #tpu.memory_space<vmem>> -> memref<1x1x80xi32, #tpu.memory_space<vmem>>
        %dma_start3A_375 = tpu.memref_squeeze %dma_start3A_374 : memref<1x1x80xi32, #tpu.memory_space<vmem>> -> memref<80xi32, #tpu.memory_space<vmem>>
        %dma_start3A_376 = arith.constant 0 : i32
        %dma_start3A_377 = arith.constant 0 : i32
        %dma_start3A_378 = tpu.memref_slice %arg7[%dma_start3A_376, %dma_start3A_377] : memref<10240x128xf32, #tpu.memory_space<vmem_shared>> -> memref<10240x128xf32, #tpu.memory_space<vmem_shared>>
        tpu.enqueue_indirect_dma source(%dma_start3A_372 : memref<80x128xf32, #tpu.memory_space<vmem>>) target(%dma_start3A_378 : memref<10240x128xf32, #tpu.memory_space<vmem_shared>>) offsets(%dma_start3A_375 : memref<80xi32, #tpu.memory_space<vmem>>) semaphore(%run_scoped3A_368 : memref<!tpu.dma_semaphore, #tpu.memory_space<semaphore_mem>>) {add = true}
        %dma_wait3A_379 = arith.constant 0 : i32
        %dma_wait3A_380 = arith.constant 0 : i32
        %dma_wait3A_381 = tpu.memref_slice %arg6[%run_scoped3A_347, %dma_wait3A_379, %dma_wait3A_380] : memref<4x80x128xf32, #tpu.memory_space<vmem>> -> memref<1x80x128xf32, #tpu.memory_space<vmem>>
        %dma_wait3A_382 = tpu.memref_squeeze %dma_wait3A_381 : memref<1x80x128xf32, #tpu.memory_space<vmem>> -> memref<80x128xf32, #tpu.memory_space<vmem>>
        %dma_wait3A_383 = arith.constant 0 : i32
        %dma_wait3A_384 = tpu.memref_slice %arg5[%add3A_346, %run_scoped3A_348, %dma_wait3A_383] : memref<25x2x80xi32, #tpu.memory_space<vmem>> -> memref<1x1x80xi32, #tpu.memory_space<vmem>>
        %dma_wait3A_385 = tpu.memref_squeeze %dma_wait3A_384 : memref<1x1x80xi32, #tpu.memory_space<vmem>> -> memref<80xi32, #tpu.memory_space<vmem>>
        %dma_wait3A_386 = arith.constant 0 : i32
        %dma_wait3A_387 = arith.constant 0 : i32
        %dma_wait3A_388 = tpu.memref_slice %arg7[%dma_wait3A_386, %dma_wait3A_387] : memref<10240x128xf32, #tpu.memory_space<vmem_shared>> -> memref<10240x128xf32, #tpu.memory_space<vmem_shared>>
        tpu.wait_indirect_dma semaphore(%run_scoped3A_368 : memref<!tpu.dma_semaphore, #tpu.memory_space<semaphore_mem>>) src(%dma_wait3A_382 : memref<80x128xf32, #tpu.memory_space<vmem>>) dst(%dma_wait3A_388 : memref<10240x128xf32, #tpu.memory_space<vmem_shared>>)
        tpu.yield
      }) : () -> ()
      %dma_wait3A_349 = arith.constant 3 : i32
      %dma_wait3A_350 = arith.constant 0 : i32
      %dma_wait3A_351 = arith.constant 0 : i32
      %dma_wait3A_352 = tpu.memref_slice %arg6[%dma_wait3A_349, %dma_wait3A_350, %dma_wait3A_351] : memref<4x80x128xf32, #tpu.memory_space<vmem>> -> memref<1x80x128xf32, #tpu.memory_space<vmem>>
      %dma_wait3A_353 = tpu.memref_squeeze %dma_wait3A_352 : memref<1x80x128xf32, #tpu.memory_space<vmem>> -> memref<80x128xf32, #tpu.memory_space<vmem>>
      %dma_wait3A_354 = arith.constant 0 : i32
      %dma_wait3A_355 = arith.constant 0 : i32
      %dma_wait3A_356 = tpu.memref_slice %arg3[%dma_wait3A_354, %dma_wait3A_355] : memref<10000x128xf32, #tpu.memory_space<hbm>> -> memref<80x128xf32, #tpu.memory_space<hbm>>
      %dma_wait3A_357 = arith.constant 0 : i32
      %dma_wait3A_358 = arith.constant 0 : i32
      %dma_wait3A_359 = tpu.memref_slice %arg6[%dma_wait3A_349, %dma_wait3A_357, %dma_wait3A_358] : memref<4x80x128xf32, #tpu.memory_space<vmem>> -> memref<1x80x128xf32, #tpu.memory_space<vmem>>
      %dma_wait3A_360 = tpu.memref_squeeze %dma_wait3A_359 : memref<1x80x128xf32, #tpu.memory_space<vmem>> -> memref<80x128xf32, #tpu.memory_space<vmem>>
      %dma_wait3A_361 = arith.constant 0 : i32
      %dma_wait3A_362 = arith.constant 0 : i32
      %dma_wait3A_363 = tpu.memref_slice %arg3[%dma_wait3A_361, %dma_wait3A_362] : memref<10000x128xf32, #tpu.memory_space<hbm>> -> memref<80x128xf32, #tpu.memory_space<hbm>>
      tpu.wait_dma2 semaphore(%arg8 : memref<!tpu.dma_semaphore, #tpu.memory_space<semaphore_mem>>) src(%dma_wait3A_363 : memref<80x128xf32, #tpu.memory_space<hbm>>) dst(%dma_wait3A_360 : memref<80x128xf32, #tpu.memory_space<vmem>>)
      %add3A_364 = arith.constant 3 : i32
      %add3A_365 = arith.addi %mul3A_235, %add3A_364 : i32
      %run_scoped3A_366 = arith.constant 3 : i32
      %run_scoped3A_367 = arith.constant 1 : i32
      "tpu.region"() ({
        %run_scoped3A_368 = tpu.sem_alloc : memref<!tpu.dma_semaphore, #tpu.memory_space<semaphore_mem>>
        %dma_start3A_369 = arith.constant 0 : i32
        %dma_start3A_370 = arith.constant 0 : i32
        %dma_start3A_371 = tpu.memref_slice %arg6[%run_scoped3A_366, %dma_start3A_369, %dma_start3A_370] : memref<4x80x128xf32, #tpu.memory_space<vmem>> -> memref<1x80x128xf32, #tpu.memory_space<vmem>>
        %dma_start3A_372 = tpu.memref_squeeze %dma_start3A_371 : memref<1x80x128xf32, #tpu.memory_space<vmem>> -> memref<80x128xf32, #tpu.memory_space<vmem>>
        %dma_start3A_373 = arith.constant 0 : i32
        %dma_start3A_374 = tpu.memref_slice %arg5[%add3A_365, %run_scoped3A_367, %dma_start3A_373] : memref<25x2x80xi32, #tpu.memory_space<vmem>> -> memref<1x1x80xi32, #tpu.memory_space<vmem>>
        %dma_start3A_375 = tpu.memref_squeeze %dma_start3A_374 : memref<1x1x80xi32, #tpu.memory_space<vmem>> -> memref<80xi32, #tpu.memory_space<vmem>>
        %dma_start3A_376 = arith.constant 0 : i32
        %dma_start3A_377 = arith.constant 0 : i32
        %dma_start3A_378 = tpu.memref_slice %arg7[%dma_start3A_376, %dma_start3A_377] : memref<10240x128xf32, #tpu.memory_space<vmem_shared>> -> memref<10240x128xf32, #tpu.memory_space<vmem_shared>>
        tpu.enqueue_indirect_dma source(%dma_start3A_372 : memref<80x128xf32, #tpu.memory_space<vmem>>) target(%dma_start3A_378 : memref<10240x128xf32, #tpu.memory_space<vmem_shared>>) offsets(%dma_start3A_375 : memref<80xi32, #tpu.memory_space<vmem>>) semaphore(%run_scoped3A_368 : memref<!tpu.dma_semaphore, #tpu.memory_space<semaphore_mem>>) {add = true}
        %dma_wait3A_379 = arith.constant 0 : i32
        %dma_wait3A_380 = arith.constant 0 : i32
        %dma_wait3A_381 = tpu.memref_slice %arg6[%run_scoped3A_366, %dma_wait3A_379, %dma_wait3A_380] : memref<4x80x128xf32, #tpu.memory_space<vmem>> -> memref<1x80x128xf32, #tpu.memory_space<vmem>>
        %dma_wait3A_382 = tpu.memref_squeeze %dma_wait3A_381 : memref<1x80x128xf32, #tpu.memory_space<vmem>> -> memref<80x128xf32, #tpu.memory_space<vmem>>
        %dma_wait3A_383 = arith.constant 0 : i32
        %dma_wait3A_384 = tpu.memref_slice %arg5[%add3A_365, %run_scoped3A_367, %dma_wait3A_383] : memref<25x2x80xi32, #tpu.memory_space<vmem>> -> memref<1x1x80xi32, #tpu.memory_space<vmem>>
        %dma_wait3A_385 = tpu.memref_squeeze %dma_wait3A_384 : memref<1x1x80xi32, #tpu.memory_space<vmem>> -> memref<80xi32, #tpu.memory_space<vmem>>
        %dma_wait3A_386 = arith.constant 0 : i32
        %dma_wait3A_387 = arith.constant 0 : i32
        %dma_wait3A_388 = tpu.memref_slice %arg7[%dma_wait3A_386, %dma_wait3A_387] : memref<10240x128xf32, #tpu.memory_space<vmem_shared>> -> memref<10240x128xf32, #tpu.memory_space<vmem_shared>>
        tpu.wait_indirect_dma semaphore(%run_scoped3A_368 : memref<!tpu.dma_semaphore, #tpu.memory_space<semaphore_mem>>) src(%dma_wait3A_382 : memref<80x128xf32, #tpu.memory_space<vmem>>) dst(%dma_wait3A_388 : memref<10240x128xf32, #tpu.memory_space<vmem_shared>>)
        tpu.yield
      }) : () -> ()
    }
    %scan3A_50 = arith.constant 6 : i32
    %dma_start3A = arith.constant 24 : i32
    %dma_start3A_51 = arith.constant 0 : i32
    %dma_start3A_52 = arith.constant 0 : i32
    %dma_start3A_53 = arith.constant 0 : i32
    %dma_start3A_54 = arith.constant 0 : i32
    %dma_start3A_55 = tpu.memref_slice %arg6[%dma_start3A_52, %dma_start3A_53, %dma_start3A_54] : memref<4x80x128xf32, #tpu.memory_space<vmem>> -> memref<1x80x128xf32, #tpu.memory_space<vmem>>
    %dma_start3A_56 = tpu.memref_squeeze %dma_start3A_55 : memref<1x80x128xf32, #tpu.memory_space<vmem>> -> memref<80x128xf32, #tpu.memory_space<vmem>>
    %dma_start3A_57 = arith.constant 0 : i32
    %dma_start3A_58 = tpu.memref_slice %arg5[%dma_start3A, %dma_start3A_51, %dma_start3A_57] : memref<25x2x80xi32, #tpu.memory_space<vmem>> -> memref<1x1x80xi32, #tpu.memory_space<vmem>>
    %dma_start3A_59 = tpu.memref_squeeze %dma_start3A_58 : memref<1x1x80xi32, #tpu.memory_space<vmem>> -> memref<80xi32, #tpu.memory_space<vmem>>
    %dma_start3A_60 = arith.constant 0 : i32
    %dma_start3A_61 = arith.constant 0 : i32
    %dma_start3A_62 = tpu.memref_slice %arg3[%dma_start3A_60, %dma_start3A_61] : memref<10000x128xf32, #tpu.memory_space<hbm>> -> memref<10000x128xf32, #tpu.memory_space<hbm>>
    tpu.enqueue_indirect_dma source(%dma_start3A_62 : memref<10000x128xf32, #tpu.memory_space<hbm>>) target(%dma_start3A_56 : memref<80x128xf32, #tpu.memory_space<vmem>>) offsets(%dma_start3A_59 : memref<80xi32, #tpu.memory_space<vmem>>) semaphore(%arg8 : memref<!tpu.dma_semaphore, #tpu.memory_space<semaphore_mem>>)
    %dma_wait3A = arith.constant 0 : i32
    %dma_wait3A_63 = arith.constant 0 : i32
    %dma_wait3A_64 = arith.constant 0 : i32
    %dma_wait3A_65 = tpu.memref_slice %arg6[%dma_wait3A, %dma_wait3A_63, %dma_wait3A_64] : memref<4x80x128xf32, #tpu.memory_space<vmem>> -> memref<1x80x128xf32, #tpu.memory_space<vmem>>
    %dma_wait3A_66 = tpu.memref_squeeze %dma_wait3A_65 : memref<1x80x128xf32, #tpu.memory_space<vmem>> -> memref<80x128xf32, #tpu.memory_space<vmem>>
    %dma_wait3A_67 = arith.constant 0 : i32
    %dma_wait3A_68 = arith.constant 0 : i32
    %dma_wait3A_69 = tpu.memref_slice %arg3[%dma_wait3A_67, %dma_wait3A_68] : memref<10000x128xf32, #tpu.memory_space<hbm>> -> memref<80x128xf32, #tpu.memory_space<hbm>>
    %dma_wait3A_70 = arith.constant 0 : i32
    %dma_wait3A_71 = arith.constant 0 : i32
    %dma_wait3A_72 = tpu.memref_slice %arg6[%dma_wait3A, %dma_wait3A_70, %dma_wait3A_71] : memref<4x80x128xf32, #tpu.memory_space<vmem>> -> memref<1x80x128xf32, #tpu.memory_space<vmem>>
    %dma_wait3A_73 = tpu.memref_squeeze %dma_wait3A_72 : memref<1x80x128xf32, #tpu.memory_space<vmem>> -> memref<80x128xf32, #tpu.memory_space<vmem>>
    %dma_wait3A_74 = arith.constant 0 : i32
    %dma_wait3A_75 = arith.constant 0 : i32
    %dma_wait3A_76 = tpu.memref_slice %arg3[%dma_wait3A_74, %dma_wait3A_75] : memref<10000x128xf32, #tpu.memory_space<hbm>> -> memref<80x128xf32, #tpu.memory_space<hbm>>
    tpu.wait_dma2 semaphore(%arg8 : memref<!tpu.dma_semaphore, #tpu.memory_space<semaphore_mem>>) src(%dma_wait3A_76 : memref<80x128xf32, #tpu.memory_space<hbm>>) dst(%dma_wait3A_73 : memref<80x128xf32, #tpu.memory_space<vmem>>)
    %run_scoped3A_77 = arith.constant 0 : i32
    %run_scoped3A_78 = arith.constant 24 : i32
    %run_scoped3A_79 = arith.constant 1 : i32
    "tpu.region"() ({
      %run_scoped3A_233 = tpu.sem_alloc : memref<!tpu.dma_semaphore, #tpu.memory_space<semaphore_mem>>
      %dma_start3A_234 = arith.constant 0 : i32
      %dma_start3A_235 = arith.constant 0 : i32
      %dma_start3A_236 = tpu.memref_slice %arg6[%run_scoped3A_77, %dma_start3A_234, %dma_start3A_235] : memref<4x80x128xf32, #tpu.memory_space<vmem>> -> memref<1x80x128xf32, #tpu.memory_space<vmem>>
      %dma_start3A_237 = tpu.memref_squeeze %dma_start3A_236 : memref<1x80x128xf32, #tpu.memory_space<vmem>> -> memref<80x128xf32, #tpu.memory_space<vmem>>
      %dma_start3A_238 = arith.constant 0 : i32
      %dma_start3A_239 = tpu.memref_slice %arg5[%run_scoped3A_78, %run_scoped3A_79, %dma_start3A_238] : memref<25x2x80xi32, #tpu.memory_space<vmem>> -> memref<1x1x80xi32, #tpu.memory_space<vmem>>
      %dma_start3A_240 = tpu.memref_squeeze %dma_start3A_239 : memref<1x1x80xi32, #tpu.memory_space<vmem>> -> memref<80xi32, #tpu.memory_space<vmem>>
      %dma_start3A_241 = arith.constant 0 : i32
      %dma_start3A_242 = arith.constant 0 : i32
      %dma_start3A_243 = tpu.memref_slice %arg7[%dma_start3A_241, %dma_start3A_242] : memref<10240x128xf32, #tpu.memory_space<vmem_shared>> -> memref<10240x128xf32, #tpu.memory_space<vmem_shared>>
      tpu.enqueue_indirect_dma source(%dma_start3A_237 : memref<80x128xf32, #tpu.memory_space<vmem>>) target(%dma_start3A_243 : memref<10240x128xf32, #tpu.memory_space<vmem_shared>>) offsets(%dma_start3A_240 : memref<80xi32, #tpu.memory_space<vmem>>) semaphore(%run_scoped3A_233 : memref<!tpu.dma_semaphore, #tpu.memory_space<semaphore_mem>>) {add = true}
      %dma_wait3A_244 = arith.constant 0 : i32
      %dma_wait3A_245 = arith.constant 0 : i32
      %dma_wait3A_246 = tpu.memref_slice %arg6[%run_scoped3A_77, %dma_wait3A_244, %dma_wait3A_245] : memref<4x80x128xf32, #tpu.memory_space<vmem>> -> memref<1x80x128xf32, #tpu.memory_space<vmem>>
      %dma_wait3A_247 = tpu.memref_squeeze %dma_wait3A_246 : memref<1x80x128xf32, #tpu.memory_space<vmem>> -> memref<80x128xf32, #tpu.memory_space<vmem>>
      %dma_wait3A_248 = arith.constant 0 : i32
      %dma_wait3A_249 = tpu.memref_slice %arg5[%run_scoped3A_78, %run_scoped3A_79, %dma_wait3A_248] : memref<25x2x80xi32, #tpu.memory_space<vmem>> -> memref<1x1x80xi32, #tpu.memory_space<vmem>>
      %dma_wait3A_250 = tpu.memref_squeeze %dma_wait3A_249 : memref<1x1x80xi32, #tpu.memory_space<vmem>> -> memref<80xi32, #tpu.memory_space<vmem>>
      %dma_wait3A_251 = arith.constant 0 : i32
      %dma_wait3A_252 = arith.constant 0 : i32
      %dma_wait3A_253 = tpu.memref_slice %arg7[%dma_wait3A_251, %dma_wait3A_252] : memref<10240x128xf32, #tpu.memory_space<vmem_shared>> -> memref<10240x128xf32, #tpu.memory_space<vmem_shared>>
      tpu.wait_indirect_dma semaphore(%run_scoped3A_233 : memref<!tpu.dma_semaphore, #tpu.memory_space<semaphore_mem>>) src(%dma_wait3A_247 : memref<80x128xf32, #tpu.memory_space<vmem>>) dst(%dma_wait3A_253 : memref<10240x128xf32, #tpu.memory_space<vmem_shared>>)
      tpu.yield
    }) : () -> ()
    "tpu.region"() ({
      %run_scoped3A_233 = tpu.sem_alloc : memref<!tpu.dma_semaphore, #tpu.memory_space<semaphore_mem>>
      %dma_start3A_234 = arith.constant 25 : i32
      %dma_start3A_235 = arith.constant 0 : i32
      %dma_start3A_236 = arith.constant 0 : i32
      %dma_start3A_237 = tpu.memref_slice %arg2[%add3A, %dma_start3A_234, %dma_start3A_235, %dma_start3A_236] : memref<32x125x2x80xi32, #tpu.memory_space<hbm>> -> memref<1x25x2x80xi32, #tpu.memory_space<hbm>>
      %dma_start3A_238 = tpu.memref_squeeze %dma_start3A_237 : memref<1x25x2x80xi32, #tpu.memory_space<hbm>> -> memref<25x2x80xi32, #tpu.memory_space<hbm>>
      %dma_start3A_239 = arith.constant 25 : i32
      %dma_start3A_240 = arith.constant 0 : i32
      %dma_start3A_241 = arith.constant 0 : i32
      %dma_start3A_242 = tpu.memref_slice %arg2[%add3A, %dma_start3A_239, %dma_start3A_240, %dma_start3A_241] : memref<32x125x2x80xi32, #tpu.memory_space<hbm>> -> memref<1x25x2x80xi32, #tpu.memory_space<hbm>>
      %dma_start3A_243 = tpu.memref_squeeze %dma_start3A_242 : memref<1x25x2x80xi32, #tpu.memory_space<hbm>> -> memref<25x2x80xi32, #tpu.memory_space<hbm>>
      tpu.enqueue_dma source(%dma_start3A_243 : memref<25x2x80xi32, #tpu.memory_space<hbm>>) target(%arg5 : memref<25x2x80xi32, #tpu.memory_space<vmem>>) target_semaphore(%run_scoped3A_233 : memref<!tpu.dma_semaphore, #tpu.memory_space<semaphore_mem>>)
      %dma_wait3A_244 = arith.constant 25 : i32
      %dma_wait3A_245 = arith.constant 0 : i32
      %dma_wait3A_246 = arith.constant 0 : i32
      %dma_wait3A_247 = tpu.memref_slice %arg2[%add3A, %dma_wait3A_244, %dma_wait3A_245, %dma_wait3A_246] : memref<32x125x2x80xi32, #tpu.memory_space<hbm>> -> memref<1x25x2x80xi32, #tpu.memory_space<hbm>>
      %dma_wait3A_248 = tpu.memref_squeeze %dma_wait3A_247 : memref<1x25x2x80xi32, #tpu.memory_space<hbm>> -> memref<25x2x80xi32, #tpu.memory_space<hbm>>
      %dma_wait3A_249 = arith.constant 25 : i32
      %dma_wait3A_250 = arith.constant 0 : i32
      %dma_wait3A_251 = arith.constant 0 : i32
      %dma_wait3A_252 = tpu.memref_slice %arg2[%add3A, %dma_wait3A_249, %dma_wait3A_250, %dma_wait3A_251] : memref<32x125x2x80xi32, #tpu.memory_space<hbm>> -> memref<1x25x2x80xi32, #tpu.memory_space<hbm>>
      %dma_wait3A_253 = tpu.memref_squeeze %dma_wait3A_252 : memref<1x25x2x80xi32, #tpu.memory_space<hbm>> -> memref<25x2x80xi32, #tpu.memory_space<hbm>>
      tpu.wait_dma2 semaphore(%run_scoped3A_233 : memref<!tpu.dma_semaphore, #tpu.memory_space<semaphore_mem>>) src(%dma_wait3A_253 : memref<25x2x80xi32, #tpu.memory_space<hbm>>) dst(%arg5 : memref<25x2x80xi32, #tpu.memory_space<vmem>>)
      tpu.yield
    }) : () -> ()
    %scan3A_80 = arith.constant 0 : i32
    %scan3A_81 = arith.constant 0 : i32
    %scan3A_82 = arith.constant 6 : i32
    %scan3A_83 = arith.addi %scan3A_81, %scan3A_82 : i32
    %scan3A_84 = arith.constant 1 : i32
    scf.for %scan3A_233 = %scan3A_81 to %scan3A_83 step %scan3A_84  : i32 {
      %mul3A_234 = arith.constant 4 : i32
      %mul3A_235 = arith.muli %scan3A_233, %mul3A_234 : i32
      %add3A_236 = arith.constant 0 : i32
      %add3A_237 = arith.addi %mul3A_235, %add3A_236 : i32
      %dma_start3A_238 = arith.constant 0 : i32
      %dma_start3A_239 = arith.constant 0 : i32
      %dma_start3A_240 = arith.constant 0 : i32
      %dma_start3A_241 = arith.constant 0 : i32
      %dma_start3A_242 = tpu.memref_slice %arg6[%dma_start3A_239, %dma_start3A_240, %dma_start3A_241] : memref<4x80x128xf32, #tpu.memory_space<vmem>> -> memref<1x80x128xf32, #tpu.memory_space<vmem>>
      %dma_start3A_243 = tpu.memref_squeeze %dma_start3A_242 : memref<1x80x128xf32, #tpu.memory_space<vmem>> -> memref<80x128xf32, #tpu.memory_space<vmem>>
      %dma_start3A_244 = arith.constant 0 : i32
      %dma_start3A_245 = tpu.memref_slice %arg5[%add3A_237, %dma_start3A_238, %dma_start3A_244] : memref<25x2x80xi32, #tpu.memory_space<vmem>> -> memref<1x1x80xi32, #tpu.memory_space<vmem>>
      %dma_start3A_246 = tpu.memref_squeeze %dma_start3A_245 : memref<1x1x80xi32, #tpu.memory_space<vmem>> -> memref<80xi32, #tpu.memory_space<vmem>>
      %dma_start3A_247 = arith.constant 0 : i32
      %dma_start3A_248 = arith.constant 0 : i32
      %dma_start3A_249 = tpu.memref_slice %arg3[%dma_start3A_247, %dma_start3A_248] : memref<10000x128xf32, #tpu.memory_space<hbm>> -> memref<10000x128xf32, #tpu.memory_space<hbm>>
      tpu.enqueue_indirect_dma source(%dma_start3A_249 : memref<10000x128xf32, #tpu.memory_space<hbm>>) target(%dma_start3A_243 : memref<80x128xf32, #tpu.memory_space<vmem>>) offsets(%dma_start3A_246 : memref<80xi32, #tpu.memory_space<vmem>>) semaphore(%arg8 : memref<!tpu.dma_semaphore, #tpu.memory_space<semaphore_mem>>)
      %add3A_250 = arith.constant 1 : i32
      %add3A_251 = arith.addi %mul3A_235, %add3A_250 : i32
      %dma_start3A_252 = arith.constant 0 : i32
      %dma_start3A_253 = arith.constant 1 : i32
      %dma_start3A_254 = arith.constant 0 : i32
      %dma_start3A_255 = arith.constant 0 : i32
      %dma_start3A_256 = tpu.memref_slice %arg6[%dma_start3A_253, %dma_start3A_254, %dma_start3A_255] : memref<4x80x128xf32, #tpu.memory_space<vmem>> -> memref<1x80x128xf32, #tpu.memory_space<vmem>>
      %dma_start3A_257 = tpu.memref_squeeze %dma_start3A_256 : memref<1x80x128xf32, #tpu.memory_space<vmem>> -> memref<80x128xf32, #tpu.memory_space<vmem>>
      %dma_start3A_258 = arith.constant 0 : i32
      %dma_start3A_259 = tpu.memref_slice %arg5[%add3A_251, %dma_start3A_252, %dma_start3A_258] : memref<25x2x80xi32, #tpu.memory_space<vmem>> -> memref<1x1x80xi32, #tpu.memory_space<vmem>>
      %dma_start3A_260 = tpu.memref_squeeze %dma_start3A_259 : memref<1x1x80xi32, #tpu.memory_space<vmem>> -> memref<80xi32, #tpu.memory_space<vmem>>
      %dma_start3A_261 = arith.constant 0 : i32
      %dma_start3A_262 = arith.constant 0 : i32
      %dma_start3A_263 = tpu.memref_slice %arg3[%dma_start3A_261, %dma_start3A_262] : memref<10000x128xf32, #tpu.memory_space<hbm>> -> memref<10000x128xf32, #tpu.memory_space<hbm>>
      tpu.enqueue_indirect_dma source(%dma_start3A_263 : memref<10000x128xf32, #tpu.memory_space<hbm>>) target(%dma_start3A_257 : memref<80x128xf32, #tpu.memory_space<vmem>>) offsets(%dma_start3A_260 : memref<80xi32, #tpu.memory_space<vmem>>) semaphore(%arg8 : memref<!tpu.dma_semaphore, #tpu.memory_space<semaphore_mem>>)
      %add3A_264 = arith.constant 2 : i32
      %add3A_265 = arith.addi %mul3A_235, %add3A_264 : i32
      %dma_start3A_266 = arith.constant 0 : i32
      %dma_start3A_267 = arith.constant 2 : i32
      %dma_start3A_268 = arith.constant 0 : i32
      %dma_start3A_269 = arith.constant 0 : i32
      %dma_start3A_270 = tpu.memref_slice %arg6[%dma_start3A_267, %dma_start3A_268, %dma_start3A_269] : memref<4x80x128xf32, #tpu.memory_space<vmem>> -> memref<1x80x128xf32, #tpu.memory_space<vmem>>
      %dma_start3A_271 = tpu.memref_squeeze %dma_start3A_270 : memref<1x80x128xf32, #tpu.memory_space<vmem>> -> memref<80x128xf32, #tpu.memory_space<vmem>>
      %dma_start3A_272 = arith.constant 0 : i32
      %dma_start3A_273 = tpu.memref_slice %arg5[%add3A_265, %dma_start3A_266, %dma_start3A_272] : memref<25x2x80xi32, #tpu.memory_space<vmem>> -> memref<1x1x80xi32, #tpu.memory_space<vmem>>
      %dma_start3A_274 = tpu.memref_squeeze %dma_start3A_273 : memref<1x1x80xi32, #tpu.memory_space<vmem>> -> memref<80xi32, #tpu.memory_space<vmem>>
      %dma_start3A_275 = arith.constant 0 : i32
      %dma_start3A_276 = arith.constant 0 : i32
      %dma_start3A_277 = tpu.memref_slice %arg3[%dma_start3A_275, %dma_start3A_276] : memref<10000x128xf32, #tpu.memory_space<hbm>> -> memref<10000x128xf32, #tpu.memory_space<hbm>>
      tpu.enqueue_indirect_dma source(%dma_start3A_277 : memref<10000x128xf32, #tpu.memory_space<hbm>>) target(%dma_start3A_271 : memref<80x128xf32, #tpu.memory_space<vmem>>) offsets(%dma_start3A_274 : memref<80xi32, #tpu.memory_space<vmem>>) semaphore(%arg8 : memref<!tpu.dma_semaphore, #tpu.memory_space<semaphore_mem>>)
      %add3A_278 = arith.constant 3 : i32
      %add3A_279 = arith.addi %mul3A_235, %add3A_278 : i32
      %dma_start3A_280 = arith.constant 0 : i32
      %dma_start3A_281 = arith.constant 3 : i32
      %dma_start3A_282 = arith.constant 0 : i32
      %dma_start3A_283 = arith.constant 0 : i32
      %dma_start3A_284 = tpu.memref_slice %arg6[%dma_start3A_281, %dma_start3A_282, %dma_start3A_283] : memref<4x80x128xf32, #tpu.memory_space<vmem>> -> memref<1x80x128xf32, #tpu.memory_space<vmem>>
      %dma_start3A_285 = tpu.memref_squeeze %dma_start3A_284 : memref<1x80x128xf32, #tpu.memory_space<vmem>> -> memref<80x128xf32, #tpu.memory_space<vmem>>
      %dma_start3A_286 = arith.constant 0 : i32
      %dma_start3A_287 = tpu.memref_slice %arg5[%add3A_279, %dma_start3A_280, %dma_start3A_286] : memref<25x2x80xi32, #tpu.memory_space<vmem>> -> memref<1x1x80xi32, #tpu.memory_space<vmem>>
      %dma_start3A_288 = tpu.memref_squeeze %dma_start3A_287 : memref<1x1x80xi32, #tpu.memory_space<vmem>> -> memref<80xi32, #tpu.memory_space<vmem>>
      %dma_start3A_289 = arith.constant 0 : i32
      %dma_start3A_290 = arith.constant 0 : i32
      %dma_start3A_291 = tpu.memref_slice %arg3[%dma_start3A_289, %dma_start3A_290] : memref<10000x128xf32, #tpu.memory_space<hbm>> -> memref<10000x128xf32, #tpu.memory_space<hbm>>
      tpu.enqueue_indirect_dma source(%dma_start3A_291 : memref<10000x128xf32, #tpu.memory_space<hbm>>) target(%dma_start3A_285 : memref<80x128xf32, #tpu.memory_space<vmem>>) offsets(%dma_start3A_288 : memref<80xi32, #tpu.memory_space<vmem>>) semaphore(%arg8 : memref<!tpu.dma_semaphore, #tpu.memory_space<semaphore_mem>>)
      %dma_wait3A_292 = arith.constant 0 : i32
      %dma_wait3A_293 = arith.constant 0 : i32
      %dma_wait3A_294 = arith.constant 0 : i32
      %dma_wait3A_295 = tpu.memref_slice %arg6[%dma_wait3A_292, %dma_wait3A_293, %dma_wait3A_294] : memref<4x80x128xf32, #tpu.memory_space<vmem>> -> memref<1x80x128xf32, #tpu.memory_space<vmem>>
      %dma_wait3A_296 = tpu.memref_squeeze %dma_wait3A_295 : memref<1x80x128xf32, #tpu.memory_space<vmem>> -> memref<80x128xf32, #tpu.memory_space<vmem>>
      %dma_wait3A_297 = arith.constant 0 : i32
      %dma_wait3A_298 = arith.constant 0 : i32
      %dma_wait3A_299 = tpu.memref_slice %arg3[%dma_wait3A_297, %dma_wait3A_298] : memref<10000x128xf32, #tpu.memory_space<hbm>> -> memref<80x128xf32, #tpu.memory_space<hbm>>
      %dma_wait3A_300 = arith.constant 0 : i32
      %dma_wait3A_301 = arith.constant 0 : i32
      %dma_wait3A_302 = tpu.memref_slice %arg6[%dma_wait3A_292, %dma_wait3A_300, %dma_wait3A_301] : memref<4x80x128xf32, #tpu.memory_space<vmem>> -> memref<1x80x128xf32, #tpu.memory_space<vmem>>
      %dma_wait3A_303 = tpu.memref_squeeze %dma_wait3A_302 : memref<1x80x128xf32, #tpu.memory_space<vmem>> -> memref<80x128xf32, #tpu.memory_space<vmem>>
      %dma_wait3A_304 = arith.constant 0 : i32
      %dma_wait3A_305 = arith.constant 0 : i32
      %dma_wait3A_306 = tpu.memref_slice %arg3[%dma_wait3A_304, %dma_wait3A_305] : memref<10000x128xf32, #tpu.memory_space<hbm>> -> memref<80x128xf32, #tpu.memory_space<hbm>>
      tpu.wait_dma2 semaphore(%arg8 : memref<!tpu.dma_semaphore, #tpu.memory_space<semaphore_mem>>) src(%dma_wait3A_306 : memref<80x128xf32, #tpu.memory_space<hbm>>) dst(%dma_wait3A_303 : memref<80x128xf32, #tpu.memory_space<vmem>>)
      %add3A_307 = arith.constant 0 : i32
      %add3A_308 = arith.addi %mul3A_235, %add3A_307 : i32
      %run_scoped3A_309 = arith.constant 0 : i32
      %run_scoped3A_310 = arith.constant 1 : i32
      "tpu.region"() ({
        %run_scoped3A_368 = tpu.sem_alloc : memref<!tpu.dma_semaphore, #tpu.memory_space<semaphore_mem>>
        %dma_start3A_369 = arith.constant 0 : i32
        %dma_start3A_370 = arith.constant 0 : i32
        %dma_start3A_371 = tpu.memref_slice %arg6[%run_scoped3A_309, %dma_start3A_369, %dma_start3A_370] : memref<4x80x128xf32, #tpu.memory_space<vmem>> -> memref<1x80x128xf32, #tpu.memory_space<vmem>>
        %dma_start3A_372 = tpu.memref_squeeze %dma_start3A_371 : memref<1x80x128xf32, #tpu.memory_space<vmem>> -> memref<80x128xf32, #tpu.memory_space<vmem>>
        %dma_start3A_373 = arith.constant 0 : i32
        %dma_start3A_374 = tpu.memref_slice %arg5[%add3A_308, %run_scoped3A_310, %dma_start3A_373] : memref<25x2x80xi32, #tpu.memory_space<vmem>> -> memref<1x1x80xi32, #tpu.memory_space<vmem>>
        %dma_start3A_375 = tpu.memref_squeeze %dma_start3A_374 : memref<1x1x80xi32, #tpu.memory_space<vmem>> -> memref<80xi32, #tpu.memory_space<vmem>>
        %dma_start3A_376 = arith.constant 0 : i32
        %dma_start3A_377 = arith.constant 0 : i32
        %dma_start3A_378 = tpu.memref_slice %arg7[%dma_start3A_376, %dma_start3A_377] : memref<10240x128xf32, #tpu.memory_space<vmem_shared>> -> memref<10240x128xf32, #tpu.memory_space<vmem_shared>>
        tpu.enqueue_indirect_dma source(%dma_start3A_372 : memref<80x128xf32, #tpu.memory_space<vmem>>) target(%dma_start3A_378 : memref<10240x128xf32, #tpu.memory_space<vmem_shared>>) offsets(%dma_start3A_375 : memref<80xi32, #tpu.memory_space<vmem>>) semaphore(%run_scoped3A_368 : memref<!tpu.dma_semaphore, #tpu.memory_space<semaphore_mem>>) {add = true}
        %dma_wait3A_379 = arith.constant 0 : i32
        %dma_wait3A_380 = arith.constant 0 : i32
        %dma_wait3A_381 = tpu.memref_slice %arg6[%run_scoped3A_309, %dma_wait3A_379, %dma_wait3A_380] : memref<4x80x128xf32, #tpu.memory_space<vmem>> -> memref<1x80x128xf32, #tpu.memory_space<vmem>>
        %dma_wait3A_382 = tpu.memref_squeeze %dma_wait3A_381 : memref<1x80x128xf32, #tpu.memory_space<vmem>> -> memref<80x128xf32, #tpu.memory_space<vmem>>
        %dma_wait3A_383 = arith.constant 0 : i32
        %dma_wait3A_384 = tpu.memref_slice %arg5[%add3A_308, %run_scoped3A_310, %dma_wait3A_383] : memref<25x2x80xi32, #tpu.memory_space<vmem>> -> memref<1x1x80xi32, #tpu.memory_space<vmem>>
        %dma_wait3A_385 = tpu.memref_squeeze %dma_wait3A_384 : memref<1x1x80xi32, #tpu.memory_space<vmem>> -> memref<80xi32, #tpu.memory_space<vmem>>
        %dma_wait3A_386 = arith.constant 0 : i32
        %dma_wait3A_387 = arith.constant 0 : i32
        %dma_wait3A_388 = tpu.memref_slice %arg7[%dma_wait3A_386, %dma_wait3A_387] : memref<10240x128xf32, #tpu.memory_space<vmem_shared>> -> memref<10240x128xf32, #tpu.memory_space<vmem_shared>>
        tpu.wait_indirect_dma semaphore(%run_scoped3A_368 : memref<!tpu.dma_semaphore, #tpu.memory_space<semaphore_mem>>) src(%dma_wait3A_382 : memref<80x128xf32, #tpu.memory_space<vmem>>) dst(%dma_wait3A_388 : memref<10240x128xf32, #tpu.memory_space<vmem_shared>>)
        tpu.yield
      }) : () -> ()
      %dma_wait3A_311 = arith.constant 1 : i32
      %dma_wait3A_312 = arith.constant 0 : i32
      %dma_wait3A_313 = arith.constant 0 : i32
      %dma_wait3A_314 = tpu.memref_slice %arg6[%dma_wait3A_311, %dma_wait3A_312, %dma_wait3A_313] : memref<4x80x128xf32, #tpu.memory_space<vmem>> -> memref<1x80x128xf32, #tpu.memory_space<vmem>>
      %dma_wait3A_315 = tpu.memref_squeeze %dma_wait3A_314 : memref<1x80x128xf32, #tpu.memory_space<vmem>> -> memref<80x128xf32, #tpu.memory_space<vmem>>
      %dma_wait3A_316 = arith.constant 0 : i32
      %dma_wait3A_317 = arith.constant 0 : i32
      %dma_wait3A_318 = tpu.memref_slice %arg3[%dma_wait3A_316, %dma_wait3A_317] : memref<10000x128xf32, #tpu.memory_space<hbm>> -> memref<80x128xf32, #tpu.memory_space<hbm>>
      %dma_wait3A_319 = arith.constant 0 : i32
      %dma_wait3A_320 = arith.constant 0 : i32
      %dma_wait3A_321 = tpu.memref_slice %arg6[%dma_wait3A_311, %dma_wait3A_319, %dma_wait3A_320] : memref<4x80x128xf32, #tpu.memory_space<vmem>> -> memref<1x80x128xf32, #tpu.memory_space<vmem>>
      %dma_wait3A_322 = tpu.memref_squeeze %dma_wait3A_321 : memref<1x80x128xf32, #tpu.memory_space<vmem>> -> memref<80x128xf32, #tpu.memory_space<vmem>>
      %dma_wait3A_323 = arith.constant 0 : i32
      %dma_wait3A_324 = arith.constant 0 : i32
      %dma_wait3A_325 = tpu.memref_slice %arg3[%dma_wait3A_323, %dma_wait3A_324] : memref<10000x128xf32, #tpu.memory_space<hbm>> -> memref<80x128xf32, #tpu.memory_space<hbm>>
      tpu.wait_dma2 semaphore(%arg8 : memref<!tpu.dma_semaphore, #tpu.memory_space<semaphore_mem>>) src(%dma_wait3A_325 : memref<80x128xf32, #tpu.memory_space<hbm>>) dst(%dma_wait3A_322 : memref<80x128xf32, #tpu.memory_space<vmem>>)
      %add3A_326 = arith.constant 1 : i32
      %add3A_327 = arith.addi %mul3A_235, %add3A_326 : i32
      %run_scoped3A_328 = arith.constant 1 : i32
      %run_scoped3A_329 = arith.constant 1 : i32
      "tpu.region"() ({
        %run_scoped3A_368 = tpu.sem_alloc : memref<!tpu.dma_semaphore, #tpu.memory_space<semaphore_mem>>
        %dma_start3A_369 = arith.constant 0 : i32
        %dma_start3A_370 = arith.constant 0 : i32
        %dma_start3A_371 = tpu.memref_slice %arg6[%run_scoped3A_328, %dma_start3A_369, %dma_start3A_370] : memref<4x80x128xf32, #tpu.memory_space<vmem>> -> memref<1x80x128xf32, #tpu.memory_space<vmem>>
        %dma_start3A_372 = tpu.memref_squeeze %dma_start3A_371 : memref<1x80x128xf32, #tpu.memory_space<vmem>> -> memref<80x128xf32, #tpu.memory_space<vmem>>
        %dma_start3A_373 = arith.constant 0 : i32
        %dma_start3A_374 = tpu.memref_slice %arg5[%add3A_327, %run_scoped3A_329, %dma_start3A_373] : memref<25x2x80xi32, #tpu.memory_space<vmem>> -> memref<1x1x80xi32, #tpu.memory_space<vmem>>
        %dma_start3A_375 = tpu.memref_squeeze %dma_start3A_374 : memref<1x1x80xi32, #tpu.memory_space<vmem>> -> memref<80xi32, #tpu.memory_space<vmem>>
        %dma_start3A_376 = arith.constant 0 : i32
        %dma_start3A_377 = arith.constant 0 : i32
        %dma_start3A_378 = tpu.memref_slice %arg7[%dma_start3A_376, %dma_start3A_377] : memref<10240x128xf32, #tpu.memory_space<vmem_shared>> -> memref<10240x128xf32, #tpu.memory_space<vmem_shared>>
        tpu.enqueue_indirect_dma source(%dma_start3A_372 : memref<80x128xf32, #tpu.memory_space<vmem>>) target(%dma_start3A_378 : memref<10240x128xf32, #tpu.memory_space<vmem_shared>>) offsets(%dma_start3A_375 : memref<80xi32, #tpu.memory_space<vmem>>) semaphore(%run_scoped3A_368 : memref<!tpu.dma_semaphore, #tpu.memory_space<semaphore_mem>>) {add = true}
        %dma_wait3A_379 = arith.constant 0 : i32
        %dma_wait3A_380 = arith.constant 0 : i32
        %dma_wait3A_381 = tpu.memref_slice %arg6[%run_scoped3A_328, %dma_wait3A_379, %dma_wait3A_380] : memref<4x80x128xf32, #tpu.memory_space<vmem>> -> memref<1x80x128xf32, #tpu.memory_space<vmem>>
        %dma_wait3A_382 = tpu.memref_squeeze %dma_wait3A_381 : memref<1x80x128xf32, #tpu.memory_space<vmem>> -> memref<80x128xf32, #tpu.memory_space<vmem>>
        %dma_wait3A_383 = arith.constant 0 : i32
        %dma_wait3A_384 = tpu.memref_slice %arg5[%add3A_327, %run_scoped3A_329, %dma_wait3A_383] : memref<25x2x80xi32, #tpu.memory_space<vmem>> -> memref<1x1x80xi32, #tpu.memory_space<vmem>>
        %dma_wait3A_385 = tpu.memref_squeeze %dma_wait3A_384 : memref<1x1x80xi32, #tpu.memory_space<vmem>> -> memref<80xi32, #tpu.memory_space<vmem>>
        %dma_wait3A_386 = arith.constant 0 : i32
        %dma_wait3A_387 = arith.constant 0 : i32
        %dma_wait3A_388 = tpu.memref_slice %arg7[%dma_wait3A_386, %dma_wait3A_387] : memref<10240x128xf32, #tpu.memory_space<vmem_shared>> -> memref<10240x128xf32, #tpu.memory_space<vmem_shared>>
        tpu.wait_indirect_dma semaphore(%run_scoped3A_368 : memref<!tpu.dma_semaphore, #tpu.memory_space<semaphore_mem>>) src(%dma_wait3A_382 : memref<80x128xf32, #tpu.memory_space<vmem>>) dst(%dma_wait3A_388 : memref<10240x128xf32, #tpu.memory_space<vmem_shared>>)
        tpu.yield
      }) : () -> ()
      %dma_wait3A_330 = arith.constant 2 : i32
      %dma_wait3A_331 = arith.constant 0 : i32
      %dma_wait3A_332 = arith.constant 0 : i32
      %dma_wait3A_333 = tpu.memref_slice %arg6[%dma_wait3A_330, %dma_wait3A_331, %dma_wait3A_332] : memref<4x80x128xf32, #tpu.memory_space<vmem>> -> memref<1x80x128xf32, #tpu.memory_space<vmem>>
      %dma_wait3A_334 = tpu.memref_squeeze %dma_wait3A_333 : memref<1x80x128xf32, #tpu.memory_space<vmem>> -> memref<80x128xf32, #tpu.memory_space<vmem>>
      %dma_wait3A_335 = arith.constant 0 : i32
      %dma_wait3A_336 = arith.constant 0 : i32
      %dma_wait3A_337 = tpu.memref_slice %arg3[%dma_wait3A_335, %dma_wait3A_336] : memref<10000x128xf32, #tpu.memory_space<hbm>> -> memref<80x128xf32, #tpu.memory_space<hbm>>
      %dma_wait3A_338 = arith.constant 0 : i32
      %dma_wait3A_339 = arith.constant 0 : i32
      %dma_wait3A_340 = tpu.memref_slice %arg6[%dma_wait3A_330, %dma_wait3A_338, %dma_wait3A_339] : memref<4x80x128xf32, #tpu.memory_space<vmem>> -> memref<1x80x128xf32, #tpu.memory_space<vmem>>
      %dma_wait3A_341 = tpu.memref_squeeze %dma_wait3A_340 : memref<1x80x128xf32, #tpu.memory_space<vmem>> -> memref<80x128xf32, #tpu.memory_space<vmem>>
      %dma_wait3A_342 = arith.constant 0 : i32
      %dma_wait3A_343 = arith.constant 0 : i32
      %dma_wait3A_344 = tpu.memref_slice %arg3[%dma_wait3A_342, %dma_wait3A_343] : memref<10000x128xf32, #tpu.memory_space<hbm>> -> memref<80x128xf32, #tpu.memory_space<hbm>>
      tpu.wait_dma2 semaphore(%arg8 : memref<!tpu.dma_semaphore, #tpu.memory_space<semaphore_mem>>) src(%dma_wait3A_344 : memref<80x128xf32, #tpu.memory_space<hbm>>) dst(%dma_wait3A_341 : memref<80x128xf32, #tpu.memory_space<vmem>>)
      %add3A_345 = arith.constant 2 : i32
      %add3A_346 = arith.addi %mul3A_235, %add3A_345 : i32
      %run_scoped3A_347 = arith.constant 2 : i32
      %run_scoped3A_348 = arith.constant 1 : i32
      "tpu.region"() ({
        %run_scoped3A_368 = tpu.sem_alloc : memref<!tpu.dma_semaphore, #tpu.memory_space<semaphore_mem>>
        %dma_start3A_369 = arith.constant 0 : i32
        %dma_start3A_370 = arith.constant 0 : i32
        %dma_start3A_371 = tpu.memref_slice %arg6[%run_scoped3A_347, %dma_start3A_369, %dma_start3A_370] : memref<4x80x128xf32, #tpu.memory_space<vmem>> -> memref<1x80x128xf32, #tpu.memory_space<vmem>>
        %dma_start3A_372 = tpu.memref_squeeze %dma_start3A_371 : memref<1x80x128xf32, #tpu.memory_space<vmem>> -> memref<80x128xf32, #tpu.memory_space<vmem>>
        %dma_start3A_373 = arith.constant 0 : i32
        %dma_start3A_374 = tpu.memref_slice %arg5[%add3A_346, %run_scoped3A_348, %dma_start3A_373] : memref<25x2x80xi32, #tpu.memory_space<vmem>> -> memref<1x1x80xi32, #tpu.memory_space<vmem>>
        %dma_start3A_375 = tpu.memref_squeeze %dma_start3A_374 : memref<1x1x80xi32, #tpu.memory_space<vmem>> -> memref<80xi32, #tpu.memory_space<vmem>>
        %dma_start3A_376 = arith.constant 0 : i32
        %dma_start3A_377 = arith.constant 0 : i32
        %dma_start3A_378 = tpu.memref_slice %arg7[%dma_start3A_376, %dma_start3A_377] : memref<10240x128xf32, #tpu.memory_space<vmem_shared>> -> memref<10240x128xf32, #tpu.memory_space<vmem_shared>>
        tpu.enqueue_indirect_dma source(%dma_start3A_372 : memref<80x128xf32, #tpu.memory_space<vmem>>) target(%dma_start3A_378 : memref<10240x128xf32, #tpu.memory_space<vmem_shared>>) offsets(%dma_start3A_375 : memref<80xi32, #tpu.memory_space<vmem>>) semaphore(%run_scoped3A_368 : memref<!tpu.dma_semaphore, #tpu.memory_space<semaphore_mem>>) {add = true}
        %dma_wait3A_379 = arith.constant 0 : i32
        %dma_wait3A_380 = arith.constant 0 : i32
        %dma_wait3A_381 = tpu.memref_slice %arg6[%run_scoped3A_347, %dma_wait3A_379, %dma_wait3A_380] : memref<4x80x128xf32, #tpu.memory_space<vmem>> -> memref<1x80x128xf32, #tpu.memory_space<vmem>>
        %dma_wait3A_382 = tpu.memref_squeeze %dma_wait3A_381 : memref<1x80x128xf32, #tpu.memory_space<vmem>> -> memref<80x128xf32, #tpu.memory_space<vmem>>
        %dma_wait3A_383 = arith.constant 0 : i32
        %dma_wait3A_384 = tpu.memref_slice %arg5[%add3A_346, %run_scoped3A_348, %dma_wait3A_383] : memref<25x2x80xi32, #tpu.memory_space<vmem>> -> memref<1x1x80xi32, #tpu.memory_space<vmem>>
        %dma_wait3A_385 = tpu.memref_squeeze %dma_wait3A_384 : memref<1x1x80xi32, #tpu.memory_space<vmem>> -> memref<80xi32, #tpu.memory_space<vmem>>
        %dma_wait3A_386 = arith.constant 0 : i32
        %dma_wait3A_387 = arith.constant 0 : i32
        %dma_wait3A_388 = tpu.memref_slice %arg7[%dma_wait3A_386, %dma_wait3A_387] : memref<10240x128xf32, #tpu.memory_space<vmem_shared>> -> memref<10240x128xf32, #tpu.memory_space<vmem_shared>>
        tpu.wait_indirect_dma semaphore(%run_scoped3A_368 : memref<!tpu.dma_semaphore, #tpu.memory_space<semaphore_mem>>) src(%dma_wait3A_382 : memref<80x128xf32, #tpu.memory_space<vmem>>) dst(%dma_wait3A_388 : memref<10240x128xf32, #tpu.memory_space<vmem_shared>>)
        tpu.yield
      }) : () -> ()
      %dma_wait3A_349 = arith.constant 3 : i32
      %dma_wait3A_350 = arith.constant 0 : i32
      %dma_wait3A_351 = arith.constant 0 : i32
      %dma_wait3A_352 = tpu.memref_slice %arg6[%dma_wait3A_349, %dma_wait3A_350, %dma_wait3A_351] : memref<4x80x128xf32, #tpu.memory_space<vmem>> -> memref<1x80x128xf32, #tpu.memory_space<vmem>>
      %dma_wait3A_353 = tpu.memref_squeeze %dma_wait3A_352 : memref<1x80x128xf32, #tpu.memory_space<vmem>> -> memref<80x128xf32, #tpu.memory_space<vmem>>
      %dma_wait3A_354 = arith.constant 0 : i32
      %dma_wait3A_355 = arith.constant 0 : i32
      %dma_wait3A_356 = tpu.memref_slice %arg3[%dma_wait3A_354, %dma_wait3A_355] : memref<10000x128xf32, #tpu.memory_space<hbm>> -> memref<80x128xf32, #tpu.memory_space<hbm>>
      %dma_wait3A_357 = arith.constant 0 : i32
      %dma_wait3A_358 = arith.constant 0 : i32
      %dma_wait3A_359 = tpu.memref_slice %arg6[%dma_wait3A_349, %dma_wait3A_357, %dma_wait3A_358] : memref<4x80x128xf32, #tpu.memory_space<vmem>> -> memref<1x80x128xf32, #tpu.memory_space<vmem>>
      %dma_wait3A_360 = tpu.memref_squeeze %dma_wait3A_359 : memref<1x80x128xf32, #tpu.memory_space<vmem>> -> memref<80x128xf32, #tpu.memory_space<vmem>>
      %dma_wait3A_361 = arith.constant 0 : i32
      %dma_wait3A_362 = arith.constant 0 : i32
      %dma_wait3A_363 = tpu.memref_slice %arg3[%dma_wait3A_361, %dma_wait3A_362] : memref<10000x128xf32, #tpu.memory_space<hbm>> -> memref<80x128xf32, #tpu.memory_space<hbm>>
      tpu.wait_dma2 semaphore(%arg8 : memref<!tpu.dma_semaphore, #tpu.memory_space<semaphore_mem>>) src(%dma_wait3A_363 : memref<80x128xf32, #tpu.memory_space<hbm>>) dst(%dma_wait3A_360 : memref<80x128xf32, #tpu.memory_space<vmem>>)
      %add3A_364 = arith.constant 3 : i32
      %add3A_365 = arith.addi %mul3A_235, %add3A_364 : i32
      %run_scoped3A_366 = arith.constant 3 : i32
      %run_scoped3A_367 = arith.constant 1 : i32
      "tpu.region"() ({
        %run_scoped3A_368 = tpu.sem_alloc : memref<!tpu.dma_semaphore, #tpu.memory_space<semaphore_mem>>
        %dma_start3A_369 = arith.constant 0 : i32
        %dma_start3A_370 = arith.constant 0 : i32
        %dma_start3A_371 = tpu.memref_slice %arg6[%run_scoped3A_366, %dma_start3A_369, %dma_start3A_370] : memref<4x80x128xf32, #tpu.memory_space<vmem>> -> memref<1x80x128xf32, #tpu.memory_space<vmem>>
        %dma_start3A_372 = tpu.memref_squeeze %dma_start3A_371 : memref<1x80x128xf32, #tpu.memory_space<vmem>> -> memref<80x128xf32, #tpu.memory_space<vmem>>
        %dma_start3A_373 = arith.constant 0 : i32
        %dma_start3A_374 = tpu.memref_slice %arg5[%add3A_365, %run_scoped3A_367, %dma_start3A_373] : memref<25x2x80xi32, #tpu.memory_space<vmem>> -> memref<1x1x80xi32, #tpu.memory_space<vmem>>
        %dma_start3A_375 = tpu.memref_squeeze %dma_start3A_374 : memref<1x1x80xi32, #tpu.memory_space<vmem>> -> memref<80xi32, #tpu.memory_space<vmem>>
        %dma_start3A_376 = arith.constant 0 : i32
        %dma_start3A_377 = arith.constant 0 : i32
        %dma_start3A_378 = tpu.memref_slice %arg7[%dma_start3A_376, %dma_start3A_377] : memref<10240x128xf32, #tpu.memory_space<vmem_shared>> -> memref<10240x128xf32, #tpu.memory_space<vmem_shared>>
        tpu.enqueue_indirect_dma source(%dma_start3A_372 : memref<80x128xf32, #tpu.memory_space<vmem>>) target(%dma_start3A_378 : memref<10240x128xf32, #tpu.memory_space<vmem_shared>>) offsets(%dma_start3A_375 : memref<80xi32, #tpu.memory_space<vmem>>) semaphore(%run_scoped3A_368 : memref<!tpu.dma_semaphore, #tpu.memory_space<semaphore_mem>>) {add = true}
        %dma_wait3A_379 = arith.constant 0 : i32
        %dma_wait3A_380 = arith.constant 0 : i32
        %dma_wait3A_381 = tpu.memref_slice %arg6[%run_scoped3A_366, %dma_wait3A_379, %dma_wait3A_380] : memref<4x80x128xf32, #tpu.memory_space<vmem>> -> memref<1x80x128xf32, #tpu.memory_space<vmem>>
        %dma_wait3A_382 = tpu.memref_squeeze %dma_wait3A_381 : memref<1x80x128xf32, #tpu.memory_space<vmem>> -> memref<80x128xf32, #tpu.memory_space<vmem>>
        %dma_wait3A_383 = arith.constant 0 : i32
        %dma_wait3A_384 = tpu.memref_slice %arg5[%add3A_365, %run_scoped3A_367, %dma_wait3A_383] : memref<25x2x80xi32, #tpu.memory_space<vmem>> -> memref<1x1x80xi32, #tpu.memory_space<vmem>>
        %dma_wait3A_385 = tpu.memref_squeeze %dma_wait3A_384 : memref<1x1x80xi32, #tpu.memory_space<vmem>> -> memref<80xi32, #tpu.memory_space<vmem>>
        %dma_wait3A_386 = arith.constant 0 : i32
        %dma_wait3A_387 = arith.constant 0 : i32
        %dma_wait3A_388 = tpu.memref_slice %arg7[%dma_wait3A_386, %dma_wait3A_387] : memref<10240x128xf32, #tpu.memory_space<vmem_shared>> -> memref<10240x128xf32, #tpu.memory_space<vmem_shared>>
        tpu.wait_indirect_dma semaphore(%run_scoped3A_368 : memref<!tpu.dma_semaphore, #tpu.memory_space<semaphore_mem>>) src(%dma_wait3A_382 : memref<80x128xf32, #tpu.memory_space<vmem>>) dst(%dma_wait3A_388 : memref<10240x128xf32, #tpu.memory_space<vmem_shared>>)
        tpu.yield
      }) : () -> ()
    }
    %scan3A_85 = arith.constant 6 : i32
    %dma_start3A_86 = arith.constant 24 : i32
    %dma_start3A_87 = arith.constant 0 : i32
    %dma_start3A_88 = arith.constant 0 : i32
    %dma_start3A_89 = arith.constant 0 : i32
    %dma_start3A_90 = arith.constant 0 : i32
    %dma_start3A_91 = tpu.memref_slice %arg6[%dma_start3A_88, %dma_start3A_89, %dma_start3A_90] : memref<4x80x128xf32, #tpu.memory_space<vmem>> -> memref<1x80x128xf32, #tpu.memory_space<vmem>>
    %dma_start3A_92 = tpu.memref_squeeze %dma_start3A_91 : memref<1x80x128xf32, #tpu.memory_space<vmem>> -> memref<80x128xf32, #tpu.memory_space<vmem>>
    %dma_start3A_93 = arith.constant 0 : i32
    %dma_start3A_94 = tpu.memref_slice %arg5[%dma_start3A_86, %dma_start3A_87, %dma_start3A_93] : memref<25x2x80xi32, #tpu.memory_space<vmem>> -> memref<1x1x80xi32, #tpu.memory_space<vmem>>
    %dma_start3A_95 = tpu.memref_squeeze %dma_start3A_94 : memref<1x1x80xi32, #tpu.memory_space<vmem>> -> memref<80xi32, #tpu.memory_space<vmem>>
    %dma_start3A_96 = arith.constant 0 : i32
    %dma_start3A_97 = arith.constant 0 : i32
    %dma_start3A_98 = tpu.memref_slice %arg3[%dma_start3A_96, %dma_start3A_97] : memref<10000x128xf32, #tpu.memory_space<hbm>> -> memref<10000x128xf32, #tpu.memory_space<hbm>>
    tpu.enqueue_indirect_dma source(%dma_start3A_98 : memref<10000x128xf32, #tpu.memory_space<hbm>>) target(%dma_start3A_92 : memref<80x128xf32, #tpu.memory_space<vmem>>) offsets(%dma_start3A_95 : memref<80xi32, #tpu.memory_space<vmem>>) semaphore(%arg8 : memref<!tpu.dma_semaphore, #tpu.memory_space<semaphore_mem>>)
    %dma_wait3A_99 = arith.constant 0 : i32
    %dma_wait3A_100 = arith.constant 0 : i32
    %dma_wait3A_101 = arith.constant 0 : i32
    %dma_wait3A_102 = tpu.memref_slice %arg6[%dma_wait3A_99, %dma_wait3A_100, %dma_wait3A_101] : memref<4x80x128xf32, #tpu.memory_space<vmem>> -> memref<1x80x128xf32, #tpu.memory_space<vmem>>
    %dma_wait3A_103 = tpu.memref_squeeze %dma_wait3A_102 : memref<1x80x128xf32, #tpu.memory_space<vmem>> -> memref<80x128xf32, #tpu.memory_space<vmem>>
    %dma_wait3A_104 = arith.constant 0 : i32
    %dma_wait3A_105 = arith.constant 0 : i32
    %dma_wait3A_106 = tpu.memref_slice %arg3[%dma_wait3A_104, %dma_wait3A_105] : memref<10000x128xf32, #tpu.memory_space<hbm>> -> memref<80x128xf32, #tpu.memory_space<hbm>>
    %dma_wait3A_107 = arith.constant 0 : i32
    %dma_wait3A_108 = arith.constant 0 : i32
    %dma_wait3A_109 = tpu.memref_slice %arg6[%dma_wait3A_99, %dma_wait3A_107, %dma_wait3A_108] : memref<4x80x128xf32, #tpu.memory_space<vmem>> -> memref<1x80x128xf32, #tpu.memory_space<vmem>>
    %dma_wait3A_110 = tpu.memref_squeeze %dma_wait3A_109 : memref<1x80x128xf32, #tpu.memory_space<vmem>> -> memref<80x128xf32, #tpu.memory_space<vmem>>
    %dma_wait3A_111 = arith.constant 0 : i32
    %dma_wait3A_112 = arith.constant 0 : i32
    %dma_wait3A_113 = tpu.memref_slice %arg3[%dma_wait3A_111, %dma_wait3A_112] : memref<10000x128xf32, #tpu.memory_space<hbm>> -> memref<80x128xf32, #tpu.memory_space<hbm>>
    tpu.wait_dma2 semaphore(%arg8 : memref<!tpu.dma_semaphore, #tpu.memory_space<semaphore_mem>>) src(%dma_wait3A_113 : memref<80x128xf32, #tpu.memory_space<hbm>>) dst(%dma_wait3A_110 : memref<80x128xf32, #tpu.memory_space<vmem>>)
    %run_scoped3A_114 = arith.constant 0 : i32
    %run_scoped3A_115 = arith.constant 24 : i32
    %run_scoped3A_116 = arith.constant 1 : i32
    "tpu.region"() ({
      %run_scoped3A_233 = tpu.sem_alloc : memref<!tpu.dma_semaphore, #tpu.memory_space<semaphore_mem>>
      %dma_start3A_234 = arith.constant 0 : i32
      %dma_start3A_235 = arith.constant 0 : i32
      %dma_start3A_236 = tpu.memref_slice %arg6[%run_scoped3A_114, %dma_start3A_234, %dma_start3A_235] : memref<4x80x128xf32, #tpu.memory_space<vmem>> -> memref<1x80x128xf32, #tpu.memory_space<vmem>>
      %dma_start3A_237 = tpu.memref_squeeze %dma_start3A_236 : memref<1x80x128xf32, #tpu.memory_space<vmem>> -> memref<80x128xf32, #tpu.memory_space<vmem>>
      %dma_start3A_238 = arith.constant 0 : i32
      %dma_start3A_239 = tpu.memref_slice %arg5[%run_scoped3A_115, %run_scoped3A_116, %dma_start3A_238] : memref<25x2x80xi32, #tpu.memory_space<vmem>> -> memref<1x1x80xi32, #tpu.memory_space<vmem>>
      %dma_start3A_240 = tpu.memref_squeeze %dma_start3A_239 : memref<1x1x80xi32, #tpu.memory_space<vmem>> -> memref<80xi32, #tpu.memory_space<vmem>>
      %dma_start3A_241 = arith.constant 0 : i32
      %dma_start3A_242 = arith.constant 0 : i32
      %dma_start3A_243 = tpu.memref_slice %arg7[%dma_start3A_241, %dma_start3A_242] : memref<10240x128xf32, #tpu.memory_space<vmem_shared>> -> memref<10240x128xf32, #tpu.memory_space<vmem_shared>>
      tpu.enqueue_indirect_dma source(%dma_start3A_237 : memref<80x128xf32, #tpu.memory_space<vmem>>) target(%dma_start3A_243 : memref<10240x128xf32, #tpu.memory_space<vmem_shared>>) offsets(%dma_start3A_240 : memref<80xi32, #tpu.memory_space<vmem>>) semaphore(%run_scoped3A_233 : memref<!tpu.dma_semaphore, #tpu.memory_space<semaphore_mem>>) {add = true}
      %dma_wait3A_244 = arith.constant 0 : i32
      %dma_wait3A_245 = arith.constant 0 : i32
      %dma_wait3A_246 = tpu.memref_slice %arg6[%run_scoped3A_114, %dma_wait3A_244, %dma_wait3A_245] : memref<4x80x128xf32, #tpu.memory_space<vmem>> -> memref<1x80x128xf32, #tpu.memory_space<vmem>>
      %dma_wait3A_247 = tpu.memref_squeeze %dma_wait3A_246 : memref<1x80x128xf32, #tpu.memory_space<vmem>> -> memref<80x128xf32, #tpu.memory_space<vmem>>
      %dma_wait3A_248 = arith.constant 0 : i32
      %dma_wait3A_249 = tpu.memref_slice %arg5[%run_scoped3A_115, %run_scoped3A_116, %dma_wait3A_248] : memref<25x2x80xi32, #tpu.memory_space<vmem>> -> memref<1x1x80xi32, #tpu.memory_space<vmem>>
      %dma_wait3A_250 = tpu.memref_squeeze %dma_wait3A_249 : memref<1x1x80xi32, #tpu.memory_space<vmem>> -> memref<80xi32, #tpu.memory_space<vmem>>
      %dma_wait3A_251 = arith.constant 0 : i32
      %dma_wait3A_252 = arith.constant 0 : i32
      %dma_wait3A_253 = tpu.memref_slice %arg7[%dma_wait3A_251, %dma_wait3A_252] : memref<10240x128xf32, #tpu.memory_space<vmem_shared>> -> memref<10240x128xf32, #tpu.memory_space<vmem_shared>>
      tpu.wait_indirect_dma semaphore(%run_scoped3A_233 : memref<!tpu.dma_semaphore, #tpu.memory_space<semaphore_mem>>) src(%dma_wait3A_247 : memref<80x128xf32, #tpu.memory_space<vmem>>) dst(%dma_wait3A_253 : memref<10240x128xf32, #tpu.memory_space<vmem_shared>>)
      tpu.yield
    }) : () -> ()
    "tpu.region"() ({
      %run_scoped3A_233 = tpu.sem_alloc : memref<!tpu.dma_semaphore, #tpu.memory_space<semaphore_mem>>
      %dma_start3A_234 = arith.constant 50 : i32
      %dma_start3A_235 = arith.constant 0 : i32
      %dma_start3A_236 = arith.constant 0 : i32
      %dma_start3A_237 = tpu.memref_slice %arg2[%add3A, %dma_start3A_234, %dma_start3A_235, %dma_start3A_236] : memref<32x125x2x80xi32, #tpu.memory_space<hbm>> -> memref<1x25x2x80xi32, #tpu.memory_space<hbm>>
      %dma_start3A_238 = tpu.memref_squeeze %dma_start3A_237 : memref<1x25x2x80xi32, #tpu.memory_space<hbm>> -> memref<25x2x80xi32, #tpu.memory_space<hbm>>
      %dma_start3A_239 = arith.constant 50 : i32
      %dma_start3A_240 = arith.constant 0 : i32
      %dma_start3A_241 = arith.constant 0 : i32
      %dma_start3A_242 = tpu.memref_slice %arg2[%add3A, %dma_start3A_239, %dma_start3A_240, %dma_start3A_241] : memref<32x125x2x80xi32, #tpu.memory_space<hbm>> -> memref<1x25x2x80xi32, #tpu.memory_space<hbm>>
      %dma_start3A_243 = tpu.memref_squeeze %dma_start3A_242 : memref<1x25x2x80xi32, #tpu.memory_space<hbm>> -> memref<25x2x80xi32, #tpu.memory_space<hbm>>
      tpu.enqueue_dma source(%dma_start3A_243 : memref<25x2x80xi32, #tpu.memory_space<hbm>>) target(%arg5 : memref<25x2x80xi32, #tpu.memory_space<vmem>>) target_semaphore(%run_scoped3A_233 : memref<!tpu.dma_semaphore, #tpu.memory_space<semaphore_mem>>)
      %dma_wait3A_244 = arith.constant 50 : i32
      %dma_wait3A_245 = arith.constant 0 : i32
      %dma_wait3A_246 = arith.constant 0 : i32
      %dma_wait3A_247 = tpu.memref_slice %arg2[%add3A, %dma_wait3A_244, %dma_wait3A_245, %dma_wait3A_246] : memref<32x125x2x80xi32, #tpu.memory_space<hbm>> -> memref<1x25x2x80xi32, #tpu.memory_space<hbm>>
      %dma_wait3A_248 = tpu.memref_squeeze %dma_wait3A_247 : memref<1x25x2x80xi32, #tpu.memory_space<hbm>> -> memref<25x2x80xi32, #tpu.memory_space<hbm>>
      %dma_wait3A_249 = arith.constant 50 : i32
      %dma_wait3A_250 = arith.constant 0 : i32
      %dma_wait3A_251 = arith.constant 0 : i32
      %dma_wait3A_252 = tpu.memref_slice %arg2[%add3A, %dma_wait3A_249, %dma_wait3A_250, %dma_wait3A_251] : memref<32x125x2x80xi32, #tpu.memory_space<hbm>> -> memref<1x25x2x80xi32, #tpu.memory_space<hbm>>
      %dma_wait3A_253 = tpu.memref_squeeze %dma_wait3A_252 : memref<1x25x2x80xi32, #tpu.memory_space<hbm>> -> memref<25x2x80xi32, #tpu.memory_space<hbm>>
      tpu.wait_dma2 semaphore(%run_scoped3A_233 : memref<!tpu.dma_semaphore, #tpu.memory_space<semaphore_mem>>) src(%dma_wait3A_253 : memref<25x2x80xi32, #tpu.memory_space<hbm>>) dst(%arg5 : memref<25x2x80xi32, #tpu.memory_space<vmem>>)
      tpu.yield
    }) : () -> ()
    %scan3A_117 = arith.constant 0 : i32
    %scan3A_118 = arith.constant 0 : i32
    %scan3A_119 = arith.constant 6 : i32
    %scan3A_120 = arith.addi %scan3A_118, %scan3A_119 : i32
    %scan3A_121 = arith.constant 1 : i32
    scf.for %scan3A_233 = %scan3A_118 to %scan3A_120 step %scan3A_121  : i32 {
      %mul3A_234 = arith.constant 4 : i32
      %mul3A_235 = arith.muli %scan3A_233, %mul3A_234 : i32
      %add3A_236 = arith.constant 0 : i32
      %add3A_237 = arith.addi %mul3A_235, %add3A_236 : i32
      %dma_start3A_238 = arith.constant 0 : i32
      %dma_start3A_239 = arith.constant 0 : i32
      %dma_start3A_240 = arith.constant 0 : i32
      %dma_start3A_241 = arith.constant 0 : i32
      %dma_start3A_242 = tpu.memref_slice %arg6[%dma_start3A_239, %dma_start3A_240, %dma_start3A_241] : memref<4x80x128xf32, #tpu.memory_space<vmem>> -> memref<1x80x128xf32, #tpu.memory_space<vmem>>
      %dma_start3A_243 = tpu.memref_squeeze %dma_start3A_242 : memref<1x80x128xf32, #tpu.memory_space<vmem>> -> memref<80x128xf32, #tpu.memory_space<vmem>>
      %dma_start3A_244 = arith.constant 0 : i32
      %dma_start3A_245 = tpu.memref_slice %arg5[%add3A_237, %dma_start3A_238, %dma_start3A_244] : memref<25x2x80xi32, #tpu.memory_space<vmem>> -> memref<1x1x80xi32, #tpu.memory_space<vmem>>
      %dma_start3A_246 = tpu.memref_squeeze %dma_start3A_245 : memref<1x1x80xi32, #tpu.memory_space<vmem>> -> memref<80xi32, #tpu.memory_space<vmem>>
      %dma_start3A_247 = arith.constant 0 : i32
      %dma_start3A_248 = arith.constant 0 : i32
      %dma_start3A_249 = tpu.memref_slice %arg3[%dma_start3A_247, %dma_start3A_248] : memref<10000x128xf32, #tpu.memory_space<hbm>> -> memref<10000x128xf32, #tpu.memory_space<hbm>>
      tpu.enqueue_indirect_dma source(%dma_start3A_249 : memref<10000x128xf32, #tpu.memory_space<hbm>>) target(%dma_start3A_243 : memref<80x128xf32, #tpu.memory_space<vmem>>) offsets(%dma_start3A_246 : memref<80xi32, #tpu.memory_space<vmem>>) semaphore(%arg8 : memref<!tpu.dma_semaphore, #tpu.memory_space<semaphore_mem>>)
      %add3A_250 = arith.constant 1 : i32
      %add3A_251 = arith.addi %mul3A_235, %add3A_250 : i32
      %dma_start3A_252 = arith.constant 0 : i32
      %dma_start3A_253 = arith.constant 1 : i32
      %dma_start3A_254 = arith.constant 0 : i32
      %dma_start3A_255 = arith.constant 0 : i32
      %dma_start3A_256 = tpu.memref_slice %arg6[%dma_start3A_253, %dma_start3A_254, %dma_start3A_255] : memref<4x80x128xf32, #tpu.memory_space<vmem>> -> memref<1x80x128xf32, #tpu.memory_space<vmem>>
      %dma_start3A_257 = tpu.memref_squeeze %dma_start3A_256 : memref<1x80x128xf32, #tpu.memory_space<vmem>> -> memref<80x128xf32, #tpu.memory_space<vmem>>
      %dma_start3A_258 = arith.constant 0 : i32
      %dma_start3A_259 = tpu.memref_slice %arg5[%add3A_251, %dma_start3A_252, %dma_start3A_258] : memref<25x2x80xi32, #tpu.memory_space<vmem>> -> memref<1x1x80xi32, #tpu.memory_space<vmem>>
      %dma_start3A_260 = tpu.memref_squeeze %dma_start3A_259 : memref<1x1x80xi32, #tpu.memory_space<vmem>> -> memref<80xi32, #tpu.memory_space<vmem>>
      %dma_start3A_261 = arith.constant 0 : i32
      %dma_start3A_262 = arith.constant 0 : i32
      %dma_start3A_263 = tpu.memref_slice %arg3[%dma_start3A_261, %dma_start3A_262] : memref<10000x128xf32, #tpu.memory_space<hbm>> -> memref<10000x128xf32, #tpu.memory_space<hbm>>
      tpu.enqueue_indirect_dma source(%dma_start3A_263 : memref<10000x128xf32, #tpu.memory_space<hbm>>) target(%dma_start3A_257 : memref<80x128xf32, #tpu.memory_space<vmem>>) offsets(%dma_start3A_260 : memref<80xi32, #tpu.memory_space<vmem>>) semaphore(%arg8 : memref<!tpu.dma_semaphore, #tpu.memory_space<semaphore_mem>>)
      %add3A_264 = arith.constant 2 : i32
      %add3A_265 = arith.addi %mul3A_235, %add3A_264 : i32
      %dma_start3A_266 = arith.constant 0 : i32
      %dma_start3A_267 = arith.constant 2 : i32
      %dma_start3A_268 = arith.constant 0 : i32
      %dma_start3A_269 = arith.constant 0 : i32
      %dma_start3A_270 = tpu.memref_slice %arg6[%dma_start3A_267, %dma_start3A_268, %dma_start3A_269] : memref<4x80x128xf32, #tpu.memory_space<vmem>> -> memref<1x80x128xf32, #tpu.memory_space<vmem>>
      %dma_start3A_271 = tpu.memref_squeeze %dma_start3A_270 : memref<1x80x128xf32, #tpu.memory_space<vmem>> -> memref<80x128xf32, #tpu.memory_space<vmem>>
      %dma_start3A_272 = arith.constant 0 : i32
      %dma_start3A_273 = tpu.memref_slice %arg5[%add3A_265, %dma_start3A_266, %dma_start3A_272] : memref<25x2x80xi32, #tpu.memory_space<vmem>> -> memref<1x1x80xi32, #tpu.memory_space<vmem>>
      %dma_start3A_274 = tpu.memref_squeeze %dma_start3A_273 : memref<1x1x80xi32, #tpu.memory_space<vmem>> -> memref<80xi32, #tpu.memory_space<vmem>>
      %dma_start3A_275 = arith.constant 0 : i32
      %dma_start3A_276 = arith.constant 0 : i32
      %dma_start3A_277 = tpu.memref_slice %arg3[%dma_start3A_275, %dma_start3A_276] : memref<10000x128xf32, #tpu.memory_space<hbm>> -> memref<10000x128xf32, #tpu.memory_space<hbm>>
      tpu.enqueue_indirect_dma source(%dma_start3A_277 : memref<10000x128xf32, #tpu.memory_space<hbm>>) target(%dma_start3A_271 : memref<80x128xf32, #tpu.memory_space<vmem>>) offsets(%dma_start3A_274 : memref<80xi32, #tpu.memory_space<vmem>>) semaphore(%arg8 : memref<!tpu.dma_semaphore, #tpu.memory_space<semaphore_mem>>)
      %add3A_278 = arith.constant 3 : i32
      %add3A_279 = arith.addi %mul3A_235, %add3A_278 : i32
      %dma_start3A_280 = arith.constant 0 : i32
      %dma_start3A_281 = arith.constant 3 : i32
      %dma_start3A_282 = arith.constant 0 : i32
      %dma_start3A_283 = arith.constant 0 : i32
      %dma_start3A_284 = tpu.memref_slice %arg6[%dma_start3A_281, %dma_start3A_282, %dma_start3A_283] : memref<4x80x128xf32, #tpu.memory_space<vmem>> -> memref<1x80x128xf32, #tpu.memory_space<vmem>>
      %dma_start3A_285 = tpu.memref_squeeze %dma_start3A_284 : memref<1x80x128xf32, #tpu.memory_space<vmem>> -> memref<80x128xf32, #tpu.memory_space<vmem>>
      %dma_start3A_286 = arith.constant 0 : i32
      %dma_start3A_287 = tpu.memref_slice %arg5[%add3A_279, %dma_start3A_280, %dma_start3A_286] : memref<25x2x80xi32, #tpu.memory_space<vmem>> -> memref<1x1x80xi32, #tpu.memory_space<vmem>>
      %dma_start3A_288 = tpu.memref_squeeze %dma_start3A_287 : memref<1x1x80xi32, #tpu.memory_space<vmem>> -> memref<80xi32, #tpu.memory_space<vmem>>
      %dma_start3A_289 = arith.constant 0 : i32
      %dma_start3A_290 = arith.constant 0 : i32
      %dma_start3A_291 = tpu.memref_slice %arg3[%dma_start3A_289, %dma_start3A_290] : memref<10000x128xf32, #tpu.memory_space<hbm>> -> memref<10000x128xf32, #tpu.memory_space<hbm>>
      tpu.enqueue_indirect_dma source(%dma_start3A_291 : memref<10000x128xf32, #tpu.memory_space<hbm>>) target(%dma_start3A_285 : memref<80x128xf32, #tpu.memory_space<vmem>>) offsets(%dma_start3A_288 : memref<80xi32, #tpu.memory_space<vmem>>) semaphore(%arg8 : memref<!tpu.dma_semaphore, #tpu.memory_space<semaphore_mem>>)
      %dma_wait3A_292 = arith.constant 0 : i32
      %dma_wait3A_293 = arith.constant 0 : i32
      %dma_wait3A_294 = arith.constant 0 : i32
      %dma_wait3A_295 = tpu.memref_slice %arg6[%dma_wait3A_292, %dma_wait3A_293, %dma_wait3A_294] : memref<4x80x128xf32, #tpu.memory_space<vmem>> -> memref<1x80x128xf32, #tpu.memory_space<vmem>>
      %dma_wait3A_296 = tpu.memref_squeeze %dma_wait3A_295 : memref<1x80x128xf32, #tpu.memory_space<vmem>> -> memref<80x128xf32, #tpu.memory_space<vmem>>
      %dma_wait3A_297 = arith.constant 0 : i32
      %dma_wait3A_298 = arith.constant 0 : i32
      %dma_wait3A_299 = tpu.memref_slice %arg3[%dma_wait3A_297, %dma_wait3A_298] : memref<10000x128xf32, #tpu.memory_space<hbm>> -> memref<80x128xf32, #tpu.memory_space<hbm>>
      %dma_wait3A_300 = arith.constant 0 : i32
      %dma_wait3A_301 = arith.constant 0 : i32
      %dma_wait3A_302 = tpu.memref_slice %arg6[%dma_wait3A_292, %dma_wait3A_300, %dma_wait3A_301] : memref<4x80x128xf32, #tpu.memory_space<vmem>> -> memref<1x80x128xf32, #tpu.memory_space<vmem>>
      %dma_wait3A_303 = tpu.memref_squeeze %dma_wait3A_302 : memref<1x80x128xf32, #tpu.memory_space<vmem>> -> memref<80x128xf32, #tpu.memory_space<vmem>>
      %dma_wait3A_304 = arith.constant 0 : i32
      %dma_wait3A_305 = arith.constant 0 : i32
      %dma_wait3A_306 = tpu.memref_slice %arg3[%dma_wait3A_304, %dma_wait3A_305] : memref<10000x128xf32, #tpu.memory_space<hbm>> -> memref<80x128xf32, #tpu.memory_space<hbm>>
      tpu.wait_dma2 semaphore(%arg8 : memref<!tpu.dma_semaphore, #tpu.memory_space<semaphore_mem>>) src(%dma_wait3A_306 : memref<80x128xf32, #tpu.memory_space<hbm>>) dst(%dma_wait3A_303 : memref<80x128xf32, #tpu.memory_space<vmem>>)
      %add3A_307 = arith.constant 0 : i32
      %add3A_308 = arith.addi %mul3A_235, %add3A_307 : i32
      %run_scoped3A_309 = arith.constant 0 : i32
      %run_scoped3A_310 = arith.constant 1 : i32
      "tpu.region"() ({
        %run_scoped3A_368 = tpu.sem_alloc : memref<!tpu.dma_semaphore, #tpu.memory_space<semaphore_mem>>
        %dma_start3A_369 = arith.constant 0 : i32
        %dma_start3A_370 = arith.constant 0 : i32
        %dma_start3A_371 = tpu.memref_slice %arg6[%run_scoped3A_309, %dma_start3A_369, %dma_start3A_370] : memref<4x80x128xf32, #tpu.memory_space<vmem>> -> memref<1x80x128xf32, #tpu.memory_space<vmem>>
        %dma_start3A_372 = tpu.memref_squeeze %dma_start3A_371 : memref<1x80x128xf32, #tpu.memory_space<vmem>> -> memref<80x128xf32, #tpu.memory_space<vmem>>
        %dma_start3A_373 = arith.constant 0 : i32
        %dma_start3A_374 = tpu.memref_slice %arg5[%add3A_308, %run_scoped3A_310, %dma_start3A_373] : memref<25x2x80xi32, #tpu.memory_space<vmem>> -> memref<1x1x80xi32, #tpu.memory_space<vmem>>
        %dma_start3A_375 = tpu.memref_squeeze %dma_start3A_374 : memref<1x1x80xi32, #tpu.memory_space<vmem>> -> memref<80xi32, #tpu.memory_space<vmem>>
        %dma_start3A_376 = arith.constant 0 : i32
        %dma_start3A_377 = arith.constant 0 : i32
        %dma_start3A_378 = tpu.memref_slice %arg7[%dma_start3A_376, %dma_start3A_377] : memref<10240x128xf32, #tpu.memory_space<vmem_shared>> -> memref<10240x128xf32, #tpu.memory_space<vmem_shared>>
        tpu.enqueue_indirect_dma source(%dma_start3A_372 : memref<80x128xf32, #tpu.memory_space<vmem>>) target(%dma_start3A_378 : memref<10240x128xf32, #tpu.memory_space<vmem_shared>>) offsets(%dma_start3A_375 : memref<80xi32, #tpu.memory_space<vmem>>) semaphore(%run_scoped3A_368 : memref<!tpu.dma_semaphore, #tpu.memory_space<semaphore_mem>>) {add = true}
        %dma_wait3A_379 = arith.constant 0 : i32
        %dma_wait3A_380 = arith.constant 0 : i32
        %dma_wait3A_381 = tpu.memref_slice %arg6[%run_scoped3A_309, %dma_wait3A_379, %dma_wait3A_380] : memref<4x80x128xf32, #tpu.memory_space<vmem>> -> memref<1x80x128xf32, #tpu.memory_space<vmem>>
        %dma_wait3A_382 = tpu.memref_squeeze %dma_wait3A_381 : memref<1x80x128xf32, #tpu.memory_space<vmem>> -> memref<80x128xf32, #tpu.memory_space<vmem>>
        %dma_wait3A_383 = arith.constant 0 : i32
        %dma_wait3A_384 = tpu.memref_slice %arg5[%add3A_308, %run_scoped3A_310, %dma_wait3A_383] : memref<25x2x80xi32, #tpu.memory_space<vmem>> -> memref<1x1x80xi32, #tpu.memory_space<vmem>>
        %dma_wait3A_385 = tpu.memref_squeeze %dma_wait3A_384 : memref<1x1x80xi32, #tpu.memory_space<vmem>> -> memref<80xi32, #tpu.memory_space<vmem>>
        %dma_wait3A_386 = arith.constant 0 : i32
        %dma_wait3A_387 = arith.constant 0 : i32
        %dma_wait3A_388 = tpu.memref_slice %arg7[%dma_wait3A_386, %dma_wait3A_387] : memref<10240x128xf32, #tpu.memory_space<vmem_shared>> -> memref<10240x128xf32, #tpu.memory_space<vmem_shared>>
        tpu.wait_indirect_dma semaphore(%run_scoped3A_368 : memref<!tpu.dma_semaphore, #tpu.memory_space<semaphore_mem>>) src(%dma_wait3A_382 : memref<80x128xf32, #tpu.memory_space<vmem>>) dst(%dma_wait3A_388 : memref<10240x128xf32, #tpu.memory_space<vmem_shared>>)
        tpu.yield
      }) : () -> ()
      %dma_wait3A_311 = arith.constant 1 : i32
      %dma_wait3A_312 = arith.constant 0 : i32
      %dma_wait3A_313 = arith.constant 0 : i32
      %dma_wait3A_314 = tpu.memref_slice %arg6[%dma_wait3A_311, %dma_wait3A_312, %dma_wait3A_313] : memref<4x80x128xf32, #tpu.memory_space<vmem>> -> memref<1x80x128xf32, #tpu.memory_space<vmem>>
      %dma_wait3A_315 = tpu.memref_squeeze %dma_wait3A_314 : memref<1x80x128xf32, #tpu.memory_space<vmem>> -> memref<80x128xf32, #tpu.memory_space<vmem>>
      %dma_wait3A_316 = arith.constant 0 : i32
      %dma_wait3A_317 = arith.constant 0 : i32
      %dma_wait3A_318 = tpu.memref_slice %arg3[%dma_wait3A_316, %dma_wait3A_317] : memref<10000x128xf32, #tpu.memory_space<hbm>> -> memref<80x128xf32, #tpu.memory_space<hbm>>
      %dma_wait3A_319 = arith.constant 0 : i32
      %dma_wait3A_320 = arith.constant 0 : i32
      %dma_wait3A_321 = tpu.memref_slice %arg6[%dma_wait3A_311, %dma_wait3A_319, %dma_wait3A_320] : memref<4x80x128xf32, #tpu.memory_space<vmem>> -> memref<1x80x128xf32, #tpu.memory_space<vmem>>
      %dma_wait3A_322 = tpu.memref_squeeze %dma_wait3A_321 : memref<1x80x128xf32, #tpu.memory_space<vmem>> -> memref<80x128xf32, #tpu.memory_space<vmem>>
      %dma_wait3A_323 = arith.constant 0 : i32
      %dma_wait3A_324 = arith.constant 0 : i32
      %dma_wait3A_325 = tpu.memref_slice %arg3[%dma_wait3A_323, %dma_wait3A_324] : memref<10000x128xf32, #tpu.memory_space<hbm>> -> memref<80x128xf32, #tpu.memory_space<hbm>>
      tpu.wait_dma2 semaphore(%arg8 : memref<!tpu.dma_semaphore, #tpu.memory_space<semaphore_mem>>) src(%dma_wait3A_325 : memref<80x128xf32, #tpu.memory_space<hbm>>) dst(%dma_wait3A_322 : memref<80x128xf32, #tpu.memory_space<vmem>>)
      %add3A_326 = arith.constant 1 : i32
      %add3A_327 = arith.addi %mul3A_235, %add3A_326 : i32
      %run_scoped3A_328 = arith.constant 1 : i32
      %run_scoped3A_329 = arith.constant 1 : i32
      "tpu.region"() ({
        %run_scoped3A_368 = tpu.sem_alloc : memref<!tpu.dma_semaphore, #tpu.memory_space<semaphore_mem>>
        %dma_start3A_369 = arith.constant 0 : i32
        %dma_start3A_370 = arith.constant 0 : i32
        %dma_start3A_371 = tpu.memref_slice %arg6[%run_scoped3A_328, %dma_start3A_369, %dma_start3A_370] : memref<4x80x128xf32, #tpu.memory_space<vmem>> -> memref<1x80x128xf32, #tpu.memory_space<vmem>>
        %dma_start3A_372 = tpu.memref_squeeze %dma_start3A_371 : memref<1x80x128xf32, #tpu.memory_space<vmem>> -> memref<80x128xf32, #tpu.memory_space<vmem>>
        %dma_start3A_373 = arith.constant 0 : i32
        %dma_start3A_374 = tpu.memref_slice %arg5[%add3A_327, %run_scoped3A_329, %dma_start3A_373] : memref<25x2x80xi32, #tpu.memory_space<vmem>> -> memref<1x1x80xi32, #tpu.memory_space<vmem>>
        %dma_start3A_375 = tpu.memref_squeeze %dma_start3A_374 : memref<1x1x80xi32, #tpu.memory_space<vmem>> -> memref<80xi32, #tpu.memory_space<vmem>>
        %dma_start3A_376 = arith.constant 0 : i32
        %dma_start3A_377 = arith.constant 0 : i32
        %dma_start3A_378 = tpu.memref_slice %arg7[%dma_start3A_376, %dma_start3A_377] : memref<10240x128xf32, #tpu.memory_space<vmem_shared>> -> memref<10240x128xf32, #tpu.memory_space<vmem_shared>>
        tpu.enqueue_indirect_dma source(%dma_start3A_372 : memref<80x128xf32, #tpu.memory_space<vmem>>) target(%dma_start3A_378 : memref<10240x128xf32, #tpu.memory_space<vmem_shared>>) offsets(%dma_start3A_375 : memref<80xi32, #tpu.memory_space<vmem>>) semaphore(%run_scoped3A_368 : memref<!tpu.dma_semaphore, #tpu.memory_space<semaphore_mem>>) {add = true}
        %dma_wait3A_379 = arith.constant 0 : i32
        %dma_wait3A_380 = arith.constant 0 : i32
        %dma_wait3A_381 = tpu.memref_slice %arg6[%run_scoped3A_328, %dma_wait3A_379, %dma_wait3A_380] : memref<4x80x128xf32, #tpu.memory_space<vmem>> -> memref<1x80x128xf32, #tpu.memory_space<vmem>>
        %dma_wait3A_382 = tpu.memref_squeeze %dma_wait3A_381 : memref<1x80x128xf32, #tpu.memory_space<vmem>> -> memref<80x128xf32, #tpu.memory_space<vmem>>
        %dma_wait3A_383 = arith.constant 0 : i32
        %dma_wait3A_384 = tpu.memref_slice %arg5[%add3A_327, %run_scoped3A_329, %dma_wait3A_383] : memref<25x2x80xi32, #tpu.memory_space<vmem>> -> memref<1x1x80xi32, #tpu.memory_space<vmem>>
        %dma_wait3A_385 = tpu.memref_squeeze %dma_wait3A_384 : memref<1x1x80xi32, #tpu.memory_space<vmem>> -> memref<80xi32, #tpu.memory_space<vmem>>
        %dma_wait3A_386 = arith.constant 0 : i32
        %dma_wait3A_387 = arith.constant 0 : i32
        %dma_wait3A_388 = tpu.memref_slice %arg7[%dma_wait3A_386, %dma_wait3A_387] : memref<10240x128xf32, #tpu.memory_space<vmem_shared>> -> memref<10240x128xf32, #tpu.memory_space<vmem_shared>>
        tpu.wait_indirect_dma semaphore(%run_scoped3A_368 : memref<!tpu.dma_semaphore, #tpu.memory_space<semaphore_mem>>) src(%dma_wait3A_382 : memref<80x128xf32, #tpu.memory_space<vmem>>) dst(%dma_wait3A_388 : memref<10240x128xf32, #tpu.memory_space<vmem_shared>>)
        tpu.yield
      }) : () -> ()
      %dma_wait3A_330 = arith.constant 2 : i32
      %dma_wait3A_331 = arith.constant 0 : i32
      %dma_wait3A_332 = arith.constant 0 : i32
      %dma_wait3A_333 = tpu.memref_slice %arg6[%dma_wait3A_330, %dma_wait3A_331, %dma_wait3A_332] : memref<4x80x128xf32, #tpu.memory_space<vmem>> -> memref<1x80x128xf32, #tpu.memory_space<vmem>>
      %dma_wait3A_334 = tpu.memref_squeeze %dma_wait3A_333 : memref<1x80x128xf32, #tpu.memory_space<vmem>> -> memref<80x128xf32, #tpu.memory_space<vmem>>
      %dma_wait3A_335 = arith.constant 0 : i32
      %dma_wait3A_336 = arith.constant 0 : i32
      %dma_wait3A_337 = tpu.memref_slice %arg3[%dma_wait3A_335, %dma_wait3A_336] : memref<10000x128xf32, #tpu.memory_space<hbm>> -> memref<80x128xf32, #tpu.memory_space<hbm>>
      %dma_wait3A_338 = arith.constant 0 : i32
      %dma_wait3A_339 = arith.constant 0 : i32
      %dma_wait3A_340 = tpu.memref_slice %arg6[%dma_wait3A_330, %dma_wait3A_338, %dma_wait3A_339] : memref<4x80x128xf32, #tpu.memory_space<vmem>> -> memref<1x80x128xf32, #tpu.memory_space<vmem>>
      %dma_wait3A_341 = tpu.memref_squeeze %dma_wait3A_340 : memref<1x80x128xf32, #tpu.memory_space<vmem>> -> memref<80x128xf32, #tpu.memory_space<vmem>>
      %dma_wait3A_342 = arith.constant 0 : i32
      %dma_wait3A_343 = arith.constant 0 : i32
      %dma_wait3A_344 = tpu.memref_slice %arg3[%dma_wait3A_342, %dma_wait3A_343] : memref<10000x128xf32, #tpu.memory_space<hbm>> -> memref<80x128xf32, #tpu.memory_space<hbm>>
      tpu.wait_dma2 semaphore(%arg8 : memref<!tpu.dma_semaphore, #tpu.memory_space<semaphore_mem>>) src(%dma_wait3A_344 : memref<80x128xf32, #tpu.memory_space<hbm>>) dst(%dma_wait3A_341 : memref<80x128xf32, #tpu.memory_space<vmem>>)
      %add3A_345 = arith.constant 2 : i32
      %add3A_346 = arith.addi %mul3A_235, %add3A_345 : i32
      %run_scoped3A_347 = arith.constant 2 : i32
      %run_scoped3A_348 = arith.constant 1 : i32
      "tpu.region"() ({
        %run_scoped3A_368 = tpu.sem_alloc : memref<!tpu.dma_semaphore, #tpu.memory_space<semaphore_mem>>
        %dma_start3A_369 = arith.constant 0 : i32
        %dma_start3A_370 = arith.constant 0 : i32
        %dma_start3A_371 = tpu.memref_slice %arg6[%run_scoped3A_347, %dma_start3A_369, %dma_start3A_370] : memref<4x80x128xf32, #tpu.memory_space<vmem>> -> memref<1x80x128xf32, #tpu.memory_space<vmem>>
        %dma_start3A_372 = tpu.memref_squeeze %dma_start3A_371 : memref<1x80x128xf32, #tpu.memory_space<vmem>> -> memref<80x128xf32, #tpu.memory_space<vmem>>
        %dma_start3A_373 = arith.constant 0 : i32
        %dma_start3A_374 = tpu.memref_slice %arg5[%add3A_346, %run_scoped3A_348, %dma_start3A_373] : memref<25x2x80xi32, #tpu.memory_space<vmem>> -> memref<1x1x80xi32, #tpu.memory_space<vmem>>
        %dma_start3A_375 = tpu.memref_squeeze %dma_start3A_374 : memref<1x1x80xi32, #tpu.memory_space<vmem>> -> memref<80xi32, #tpu.memory_space<vmem>>
        %dma_start3A_376 = arith.constant 0 : i32
        %dma_start3A_377 = arith.constant 0 : i32
        %dma_start3A_378 = tpu.memref_slice %arg7[%dma_start3A_376, %dma_start3A_377] : memref<10240x128xf32, #tpu.memory_space<vmem_shared>> -> memref<10240x128xf32, #tpu.memory_space<vmem_shared>>
        tpu.enqueue_indirect_dma source(%dma_start3A_372 : memref<80x128xf32, #tpu.memory_space<vmem>>) target(%dma_start3A_378 : memref<10240x128xf32, #tpu.memory_space<vmem_shared>>) offsets(%dma_start3A_375 : memref<80xi32, #tpu.memory_space<vmem>>) semaphore(%run_scoped3A_368 : memref<!tpu.dma_semaphore, #tpu.memory_space<semaphore_mem>>) {add = true}
        %dma_wait3A_379 = arith.constant 0 : i32
        %dma_wait3A_380 = arith.constant 0 : i32
        %dma_wait3A_381 = tpu.memref_slice %arg6[%run_scoped3A_347, %dma_wait3A_379, %dma_wait3A_380] : memref<4x80x128xf32, #tpu.memory_space<vmem>> -> memref<1x80x128xf32, #tpu.memory_space<vmem>>
        %dma_wait3A_382 = tpu.memref_squeeze %dma_wait3A_381 : memref<1x80x128xf32, #tpu.memory_space<vmem>> -> memref<80x128xf32, #tpu.memory_space<vmem>>
        %dma_wait3A_383 = arith.constant 0 : i32
        %dma_wait3A_384 = tpu.memref_slice %arg5[%add3A_346, %run_scoped3A_348, %dma_wait3A_383] : memref<25x2x80xi32, #tpu.memory_space<vmem>> -> memref<1x1x80xi32, #tpu.memory_space<vmem>>
        %dma_wait3A_385 = tpu.memref_squeeze %dma_wait3A_384 : memref<1x1x80xi32, #tpu.memory_space<vmem>> -> memref<80xi32, #tpu.memory_space<vmem>>
        %dma_wait3A_386 = arith.constant 0 : i32
        %dma_wait3A_387 = arith.constant 0 : i32
        %dma_wait3A_388 = tpu.memref_slice %arg7[%dma_wait3A_386, %dma_wait3A_387] : memref<10240x128xf32, #tpu.memory_space<vmem_shared>> -> memref<10240x128xf32, #tpu.memory_space<vmem_shared>>
        tpu.wait_indirect_dma semaphore(%run_scoped3A_368 : memref<!tpu.dma_semaphore, #tpu.memory_space<semaphore_mem>>) src(%dma_wait3A_382 : memref<80x128xf32, #tpu.memory_space<vmem>>) dst(%dma_wait3A_388 : memref<10240x128xf32, #tpu.memory_space<vmem_shared>>)
        tpu.yield
      }) : () -> ()
      %dma_wait3A_349 = arith.constant 3 : i32
      %dma_wait3A_350 = arith.constant 0 : i32
      %dma_wait3A_351 = arith.constant 0 : i32
      %dma_wait3A_352 = tpu.memref_slice %arg6[%dma_wait3A_349, %dma_wait3A_350, %dma_wait3A_351] : memref<4x80x128xf32, #tpu.memory_space<vmem>> -> memref<1x80x128xf32, #tpu.memory_space<vmem>>
      %dma_wait3A_353 = tpu.memref_squeeze %dma_wait3A_352 : memref<1x80x128xf32, #tpu.memory_space<vmem>> -> memref<80x128xf32, #tpu.memory_space<vmem>>
      %dma_wait3A_354 = arith.constant 0 : i32
      %dma_wait3A_355 = arith.constant 0 : i32
      %dma_wait3A_356 = tpu.memref_slice %arg3[%dma_wait3A_354, %dma_wait3A_355] : memref<10000x128xf32, #tpu.memory_space<hbm>> -> memref<80x128xf32, #tpu.memory_space<hbm>>
      %dma_wait3A_357 = arith.constant 0 : i32
      %dma_wait3A_358 = arith.constant 0 : i32
      %dma_wait3A_359 = tpu.memref_slice %arg6[%dma_wait3A_349, %dma_wait3A_357, %dma_wait3A_358] : memref<4x80x128xf32, #tpu.memory_space<vmem>> -> memref<1x80x128xf32, #tpu.memory_space<vmem>>
      %dma_wait3A_360 = tpu.memref_squeeze %dma_wait3A_359 : memref<1x80x128xf32, #tpu.memory_space<vmem>> -> memref<80x128xf32, #tpu.memory_space<vmem>>
      %dma_wait3A_361 = arith.constant 0 : i32
      %dma_wait3A_362 = arith.constant 0 : i32
      %dma_wait3A_363 = tpu.memref_slice %arg3[%dma_wait3A_361, %dma_wait3A_362] : memref<10000x128xf32, #tpu.memory_space<hbm>> -> memref<80x128xf32, #tpu.memory_space<hbm>>
      tpu.wait_dma2 semaphore(%arg8 : memref<!tpu.dma_semaphore, #tpu.memory_space<semaphore_mem>>) src(%dma_wait3A_363 : memref<80x128xf32, #tpu.memory_space<hbm>>) dst(%dma_wait3A_360 : memref<80x128xf32, #tpu.memory_space<vmem>>)
      %add3A_364 = arith.constant 3 : i32
      %add3A_365 = arith.addi %mul3A_235, %add3A_364 : i32
      %run_scoped3A_366 = arith.constant 3 : i32
      %run_scoped3A_367 = arith.constant 1 : i32
      "tpu.region"() ({
        %run_scoped3A_368 = tpu.sem_alloc : memref<!tpu.dma_semaphore, #tpu.memory_space<semaphore_mem>>
        %dma_start3A_369 = arith.constant 0 : i32
        %dma_start3A_370 = arith.constant 0 : i32
        %dma_start3A_371 = tpu.memref_slice %arg6[%run_scoped3A_366, %dma_start3A_369, %dma_start3A_370] : memref<4x80x128xf32, #tpu.memory_space<vmem>> -> memref<1x80x128xf32, #tpu.memory_space<vmem>>
        %dma_start3A_372 = tpu.memref_squeeze %dma_start3A_371 : memref<1x80x128xf32, #tpu.memory_space<vmem>> -> memref<80x128xf32, #tpu.memory_space<vmem>>
        %dma_start3A_373 = arith.constant 0 : i32
        %dma_start3A_374 = tpu.memref_slice %arg5[%add3A_365, %run_scoped3A_367, %dma_start3A_373] : memref<25x2x80xi32, #tpu.memory_space<vmem>> -> memref<1x1x80xi32, #tpu.memory_space<vmem>>
        %dma_start3A_375 = tpu.memref_squeeze %dma_start3A_374 : memref<1x1x80xi32, #tpu.memory_space<vmem>> -> memref<80xi32, #tpu.memory_space<vmem>>
        %dma_start3A_376 = arith.constant 0 : i32
        %dma_start3A_377 = arith.constant 0 : i32
        %dma_start3A_378 = tpu.memref_slice %arg7[%dma_start3A_376, %dma_start3A_377] : memref<10240x128xf32, #tpu.memory_space<vmem_shared>> -> memref<10240x128xf32, #tpu.memory_space<vmem_shared>>
        tpu.enqueue_indirect_dma source(%dma_start3A_372 : memref<80x128xf32, #tpu.memory_space<vmem>>) target(%dma_start3A_378 : memref<10240x128xf32, #tpu.memory_space<vmem_shared>>) offsets(%dma_start3A_375 : memref<80xi32, #tpu.memory_space<vmem>>) semaphore(%run_scoped3A_368 : memref<!tpu.dma_semaphore, #tpu.memory_space<semaphore_mem>>) {add = true}
        %dma_wait3A_379 = arith.constant 0 : i32
        %dma_wait3A_380 = arith.constant 0 : i32
        %dma_wait3A_381 = tpu.memref_slice %arg6[%run_scoped3A_366, %dma_wait3A_379, %dma_wait3A_380] : memref<4x80x128xf32, #tpu.memory_space<vmem>> -> memref<1x80x128xf32, #tpu.memory_space<vmem>>
        %dma_wait3A_382 = tpu.memref_squeeze %dma_wait3A_381 : memref<1x80x128xf32, #tpu.memory_space<vmem>> -> memref<80x128xf32, #tpu.memory_space<vmem>>
        %dma_wait3A_383 = arith.constant 0 : i32
        %dma_wait3A_384 = tpu.memref_slice %arg5[%add3A_365, %run_scoped3A_367, %dma_wait3A_383] : memref<25x2x80xi32, #tpu.memory_space<vmem>> -> memref<1x1x80xi32, #tpu.memory_space<vmem>>
        %dma_wait3A_385 = tpu.memref_squeeze %dma_wait3A_384 : memref<1x1x80xi32, #tpu.memory_space<vmem>> -> memref<80xi32, #tpu.memory_space<vmem>>
        %dma_wait3A_386 = arith.constant 0 : i32
        %dma_wait3A_387 = arith.constant 0 : i32
        %dma_wait3A_388 = tpu.memref_slice %arg7[%dma_wait3A_386, %dma_wait3A_387] : memref<10240x128xf32, #tpu.memory_space<vmem_shared>> -> memref<10240x128xf32, #tpu.memory_space<vmem_shared>>
        tpu.wait_indirect_dma semaphore(%run_scoped3A_368 : memref<!tpu.dma_semaphore, #tpu.memory_space<semaphore_mem>>) src(%dma_wait3A_382 : memref<80x128xf32, #tpu.memory_space<vmem>>) dst(%dma_wait3A_388 : memref<10240x128xf32, #tpu.memory_space<vmem_shared>>)
        tpu.yield
      }) : () -> ()
    }
    %scan3A_122 = arith.constant 6 : i32
    %dma_start3A_123 = arith.constant 24 : i32
    %dma_start3A_124 = arith.constant 0 : i32
    %dma_start3A_125 = arith.constant 0 : i32
    %dma_start3A_126 = arith.constant 0 : i32
    %dma_start3A_127 = arith.constant 0 : i32
    %dma_start3A_128 = tpu.memref_slice %arg6[%dma_start3A_125, %dma_start3A_126, %dma_start3A_127] : memref<4x80x128xf32, #tpu.memory_space<vmem>> -> memref<1x80x128xf32, #tpu.memory_space<vmem>>
    %dma_start3A_129 = tpu.memref_squeeze %dma_start3A_128 : memref<1x80x128xf32, #tpu.memory_space<vmem>> -> memref<80x128xf32, #tpu.memory_space<vmem>>
    %dma_start3A_130 = arith.constant 0 : i32
    %dma_start3A_131 = tpu.memref_slice %arg5[%dma_start3A_123, %dma_start3A_124, %dma_start3A_130] : memref<25x2x80xi32, #tpu.memory_space<vmem>> -> memref<1x1x80xi32, #tpu.memory_space<vmem>>
    %dma_start3A_132 = tpu.memref_squeeze %dma_start3A_131 : memref<1x1x80xi32, #tpu.memory_space<vmem>> -> memref<80xi32, #tpu.memory_space<vmem>>
    %dma_start3A_133 = arith.constant 0 : i32
    %dma_start3A_134 = arith.constant 0 : i32
    %dma_start3A_135 = tpu.memref_slice %arg3[%dma_start3A_133, %dma_start3A_134] : memref<10000x128xf32, #tpu.memory_space<hbm>> -> memref<10000x128xf32, #tpu.memory_space<hbm>>
    tpu.enqueue_indirect_dma source(%dma_start3A_135 : memref<10000x128xf32, #tpu.memory_space<hbm>>) target(%dma_start3A_129 : memref<80x128xf32, #tpu.memory_space<vmem>>) offsets(%dma_start3A_132 : memref<80xi32, #tpu.memory_space<vmem>>) semaphore(%arg8 : memref<!tpu.dma_semaphore, #tpu.memory_space<semaphore_mem>>)
    %dma_wait3A_136 = arith.constant 0 : i32
    %dma_wait3A_137 = arith.constant 0 : i32
    %dma_wait3A_138 = arith.constant 0 : i32
    %dma_wait3A_139 = tpu.memref_slice %arg6[%dma_wait3A_136, %dma_wait3A_137, %dma_wait3A_138] : memref<4x80x128xf32, #tpu.memory_space<vmem>> -> memref<1x80x128xf32, #tpu.memory_space<vmem>>
    %dma_wait3A_140 = tpu.memref_squeeze %dma_wait3A_139 : memref<1x80x128xf32, #tpu.memory_space<vmem>> -> memref<80x128xf32, #tpu.memory_space<vmem>>
    %dma_wait3A_141 = arith.constant 0 : i32
    %dma_wait3A_142 = arith.constant 0 : i32
    %dma_wait3A_143 = tpu.memref_slice %arg3[%dma_wait3A_141, %dma_wait3A_142] : memref<10000x128xf32, #tpu.memory_space<hbm>> -> memref<80x128xf32, #tpu.memory_space<hbm>>
    %dma_wait3A_144 = arith.constant 0 : i32
    %dma_wait3A_145 = arith.constant 0 : i32
    %dma_wait3A_146 = tpu.memref_slice %arg6[%dma_wait3A_136, %dma_wait3A_144, %dma_wait3A_145] : memref<4x80x128xf32, #tpu.memory_space<vmem>> -> memref<1x80x128xf32, #tpu.memory_space<vmem>>
    %dma_wait3A_147 = tpu.memref_squeeze %dma_wait3A_146 : memref<1x80x128xf32, #tpu.memory_space<vmem>> -> memref<80x128xf32, #tpu.memory_space<vmem>>
    %dma_wait3A_148 = arith.constant 0 : i32
    %dma_wait3A_149 = arith.constant 0 : i32
    %dma_wait3A_150 = tpu.memref_slice %arg3[%dma_wait3A_148, %dma_wait3A_149] : memref<10000x128xf32, #tpu.memory_space<hbm>> -> memref<80x128xf32, #tpu.memory_space<hbm>>
    tpu.wait_dma2 semaphore(%arg8 : memref<!tpu.dma_semaphore, #tpu.memory_space<semaphore_mem>>) src(%dma_wait3A_150 : memref<80x128xf32, #tpu.memory_space<hbm>>) dst(%dma_wait3A_147 : memref<80x128xf32, #tpu.memory_space<vmem>>)
    %run_scoped3A_151 = arith.constant 0 : i32
    %run_scoped3A_152 = arith.constant 24 : i32
    %run_scoped3A_153 = arith.constant 1 : i32
    "tpu.region"() ({
      %run_scoped3A_233 = tpu.sem_alloc : memref<!tpu.dma_semaphore, #tpu.memory_space<semaphore_mem>>
      %dma_start3A_234 = arith.constant 0 : i32
      %dma_start3A_235 = arith.constant 0 : i32
      %dma_start3A_236 = tpu.memref_slice %arg6[%run_scoped3A_151, %dma_start3A_234, %dma_start3A_235] : memref<4x80x128xf32, #tpu.memory_space<vmem>> -> memref<1x80x128xf32, #tpu.memory_space<vmem>>
      %dma_start3A_237 = tpu.memref_squeeze %dma_start3A_236 : memref<1x80x128xf32, #tpu.memory_space<vmem>> -> memref<80x128xf32, #tpu.memory_space<vmem>>
      %dma_start3A_238 = arith.constant 0 : i32
      %dma_start3A_239 = tpu.memref_slice %arg5[%run_scoped3A_152, %run_scoped3A_153, %dma_start3A_238] : memref<25x2x80xi32, #tpu.memory_space<vmem>> -> memref<1x1x80xi32, #tpu.memory_space<vmem>>
      %dma_start3A_240 = tpu.memref_squeeze %dma_start3A_239 : memref<1x1x80xi32, #tpu.memory_space<vmem>> -> memref<80xi32, #tpu.memory_space<vmem>>
      %dma_start3A_241 = arith.constant 0 : i32
      %dma_start3A_242 = arith.constant 0 : i32
      %dma_start3A_243 = tpu.memref_slice %arg7[%dma_start3A_241, %dma_start3A_242] : memref<10240x128xf32, #tpu.memory_space<vmem_shared>> -> memref<10240x128xf32, #tpu.memory_space<vmem_shared>>
      tpu.enqueue_indirect_dma source(%dma_start3A_237 : memref<80x128xf32, #tpu.memory_space<vmem>>) target(%dma_start3A_243 : memref<10240x128xf32, #tpu.memory_space<vmem_shared>>) offsets(%dma_start3A_240 : memref<80xi32, #tpu.memory_space<vmem>>) semaphore(%run_scoped3A_233 : memref<!tpu.dma_semaphore, #tpu.memory_space<semaphore_mem>>) {add = true}
      %dma_wait3A_244 = arith.constant 0 : i32
      %dma_wait3A_245 = arith.constant 0 : i32
      %dma_wait3A_246 = tpu.memref_slice %arg6[%run_scoped3A_151, %dma_wait3A_244, %dma_wait3A_245] : memref<4x80x128xf32, #tpu.memory_space<vmem>> -> memref<1x80x128xf32, #tpu.memory_space<vmem>>
      %dma_wait3A_247 = tpu.memref_squeeze %dma_wait3A_246 : memref<1x80x128xf32, #tpu.memory_space<vmem>> -> memref<80x128xf32, #tpu.memory_space<vmem>>
      %dma_wait3A_248 = arith.constant 0 : i32
      %dma_wait3A_249 = tpu.memref_slice %arg5[%run_scoped3A_152, %run_scoped3A_153, %dma_wait3A_248] : memref<25x2x80xi32, #tpu.memory_space<vmem>> -> memref<1x1x80xi32, #tpu.memory_space<vmem>>
      %dma_wait3A_250 = tpu.memref_squeeze %dma_wait3A_249 : memref<1x1x80xi32, #tpu.memory_space<vmem>> -> memref<80xi32, #tpu.memory_space<vmem>>
      %dma_wait3A_251 = arith.constant 0 : i32
      %dma_wait3A_252 = arith.constant 0 : i32
      %dma_wait3A_253 = tpu.memref_slice %arg7[%dma_wait3A_251, %dma_wait3A_252] : memref<10240x128xf32, #tpu.memory_space<vmem_shared>> -> memref<10240x128xf32, #tpu.memory_space<vmem_shared>>
      tpu.wait_indirect_dma semaphore(%run_scoped3A_233 : memref<!tpu.dma_semaphore, #tpu.memory_space<semaphore_mem>>) src(%dma_wait3A_247 : memref<80x128xf32, #tpu.memory_space<vmem>>) dst(%dma_wait3A_253 : memref<10240x128xf32, #tpu.memory_space<vmem_shared>>)
      tpu.yield
    }) : () -> ()
    "tpu.region"() ({
      %run_scoped3A_233 = tpu.sem_alloc : memref<!tpu.dma_semaphore, #tpu.memory_space<semaphore_mem>>
      %dma_start3A_234 = arith.constant 75 : i32
      %dma_start3A_235 = arith.constant 0 : i32
      %dma_start3A_236 = arith.constant 0 : i32
      %dma_start3A_237 = tpu.memref_slice %arg2[%add3A, %dma_start3A_234, %dma_start3A_235, %dma_start3A_236] : memref<32x125x2x80xi32, #tpu.memory_space<hbm>> -> memref<1x25x2x80xi32, #tpu.memory_space<hbm>>
      %dma_start3A_238 = tpu.memref_squeeze %dma_start3A_237 : memref<1x25x2x80xi32, #tpu.memory_space<hbm>> -> memref<25x2x80xi32, #tpu.memory_space<hbm>>
      %dma_start3A_239 = arith.constant 75 : i32
      %dma_start3A_240 = arith.constant 0 : i32
      %dma_start3A_241 = arith.constant 0 : i32
      %dma_start3A_242 = tpu.memref_slice %arg2[%add3A, %dma_start3A_239, %dma_start3A_240, %dma_start3A_241] : memref<32x125x2x80xi32, #tpu.memory_space<hbm>> -> memref<1x25x2x80xi32, #tpu.memory_space<hbm>>
      %dma_start3A_243 = tpu.memref_squeeze %dma_start3A_242 : memref<1x25x2x80xi32, #tpu.memory_space<hbm>> -> memref<25x2x80xi32, #tpu.memory_space<hbm>>
      tpu.enqueue_dma source(%dma_start3A_243 : memref<25x2x80xi32, #tpu.memory_space<hbm>>) target(%arg5 : memref<25x2x80xi32, #tpu.memory_space<vmem>>) target_semaphore(%run_scoped3A_233 : memref<!tpu.dma_semaphore, #tpu.memory_space<semaphore_mem>>)
      %dma_wait3A_244 = arith.constant 75 : i32
      %dma_wait3A_245 = arith.constant 0 : i32
      %dma_wait3A_246 = arith.constant 0 : i32
      %dma_wait3A_247 = tpu.memref_slice %arg2[%add3A, %dma_wait3A_244, %dma_wait3A_245, %dma_wait3A_246] : memref<32x125x2x80xi32, #tpu.memory_space<hbm>> -> memref<1x25x2x80xi32, #tpu.memory_space<hbm>>
      %dma_wait3A_248 = tpu.memref_squeeze %dma_wait3A_247 : memref<1x25x2x80xi32, #tpu.memory_space<hbm>> -> memref<25x2x80xi32, #tpu.memory_space<hbm>>
      %dma_wait3A_249 = arith.constant 75 : i32
      %dma_wait3A_250 = arith.constant 0 : i32
      %dma_wait3A_251 = arith.constant 0 : i32
      %dma_wait3A_252 = tpu.memref_slice %arg2[%add3A, %dma_wait3A_249, %dma_wait3A_250, %dma_wait3A_251] : memref<32x125x2x80xi32, #tpu.memory_space<hbm>> -> memref<1x25x2x80xi32, #tpu.memory_space<hbm>>
      %dma_wait3A_253 = tpu.memref_squeeze %dma_wait3A_252 : memref<1x25x2x80xi32, #tpu.memory_space<hbm>> -> memref<25x2x80xi32, #tpu.memory_space<hbm>>
      tpu.wait_dma2 semaphore(%run_scoped3A_233 : memref<!tpu.dma_semaphore, #tpu.memory_space<semaphore_mem>>) src(%dma_wait3A_253 : memref<25x2x80xi32, #tpu.memory_space<hbm>>) dst(%arg5 : memref<25x2x80xi32, #tpu.memory_space<vmem>>)
      tpu.yield
    }) : () -> ()
    %scan3A_154 = arith.constant 0 : i32
    %scan3A_155 = arith.constant 0 : i32
    %scan3A_156 = arith.constant 6 : i32
    %scan3A_157 = arith.addi %scan3A_155, %scan3A_156 : i32
    %scan3A_158 = arith.constant 1 : i32
    scf.for %scan3A_233 = %scan3A_155 to %scan3A_157 step %scan3A_158  : i32 {
      %mul3A_234 = arith.constant 4 : i32
      %mul3A_235 = arith.muli %scan3A_233, %mul3A_234 : i32
      %add3A_236 = arith.constant 0 : i32
      %add3A_237 = arith.addi %mul3A_235, %add3A_236 : i32
      %dma_start3A_238 = arith.constant 0 : i32
      %dma_start3A_239 = arith.constant 0 : i32
      %dma_start3A_240 = arith.constant 0 : i32
      %dma_start3A_241 = arith.constant 0 : i32
      %dma_start3A_242 = tpu.memref_slice %arg6[%dma_start3A_239, %dma_start3A_240, %dma_start3A_241] : memref<4x80x128xf32, #tpu.memory_space<vmem>> -> memref<1x80x128xf32, #tpu.memory_space<vmem>>
      %dma_start3A_243 = tpu.memref_squeeze %dma_start3A_242 : memref<1x80x128xf32, #tpu.memory_space<vmem>> -> memref<80x128xf32, #tpu.memory_space<vmem>>
      %dma_start3A_244 = arith.constant 0 : i32
      %dma_start3A_245 = tpu.memref_slice %arg5[%add3A_237, %dma_start3A_238, %dma_start3A_244] : memref<25x2x80xi32, #tpu.memory_space<vmem>> -> memref<1x1x80xi32, #tpu.memory_space<vmem>>
      %dma_start3A_246 = tpu.memref_squeeze %dma_start3A_245 : memref<1x1x80xi32, #tpu.memory_space<vmem>> -> memref<80xi32, #tpu.memory_space<vmem>>
      %dma_start3A_247 = arith.constant 0 : i32
      %dma_start3A_248 = arith.constant 0 : i32
      %dma_start3A_249 = tpu.memref_slice %arg3[%dma_start3A_247, %dma_start3A_248] : memref<10000x128xf32, #tpu.memory_space<hbm>> -> memref<10000x128xf32, #tpu.memory_space<hbm>>
      tpu.enqueue_indirect_dma source(%dma_start3A_249 : memref<10000x128xf32, #tpu.memory_space<hbm>>) target(%dma_start3A_243 : memref<80x128xf32, #tpu.memory_space<vmem>>) offsets(%dma_start3A_246 : memref<80xi32, #tpu.memory_space<vmem>>) semaphore(%arg8 : memref<!tpu.dma_semaphore, #tpu.memory_space<semaphore_mem>>)
      %add3A_250 = arith.constant 1 : i32
      %add3A_251 = arith.addi %mul3A_235, %add3A_250 : i32
      %dma_start3A_252 = arith.constant 0 : i32
      %dma_start3A_253 = arith.constant 1 : i32
      %dma_start3A_254 = arith.constant 0 : i32
      %dma_start3A_255 = arith.constant 0 : i32
      %dma_start3A_256 = tpu.memref_slice %arg6[%dma_start3A_253, %dma_start3A_254, %dma_start3A_255] : memref<4x80x128xf32, #tpu.memory_space<vmem>> -> memref<1x80x128xf32, #tpu.memory_space<vmem>>
      %dma_start3A_257 = tpu.memref_squeeze %dma_start3A_256 : memref<1x80x128xf32, #tpu.memory_space<vmem>> -> memref<80x128xf32, #tpu.memory_space<vmem>>
      %dma_start3A_258 = arith.constant 0 : i32
      %dma_start3A_259 = tpu.memref_slice %arg5[%add3A_251, %dma_start3A_252, %dma_start3A_258] : memref<25x2x80xi32, #tpu.memory_space<vmem>> -> memref<1x1x80xi32, #tpu.memory_space<vmem>>
      %dma_start3A_260 = tpu.memref_squeeze %dma_start3A_259 : memref<1x1x80xi32, #tpu.memory_space<vmem>> -> memref<80xi32, #tpu.memory_space<vmem>>
      %dma_start3A_261 = arith.constant 0 : i32
      %dma_start3A_262 = arith.constant 0 : i32
      %dma_start3A_263 = tpu.memref_slice %arg3[%dma_start3A_261, %dma_start3A_262] : memref<10000x128xf32, #tpu.memory_space<hbm>> -> memref<10000x128xf32, #tpu.memory_space<hbm>>
      tpu.enqueue_indirect_dma source(%dma_start3A_263 : memref<10000x128xf32, #tpu.memory_space<hbm>>) target(%dma_start3A_257 : memref<80x128xf32, #tpu.memory_space<vmem>>) offsets(%dma_start3A_260 : memref<80xi32, #tpu.memory_space<vmem>>) semaphore(%arg8 : memref<!tpu.dma_semaphore, #tpu.memory_space<semaphore_mem>>)
      %add3A_264 = arith.constant 2 : i32
      %add3A_265 = arith.addi %mul3A_235, %add3A_264 : i32
      %dma_start3A_266 = arith.constant 0 : i32
      %dma_start3A_267 = arith.constant 2 : i32
      %dma_start3A_268 = arith.constant 0 : i32
      %dma_start3A_269 = arith.constant 0 : i32
      %dma_start3A_270 = tpu.memref_slice %arg6[%dma_start3A_267, %dma_start3A_268, %dma_start3A_269] : memref<4x80x128xf32, #tpu.memory_space<vmem>> -> memref<1x80x128xf32, #tpu.memory_space<vmem>>
      %dma_start3A_271 = tpu.memref_squeeze %dma_start3A_270 : memref<1x80x128xf32, #tpu.memory_space<vmem>> -> memref<80x128xf32, #tpu.memory_space<vmem>>
      %dma_start3A_272 = arith.constant 0 : i32
      %dma_start3A_273 = tpu.memref_slice %arg5[%add3A_265, %dma_start3A_266, %dma_start3A_272] : memref<25x2x80xi32, #tpu.memory_space<vmem>> -> memref<1x1x80xi32, #tpu.memory_space<vmem>>
      %dma_start3A_274 = tpu.memref_squeeze %dma_start3A_273 : memref<1x1x80xi32, #tpu.memory_space<vmem>> -> memref<80xi32, #tpu.memory_space<vmem>>
      %dma_start3A_275 = arith.constant 0 : i32
      %dma_start3A_276 = arith.constant 0 : i32
      %dma_start3A_277 = tpu.memref_slice %arg3[%dma_start3A_275, %dma_start3A_276] : memref<10000x128xf32, #tpu.memory_space<hbm>> -> memref<10000x128xf32, #tpu.memory_space<hbm>>
      tpu.enqueue_indirect_dma source(%dma_start3A_277 : memref<10000x128xf32, #tpu.memory_space<hbm>>) target(%dma_start3A_271 : memref<80x128xf32, #tpu.memory_space<vmem>>) offsets(%dma_start3A_274 : memref<80xi32, #tpu.memory_space<vmem>>) semaphore(%arg8 : memref<!tpu.dma_semaphore, #tpu.memory_space<semaphore_mem>>)
      %add3A_278 = arith.constant 3 : i32
      %add3A_279 = arith.addi %mul3A_235, %add3A_278 : i32
      %dma_start3A_280 = arith.constant 0 : i32
      %dma_start3A_281 = arith.constant 3 : i32
      %dma_start3A_282 = arith.constant 0 : i32
      %dma_start3A_283 = arith.constant 0 : i32
      %dma_start3A_284 = tpu.memref_slice %arg6[%dma_start3A_281, %dma_start3A_282, %dma_start3A_283] : memref<4x80x128xf32, #tpu.memory_space<vmem>> -> memref<1x80x128xf32, #tpu.memory_space<vmem>>
      %dma_start3A_285 = tpu.memref_squeeze %dma_start3A_284 : memref<1x80x128xf32, #tpu.memory_space<vmem>> -> memref<80x128xf32, #tpu.memory_space<vmem>>
      %dma_start3A_286 = arith.constant 0 : i32
      %dma_start3A_287 = tpu.memref_slice %arg5[%add3A_279, %dma_start3A_280, %dma_start3A_286] : memref<25x2x80xi32, #tpu.memory_space<vmem>> -> memref<1x1x80xi32, #tpu.memory_space<vmem>>
      %dma_start3A_288 = tpu.memref_squeeze %dma_start3A_287 : memref<1x1x80xi32, #tpu.memory_space<vmem>> -> memref<80xi32, #tpu.memory_space<vmem>>
      %dma_start3A_289 = arith.constant 0 : i32
      %dma_start3A_290 = arith.constant 0 : i32
      %dma_start3A_291 = tpu.memref_slice %arg3[%dma_start3A_289, %dma_start3A_290] : memref<10000x128xf32, #tpu.memory_space<hbm>> -> memref<10000x128xf32, #tpu.memory_space<hbm>>
      tpu.enqueue_indirect_dma source(%dma_start3A_291 : memref<10000x128xf32, #tpu.memory_space<hbm>>) target(%dma_start3A_285 : memref<80x128xf32, #tpu.memory_space<vmem>>) offsets(%dma_start3A_288 : memref<80xi32, #tpu.memory_space<vmem>>) semaphore(%arg8 : memref<!tpu.dma_semaphore, #tpu.memory_space<semaphore_mem>>)
      %dma_wait3A_292 = arith.constant 0 : i32
      %dma_wait3A_293 = arith.constant 0 : i32
      %dma_wait3A_294 = arith.constant 0 : i32
      %dma_wait3A_295 = tpu.memref_slice %arg6[%dma_wait3A_292, %dma_wait3A_293, %dma_wait3A_294] : memref<4x80x128xf32, #tpu.memory_space<vmem>> -> memref<1x80x128xf32, #tpu.memory_space<vmem>>
      %dma_wait3A_296 = tpu.memref_squeeze %dma_wait3A_295 : memref<1x80x128xf32, #tpu.memory_space<vmem>> -> memref<80x128xf32, #tpu.memory_space<vmem>>
      %dma_wait3A_297 = arith.constant 0 : i32
      %dma_wait3A_298 = arith.constant 0 : i32
      %dma_wait3A_299 = tpu.memref_slice %arg3[%dma_wait3A_297, %dma_wait3A_298] : memref<10000x128xf32, #tpu.memory_space<hbm>> -> memref<80x128xf32, #tpu.memory_space<hbm>>
      %dma_wait3A_300 = arith.constant 0 : i32
      %dma_wait3A_301 = arith.constant 0 : i32
      %dma_wait3A_302 = tpu.memref_slice %arg6[%dma_wait3A_292, %dma_wait3A_300, %dma_wait3A_301] : memref<4x80x128xf32, #tpu.memory_space<vmem>> -> memref<1x80x128xf32, #tpu.memory_space<vmem>>
      %dma_wait3A_303 = tpu.memref_squeeze %dma_wait3A_302 : memref<1x80x128xf32, #tpu.memory_space<vmem>> -> memref<80x128xf32, #tpu.memory_space<vmem>>
      %dma_wait3A_304 = arith.constant 0 : i32
      %dma_wait3A_305 = arith.constant 0 : i32
      %dma_wait3A_306 = tpu.memref_slice %arg3[%dma_wait3A_304, %dma_wait3A_305] : memref<10000x128xf32, #tpu.memory_space<hbm>> -> memref<80x128xf32, #tpu.memory_space<hbm>>
      tpu.wait_dma2 semaphore(%arg8 : memref<!tpu.dma_semaphore, #tpu.memory_space<semaphore_mem>>) src(%dma_wait3A_306 : memref<80x128xf32, #tpu.memory_space<hbm>>) dst(%dma_wait3A_303 : memref<80x128xf32, #tpu.memory_space<vmem>>)
      %add3A_307 = arith.constant 0 : i32
      %add3A_308 = arith.addi %mul3A_235, %add3A_307 : i32
      %run_scoped3A_309 = arith.constant 0 : i32
      %run_scoped3A_310 = arith.constant 1 : i32
      "tpu.region"() ({
        %run_scoped3A_368 = tpu.sem_alloc : memref<!tpu.dma_semaphore, #tpu.memory_space<semaphore_mem>>
        %dma_start3A_369 = arith.constant 0 : i32
        %dma_start3A_370 = arith.constant 0 : i32
        %dma_start3A_371 = tpu.memref_slice %arg6[%run_scoped3A_309, %dma_start3A_369, %dma_start3A_370] : memref<4x80x128xf32, #tpu.memory_space<vmem>> -> memref<1x80x128xf32, #tpu.memory_space<vmem>>
        %dma_start3A_372 = tpu.memref_squeeze %dma_start3A_371 : memref<1x80x128xf32, #tpu.memory_space<vmem>> -> memref<80x128xf32, #tpu.memory_space<vmem>>
        %dma_start3A_373 = arith.constant 0 : i32
        %dma_start3A_374 = tpu.memref_slice %arg5[%add3A_308, %run_scoped3A_310, %dma_start3A_373] : memref<25x2x80xi32, #tpu.memory_space<vmem>> -> memref<1x1x80xi32, #tpu.memory_space<vmem>>
        %dma_start3A_375 = tpu.memref_squeeze %dma_start3A_374 : memref<1x1x80xi32, #tpu.memory_space<vmem>> -> memref<80xi32, #tpu.memory_space<vmem>>
        %dma_start3A_376 = arith.constant 0 : i32
        %dma_start3A_377 = arith.constant 0 : i32
        %dma_start3A_378 = tpu.memref_slice %arg7[%dma_start3A_376, %dma_start3A_377] : memref<10240x128xf32, #tpu.memory_space<vmem_shared>> -> memref<10240x128xf32, #tpu.memory_space<vmem_shared>>
        tpu.enqueue_indirect_dma source(%dma_start3A_372 : memref<80x128xf32, #tpu.memory_space<vmem>>) target(%dma_start3A_378 : memref<10240x128xf32, #tpu.memory_space<vmem_shared>>) offsets(%dma_start3A_375 : memref<80xi32, #tpu.memory_space<vmem>>) semaphore(%run_scoped3A_368 : memref<!tpu.dma_semaphore, #tpu.memory_space<semaphore_mem>>) {add = true}
        %dma_wait3A_379 = arith.constant 0 : i32
        %dma_wait3A_380 = arith.constant 0 : i32
        %dma_wait3A_381 = tpu.memref_slice %arg6[%run_scoped3A_309, %dma_wait3A_379, %dma_wait3A_380] : memref<4x80x128xf32, #tpu.memory_space<vmem>> -> memref<1x80x128xf32, #tpu.memory_space<vmem>>
        %dma_wait3A_382 = tpu.memref_squeeze %dma_wait3A_381 : memref<1x80x128xf32, #tpu.memory_space<vmem>> -> memref<80x128xf32, #tpu.memory_space<vmem>>
        %dma_wait3A_383 = arith.constant 0 : i32
        %dma_wait3A_384 = tpu.memref_slice %arg5[%add3A_308, %run_scoped3A_310, %dma_wait3A_383] : memref<25x2x80xi32, #tpu.memory_space<vmem>> -> memref<1x1x80xi32, #tpu.memory_space<vmem>>
        %dma_wait3A_385 = tpu.memref_squeeze %dma_wait3A_384 : memref<1x1x80xi32, #tpu.memory_space<vmem>> -> memref<80xi32, #tpu.memory_space<vmem>>
        %dma_wait3A_386 = arith.constant 0 : i32
        %dma_wait3A_387 = arith.constant 0 : i32
        %dma_wait3A_388 = tpu.memref_slice %arg7[%dma_wait3A_386, %dma_wait3A_387] : memref<10240x128xf32, #tpu.memory_space<vmem_shared>> -> memref<10240x128xf32, #tpu.memory_space<vmem_shared>>
        tpu.wait_indirect_dma semaphore(%run_scoped3A_368 : memref<!tpu.dma_semaphore, #tpu.memory_space<semaphore_mem>>) src(%dma_wait3A_382 : memref<80x128xf32, #tpu.memory_space<vmem>>) dst(%dma_wait3A_388 : memref<10240x128xf32, #tpu.memory_space<vmem_shared>>)
        tpu.yield
      }) : () -> ()
      %dma_wait3A_311 = arith.constant 1 : i32
      %dma_wait3A_312 = arith.constant 0 : i32
      %dma_wait3A_313 = arith.constant 0 : i32
      %dma_wait3A_314 = tpu.memref_slice %arg6[%dma_wait3A_311, %dma_wait3A_312, %dma_wait3A_313] : memref<4x80x128xf32, #tpu.memory_space<vmem>> -> memref<1x80x128xf32, #tpu.memory_space<vmem>>
      %dma_wait3A_315 = tpu.memref_squeeze %dma_wait3A_314 : memref<1x80x128xf32, #tpu.memory_space<vmem>> -> memref<80x128xf32, #tpu.memory_space<vmem>>
      %dma_wait3A_316 = arith.constant 0 : i32
      %dma_wait3A_317 = arith.constant 0 : i32
      %dma_wait3A_318 = tpu.memref_slice %arg3[%dma_wait3A_316, %dma_wait3A_317] : memref<10000x128xf32, #tpu.memory_space<hbm>> -> memref<80x128xf32, #tpu.memory_space<hbm>>
      %dma_wait3A_319 = arith.constant 0 : i32
      %dma_wait3A_320 = arith.constant 0 : i32
      %dma_wait3A_321 = tpu.memref_slice %arg6[%dma_wait3A_311, %dma_wait3A_319, %dma_wait3A_320] : memref<4x80x128xf32, #tpu.memory_space<vmem>> -> memref<1x80x128xf32, #tpu.memory_space<vmem>>
      %dma_wait3A_322 = tpu.memref_squeeze %dma_wait3A_321 : memref<1x80x128xf32, #tpu.memory_space<vmem>> -> memref<80x128xf32, #tpu.memory_space<vmem>>
      %dma_wait3A_323 = arith.constant 0 : i32
      %dma_wait3A_324 = arith.constant 0 : i32
      %dma_wait3A_325 = tpu.memref_slice %arg3[%dma_wait3A_323, %dma_wait3A_324] : memref<10000x128xf32, #tpu.memory_space<hbm>> -> memref<80x128xf32, #tpu.memory_space<hbm>>
      tpu.wait_dma2 semaphore(%arg8 : memref<!tpu.dma_semaphore, #tpu.memory_space<semaphore_mem>>) src(%dma_wait3A_325 : memref<80x128xf32, #tpu.memory_space<hbm>>) dst(%dma_wait3A_322 : memref<80x128xf32, #tpu.memory_space<vmem>>)
      %add3A_326 = arith.constant 1 : i32
      %add3A_327 = arith.addi %mul3A_235, %add3A_326 : i32
      %run_scoped3A_328 = arith.constant 1 : i32
      %run_scoped3A_329 = arith.constant 1 : i32
      "tpu.region"() ({
        %run_scoped3A_368 = tpu.sem_alloc : memref<!tpu.dma_semaphore, #tpu.memory_space<semaphore_mem>>
        %dma_start3A_369 = arith.constant 0 : i32
        %dma_start3A_370 = arith.constant 0 : i32
        %dma_start3A_371 = tpu.memref_slice %arg6[%run_scoped3A_328, %dma_start3A_369, %dma_start3A_370] : memref<4x80x128xf32, #tpu.memory_space<vmem>> -> memref<1x80x128xf32, #tpu.memory_space<vmem>>
        %dma_start3A_372 = tpu.memref_squeeze %dma_start3A_371 : memref<1x80x128xf32, #tpu.memory_space<vmem>> -> memref<80x128xf32, #tpu.memory_space<vmem>>
        %dma_start3A_373 = arith.constant 0 : i32
        %dma_start3A_374 = tpu.memref_slice %arg5[%add3A_327, %run_scoped3A_329, %dma_start3A_373] : memref<25x2x80xi32, #tpu.memory_space<vmem>> -> memref<1x1x80xi32, #tpu.memory_space<vmem>>
        %dma_start3A_375 = tpu.memref_squeeze %dma_start3A_374 : memref<1x1x80xi32, #tpu.memory_space<vmem>> -> memref<80xi32, #tpu.memory_space<vmem>>
        %dma_start3A_376 = arith.constant 0 : i32
        %dma_start3A_377 = arith.constant 0 : i32
        %dma_start3A_378 = tpu.memref_slice %arg7[%dma_start3A_376, %dma_start3A_377] : memref<10240x128xf32, #tpu.memory_space<vmem_shared>> -> memref<10240x128xf32, #tpu.memory_space<vmem_shared>>
        tpu.enqueue_indirect_dma source(%dma_start3A_372 : memref<80x128xf32, #tpu.memory_space<vmem>>) target(%dma_start3A_378 : memref<10240x128xf32, #tpu.memory_space<vmem_shared>>) offsets(%dma_start3A_375 : memref<80xi32, #tpu.memory_space<vmem>>) semaphore(%run_scoped3A_368 : memref<!tpu.dma_semaphore, #tpu.memory_space<semaphore_mem>>) {add = true}
        %dma_wait3A_379 = arith.constant 0 : i32
        %dma_wait3A_380 = arith.constant 0 : i32
        %dma_wait3A_381 = tpu.memref_slice %arg6[%run_scoped3A_328, %dma_wait3A_379, %dma_wait3A_380] : memref<4x80x128xf32, #tpu.memory_space<vmem>> -> memref<1x80x128xf32, #tpu.memory_space<vmem>>
        %dma_wait3A_382 = tpu.memref_squeeze %dma_wait3A_381 : memref<1x80x128xf32, #tpu.memory_space<vmem>> -> memref<80x128xf32, #tpu.memory_space<vmem>>
        %dma_wait3A_383 = arith.constant 0 : i32
        %dma_wait3A_384 = tpu.memref_slice %arg5[%add3A_327, %run_scoped3A_329, %dma_wait3A_383] : memref<25x2x80xi32, #tpu.memory_space<vmem>> -> memref<1x1x80xi32, #tpu.memory_space<vmem>>
        %dma_wait3A_385 = tpu.memref_squeeze %dma_wait3A_384 : memref<1x1x80xi32, #tpu.memory_space<vmem>> -> memref<80xi32, #tpu.memory_space<vmem>>
        %dma_wait3A_386 = arith.constant 0 : i32
        %dma_wait3A_387 = arith.constant 0 : i32
        %dma_wait3A_388 = tpu.memref_slice %arg7[%dma_wait3A_386, %dma_wait3A_387] : memref<10240x128xf32, #tpu.memory_space<vmem_shared>> -> memref<10240x128xf32, #tpu.memory_space<vmem_shared>>
        tpu.wait_indirect_dma semaphore(%run_scoped3A_368 : memref<!tpu.dma_semaphore, #tpu.memory_space<semaphore_mem>>) src(%dma_wait3A_382 : memref<80x128xf32, #tpu.memory_space<vmem>>) dst(%dma_wait3A_388 : memref<10240x128xf32, #tpu.memory_space<vmem_shared>>)
        tpu.yield
      }) : () -> ()
      %dma_wait3A_330 = arith.constant 2 : i32
      %dma_wait3A_331 = arith.constant 0 : i32
      %dma_wait3A_332 = arith.constant 0 : i32
      %dma_wait3A_333 = tpu.memref_slice %arg6[%dma_wait3A_330, %dma_wait3A_331, %dma_wait3A_332] : memref<4x80x128xf32, #tpu.memory_space<vmem>> -> memref<1x80x128xf32, #tpu.memory_space<vmem>>
      %dma_wait3A_334 = tpu.memref_squeeze %dma_wait3A_333 : memref<1x80x128xf32, #tpu.memory_space<vmem>> -> memref<80x128xf32, #tpu.memory_space<vmem>>
      %dma_wait3A_335 = arith.constant 0 : i32
      %dma_wait3A_336 = arith.constant 0 : i32
      %dma_wait3A_337 = tpu.memref_slice %arg3[%dma_wait3A_335, %dma_wait3A_336] : memref<10000x128xf32, #tpu.memory_space<hbm>> -> memref<80x128xf32, #tpu.memory_space<hbm>>
      %dma_wait3A_338 = arith.constant 0 : i32
      %dma_wait3A_339 = arith.constant 0 : i32
      %dma_wait3A_340 = tpu.memref_slice %arg6[%dma_wait3A_330, %dma_wait3A_338, %dma_wait3A_339] : memref<4x80x128xf32, #tpu.memory_space<vmem>> -> memref<1x80x128xf32, #tpu.memory_space<vmem>>
      %dma_wait3A_341 = tpu.memref_squeeze %dma_wait3A_340 : memref<1x80x128xf32, #tpu.memory_space<vmem>> -> memref<80x128xf32, #tpu.memory_space<vmem>>
      %dma_wait3A_342 = arith.constant 0 : i32
      %dma_wait3A_343 = arith.constant 0 : i32
      %dma_wait3A_344 = tpu.memref_slice %arg3[%dma_wait3A_342, %dma_wait3A_343] : memref<10000x128xf32, #tpu.memory_space<hbm>> -> memref<80x128xf32, #tpu.memory_space<hbm>>
      tpu.wait_dma2 semaphore(%arg8 : memref<!tpu.dma_semaphore, #tpu.memory_space<semaphore_mem>>) src(%dma_wait3A_344 : memref<80x128xf32, #tpu.memory_space<hbm>>) dst(%dma_wait3A_341 : memref<80x128xf32, #tpu.memory_space<vmem>>)
      %add3A_345 = arith.constant 2 : i32
      %add3A_346 = arith.addi %mul3A_235, %add3A_345 : i32
      %run_scoped3A_347 = arith.constant 2 : i32
      %run_scoped3A_348 = arith.constant 1 : i32
      "tpu.region"() ({
        %run_scoped3A_368 = tpu.sem_alloc : memref<!tpu.dma_semaphore, #tpu.memory_space<semaphore_mem>>
        %dma_start3A_369 = arith.constant 0 : i32
        %dma_start3A_370 = arith.constant 0 : i32
        %dma_start3A_371 = tpu.memref_slice %arg6[%run_scoped3A_347, %dma_start3A_369, %dma_start3A_370] : memref<4x80x128xf32, #tpu.memory_space<vmem>> -> memref<1x80x128xf32, #tpu.memory_space<vmem>>
        %dma_start3A_372 = tpu.memref_squeeze %dma_start3A_371 : memref<1x80x128xf32, #tpu.memory_space<vmem>> -> memref<80x128xf32, #tpu.memory_space<vmem>>
        %dma_start3A_373 = arith.constant 0 : i32
        %dma_start3A_374 = tpu.memref_slice %arg5[%add3A_346, %run_scoped3A_348, %dma_start3A_373] : memref<25x2x80xi32, #tpu.memory_space<vmem>> -> memref<1x1x80xi32, #tpu.memory_space<vmem>>
        %dma_start3A_375 = tpu.memref_squeeze %dma_start3A_374 : memref<1x1x80xi32, #tpu.memory_space<vmem>> -> memref<80xi32, #tpu.memory_space<vmem>>
        %dma_start3A_376 = arith.constant 0 : i32
        %dma_start3A_377 = arith.constant 0 : i32
        %dma_start3A_378 = tpu.memref_slice %arg7[%dma_start3A_376, %dma_start3A_377] : memref<10240x128xf32, #tpu.memory_space<vmem_shared>> -> memref<10240x128xf32, #tpu.memory_space<vmem_shared>>
        tpu.enqueue_indirect_dma source(%dma_start3A_372 : memref<80x128xf32, #tpu.memory_space<vmem>>) target(%dma_start3A_378 : memref<10240x128xf32, #tpu.memory_space<vmem_shared>>) offsets(%dma_start3A_375 : memref<80xi32, #tpu.memory_space<vmem>>) semaphore(%run_scoped3A_368 : memref<!tpu.dma_semaphore, #tpu.memory_space<semaphore_mem>>) {add = true}
        %dma_wait3A_379 = arith.constant 0 : i32
        %dma_wait3A_380 = arith.constant 0 : i32
        %dma_wait3A_381 = tpu.memref_slice %arg6[%run_scoped3A_347, %dma_wait3A_379, %dma_wait3A_380] : memref<4x80x128xf32, #tpu.memory_space<vmem>> -> memref<1x80x128xf32, #tpu.memory_space<vmem>>
        %dma_wait3A_382 = tpu.memref_squeeze %dma_wait3A_381 : memref<1x80x128xf32, #tpu.memory_space<vmem>> -> memref<80x128xf32, #tpu.memory_space<vmem>>
        %dma_wait3A_383 = arith.constant 0 : i32
        %dma_wait3A_384 = tpu.memref_slice %arg5[%add3A_346, %run_scoped3A_348, %dma_wait3A_383] : memref<25x2x80xi32, #tpu.memory_space<vmem>> -> memref<1x1x80xi32, #tpu.memory_space<vmem>>
        %dma_wait3A_385 = tpu.memref_squeeze %dma_wait3A_384 : memref<1x1x80xi32, #tpu.memory_space<vmem>> -> memref<80xi32, #tpu.memory_space<vmem>>
        %dma_wait3A_386 = arith.constant 0 : i32
        %dma_wait3A_387 = arith.constant 0 : i32
        %dma_wait3A_388 = tpu.memref_slice %arg7[%dma_wait3A_386, %dma_wait3A_387] : memref<10240x128xf32, #tpu.memory_space<vmem_shared>> -> memref<10240x128xf32, #tpu.memory_space<vmem_shared>>
        tpu.wait_indirect_dma semaphore(%run_scoped3A_368 : memref<!tpu.dma_semaphore, #tpu.memory_space<semaphore_mem>>) src(%dma_wait3A_382 : memref<80x128xf32, #tpu.memory_space<vmem>>) dst(%dma_wait3A_388 : memref<10240x128xf32, #tpu.memory_space<vmem_shared>>)
        tpu.yield
      }) : () -> ()
      %dma_wait3A_349 = arith.constant 3 : i32
      %dma_wait3A_350 = arith.constant 0 : i32
      %dma_wait3A_351 = arith.constant 0 : i32
      %dma_wait3A_352 = tpu.memref_slice %arg6[%dma_wait3A_349, %dma_wait3A_350, %dma_wait3A_351] : memref<4x80x128xf32, #tpu.memory_space<vmem>> -> memref<1x80x128xf32, #tpu.memory_space<vmem>>
      %dma_wait3A_353 = tpu.memref_squeeze %dma_wait3A_352 : memref<1x80x128xf32, #tpu.memory_space<vmem>> -> memref<80x128xf32, #tpu.memory_space<vmem>>
      %dma_wait3A_354 = arith.constant 0 : i32
      %dma_wait3A_355 = arith.constant 0 : i32
      %dma_wait3A_356 = tpu.memref_slice %arg3[%dma_wait3A_354, %dma_wait3A_355] : memref<10000x128xf32, #tpu.memory_space<hbm>> -> memref<80x128xf32, #tpu.memory_space<hbm>>
      %dma_wait3A_357 = arith.constant 0 : i32
      %dma_wait3A_358 = arith.constant 0 : i32
      %dma_wait3A_359 = tpu.memref_slice %arg6[%dma_wait3A_349, %dma_wait3A_357, %dma_wait3A_358] : memref<4x80x128xf32, #tpu.memory_space<vmem>> -> memref<1x80x128xf32, #tpu.memory_space<vmem>>
      %dma_wait3A_360 = tpu.memref_squeeze %dma_wait3A_359 : memref<1x80x128xf32, #tpu.memory_space<vmem>> -> memref<80x128xf32, #tpu.memory_space<vmem>>
      %dma_wait3A_361 = arith.constant 0 : i32
      %dma_wait3A_362 = arith.constant 0 : i32
      %dma_wait3A_363 = tpu.memref_slice %arg3[%dma_wait3A_361, %dma_wait3A_362] : memref<10000x128xf32, #tpu.memory_space<hbm>> -> memref<80x128xf32, #tpu.memory_space<hbm>>
      tpu.wait_dma2 semaphore(%arg8 : memref<!tpu.dma_semaphore, #tpu.memory_space<semaphore_mem>>) src(%dma_wait3A_363 : memref<80x128xf32, #tpu.memory_space<hbm>>) dst(%dma_wait3A_360 : memref<80x128xf32, #tpu.memory_space<vmem>>)
      %add3A_364 = arith.constant 3 : i32
      %add3A_365 = arith.addi %mul3A_235, %add3A_364 : i32
      %run_scoped3A_366 = arith.constant 3 : i32
      %run_scoped3A_367 = arith.constant 1 : i32
      "tpu.region"() ({
        %run_scoped3A_368 = tpu.sem_alloc : memref<!tpu.dma_semaphore, #tpu.memory_space<semaphore_mem>>
        %dma_start3A_369 = arith.constant 0 : i32
        %dma_start3A_370 = arith.constant 0 : i32
        %dma_start3A_371 = tpu.memref_slice %arg6[%run_scoped3A_366, %dma_start3A_369, %dma_start3A_370] : memref<4x80x128xf32, #tpu.memory_space<vmem>> -> memref<1x80x128xf32, #tpu.memory_space<vmem>>
        %dma_start3A_372 = tpu.memref_squeeze %dma_start3A_371 : memref<1x80x128xf32, #tpu.memory_space<vmem>> -> memref<80x128xf32, #tpu.memory_space<vmem>>
        %dma_start3A_373 = arith.constant 0 : i32
        %dma_start3A_374 = tpu.memref_slice %arg5[%add3A_365, %run_scoped3A_367, %dma_start3A_373] : memref<25x2x80xi32, #tpu.memory_space<vmem>> -> memref<1x1x80xi32, #tpu.memory_space<vmem>>
        %dma_start3A_375 = tpu.memref_squeeze %dma_start3A_374 : memref<1x1x80xi32, #tpu.memory_space<vmem>> -> memref<80xi32, #tpu.memory_space<vmem>>
        %dma_start3A_376 = arith.constant 0 : i32
        %dma_start3A_377 = arith.constant 0 : i32
        %dma_start3A_378 = tpu.memref_slice %arg7[%dma_start3A_376, %dma_start3A_377] : memref<10240x128xf32, #tpu.memory_space<vmem_shared>> -> memref<10240x128xf32, #tpu.memory_space<vmem_shared>>
        tpu.enqueue_indirect_dma source(%dma_start3A_372 : memref<80x128xf32, #tpu.memory_space<vmem>>) target(%dma_start3A_378 : memref<10240x128xf32, #tpu.memory_space<vmem_shared>>) offsets(%dma_start3A_375 : memref<80xi32, #tpu.memory_space<vmem>>) semaphore(%run_scoped3A_368 : memref<!tpu.dma_semaphore, #tpu.memory_space<semaphore_mem>>) {add = true}
        %dma_wait3A_379 = arith.constant 0 : i32
        %dma_wait3A_380 = arith.constant 0 : i32
        %dma_wait3A_381 = tpu.memref_slice %arg6[%run_scoped3A_366, %dma_wait3A_379, %dma_wait3A_380] : memref<4x80x128xf32, #tpu.memory_space<vmem>> -> memref<1x80x128xf32, #tpu.memory_space<vmem>>
        %dma_wait3A_382 = tpu.memref_squeeze %dma_wait3A_381 : memref<1x80x128xf32, #tpu.memory_space<vmem>> -> memref<80x128xf32, #tpu.memory_space<vmem>>
        %dma_wait3A_383 = arith.constant 0 : i32
        %dma_wait3A_384 = tpu.memref_slice %arg5[%add3A_365, %run_scoped3A_367, %dma_wait3A_383] : memref<25x2x80xi32, #tpu.memory_space<vmem>> -> memref<1x1x80xi32, #tpu.memory_space<vmem>>
        %dma_wait3A_385 = tpu.memref_squeeze %dma_wait3A_384 : memref<1x1x80xi32, #tpu.memory_space<vmem>> -> memref<80xi32, #tpu.memory_space<vmem>>
        %dma_wait3A_386 = arith.constant 0 : i32
        %dma_wait3A_387 = arith.constant 0 : i32
        %dma_wait3A_388 = tpu.memref_slice %arg7[%dma_wait3A_386, %dma_wait3A_387] : memref<10240x128xf32, #tpu.memory_space<vmem_shared>> -> memref<10240x128xf32, #tpu.memory_space<vmem_shared>>
        tpu.wait_indirect_dma semaphore(%run_scoped3A_368 : memref<!tpu.dma_semaphore, #tpu.memory_space<semaphore_mem>>) src(%dma_wait3A_382 : memref<80x128xf32, #tpu.memory_space<vmem>>) dst(%dma_wait3A_388 : memref<10240x128xf32, #tpu.memory_space<vmem_shared>>)
        tpu.yield
      }) : () -> ()
    }
    %scan3A_159 = arith.constant 6 : i32
    %dma_start3A_160 = arith.constant 24 : i32
    %dma_start3A_161 = arith.constant 0 : i32
    %dma_start3A_162 = arith.constant 0 : i32
    %dma_start3A_163 = arith.constant 0 : i32
    %dma_start3A_164 = arith.constant 0 : i32
    %dma_start3A_165 = tpu.memref_slice %arg6[%dma_start3A_162, %dma_start3A_163, %dma_start3A_164] : memref<4x80x128xf32, #tpu.memory_space<vmem>> -> memref<1x80x128xf32, #tpu.memory_space<vmem>>
    %dma_start3A_166 = tpu.memref_squeeze %dma_start3A_165 : memref<1x80x128xf32, #tpu.memory_space<vmem>> -> memref<80x128xf32, #tpu.memory_space<vmem>>
    %dma_start3A_167 = arith.constant 0 : i32
    %dma_start3A_168 = tpu.memref_slice %arg5[%dma_start3A_160, %dma_start3A_161, %dma_start3A_167] : memref<25x2x80xi32, #tpu.memory_space<vmem>> -> memref<1x1x80xi32, #tpu.memory_space<vmem>>
    %dma_start3A_169 = tpu.memref_squeeze %dma_start3A_168 : memref<1x1x80xi32, #tpu.memory_space<vmem>> -> memref<80xi32, #tpu.memory_space<vmem>>
    %dma_start3A_170 = arith.constant 0 : i32
    %dma_start3A_171 = arith.constant 0 : i32
    %dma_start3A_172 = tpu.memref_slice %arg3[%dma_start3A_170, %dma_start3A_171] : memref<10000x128xf32, #tpu.memory_space<hbm>> -> memref<10000x128xf32, #tpu.memory_space<hbm>>
    tpu.enqueue_indirect_dma source(%dma_start3A_172 : memref<10000x128xf32, #tpu.memory_space<hbm>>) target(%dma_start3A_166 : memref<80x128xf32, #tpu.memory_space<vmem>>) offsets(%dma_start3A_169 : memref<80xi32, #tpu.memory_space<vmem>>) semaphore(%arg8 : memref<!tpu.dma_semaphore, #tpu.memory_space<semaphore_mem>>)
    %dma_wait3A_173 = arith.constant 0 : i32
    %dma_wait3A_174 = arith.constant 0 : i32
    %dma_wait3A_175 = arith.constant 0 : i32
    %dma_wait3A_176 = tpu.memref_slice %arg6[%dma_wait3A_173, %dma_wait3A_174, %dma_wait3A_175] : memref<4x80x128xf32, #tpu.memory_space<vmem>> -> memref<1x80x128xf32, #tpu.memory_space<vmem>>
    %dma_wait3A_177 = tpu.memref_squeeze %dma_wait3A_176 : memref<1x80x128xf32, #tpu.memory_space<vmem>> -> memref<80x128xf32, #tpu.memory_space<vmem>>
    %dma_wait3A_178 = arith.constant 0 : i32
    %dma_wait3A_179 = arith.constant 0 : i32
    %dma_wait3A_180 = tpu.memref_slice %arg3[%dma_wait3A_178, %dma_wait3A_179] : memref<10000x128xf32, #tpu.memory_space<hbm>> -> memref<80x128xf32, #tpu.memory_space<hbm>>
    %dma_wait3A_181 = arith.constant 0 : i32
    %dma_wait3A_182 = arith.constant 0 : i32
    %dma_wait3A_183 = tpu.memref_slice %arg6[%dma_wait3A_173, %dma_wait3A_181, %dma_wait3A_182] : memref<4x80x128xf32, #tpu.memory_space<vmem>> -> memref<1x80x128xf32, #tpu.memory_space<vmem>>
    %dma_wait3A_184 = tpu.memref_squeeze %dma_wait3A_183 : memref<1x80x128xf32, #tpu.memory_space<vmem>> -> memref<80x128xf32, #tpu.memory_space<vmem>>
    %dma_wait3A_185 = arith.constant 0 : i32
    %dma_wait3A_186 = arith.constant 0 : i32
    %dma_wait3A_187 = tpu.memref_slice %arg3[%dma_wait3A_185, %dma_wait3A_186] : memref<10000x128xf32, #tpu.memory_space<hbm>> -> memref<80x128xf32, #tpu.memory_space<hbm>>
    tpu.wait_dma2 semaphore(%arg8 : memref<!tpu.dma_semaphore, #tpu.memory_space<semaphore_mem>>) src(%dma_wait3A_187 : memref<80x128xf32, #tpu.memory_space<hbm>>) dst(%dma_wait3A_184 : memref<80x128xf32, #tpu.memory_space<vmem>>)
    %run_scoped3A_188 = arith.constant 0 : i32
    %run_scoped3A_189 = arith.constant 24 : i32
    %run_scoped3A_190 = arith.constant 1 : i32
    "tpu.region"() ({
      %run_scoped3A_233 = tpu.sem_alloc : memref<!tpu.dma_semaphore, #tpu.memory_space<semaphore_mem>>
      %dma_start3A_234 = arith.constant 0 : i32
      %dma_start3A_235 = arith.constant 0 : i32
      %dma_start3A_236 = tpu.memref_slice %arg6[%run_scoped3A_188, %dma_start3A_234, %dma_start3A_235] : memref<4x80x128xf32, #tpu.memory_space<vmem>> -> memref<1x80x128xf32, #tpu.memory_space<vmem>>
      %dma_start3A_237 = tpu.memref_squeeze %dma_start3A_236 : memref<1x80x128xf32, #tpu.memory_space<vmem>> -> memref<80x128xf32, #tpu.memory_space<vmem>>
      %dma_start3A_238 = arith.constant 0 : i32
      %dma_start3A_239 = tpu.memref_slice %arg5[%run_scoped3A_189, %run_scoped3A_190, %dma_start3A_238] : memref<25x2x80xi32, #tpu.memory_space<vmem>> -> memref<1x1x80xi32, #tpu.memory_space<vmem>>
      %dma_start3A_240 = tpu.memref_squeeze %dma_start3A_239 : memref<1x1x80xi32, #tpu.memory_space<vmem>> -> memref<80xi32, #tpu.memory_space<vmem>>
      %dma_start3A_241 = arith.constant 0 : i32
      %dma_start3A_242 = arith.constant 0 : i32
      %dma_start3A_243 = tpu.memref_slice %arg7[%dma_start3A_241, %dma_start3A_242] : memref<10240x128xf32, #tpu.memory_space<vmem_shared>> -> memref<10240x128xf32, #tpu.memory_space<vmem_shared>>
      tpu.enqueue_indirect_dma source(%dma_start3A_237 : memref<80x128xf32, #tpu.memory_space<vmem>>) target(%dma_start3A_243 : memref<10240x128xf32, #tpu.memory_space<vmem_shared>>) offsets(%dma_start3A_240 : memref<80xi32, #tpu.memory_space<vmem>>) semaphore(%run_scoped3A_233 : memref<!tpu.dma_semaphore, #tpu.memory_space<semaphore_mem>>) {add = true}
      %dma_wait3A_244 = arith.constant 0 : i32
      %dma_wait3A_245 = arith.constant 0 : i32
      %dma_wait3A_246 = tpu.memref_slice %arg6[%run_scoped3A_188, %dma_wait3A_244, %dma_wait3A_245] : memref<4x80x128xf32, #tpu.memory_space<vmem>> -> memref<1x80x128xf32, #tpu.memory_space<vmem>>
      %dma_wait3A_247 = tpu.memref_squeeze %dma_wait3A_246 : memref<1x80x128xf32, #tpu.memory_space<vmem>> -> memref<80x128xf32, #tpu.memory_space<vmem>>
      %dma_wait3A_248 = arith.constant 0 : i32
      %dma_wait3A_249 = tpu.memref_slice %arg5[%run_scoped3A_189, %run_scoped3A_190, %dma_wait3A_248] : memref<25x2x80xi32, #tpu.memory_space<vmem>> -> memref<1x1x80xi32, #tpu.memory_space<vmem>>
      %dma_wait3A_250 = tpu.memref_squeeze %dma_wait3A_249 : memref<1x1x80xi32, #tpu.memory_space<vmem>> -> memref<80xi32, #tpu.memory_space<vmem>>
      %dma_wait3A_251 = arith.constant 0 : i32
      %dma_wait3A_252 = arith.constant 0 : i32
      %dma_wait3A_253 = tpu.memref_slice %arg7[%dma_wait3A_251, %dma_wait3A_252] : memref<10240x128xf32, #tpu.memory_space<vmem_shared>> -> memref<10240x128xf32, #tpu.memory_space<vmem_shared>>
      tpu.wait_indirect_dma semaphore(%run_scoped3A_233 : memref<!tpu.dma_semaphore, #tpu.memory_space<semaphore_mem>>) src(%dma_wait3A_247 : memref<80x128xf32, #tpu.memory_space<vmem>>) dst(%dma_wait3A_253 : memref<10240x128xf32, #tpu.memory_space<vmem_shared>>)
      tpu.yield
    }) : () -> ()
    "tpu.region"() ({
      %run_scoped3A_233 = tpu.sem_alloc : memref<!tpu.dma_semaphore, #tpu.memory_space<semaphore_mem>>
      %dma_start3A_234 = arith.constant 100 : i32
      %dma_start3A_235 = arith.constant 0 : i32
      %dma_start3A_236 = arith.constant 0 : i32
      %dma_start3A_237 = tpu.memref_slice %arg2[%add3A, %dma_start3A_234, %dma_start3A_235, %dma_start3A_236] : memref<32x125x2x80xi32, #tpu.memory_space<hbm>> -> memref<1x25x2x80xi32, #tpu.memory_space<hbm>>
      %dma_start3A_238 = tpu.memref_squeeze %dma_start3A_237 : memref<1x25x2x80xi32, #tpu.memory_space<hbm>> -> memref<25x2x80xi32, #tpu.memory_space<hbm>>
      %dma_start3A_239 = arith.constant 100 : i32
      %dma_start3A_240 = arith.constant 0 : i32
      %dma_start3A_241 = arith.constant 0 : i32
      %dma_start3A_242 = tpu.memref_slice %arg2[%add3A, %dma_start3A_239, %dma_start3A_240, %dma_start3A_241] : memref<32x125x2x80xi32, #tpu.memory_space<hbm>> -> memref<1x25x2x80xi32, #tpu.memory_space<hbm>>
      %dma_start3A_243 = tpu.memref_squeeze %dma_start3A_242 : memref<1x25x2x80xi32, #tpu.memory_space<hbm>> -> memref<25x2x80xi32, #tpu.memory_space<hbm>>
      tpu.enqueue_dma source(%dma_start3A_243 : memref<25x2x80xi32, #tpu.memory_space<hbm>>) target(%arg5 : memref<25x2x80xi32, #tpu.memory_space<vmem>>) target_semaphore(%run_scoped3A_233 : memref<!tpu.dma_semaphore, #tpu.memory_space<semaphore_mem>>)
      %dma_wait3A_244 = arith.constant 100 : i32
      %dma_wait3A_245 = arith.constant 0 : i32
      %dma_wait3A_246 = arith.constant 0 : i32
      %dma_wait3A_247 = tpu.memref_slice %arg2[%add3A, %dma_wait3A_244, %dma_wait3A_245, %dma_wait3A_246] : memref<32x125x2x80xi32, #tpu.memory_space<hbm>> -> memref<1x25x2x80xi32, #tpu.memory_space<hbm>>
      %dma_wait3A_248 = tpu.memref_squeeze %dma_wait3A_247 : memref<1x25x2x80xi32, #tpu.memory_space<hbm>> -> memref<25x2x80xi32, #tpu.memory_space<hbm>>
      %dma_wait3A_249 = arith.constant 100 : i32
      %dma_wait3A_250 = arith.constant 0 : i32
      %dma_wait3A_251 = arith.constant 0 : i32
      %dma_wait3A_252 = tpu.memref_slice %arg2[%add3A, %dma_wait3A_249, %dma_wait3A_250, %dma_wait3A_251] : memref<32x125x2x80xi32, #tpu.memory_space<hbm>> -> memref<1x25x2x80xi32, #tpu.memory_space<hbm>>
      %dma_wait3A_253 = tpu.memref_squeeze %dma_wait3A_252 : memref<1x25x2x80xi32, #tpu.memory_space<hbm>> -> memref<25x2x80xi32, #tpu.memory_space<hbm>>
      tpu.wait_dma2 semaphore(%run_scoped3A_233 : memref<!tpu.dma_semaphore, #tpu.memory_space<semaphore_mem>>) src(%dma_wait3A_253 : memref<25x2x80xi32, #tpu.memory_space<hbm>>) dst(%arg5 : memref<25x2x80xi32, #tpu.memory_space<vmem>>)
      tpu.yield
    }) : () -> ()
    %scan3A_191 = arith.constant 0 : i32
    %scan3A_192 = arith.constant 0 : i32
    %scan3A_193 = arith.constant 6 : i32
    %scan3A_194 = arith.addi %scan3A_192, %scan3A_193 : i32
    %scan3A_195 = arith.constant 1 : i32
    scf.for %scan3A_233 = %scan3A_192 to %scan3A_194 step %scan3A_195  : i32 {
      %mul3A_234 = arith.constant 4 : i32
      %mul3A_235 = arith.muli %scan3A_233, %mul3A_234 : i32
      %add3A_236 = arith.constant 0 : i32
      %add3A_237 = arith.addi %mul3A_235, %add3A_236 : i32
      %dma_start3A_238 = arith.constant 0 : i32
      %dma_start3A_239 = arith.constant 0 : i32
      %dma_start3A_240 = arith.constant 0 : i32
      %dma_start3A_241 = arith.constant 0 : i32
      %dma_start3A_242 = tpu.memref_slice %arg6[%dma_start3A_239, %dma_start3A_240, %dma_start3A_241] : memref<4x80x128xf32, #tpu.memory_space<vmem>> -> memref<1x80x128xf32, #tpu.memory_space<vmem>>
      %dma_start3A_243 = tpu.memref_squeeze %dma_start3A_242 : memref<1x80x128xf32, #tpu.memory_space<vmem>> -> memref<80x128xf32, #tpu.memory_space<vmem>>
      %dma_start3A_244 = arith.constant 0 : i32
      %dma_start3A_245 = tpu.memref_slice %arg5[%add3A_237, %dma_start3A_238, %dma_start3A_244] : memref<25x2x80xi32, #tpu.memory_space<vmem>> -> memref<1x1x80xi32, #tpu.memory_space<vmem>>
      %dma_start3A_246 = tpu.memref_squeeze %dma_start3A_245 : memref<1x1x80xi32, #tpu.memory_space<vmem>> -> memref<80xi32, #tpu.memory_space<vmem>>
      %dma_start3A_247 = arith.constant 0 : i32
      %dma_start3A_248 = arith.constant 0 : i32
      %dma_start3A_249 = tpu.memref_slice %arg3[%dma_start3A_247, %dma_start3A_248] : memref<10000x128xf32, #tpu.memory_space<hbm>> -> memref<10000x128xf32, #tpu.memory_space<hbm>>
      tpu.enqueue_indirect_dma source(%dma_start3A_249 : memref<10000x128xf32, #tpu.memory_space<hbm>>) target(%dma_start3A_243 : memref<80x128xf32, #tpu.memory_space<vmem>>) offsets(%dma_start3A_246 : memref<80xi32, #tpu.memory_space<vmem>>) semaphore(%arg8 : memref<!tpu.dma_semaphore, #tpu.memory_space<semaphore_mem>>)
      %add3A_250 = arith.constant 1 : i32
      %add3A_251 = arith.addi %mul3A_235, %add3A_250 : i32
      %dma_start3A_252 = arith.constant 0 : i32
      %dma_start3A_253 = arith.constant 1 : i32
      %dma_start3A_254 = arith.constant 0 : i32
      %dma_start3A_255 = arith.constant 0 : i32
      %dma_start3A_256 = tpu.memref_slice %arg6[%dma_start3A_253, %dma_start3A_254, %dma_start3A_255] : memref<4x80x128xf32, #tpu.memory_space<vmem>> -> memref<1x80x128xf32, #tpu.memory_space<vmem>>
      %dma_start3A_257 = tpu.memref_squeeze %dma_start3A_256 : memref<1x80x128xf32, #tpu.memory_space<vmem>> -> memref<80x128xf32, #tpu.memory_space<vmem>>
      %dma_start3A_258 = arith.constant 0 : i32
      %dma_start3A_259 = tpu.memref_slice %arg5[%add3A_251, %dma_start3A_252, %dma_start3A_258] : memref<25x2x80xi32, #tpu.memory_space<vmem>> -> memref<1x1x80xi32, #tpu.memory_space<vmem>>
      %dma_start3A_260 = tpu.memref_squeeze %dma_start3A_259 : memref<1x1x80xi32, #tpu.memory_space<vmem>> -> memref<80xi32, #tpu.memory_space<vmem>>
      %dma_start3A_261 = arith.constant 0 : i32
      %dma_start3A_262 = arith.constant 0 : i32
      %dma_start3A_263 = tpu.memref_slice %arg3[%dma_start3A_261, %dma_start3A_262] : memref<10000x128xf32, #tpu.memory_space<hbm>> -> memref<10000x128xf32, #tpu.memory_space<hbm>>
      tpu.enqueue_indirect_dma source(%dma_start3A_263 : memref<10000x128xf32, #tpu.memory_space<hbm>>) target(%dma_start3A_257 : memref<80x128xf32, #tpu.memory_space<vmem>>) offsets(%dma_start3A_260 : memref<80xi32, #tpu.memory_space<vmem>>) semaphore(%arg8 : memref<!tpu.dma_semaphore, #tpu.memory_space<semaphore_mem>>)
      %add3A_264 = arith.constant 2 : i32
      %add3A_265 = arith.addi %mul3A_235, %add3A_264 : i32
      %dma_start3A_266 = arith.constant 0 : i32
      %dma_start3A_267 = arith.constant 2 : i32
      %dma_start3A_268 = arith.constant 0 : i32
      %dma_start3A_269 = arith.constant 0 : i32
      %dma_start3A_270 = tpu.memref_slice %arg6[%dma_start3A_267, %dma_start3A_268, %dma_start3A_269] : memref<4x80x128xf32, #tpu.memory_space<vmem>> -> memref<1x80x128xf32, #tpu.memory_space<vmem>>
      %dma_start3A_271 = tpu.memref_squeeze %dma_start3A_270 : memref<1x80x128xf32, #tpu.memory_space<vmem>> -> memref<80x128xf32, #tpu.memory_space<vmem>>
      %dma_start3A_272 = arith.constant 0 : i32
      %dma_start3A_273 = tpu.memref_slice %arg5[%add3A_265, %dma_start3A_266, %dma_start3A_272] : memref<25x2x80xi32, #tpu.memory_space<vmem>> -> memref<1x1x80xi32, #tpu.memory_space<vmem>>
      %dma_start3A_274 = tpu.memref_squeeze %dma_start3A_273 : memref<1x1x80xi32, #tpu.memory_space<vmem>> -> memref<80xi32, #tpu.memory_space<vmem>>
      %dma_start3A_275 = arith.constant 0 : i32
      %dma_start3A_276 = arith.constant 0 : i32
      %dma_start3A_277 = tpu.memref_slice %arg3[%dma_start3A_275, %dma_start3A_276] : memref<10000x128xf32, #tpu.memory_space<hbm>> -> memref<10000x128xf32, #tpu.memory_space<hbm>>
      tpu.enqueue_indirect_dma source(%dma_start3A_277 : memref<10000x128xf32, #tpu.memory_space<hbm>>) target(%dma_start3A_271 : memref<80x128xf32, #tpu.memory_space<vmem>>) offsets(%dma_start3A_274 : memref<80xi32, #tpu.memory_space<vmem>>) semaphore(%arg8 : memref<!tpu.dma_semaphore, #tpu.memory_space<semaphore_mem>>)
      %add3A_278 = arith.constant 3 : i32
      %add3A_279 = arith.addi %mul3A_235, %add3A_278 : i32
      %dma_start3A_280 = arith.constant 0 : i32
      %dma_start3A_281 = arith.constant 3 : i32
      %dma_start3A_282 = arith.constant 0 : i32
      %dma_start3A_283 = arith.constant 0 : i32
      %dma_start3A_284 = tpu.memref_slice %arg6[%dma_start3A_281, %dma_start3A_282, %dma_start3A_283] : memref<4x80x128xf32, #tpu.memory_space<vmem>> -> memref<1x80x128xf32, #tpu.memory_space<vmem>>
      %dma_start3A_285 = tpu.memref_squeeze %dma_start3A_284 : memref<1x80x128xf32, #tpu.memory_space<vmem>> -> memref<80x128xf32, #tpu.memory_space<vmem>>
      %dma_start3A_286 = arith.constant 0 : i32
      %dma_start3A_287 = tpu.memref_slice %arg5[%add3A_279, %dma_start3A_280, %dma_start3A_286] : memref<25x2x80xi32, #tpu.memory_space<vmem>> -> memref<1x1x80xi32, #tpu.memory_space<vmem>>
      %dma_start3A_288 = tpu.memref_squeeze %dma_start3A_287 : memref<1x1x80xi32, #tpu.memory_space<vmem>> -> memref<80xi32, #tpu.memory_space<vmem>>
      %dma_start3A_289 = arith.constant 0 : i32
      %dma_start3A_290 = arith.constant 0 : i32
      %dma_start3A_291 = tpu.memref_slice %arg3[%dma_start3A_289, %dma_start3A_290] : memref<10000x128xf32, #tpu.memory_space<hbm>> -> memref<10000x128xf32, #tpu.memory_space<hbm>>
      tpu.enqueue_indirect_dma source(%dma_start3A_291 : memref<10000x128xf32, #tpu.memory_space<hbm>>) target(%dma_start3A_285 : memref<80x128xf32, #tpu.memory_space<vmem>>) offsets(%dma_start3A_288 : memref<80xi32, #tpu.memory_space<vmem>>) semaphore(%arg8 : memref<!tpu.dma_semaphore, #tpu.memory_space<semaphore_mem>>)
      %dma_wait3A_292 = arith.constant 0 : i32
      %dma_wait3A_293 = arith.constant 0 : i32
      %dma_wait3A_294 = arith.constant 0 : i32
      %dma_wait3A_295 = tpu.memref_slice %arg6[%dma_wait3A_292, %dma_wait3A_293, %dma_wait3A_294] : memref<4x80x128xf32, #tpu.memory_space<vmem>> -> memref<1x80x128xf32, #tpu.memory_space<vmem>>
      %dma_wait3A_296 = tpu.memref_squeeze %dma_wait3A_295 : memref<1x80x128xf32, #tpu.memory_space<vmem>> -> memref<80x128xf32, #tpu.memory_space<vmem>>
      %dma_wait3A_297 = arith.constant 0 : i32
      %dma_wait3A_298 = arith.constant 0 : i32
      %dma_wait3A_299 = tpu.memref_slice %arg3[%dma_wait3A_297, %dma_wait3A_298] : memref<10000x128xf32, #tpu.memory_space<hbm>> -> memref<80x128xf32, #tpu.memory_space<hbm>>
      %dma_wait3A_300 = arith.constant 0 : i32
      %dma_wait3A_301 = arith.constant 0 : i32
      %dma_wait3A_302 = tpu.memref_slice %arg6[%dma_wait3A_292, %dma_wait3A_300, %dma_wait3A_301] : memref<4x80x128xf32, #tpu.memory_space<vmem>> -> memref<1x80x128xf32, #tpu.memory_space<vmem>>
      %dma_wait3A_303 = tpu.memref_squeeze %dma_wait3A_302 : memref<1x80x128xf32, #tpu.memory_space<vmem>> -> memref<80x128xf32, #tpu.memory_space<vmem>>
      %dma_wait3A_304 = arith.constant 0 : i32
      %dma_wait3A_305 = arith.constant 0 : i32
      %dma_wait3A_306 = tpu.memref_slice %arg3[%dma_wait3A_304, %dma_wait3A_305] : memref<10000x128xf32, #tpu.memory_space<hbm>> -> memref<80x128xf32, #tpu.memory_space<hbm>>
      tpu.wait_dma2 semaphore(%arg8 : memref<!tpu.dma_semaphore, #tpu.memory_space<semaphore_mem>>) src(%dma_wait3A_306 : memref<80x128xf32, #tpu.memory_space<hbm>>) dst(%dma_wait3A_303 : memref<80x128xf32, #tpu.memory_space<vmem>>)
      %add3A_307 = arith.constant 0 : i32
      %add3A_308 = arith.addi %mul3A_235, %add3A_307 : i32
      %run_scoped3A_309 = arith.constant 0 : i32
      %run_scoped3A_310 = arith.constant 1 : i32
      "tpu.region"() ({
        %run_scoped3A_368 = tpu.sem_alloc : memref<!tpu.dma_semaphore, #tpu.memory_space<semaphore_mem>>
        %dma_start3A_369 = arith.constant 0 : i32
        %dma_start3A_370 = arith.constant 0 : i32
        %dma_start3A_371 = tpu.memref_slice %arg6[%run_scoped3A_309, %dma_start3A_369, %dma_start3A_370] : memref<4x80x128xf32, #tpu.memory_space<vmem>> -> memref<1x80x128xf32, #tpu.memory_space<vmem>>
        %dma_start3A_372 = tpu.memref_squeeze %dma_start3A_371 : memref<1x80x128xf32, #tpu.memory_space<vmem>> -> memref<80x128xf32, #tpu.memory_space<vmem>>
        %dma_start3A_373 = arith.constant 0 : i32
        %dma_start3A_374 = tpu.memref_slice %arg5[%add3A_308, %run_scoped3A_310, %dma_start3A_373] : memref<25x2x80xi32, #tpu.memory_space<vmem>> -> memref<1x1x80xi32, #tpu.memory_space<vmem>>
        %dma_start3A_375 = tpu.memref_squeeze %dma_start3A_374 : memref<1x1x80xi32, #tpu.memory_space<vmem>> -> memref<80xi32, #tpu.memory_space<vmem>>
        %dma_start3A_376 = arith.constant 0 : i32
        %dma_start3A_377 = arith.constant 0 : i32
        %dma_start3A_378 = tpu.memref_slice %arg7[%dma_start3A_376, %dma_start3A_377] : memref<10240x128xf32, #tpu.memory_space<vmem_shared>> -> memref<10240x128xf32, #tpu.memory_space<vmem_shared>>
        tpu.enqueue_indirect_dma source(%dma_start3A_372 : memref<80x128xf32, #tpu.memory_space<vmem>>) target(%dma_start3A_378 : memref<10240x128xf32, #tpu.memory_space<vmem_shared>>) offsets(%dma_start3A_375 : memref<80xi32, #tpu.memory_space<vmem>>) semaphore(%run_scoped3A_368 : memref<!tpu.dma_semaphore, #tpu.memory_space<semaphore_mem>>) {add = true}
        %dma_wait3A_379 = arith.constant 0 : i32
        %dma_wait3A_380 = arith.constant 0 : i32
        %dma_wait3A_381 = tpu.memref_slice %arg6[%run_scoped3A_309, %dma_wait3A_379, %dma_wait3A_380] : memref<4x80x128xf32, #tpu.memory_space<vmem>> -> memref<1x80x128xf32, #tpu.memory_space<vmem>>
        %dma_wait3A_382 = tpu.memref_squeeze %dma_wait3A_381 : memref<1x80x128xf32, #tpu.memory_space<vmem>> -> memref<80x128xf32, #tpu.memory_space<vmem>>
        %dma_wait3A_383 = arith.constant 0 : i32
        %dma_wait3A_384 = tpu.memref_slice %arg5[%add3A_308, %run_scoped3A_310, %dma_wait3A_383] : memref<25x2x80xi32, #tpu.memory_space<vmem>> -> memref<1x1x80xi32, #tpu.memory_space<vmem>>
        %dma_wait3A_385 = tpu.memref_squeeze %dma_wait3A_384 : memref<1x1x80xi32, #tpu.memory_space<vmem>> -> memref<80xi32, #tpu.memory_space<vmem>>
        %dma_wait3A_386 = arith.constant 0 : i32
        %dma_wait3A_387 = arith.constant 0 : i32
        %dma_wait3A_388 = tpu.memref_slice %arg7[%dma_wait3A_386, %dma_wait3A_387] : memref<10240x128xf32, #tpu.memory_space<vmem_shared>> -> memref<10240x128xf32, #tpu.memory_space<vmem_shared>>
        tpu.wait_indirect_dma semaphore(%run_scoped3A_368 : memref<!tpu.dma_semaphore, #tpu.memory_space<semaphore_mem>>) src(%dma_wait3A_382 : memref<80x128xf32, #tpu.memory_space<vmem>>) dst(%dma_wait3A_388 : memref<10240x128xf32, #tpu.memory_space<vmem_shared>>)
        tpu.yield
      }) : () -> ()
      %dma_wait3A_311 = arith.constant 1 : i32
      %dma_wait3A_312 = arith.constant 0 : i32
      %dma_wait3A_313 = arith.constant 0 : i32
      %dma_wait3A_314 = tpu.memref_slice %arg6[%dma_wait3A_311, %dma_wait3A_312, %dma_wait3A_313] : memref<4x80x128xf32, #tpu.memory_space<vmem>> -> memref<1x80x128xf32, #tpu.memory_space<vmem>>
      %dma_wait3A_315 = tpu.memref_squeeze %dma_wait3A_314 : memref<1x80x128xf32, #tpu.memory_space<vmem>> -> memref<80x128xf32, #tpu.memory_space<vmem>>
      %dma_wait3A_316 = arith.constant 0 : i32
      %dma_wait3A_317 = arith.constant 0 : i32
      %dma_wait3A_318 = tpu.memref_slice %arg3[%dma_wait3A_316, %dma_wait3A_317] : memref<10000x128xf32, #tpu.memory_space<hbm>> -> memref<80x128xf32, #tpu.memory_space<hbm>>
      %dma_wait3A_319 = arith.constant 0 : i32
      %dma_wait3A_320 = arith.constant 0 : i32
      %dma_wait3A_321 = tpu.memref_slice %arg6[%dma_wait3A_311, %dma_wait3A_319, %dma_wait3A_320] : memref<4x80x128xf32, #tpu.memory_space<vmem>> -> memref<1x80x128xf32, #tpu.memory_space<vmem>>
      %dma_wait3A_322 = tpu.memref_squeeze %dma_wait3A_321 : memref<1x80x128xf32, #tpu.memory_space<vmem>> -> memref<80x128xf32, #tpu.memory_space<vmem>>
      %dma_wait3A_323 = arith.constant 0 : i32
      %dma_wait3A_324 = arith.constant 0 : i32
      %dma_wait3A_325 = tpu.memref_slice %arg3[%dma_wait3A_323, %dma_wait3A_324] : memref<10000x128xf32, #tpu.memory_space<hbm>> -> memref<80x128xf32, #tpu.memory_space<hbm>>
      tpu.wait_dma2 semaphore(%arg8 : memref<!tpu.dma_semaphore, #tpu.memory_space<semaphore_mem>>) src(%dma_wait3A_325 : memref<80x128xf32, #tpu.memory_space<hbm>>) dst(%dma_wait3A_322 : memref<80x128xf32, #tpu.memory_space<vmem>>)
      %add3A_326 = arith.constant 1 : i32
      %add3A_327 = arith.addi %mul3A_235, %add3A_326 : i32
      %run_scoped3A_328 = arith.constant 1 : i32
      %run_scoped3A_329 = arith.constant 1 : i32
      "tpu.region"() ({
        %run_scoped3A_368 = tpu.sem_alloc : memref<!tpu.dma_semaphore, #tpu.memory_space<semaphore_mem>>
        %dma_start3A_369 = arith.constant 0 : i32
        %dma_start3A_370 = arith.constant 0 : i32
        %dma_start3A_371 = tpu.memref_slice %arg6[%run_scoped3A_328, %dma_start3A_369, %dma_start3A_370] : memref<4x80x128xf32, #tpu.memory_space<vmem>> -> memref<1x80x128xf32, #tpu.memory_space<vmem>>
        %dma_start3A_372 = tpu.memref_squeeze %dma_start3A_371 : memref<1x80x128xf32, #tpu.memory_space<vmem>> -> memref<80x128xf32, #tpu.memory_space<vmem>>
        %dma_start3A_373 = arith.constant 0 : i32
        %dma_start3A_374 = tpu.memref_slice %arg5[%add3A_327, %run_scoped3A_329, %dma_start3A_373] : memref<25x2x80xi32, #tpu.memory_space<vmem>> -> memref<1x1x80xi32, #tpu.memory_space<vmem>>
        %dma_start3A_375 = tpu.memref_squeeze %dma_start3A_374 : memref<1x1x80xi32, #tpu.memory_space<vmem>> -> memref<80xi32, #tpu.memory_space<vmem>>
        %dma_start3A_376 = arith.constant 0 : i32
        %dma_start3A_377 = arith.constant 0 : i32
        %dma_start3A_378 = tpu.memref_slice %arg7[%dma_start3A_376, %dma_start3A_377] : memref<10240x128xf32, #tpu.memory_space<vmem_shared>> -> memref<10240x128xf32, #tpu.memory_space<vmem_shared>>
        tpu.enqueue_indirect_dma source(%dma_start3A_372 : memref<80x128xf32, #tpu.memory_space<vmem>>) target(%dma_start3A_378 : memref<10240x128xf32, #tpu.memory_space<vmem_shared>>) offsets(%dma_start3A_375 : memref<80xi32, #tpu.memory_space<vmem>>) semaphore(%run_scoped3A_368 : memref<!tpu.dma_semaphore, #tpu.memory_space<semaphore_mem>>) {add = true}
        %dma_wait3A_379 = arith.constant 0 : i32
        %dma_wait3A_380 = arith.constant 0 : i32
        %dma_wait3A_381 = tpu.memref_slice %arg6[%run_scoped3A_328, %dma_wait3A_379, %dma_wait3A_380] : memref<4x80x128xf32, #tpu.memory_space<vmem>> -> memref<1x80x128xf32, #tpu.memory_space<vmem>>
        %dma_wait3A_382 = tpu.memref_squeeze %dma_wait3A_381 : memref<1x80x128xf32, #tpu.memory_space<vmem>> -> memref<80x128xf32, #tpu.memory_space<vmem>>
        %dma_wait3A_383 = arith.constant 0 : i32
        %dma_wait3A_384 = tpu.memref_slice %arg5[%add3A_327, %run_scoped3A_329, %dma_wait3A_383] : memref<25x2x80xi32, #tpu.memory_space<vmem>> -> memref<1x1x80xi32, #tpu.memory_space<vmem>>
        %dma_wait3A_385 = tpu.memref_squeeze %dma_wait3A_384 : memref<1x1x80xi32, #tpu.memory_space<vmem>> -> memref<80xi32, #tpu.memory_space<vmem>>
        %dma_wait3A_386 = arith.constant 0 : i32
        %dma_wait3A_387 = arith.constant 0 : i32
        %dma_wait3A_388 = tpu.memref_slice %arg7[%dma_wait3A_386, %dma_wait3A_387] : memref<10240x128xf32, #tpu.memory_space<vmem_shared>> -> memref<10240x128xf32, #tpu.memory_space<vmem_shared>>
        tpu.wait_indirect_dma semaphore(%run_scoped3A_368 : memref<!tpu.dma_semaphore, #tpu.memory_space<semaphore_mem>>) src(%dma_wait3A_382 : memref<80x128xf32, #tpu.memory_space<vmem>>) dst(%dma_wait3A_388 : memref<10240x128xf32, #tpu.memory_space<vmem_shared>>)
        tpu.yield
      }) : () -> ()
      %dma_wait3A_330 = arith.constant 2 : i32
      %dma_wait3A_331 = arith.constant 0 : i32
      %dma_wait3A_332 = arith.constant 0 : i32
      %dma_wait3A_333 = tpu.memref_slice %arg6[%dma_wait3A_330, %dma_wait3A_331, %dma_wait3A_332] : memref<4x80x128xf32, #tpu.memory_space<vmem>> -> memref<1x80x128xf32, #tpu.memory_space<vmem>>
      %dma_wait3A_334 = tpu.memref_squeeze %dma_wait3A_333 : memref<1x80x128xf32, #tpu.memory_space<vmem>> -> memref<80x128xf32, #tpu.memory_space<vmem>>
      %dma_wait3A_335 = arith.constant 0 : i32
      %dma_wait3A_336 = arith.constant 0 : i32
      %dma_wait3A_337 = tpu.memref_slice %arg3[%dma_wait3A_335, %dma_wait3A_336] : memref<10000x128xf32, #tpu.memory_space<hbm>> -> memref<80x128xf32, #tpu.memory_space<hbm>>
      %dma_wait3A_338 = arith.constant 0 : i32
      %dma_wait3A_339 = arith.constant 0 : i32
      %dma_wait3A_340 = tpu.memref_slice %arg6[%dma_wait3A_330, %dma_wait3A_338, %dma_wait3A_339] : memref<4x80x128xf32, #tpu.memory_space<vmem>> -> memref<1x80x128xf32, #tpu.memory_space<vmem>>
      %dma_wait3A_341 = tpu.memref_squeeze %dma_wait3A_340 : memref<1x80x128xf32, #tpu.memory_space<vmem>> -> memref<80x128xf32, #tpu.memory_space<vmem>>
      %dma_wait3A_342 = arith.constant 0 : i32
      %dma_wait3A_343 = arith.constant 0 : i32
      %dma_wait3A_344 = tpu.memref_slice %arg3[%dma_wait3A_342, %dma_wait3A_343] : memref<10000x128xf32, #tpu.memory_space<hbm>> -> memref<80x128xf32, #tpu.memory_space<hbm>>
      tpu.wait_dma2 semaphore(%arg8 : memref<!tpu.dma_semaphore, #tpu.memory_space<semaphore_mem>>) src(%dma_wait3A_344 : memref<80x128xf32, #tpu.memory_space<hbm>>) dst(%dma_wait3A_341 : memref<80x128xf32, #tpu.memory_space<vmem>>)
      %add3A_345 = arith.constant 2 : i32
      %add3A_346 = arith.addi %mul3A_235, %add3A_345 : i32
      %run_scoped3A_347 = arith.constant 2 : i32
      %run_scoped3A_348 = arith.constant 1 : i32
      "tpu.region"() ({
        %run_scoped3A_368 = tpu.sem_alloc : memref<!tpu.dma_semaphore, #tpu.memory_space<semaphore_mem>>
        %dma_start3A_369 = arith.constant 0 : i32
        %dma_start3A_370 = arith.constant 0 : i32
        %dma_start3A_371 = tpu.memref_slice %arg6[%run_scoped3A_347, %dma_start3A_369, %dma_start3A_370] : memref<4x80x128xf32, #tpu.memory_space<vmem>> -> memref<1x80x128xf32, #tpu.memory_space<vmem>>
        %dma_start3A_372 = tpu.memref_squeeze %dma_start3A_371 : memref<1x80x128xf32, #tpu.memory_space<vmem>> -> memref<80x128xf32, #tpu.memory_space<vmem>>
        %dma_start3A_373 = arith.constant 0 : i32
        %dma_start3A_374 = tpu.memref_slice %arg5[%add3A_346, %run_scoped3A_348, %dma_start3A_373] : memref<25x2x80xi32, #tpu.memory_space<vmem>> -> memref<1x1x80xi32, #tpu.memory_space<vmem>>
        %dma_start3A_375 = tpu.memref_squeeze %dma_start3A_374 : memref<1x1x80xi32, #tpu.memory_space<vmem>> -> memref<80xi32, #tpu.memory_space<vmem>>
        %dma_start3A_376 = arith.constant 0 : i32
        %dma_start3A_377 = arith.constant 0 : i32
        %dma_start3A_378 = tpu.memref_slice %arg7[%dma_start3A_376, %dma_start3A_377] : memref<10240x128xf32, #tpu.memory_space<vmem_shared>> -> memref<10240x128xf32, #tpu.memory_space<vmem_shared>>
        tpu.enqueue_indirect_dma source(%dma_start3A_372 : memref<80x128xf32, #tpu.memory_space<vmem>>) target(%dma_start3A_378 : memref<10240x128xf32, #tpu.memory_space<vmem_shared>>) offsets(%dma_start3A_375 : memref<80xi32, #tpu.memory_space<vmem>>) semaphore(%run_scoped3A_368 : memref<!tpu.dma_semaphore, #tpu.memory_space<semaphore_mem>>) {add = true}
        %dma_wait3A_379 = arith.constant 0 : i32
        %dma_wait3A_380 = arith.constant 0 : i32
        %dma_wait3A_381 = tpu.memref_slice %arg6[%run_scoped3A_347, %dma_wait3A_379, %dma_wait3A_380] : memref<4x80x128xf32, #tpu.memory_space<vmem>> -> memref<1x80x128xf32, #tpu.memory_space<vmem>>
        %dma_wait3A_382 = tpu.memref_squeeze %dma_wait3A_381 : memref<1x80x128xf32, #tpu.memory_space<vmem>> -> memref<80x128xf32, #tpu.memory_space<vmem>>
        %dma_wait3A_383 = arith.constant 0 : i32
        %dma_wait3A_384 = tpu.memref_slice %arg5[%add3A_346, %run_scoped3A_348, %dma_wait3A_383] : memref<25x2x80xi32, #tpu.memory_space<vmem>> -> memref<1x1x80xi32, #tpu.memory_space<vmem>>
        %dma_wait3A_385 = tpu.memref_squeeze %dma_wait3A_384 : memref<1x1x80xi32, #tpu.memory_space<vmem>> -> memref<80xi32, #tpu.memory_space<vmem>>
        %dma_wait3A_386 = arith.constant 0 : i32
        %dma_wait3A_387 = arith.constant 0 : i32
        %dma_wait3A_388 = tpu.memref_slice %arg7[%dma_wait3A_386, %dma_wait3A_387] : memref<10240x128xf32, #tpu.memory_space<vmem_shared>> -> memref<10240x128xf32, #tpu.memory_space<vmem_shared>>
        tpu.wait_indirect_dma semaphore(%run_scoped3A_368 : memref<!tpu.dma_semaphore, #tpu.memory_space<semaphore_mem>>) src(%dma_wait3A_382 : memref<80x128xf32, #tpu.memory_space<vmem>>) dst(%dma_wait3A_388 : memref<10240x128xf32, #tpu.memory_space<vmem_shared>>)
        tpu.yield
      }) : () -> ()
      %dma_wait3A_349 = arith.constant 3 : i32
      %dma_wait3A_350 = arith.constant 0 : i32
      %dma_wait3A_351 = arith.constant 0 : i32
      %dma_wait3A_352 = tpu.memref_slice %arg6[%dma_wait3A_349, %dma_wait3A_350, %dma_wait3A_351] : memref<4x80x128xf32, #tpu.memory_space<vmem>> -> memref<1x80x128xf32, #tpu.memory_space<vmem>>
      %dma_wait3A_353 = tpu.memref_squeeze %dma_wait3A_352 : memref<1x80x128xf32, #tpu.memory_space<vmem>> -> memref<80x128xf32, #tpu.memory_space<vmem>>
      %dma_wait3A_354 = arith.constant 0 : i32
      %dma_wait3A_355 = arith.constant 0 : i32
      %dma_wait3A_356 = tpu.memref_slice %arg3[%dma_wait3A_354, %dma_wait3A_355] : memref<10000x128xf32, #tpu.memory_space<hbm>> -> memref<80x128xf32, #tpu.memory_space<hbm>>
      %dma_wait3A_357 = arith.constant 0 : i32
      %dma_wait3A_358 = arith.constant 0 : i32
      %dma_wait3A_359 = tpu.memref_slice %arg6[%dma_wait3A_349, %dma_wait3A_357, %dma_wait3A_358] : memref<4x80x128xf32, #tpu.memory_space<vmem>> -> memref<1x80x128xf32, #tpu.memory_space<vmem>>
      %dma_wait3A_360 = tpu.memref_squeeze %dma_wait3A_359 : memref<1x80x128xf32, #tpu.memory_space<vmem>> -> memref<80x128xf32, #tpu.memory_space<vmem>>
      %dma_wait3A_361 = arith.constant 0 : i32
      %dma_wait3A_362 = arith.constant 0 : i32
      %dma_wait3A_363 = tpu.memref_slice %arg3[%dma_wait3A_361, %dma_wait3A_362] : memref<10000x128xf32, #tpu.memory_space<hbm>> -> memref<80x128xf32, #tpu.memory_space<hbm>>
      tpu.wait_dma2 semaphore(%arg8 : memref<!tpu.dma_semaphore, #tpu.memory_space<semaphore_mem>>) src(%dma_wait3A_363 : memref<80x128xf32, #tpu.memory_space<hbm>>) dst(%dma_wait3A_360 : memref<80x128xf32, #tpu.memory_space<vmem>>)
      %add3A_364 = arith.constant 3 : i32
      %add3A_365 = arith.addi %mul3A_235, %add3A_364 : i32
      %run_scoped3A_366 = arith.constant 3 : i32
      %run_scoped3A_367 = arith.constant 1 : i32
      "tpu.region"() ({
        %run_scoped3A_368 = tpu.sem_alloc : memref<!tpu.dma_semaphore, #tpu.memory_space<semaphore_mem>>
        %dma_start3A_369 = arith.constant 0 : i32
        %dma_start3A_370 = arith.constant 0 : i32
        %dma_start3A_371 = tpu.memref_slice %arg6[%run_scoped3A_366, %dma_start3A_369, %dma_start3A_370] : memref<4x80x128xf32, #tpu.memory_space<vmem>> -> memref<1x80x128xf32, #tpu.memory_space<vmem>>
        %dma_start3A_372 = tpu.memref_squeeze %dma_start3A_371 : memref<1x80x128xf32, #tpu.memory_space<vmem>> -> memref<80x128xf32, #tpu.memory_space<vmem>>
        %dma_start3A_373 = arith.constant 0 : i32
        %dma_start3A_374 = tpu.memref_slice %arg5[%add3A_365, %run_scoped3A_367, %dma_start3A_373] : memref<25x2x80xi32, #tpu.memory_space<vmem>> -> memref<1x1x80xi32, #tpu.memory_space<vmem>>
        %dma_start3A_375 = tpu.memref_squeeze %dma_start3A_374 : memref<1x1x80xi32, #tpu.memory_space<vmem>> -> memref<80xi32, #tpu.memory_space<vmem>>
        %dma_start3A_376 = arith.constant 0 : i32
        %dma_start3A_377 = arith.constant 0 : i32
        %dma_start3A_378 = tpu.memref_slice %arg7[%dma_start3A_376, %dma_start3A_377] : memref<10240x128xf32, #tpu.memory_space<vmem_shared>> -> memref<10240x128xf32, #tpu.memory_space<vmem_shared>>
        tpu.enqueue_indirect_dma source(%dma_start3A_372 : memref<80x128xf32, #tpu.memory_space<vmem>>) target(%dma_start3A_378 : memref<10240x128xf32, #tpu.memory_space<vmem_shared>>) offsets(%dma_start3A_375 : memref<80xi32, #tpu.memory_space<vmem>>) semaphore(%run_scoped3A_368 : memref<!tpu.dma_semaphore, #tpu.memory_space<semaphore_mem>>) {add = true}
        %dma_wait3A_379 = arith.constant 0 : i32
        %dma_wait3A_380 = arith.constant 0 : i32
        %dma_wait3A_381 = tpu.memref_slice %arg6[%run_scoped3A_366, %dma_wait3A_379, %dma_wait3A_380] : memref<4x80x128xf32, #tpu.memory_space<vmem>> -> memref<1x80x128xf32, #tpu.memory_space<vmem>>
        %dma_wait3A_382 = tpu.memref_squeeze %dma_wait3A_381 : memref<1x80x128xf32, #tpu.memory_space<vmem>> -> memref<80x128xf32, #tpu.memory_space<vmem>>
        %dma_wait3A_383 = arith.constant 0 : i32
        %dma_wait3A_384 = tpu.memref_slice %arg5[%add3A_365, %run_scoped3A_367, %dma_wait3A_383] : memref<25x2x80xi32, #tpu.memory_space<vmem>> -> memref<1x1x80xi32, #tpu.memory_space<vmem>>
        %dma_wait3A_385 = tpu.memref_squeeze %dma_wait3A_384 : memref<1x1x80xi32, #tpu.memory_space<vmem>> -> memref<80xi32, #tpu.memory_space<vmem>>
        %dma_wait3A_386 = arith.constant 0 : i32
        %dma_wait3A_387 = arith.constant 0 : i32
        %dma_wait3A_388 = tpu.memref_slice %arg7[%dma_wait3A_386, %dma_wait3A_387] : memref<10240x128xf32, #tpu.memory_space<vmem_shared>> -> memref<10240x128xf32, #tpu.memory_space<vmem_shared>>
        tpu.wait_indirect_dma semaphore(%run_scoped3A_368 : memref<!tpu.dma_semaphore, #tpu.memory_space<semaphore_mem>>) src(%dma_wait3A_382 : memref<80x128xf32, #tpu.memory_space<vmem>>) dst(%dma_wait3A_388 : memref<10240x128xf32, #tpu.memory_space<vmem_shared>>)
        tpu.yield
      }) : () -> ()
    }
    %scan3A_196 = arith.constant 6 : i32
    %dma_start3A_197 = arith.constant 24 : i32
    %dma_start3A_198 = arith.constant 0 : i32
    %dma_start3A_199 = arith.constant 0 : i32
    %dma_start3A_200 = arith.constant 0 : i32
    %dma_start3A_201 = arith.constant 0 : i32
    %dma_start3A_202 = tpu.memref_slice %arg6[%dma_start3A_199, %dma_start3A_200, %dma_start3A_201] : memref<4x80x128xf32, #tpu.memory_space<vmem>> -> memref<1x80x128xf32, #tpu.memory_space<vmem>>
    %dma_start3A_203 = tpu.memref_squeeze %dma_start3A_202 : memref<1x80x128xf32, #tpu.memory_space<vmem>> -> memref<80x128xf32, #tpu.memory_space<vmem>>
    %dma_start3A_204 = arith.constant 0 : i32
    %dma_start3A_205 = tpu.memref_slice %arg5[%dma_start3A_197, %dma_start3A_198, %dma_start3A_204] : memref<25x2x80xi32, #tpu.memory_space<vmem>> -> memref<1x1x80xi32, #tpu.memory_space<vmem>>
    %dma_start3A_206 = tpu.memref_squeeze %dma_start3A_205 : memref<1x1x80xi32, #tpu.memory_space<vmem>> -> memref<80xi32, #tpu.memory_space<vmem>>
    %dma_start3A_207 = arith.constant 0 : i32
    %dma_start3A_208 = arith.constant 0 : i32
    %dma_start3A_209 = tpu.memref_slice %arg3[%dma_start3A_207, %dma_start3A_208] : memref<10000x128xf32, #tpu.memory_space<hbm>> -> memref<10000x128xf32, #tpu.memory_space<hbm>>
    tpu.enqueue_indirect_dma source(%dma_start3A_209 : memref<10000x128xf32, #tpu.memory_space<hbm>>) target(%dma_start3A_203 : memref<80x128xf32, #tpu.memory_space<vmem>>) offsets(%dma_start3A_206 : memref<80xi32, #tpu.memory_space<vmem>>) semaphore(%arg8 : memref<!tpu.dma_semaphore, #tpu.memory_space<semaphore_mem>>)
    %dma_wait3A_210 = arith.constant 0 : i32
    %dma_wait3A_211 = arith.constant 0 : i32
    %dma_wait3A_212 = arith.constant 0 : i32
    %dma_wait3A_213 = tpu.memref_slice %arg6[%dma_wait3A_210, %dma_wait3A_211, %dma_wait3A_212] : memref<4x80x128xf32, #tpu.memory_space<vmem>> -> memref<1x80x128xf32, #tpu.memory_space<vmem>>
    %dma_wait3A_214 = tpu.memref_squeeze %dma_wait3A_213 : memref<1x80x128xf32, #tpu.memory_space<vmem>> -> memref<80x128xf32, #tpu.memory_space<vmem>>
    %dma_wait3A_215 = arith.constant 0 : i32
    %dma_wait3A_216 = arith.constant 0 : i32
    %dma_wait3A_217 = tpu.memref_slice %arg3[%dma_wait3A_215, %dma_wait3A_216] : memref<10000x128xf32, #tpu.memory_space<hbm>> -> memref<80x128xf32, #tpu.memory_space<hbm>>
    %dma_wait3A_218 = arith.constant 0 : i32
    %dma_wait3A_219 = arith.constant 0 : i32
    %dma_wait3A_220 = tpu.memref_slice %arg6[%dma_wait3A_210, %dma_wait3A_218, %dma_wait3A_219] : memref<4x80x128xf32, #tpu.memory_space<vmem>> -> memref<1x80x128xf32, #tpu.memory_space<vmem>>
    %dma_wait3A_221 = tpu.memref_squeeze %dma_wait3A_220 : memref<1x80x128xf32, #tpu.memory_space<vmem>> -> memref<80x128xf32, #tpu.memory_space<vmem>>
    %dma_wait3A_222 = arith.constant 0 : i32
    %dma_wait3A_223 = arith.constant 0 : i32
    %dma_wait3A_224 = tpu.memref_slice %arg3[%dma_wait3A_222, %dma_wait3A_223] : memref<10000x128xf32, #tpu.memory_space<hbm>> -> memref<80x128xf32, #tpu.memory_space<hbm>>
    tpu.wait_dma2 semaphore(%arg8 : memref<!tpu.dma_semaphore, #tpu.memory_space<semaphore_mem>>) src(%dma_wait3A_224 : memref<80x128xf32, #tpu.memory_space<hbm>>) dst(%dma_wait3A_221 : memref<80x128xf32, #tpu.memory_space<vmem>>)
    %run_scoped3A_225 = arith.constant 0 : i32
    %run_scoped3A_226 = arith.constant 24 : i32
    %run_scoped3A_227 = arith.constant 1 : i32
    "tpu.region"() ({
      %run_scoped3A_233 = tpu.sem_alloc : memref<!tpu.dma_semaphore, #tpu.memory_space<semaphore_mem>>
      %dma_start3A_234 = arith.constant 0 : i32
      %dma_start3A_235 = arith.constant 0 : i32
      %dma_start3A_236 = tpu.memref_slice %arg6[%run_scoped3A_225, %dma_start3A_234, %dma_start3A_235] : memref<4x80x128xf32, #tpu.memory_space<vmem>> -> memref<1x80x128xf32, #tpu.memory_space<vmem>>
      %dma_start3A_237 = tpu.memref_squeeze %dma_start3A_236 : memref<1x80x128xf32, #tpu.memory_space<vmem>> -> memref<80x128xf32, #tpu.memory_space<vmem>>
      %dma_start3A_238 = arith.constant 0 : i32
      %dma_start3A_239 = tpu.memref_slice %arg5[%run_scoped3A_226, %run_scoped3A_227, %dma_start3A_238] : memref<25x2x80xi32, #tpu.memory_space<vmem>> -> memref<1x1x80xi32, #tpu.memory_space<vmem>>
      %dma_start3A_240 = tpu.memref_squeeze %dma_start3A_239 : memref<1x1x80xi32, #tpu.memory_space<vmem>> -> memref<80xi32, #tpu.memory_space<vmem>>
      %dma_start3A_241 = arith.constant 0 : i32
      %dma_start3A_242 = arith.constant 0 : i32
      %dma_start3A_243 = tpu.memref_slice %arg7[%dma_start3A_241, %dma_start3A_242] : memref<10240x128xf32, #tpu.memory_space<vmem_shared>> -> memref<10240x128xf32, #tpu.memory_space<vmem_shared>>
      tpu.enqueue_indirect_dma source(%dma_start3A_237 : memref<80x128xf32, #tpu.memory_space<vmem>>) target(%dma_start3A_243 : memref<10240x128xf32, #tpu.memory_space<vmem_shared>>) offsets(%dma_start3A_240 : memref<80xi32, #tpu.memory_space<vmem>>) semaphore(%run_scoped3A_233 : memref<!tpu.dma_semaphore, #tpu.memory_space<semaphore_mem>>) {add = true}
      %dma_wait3A_244 = arith.constant 0 : i32
      %dma_wait3A_245 = arith.constant 0 : i32
      %dma_wait3A_246 = tpu.memref_slice %arg6[%run_scoped3A_225, %dma_wait3A_244, %dma_wait3A_245] : memref<4x80x128xf32, #tpu.memory_space<vmem>> -> memref<1x80x128xf32, #tpu.memory_space<vmem>>
      %dma_wait3A_247 = tpu.memref_squeeze %dma_wait3A_246 : memref<1x80x128xf32, #tpu.memory_space<vmem>> -> memref<80x128xf32, #tpu.memory_space<vmem>>
      %dma_wait3A_248 = arith.constant 0 : i32
      %dma_wait3A_249 = tpu.memref_slice %arg5[%run_scoped3A_226, %run_scoped3A_227, %dma_wait3A_248] : memref<25x2x80xi32, #tpu.memory_space<vmem>> -> memref<1x1x80xi32, #tpu.memory_space<vmem>>
      %dma_wait3A_250 = tpu.memref_squeeze %dma_wait3A_249 : memref<1x1x80xi32, #tpu.memory_space<vmem>> -> memref<80xi32, #tpu.memory_space<vmem>>
      %dma_wait3A_251 = arith.constant 0 : i32
      %dma_wait3A_252 = arith.constant 0 : i32
      %dma_wait3A_253 = tpu.memref_slice %arg7[%dma_wait3A_251, %dma_wait3A_252] : memref<10240x128xf32, #tpu.memory_space<vmem_shared>> -> memref<10240x128xf32, #tpu.memory_space<vmem_shared>>
      tpu.wait_indirect_dma semaphore(%run_scoped3A_233 : memref<!tpu.dma_semaphore, #tpu.memory_space<semaphore_mem>>) src(%dma_wait3A_247 : memref<80x128xf32, #tpu.memory_space<vmem>>) dst(%dma_wait3A_253 : memref<10240x128xf32, #tpu.memory_space<vmem_shared>>)
      tpu.yield
    }) : () -> ()
    %barrier3A_228 = arith.constant 0 : index
    tpu.barrier barrier_id(%barrier3A_228)
    %mul3A_229 = arith.constant 640 : i32
    %mul3A_230 = arith.muli %arg1, %mul3A_229 : i32
    %mul3A_231 = arith.constant 640 : i32
    %mul3A_232 = arith.muli %arg1, %mul3A_231 : i32
    "tpu.region"() ({
      %run_scoped3A_233 = tpu.sem_alloc : memref<!tpu.dma_semaphore, #tpu.memory_space<semaphore_mem>>
      %dma_start3A_234 = arith.constant 0 : i32
      %dma_start3A_235 = tpu.memref_slice %arg4[%arg0, %mul3A_232, %dma_start3A_234] : memref<2x10240x128xf32, #tpu.memory_space<hbm>> -> memref<1x640x128xf32, #tpu.memory_space<hbm>>
      %dma_start3A_236 = tpu.memref_squeeze %dma_start3A_235 : memref<1x640x128xf32, #tpu.memory_space<hbm>> -> memref<640x128xf32, #tpu.memory_space<hbm>>
      %dma_start3A_237 = arith.constant 0 : i32
      %dma_start3A_238 = tpu.memref_slice %arg7[%mul3A_230, %dma_start3A_237] : memref<10240x128xf32, #tpu.memory_space<vmem_shared>> -> memref<640x128xf32, #tpu.memory_space<vmem_shared>>
      tpu.enqueue_dma source(%dma_start3A_238 : memref<640x128xf32, #tpu.memory_space<vmem_shared>>) target(%dma_start3A_236 : memref<640x128xf32, #tpu.memory_space<hbm>>) target_semaphore(%run_scoped3A_233 : memref<!tpu.dma_semaphore, #tpu.memory_space<semaphore_mem>>)
      %dma_wait3A_239 = arith.constant 0 : i32
      %dma_wait3A_240 = tpu.memref_slice %arg4[%arg0, %mul3A_232, %dma_wait3A_239] : memref<2x10240x128xf32, #tpu.memory_space<hbm>> -> memref<1x640x128xf32, #tpu.memory_space<hbm>>
      %dma_wait3A_241 = tpu.memref_squeeze %dma_wait3A_240 : memref<1x640x128xf32, #tpu.memory_space<hbm>> -> memref<640x128xf32, #tpu.memory_space<hbm>>
      %dma_wait3A_242 = arith.constant 0 : i32
      %dma_wait3A_243 = tpu.memref_slice %arg7[%mul3A_230, %dma_wait3A_242] : memref<10240x128xf32, #tpu.memory_space<vmem_shared>> -> memref<640x128xf32, #tpu.memory_space<vmem_shared>>
      tpu.wait_dma2 semaphore(%run_scoped3A_233 : memref<!tpu.dma_semaphore, #tpu.memory_space<semaphore_mem>>) src(%dma_wait3A_243 : memref<640x128xf32, #tpu.memory_space<vmem_shared>>) dst(%dma_wait3A_241 : memref<640x128xf32, #tpu.memory_space<hbm>>)
      tpu.yield
    }) : () -> ()
    return
  }
}

#map = affine_map<(d0, d1) -> (0, 0, 0, 0)>
#map1 = affine_map<(d0, d1) -> (0, 0, 0)>
module attributes {stable_mosaic.version = 14 : i64} {
  func.func @_deg_body(%arg0: i32, %arg1: i32, %arg2: memref<32x125x2x80xi32, #tpu.memory_space<hbm>>, %arg3: memref<2x1x10240xf32, #tpu.memory_space<hbm>>, %arg4: memref<125x2x80xi32, #tpu.memory_space<vmem>>, %arg5: memref<80xf32, #tpu.memory_space<vmem>>, %arg6: memref<640xf32, #tpu.memory_space<vmem>>, %arg7: memref<10240xf32, #tpu.memory_space<vmem_shared>>, %arg8: memref<!tpu.dma_semaphore, #tpu.memory_space<semaphore_mem>>) attributes {dimension_semantics = [#tpu.dimension_semantics<core_parallel>, #tpu.dimension_semantics<subcore_parallel>], iteration_bounds = array<i64: 2, 16>, scalar_prefetch = 0 : i64, scratch_operands = 5 : i64, tpu.core_type = #tpu.core_type<sc_vector_subcore>, window_params = [{transform_indices = #map}, {transform_indices = #map1}]} {
    %mul3A = arith.constant 2 : i32
    %mul3A_0 = arith.muli %arg1, %mul3A : i32
    %add3A = arith.addi %mul3A_0, %arg0 : i32
    "tpu.region"() ({
      %run_scoped3A_47 = tpu.sem_alloc : memref<!tpu.dma_semaphore, #tpu.memory_space<semaphore_mem>>
      %dma_start3A = arith.constant 0 : i32
      %dma_start3A_48 = arith.constant 0 : i32
      %dma_start3A_49 = arith.constant 0 : i32
      %dma_start3A_50 = tpu.memref_slice %arg2[%add3A, %dma_start3A, %dma_start3A_48, %dma_start3A_49] : memref<32x125x2x80xi32, #tpu.memory_space<hbm>> -> memref<1x125x2x80xi32, #tpu.memory_space<hbm>>
      %dma_start3A_51 = tpu.memref_squeeze %dma_start3A_50 : memref<1x125x2x80xi32, #tpu.memory_space<hbm>> -> memref<125x2x80xi32, #tpu.memory_space<hbm>>
      %dma_start3A_52 = arith.constant 0 : i32
      %dma_start3A_53 = arith.constant 0 : i32
      %dma_start3A_54 = arith.constant 0 : i32
      %dma_start3A_55 = tpu.memref_slice %arg2[%add3A, %dma_start3A_52, %dma_start3A_53, %dma_start3A_54] : memref<32x125x2x80xi32, #tpu.memory_space<hbm>> -> memref<1x125x2x80xi32, #tpu.memory_space<hbm>>
      %dma_start3A_56 = tpu.memref_squeeze %dma_start3A_55 : memref<1x125x2x80xi32, #tpu.memory_space<hbm>> -> memref<125x2x80xi32, #tpu.memory_space<hbm>>
      tpu.enqueue_dma source(%dma_start3A_56 : memref<125x2x80xi32, #tpu.memory_space<hbm>>) target(%arg4 : memref<125x2x80xi32, #tpu.memory_space<vmem>>) target_semaphore(%run_scoped3A_47 : memref<!tpu.dma_semaphore, #tpu.memory_space<semaphore_mem>>)
      %dma_wait3A = arith.constant 0 : i32
      %dma_wait3A_57 = arith.constant 0 : i32
      %dma_wait3A_58 = arith.constant 0 : i32
      %dma_wait3A_59 = tpu.memref_slice %arg2[%add3A, %dma_wait3A, %dma_wait3A_57, %dma_wait3A_58] : memref<32x125x2x80xi32, #tpu.memory_space<hbm>> -> memref<1x125x2x80xi32, #tpu.memory_space<hbm>>
      %dma_wait3A_60 = tpu.memref_squeeze %dma_wait3A_59 : memref<1x125x2x80xi32, #tpu.memory_space<hbm>> -> memref<125x2x80xi32, #tpu.memory_space<hbm>>
      %dma_wait3A_61 = arith.constant 0 : i32
      %dma_wait3A_62 = arith.constant 0 : i32
      %dma_wait3A_63 = arith.constant 0 : i32
      %dma_wait3A_64 = tpu.memref_slice %arg2[%add3A, %dma_wait3A_61, %dma_wait3A_62, %dma_wait3A_63] : memref<32x125x2x80xi32, #tpu.memory_space<hbm>> -> memref<1x125x2x80xi32, #tpu.memory_space<hbm>>
      %dma_wait3A_65 = tpu.memref_squeeze %dma_wait3A_64 : memref<1x125x2x80xi32, #tpu.memory_space<hbm>> -> memref<125x2x80xi32, #tpu.memory_space<hbm>>
      tpu.wait_dma2 semaphore(%run_scoped3A_47 : memref<!tpu.dma_semaphore, #tpu.memory_space<semaphore_mem>>) src(%dma_wait3A_65 : memref<125x2x80xi32, #tpu.memory_space<hbm>>) dst(%arg4 : memref<125x2x80xi32, #tpu.memory_space<vmem>>)
      tpu.yield
    }) : () -> ()
    %broadcast_in_dim3A = arith.constant 1.000000e+00 : f32
    %broadcast_in_dim3A_1 = vector.broadcast %broadcast_in_dim3A : f32 to vector<16xf32>
    %swap3A = arith.constant 0 : index
    %swap3A_2 = tpu.vector_load %arg5[%swap3A] {strides = array<i32>} : memref<80xf32, #tpu.memory_space<vmem>>, vector<16xf32>,
    %swap3A_3 = vector.shape_cast %swap3A_2 : vector<16xf32> to vector<16xf32>
    %swap3A_4 = vector.shape_cast %broadcast_in_dim3A_1 : vector<16xf32> to vector<16xf32>
    tpu.vector_store %arg5[%swap3A], %swap3A_4 {strides = array<i32>} : memref<80xf32, #tpu.memory_space<vmem>>, vector<16xf32>,
    %broadcast_in_dim3A_5 = arith.constant 1.000000e+00 : f32
    %broadcast_in_dim3A_6 = vector.broadcast %broadcast_in_dim3A_5 : f32 to vector<16xf32>
    %swap3A_7 = arith.constant 16 : index
    %swap3A_8 = tpu.vector_load %arg5[%swap3A_7] {strides = array<i32>} : memref<80xf32, #tpu.memory_space<vmem>>, vector<16xf32>,
    %swap3A_9 = vector.shape_cast %swap3A_8 : vector<16xf32> to vector<16xf32>
    %swap3A_10 = vector.shape_cast %broadcast_in_dim3A_6 : vector<16xf32> to vector<16xf32>
    tpu.vector_store %arg5[%swap3A_7], %swap3A_10 {strides = array<i32>} : memref<80xf32, #tpu.memory_space<vmem>>, vector<16xf32>,
    %broadcast_in_dim3A_11 = arith.constant 1.000000e+00 : f32
    %broadcast_in_dim3A_12 = vector.broadcast %broadcast_in_dim3A_11 : f32 to vector<16xf32>
    %swap3A_13 = arith.constant 32 : index
    %swap3A_14 = tpu.vector_load %arg5[%swap3A_13] {strides = array<i32>} : memref<80xf32, #tpu.memory_space<vmem>>, vector<16xf32>,
    %swap3A_15 = vector.shape_cast %swap3A_14 : vector<16xf32> to vector<16xf32>
    %swap3A_16 = vector.shape_cast %broadcast_in_dim3A_12 : vector<16xf32> to vector<16xf32>
    tpu.vector_store %arg5[%swap3A_13], %swap3A_16 {strides = array<i32>} : memref<80xf32, #tpu.memory_space<vmem>>, vector<16xf32>,
    %broadcast_in_dim3A_17 = arith.constant 1.000000e+00 : f32
    %broadcast_in_dim3A_18 = vector.broadcast %broadcast_in_dim3A_17 : f32 to vector<16xf32>
    %swap3A_19 = arith.constant 48 : index
    %swap3A_20 = tpu.vector_load %arg5[%swap3A_19] {strides = array<i32>} : memref<80xf32, #tpu.memory_space<vmem>>, vector<16xf32>,
    %swap3A_21 = vector.shape_cast %swap3A_20 : vector<16xf32> to vector<16xf32>
    %swap3A_22 = vector.shape_cast %broadcast_in_dim3A_18 : vector<16xf32> to vector<16xf32>
    tpu.vector_store %arg5[%swap3A_19], %swap3A_22 {strides = array<i32>} : memref<80xf32, #tpu.memory_space<vmem>>, vector<16xf32>,
    %broadcast_in_dim3A_23 = arith.constant 1.000000e+00 : f32
    %broadcast_in_dim3A_24 = vector.broadcast %broadcast_in_dim3A_23 : f32 to vector<16xf32>
    %swap3A_25 = arith.constant 64 : index
    %swap3A_26 = tpu.vector_load %arg5[%swap3A_25] {strides = array<i32>} : memref<80xf32, #tpu.memory_space<vmem>>, vector<16xf32>,
    %swap3A_27 = vector.shape_cast %swap3A_26 : vector<16xf32> to vector<16xf32>
    %swap3A_28 = vector.shape_cast %broadcast_in_dim3A_24 : vector<16xf32> to vector<16xf32>
    tpu.vector_store %arg5[%swap3A_25], %swap3A_28 {strides = array<i32>} : memref<80xf32, #tpu.memory_space<vmem>>, vector<16xf32>,
    %scan3A = arith.constant 0 : i32
    %scan3A_29 = arith.constant 0 : i32
    %scan3A_30 = arith.constant 40 : i32
    %scan3A_31 = arith.addi %scan3A_29, %scan3A_30 : i32
    %scan3A_32 = arith.constant 1 : i32
    scf.for %scan3A_47 = %scan3A_29 to %scan3A_31 step %scan3A_32  : i32 {
      %broadcast_in_dim3A_48 = arith.constant 0.000000e+00 : f32
      %broadcast_in_dim3A_49 = vector.broadcast %broadcast_in_dim3A_48 : f32 to vector<16xf32>
      %mul3A_50 = arith.constant 16 : i32
      %mul3A_51 = arith.muli %scan3A_47, %mul3A_50 : i32
      %swap3A_52 = arith.index_cast %mul3A_51 : i32 to index
      %swap3A_53 = tpu.vector_load %arg6[%swap3A_52] {strides = array<i32>} : memref<640xf32, #tpu.memory_space<vmem>>, vector<16xf32>,
      %swap3A_54 = vector.shape_cast %swap3A_53 : vector<16xf32> to vector<16xf32>
      %swap3A_55 = vector.shape_cast %broadcast_in_dim3A_49 : vector<16xf32> to vector<16xf32>
      tpu.vector_store %arg6[%swap3A_52], %swap3A_55 {strides = array<i32>} : memref<640xf32, #tpu.memory_space<vmem>>, vector<16xf32>,
    }
    %scan3A_33 = arith.constant 40 : i32
    %mul3A_34 = arith.constant 640 : i32
    %mul3A_35 = arith.muli %arg1, %mul3A_34 : i32
    "tpu.region"() ({
      %run_scoped3A_47 = tpu.sem_alloc : memref<!tpu.dma_semaphore, #tpu.memory_space<semaphore_mem>>
      %dma_start3A = tpu.memref_slice %arg7[%mul3A_35] : memref<10240xf32, #tpu.memory_space<vmem_shared>> -> memref<640xf32, #tpu.memory_space<vmem_shared>>
      %dma_start3A_48 = tpu.memref_slice %arg7[%mul3A_35] : memref<10240xf32, #tpu.memory_space<vmem_shared>> -> memref<640xf32, #tpu.memory_space<vmem_shared>>
      tpu.enqueue_dma source(%arg6 : memref<640xf32, #tpu.memory_space<vmem>>) target(%dma_start3A_48 : memref<640xf32, #tpu.memory_space<vmem_shared>>) target_semaphore(%run_scoped3A_47 : memref<!tpu.dma_semaphore, #tpu.memory_space<semaphore_mem>>)
      %dma_wait3A = tpu.memref_slice %arg7[%mul3A_35] : memref<10240xf32, #tpu.memory_space<vmem_shared>> -> memref<640xf32, #tpu.memory_space<vmem_shared>>
      %dma_wait3A_49 = tpu.memref_slice %arg7[%mul3A_35] : memref<10240xf32, #tpu.memory_space<vmem_shared>> -> memref<640xf32, #tpu.memory_space<vmem_shared>>
      tpu.wait_dma2 semaphore(%run_scoped3A_47 : memref<!tpu.dma_semaphore, #tpu.memory_space<semaphore_mem>>) src(%arg6 : memref<640xf32, #tpu.memory_space<vmem>>) dst(%dma_wait3A_49 : memref<640xf32, #tpu.memory_space<vmem_shared>>)
      tpu.yield
    }) : () -> ()
    %barrier3A = arith.constant 0 : index
    tpu.barrier barrier_id(%barrier3A)
    %scan3A_36 = arith.constant 0 : i32
    %scan3A_37 = arith.constant 0 : i32
    %scan3A_38 = arith.constant 125 : i32
    %scan3A_39 = arith.addi %scan3A_37, %scan3A_38 : i32
    %scan3A_40 = arith.constant 1 : i32
    scf.for %scan3A_47 = %scan3A_37 to %scan3A_39 step %scan3A_40  : i32 {
      %run_scoped3A_48 = arith.constant 1 : i32
      "tpu.region"() ({
        %run_scoped3A_49 = tpu.sem_alloc : memref<!tpu.dma_semaphore, #tpu.memory_space<semaphore_mem>>
        %dma_start3A = arith.constant 0 : i32
        %dma_start3A_50 = tpu.memref_slice %arg4[%scan3A_47, %run_scoped3A_48, %dma_start3A] : memref<125x2x80xi32, #tpu.memory_space<vmem>> -> memref<1x1x80xi32, #tpu.memory_space<vmem>>
        %dma_start3A_51 = tpu.memref_squeeze %dma_start3A_50 : memref<1x1x80xi32, #tpu.memory_space<vmem>> -> memref<80xi32, #tpu.memory_space<vmem>>
        %dma_start3A_52 = arith.constant 0 : i32
        %dma_start3A_53 = tpu.memref_slice %arg7[%dma_start3A_52] : memref<10240xf32, #tpu.memory_space<vmem_shared>> -> memref<10240xf32, #tpu.memory_space<vmem_shared>>
        tpu.enqueue_indirect_dma source(%arg5 : memref<80xf32, #tpu.memory_space<vmem>>) target(%dma_start3A_53 : memref<10240xf32, #tpu.memory_space<vmem_shared>>) offsets(%dma_start3A_51 : memref<80xi32, #tpu.memory_space<vmem>>) semaphore(%run_scoped3A_49 : memref<!tpu.dma_semaphore, #tpu.memory_space<semaphore_mem>>) {add = true}
        %dma_wait3A = arith.constant 0 : i32
        %dma_wait3A_54 = tpu.memref_slice %arg4[%scan3A_47, %run_scoped3A_48, %dma_wait3A] : memref<125x2x80xi32, #tpu.memory_space<vmem>> -> memref<1x1x80xi32, #tpu.memory_space<vmem>>
        %dma_wait3A_55 = tpu.memref_squeeze %dma_wait3A_54 : memref<1x1x80xi32, #tpu.memory_space<vmem>> -> memref<80xi32, #tpu.memory_space<vmem>>
        %dma_wait3A_56 = arith.constant 0 : i32
        %dma_wait3A_57 = tpu.memref_slice %arg7[%dma_wait3A_56] : memref<10240xf32, #tpu.memory_space<vmem_shared>> -> memref<10240xf32, #tpu.memory_space<vmem_shared>>
        tpu.wait_indirect_dma semaphore(%run_scoped3A_49 : memref<!tpu.dma_semaphore, #tpu.memory_space<semaphore_mem>>) src(%arg5 : memref<80xf32, #tpu.memory_space<vmem>>) dst(%dma_wait3A_57 : memref<10240xf32, #tpu.memory_space<vmem_shared>>)
        tpu.yield
      }) : () -> ()
    }
    %scan3A_41 = arith.constant 125 : i32
    %barrier3A_42 = arith.constant 0 : index
    tpu.barrier barrier_id(%barrier3A_42)
    %mul3A_43 = arith.constant 640 : i32
    %mul3A_44 = arith.muli %arg1, %mul3A_43 : i32
    %mul3A_45 = arith.constant 640 : i32
    %mul3A_46 = arith.muli %arg1, %mul3A_45 : i32
    %run_scoped3A = arith.constant 0 : i32
    "tpu.region"() ({
      %run_scoped3A_47 = tpu.sem_alloc : memref<!tpu.dma_semaphore, #tpu.memory_space<semaphore_mem>>
      %dma_start3A = tpu.memref_slice %arg3[%arg0, %run_scoped3A, %mul3A_46] : memref<2x1x10240xf32, #tpu.memory_space<hbm>> -> memref<1x1x640xf32, #tpu.memory_space<hbm>>
      %dma_start3A_48 = tpu.memref_squeeze %dma_start3A : memref<1x1x640xf32, #tpu.memory_space<hbm>> -> memref<640xf32, #tpu.memory_space<hbm>>
      %dma_start3A_49 = tpu.memref_slice %arg7[%mul3A_44] : memref<10240xf32, #tpu.memory_space<vmem_shared>> -> memref<640xf32, #tpu.memory_space<vmem_shared>>
      tpu.enqueue_dma source(%dma_start3A_49 : memref<640xf32, #tpu.memory_space<vmem_shared>>) target(%dma_start3A_48 : memref<640xf32, #tpu.memory_space<hbm>>) target_semaphore(%run_scoped3A_47 : memref<!tpu.dma_semaphore, #tpu.memory_space<semaphore_mem>>)
      %dma_wait3A = tpu.memref_slice %arg3[%arg0, %run_scoped3A, %mul3A_46] : memref<2x1x10240xf32, #tpu.memory_space<hbm>> -> memref<1x1x640xf32, #tpu.memory_space<hbm>>
      %dma_wait3A_50 = tpu.memref_squeeze %dma_wait3A : memref<1x1x640xf32, #tpu.memory_space<hbm>> -> memref<640xf32, #tpu.memory_space<hbm>>
      %dma_wait3A_51 = tpu.memref_slice %arg7[%mul3A_44] : memref<10240xf32, #tpu.memory_space<vmem_shared>> -> memref<640xf32, #tpu.memory_space<vmem_shared>>
      tpu.wait_dma2 semaphore(%run_scoped3A_47 : memref<!tpu.dma_semaphore, #tpu.memory_space<semaphore_mem>>) src(%dma_wait3A_51 : memref<640xf32, #tpu.memory_space<vmem_shared>>) dst(%dma_wait3A_50 : memref<640xf32, #tpu.memory_space<hbm>>)
      tpu.yield
    }) : () -> ()
    return
  }
}

module attributes {stable_mosaic.version = 14 : i64} {
  func.func @_prep1_body(%arg0: i32, %arg1: memref<1000x128xf32, #tpu.memory_space<vmem>>, %arg2: memref<128x128xf32, #tpu.memory_space<vmem>>, %arg3: memref<128xf32, #tpu.memory_space<vmem>>, %arg4: memref<128xf32, #tpu.memory_space<vmem>>, %arg5: memref<1000x128xf32, #tpu.memory_space<vmem>>) attributes {dimension_semantics = [#tpu.dimension_semantics<arbitrary>], iteration_bounds = array<i64: 10>, scalar_prefetch = 0 : i64, scratch_operands = 0 : i64, tpu.core_type = #tpu.core_type<tc>, window_params = [{transform_indices = @transform_0, window_bounds = array<i64: 1000, 128>}, {pipeline_mode = #tpu.pipeline_mode<synchronous>, transform_indices = @transform_1, window_bounds = array<i64: 128, 128>}, {pipeline_mode = #tpu.pipeline_mode<synchronous>, transform_indices = @transform_2, window_bounds = array<i64: 128>}, {pipeline_mode = #tpu.pipeline_mode<synchronous>, transform_indices = @transform_3, window_bounds = array<i64: 128>}, {transform_indices = @transform_4, window_bounds = array<i64: 1000, 128>}]} {
    %get3A = arith.constant 0 : index
    %get3A_0 = arith.constant 0 : index
    %get3A_1 = vector.load %arg1[%get3A, %get3A_0] : memref<1000x128xf32, #tpu.memory_space<vmem>>, vector<1000x128xf32>
    %reduce_sum3A = arith.constant dense<0.000000e+00> : vector<1000xf32>
    %reduce_sum3A_2 = vector.multi_reduction <add>, %get3A_1, %reduce_sum3A [1] : vector<1000x128xf32> to vector<1000xf32>
    %broadcast_in_dim3A = vector.shape_cast %reduce_sum3A_2 : vector<1000xf32> to vector<1000x1xf32>
    %div3A = arith.constant 1.280000e+02 : f32
    %div3A_3 = vector.broadcast %div3A : f32 to vector<1000x1xf32>
    %div3A_4 = arith.divf %broadcast_in_dim3A, %div3A_3 : vector<1000x1xf32>
    %mul3A = arith.mulf %get3A_1, %get3A_1 : vector<1000x128xf32>
    %reduce_sum3A_5 = arith.constant dense<0.000000e+00> : vector<1000xf32>
    %reduce_sum3A_6 = vector.multi_reduction <add>, %mul3A, %reduce_sum3A_5 [1] : vector<1000x128xf32> to vector<1000xf32>
    %broadcast_in_dim3A_7 = vector.shape_cast %reduce_sum3A_6 : vector<1000xf32> to vector<1000x1xf32>
    %div3A_8 = arith.constant 1.280000e+02 : f32
    %div3A_9 = vector.broadcast %div3A_8 : f32 to vector<1000x1xf32>
    %div3A_10 = arith.divf %broadcast_in_dim3A_7, %div3A_9 : vector<1000x1xf32>
    %mul3A_11 = arith.mulf %div3A_4, %div3A_4 : vector<1000x1xf32>
    %sub3A = arith.subf %div3A_10, %mul3A_11 : vector<1000x1xf32>
    %sub3A_12 = vector.broadcast %div3A_4 : vector<1000x1xf32> to vector<1000x128xf32>
    %sub3A_13 = arith.subf %get3A_1, %sub3A_12 : vector<1000x128xf32>
    %add3A = arith.constant 9.99999974E-6 : f32
    %add3A_14 = vector.broadcast %add3A : f32 to vector<1000x1xf32>
    %add3A_15 = arith.addf %sub3A, %add3A_14 : vector<1000x1xf32>
    %rsqrt3A = math.rsqrt %add3A_15 : vector<1000x1xf32>
    %mul3A_16 = vector.broadcast %rsqrt3A : vector<1000x1xf32> to vector<1000x128xf32>
    %mul3A_17 = arith.mulf %sub3A_13, %mul3A_16 : vector<1000x128xf32>
    %get3A_18 = arith.constant 0 : index
    %get3A_19 = vector.load %arg3[%get3A_18] : memref<128xf32, #tpu.memory_space<vmem>>, vector<128xf32>
    %broadcast_in_dim3A_20 = vector.shape_cast %get3A_19 : vector<128xf32> to vector<1x128xf32>
    %mul3A_21 = vector.broadcast %broadcast_in_dim3A_20 : vector<1x128xf32> to vector<1000x128xf32>
    %mul3A_22 = arith.mulf %mul3A_17, %mul3A_21 : vector<1000x128xf32>
    %get3A_23 = arith.constant 0 : index
    %get3A_24 = vector.load %arg4[%get3A_23] : memref<128xf32, #tpu.memory_space<vmem>>, vector<128xf32>
    %broadcast_in_dim3A_25 = vector.shape_cast %get3A_24 : vector<128xf32> to vector<1x128xf32>
    %add3A_26 = vector.broadcast %broadcast_in_dim3A_25 : vector<1x128xf32> to vector<1000x128xf32>
    %add3A_27 = arith.addf %mul3A_22, %add3A_26 : vector<1000x128xf32>
    %get3A_28 = arith.constant 0 : index
    %get3A_29 = arith.constant 0 : index
    %get3A_30 = vector.load %arg2[%get3A_28, %get3A_29] : memref<128x128xf32, #tpu.memory_space<vmem>>, vector<128x128xf32>
    %dot_general3A = arith.constant dense<0.000000e+00> : vector<1000x128xf32>
    %dot_general3A_31 = tpu.matmul %add3A_27, %get3A_30, %dot_general3A {dimension_numbers = #tpu.dot_dimension_numbers<[1], [0], [0], [1], [0, 0, 1, 1], [], []>, transpose_lhs_hint = false} : vector<1000x128xf32>, vector<128x128xf32>, vector<1000x128xf32> -> vector<1000x128xf32>
    %swap3A = arith.constant 0 : index
    %swap3A_32 = arith.constant 0 : index
    %swap3A_33 = vector.load %arg5[%swap3A, %swap3A_32] : memref<1000x128xf32, #tpu.memory_space<vmem>>, vector<1000x128xf32>
    tpu.vector_store %arg5[%swap3A, %swap3A_32], %dot_general3A_31 {strides = array<i32>} : memref<1000x128xf32, #tpu.memory_space<vmem>>, vector<1000x128xf32>,
    return
  }
  func.func @transform_0(%arg0: i32) -> (i32, i32) {
    %c0_i32 = arith.constant 0 : i32
    %c0_i32_0 = arith.constant 0 : i32
    return %arg0, %c0_i32 : i32, i32
  }
  func.func @transform_1(%arg0: i32) -> (i32, i32) {
    %c0_i32 = arith.constant 0 : i32
    %c0_i32_0 = arith.constant 0 : i32
    %c0_i32_1 = arith.constant 0 : i32
    return %c0_i32, %c0_i32_0 : i32, i32
  }
  func.func @transform_2(%arg0: i32) -> i32 {
    %c0_i32 = arith.constant 0 : i32
    %c0_i32_0 = arith.constant 0 : i32
    return %c0_i32 : i32
  }
  func.func @transform_3(%arg0: i32) -> i32 {
    %c0_i32 = arith.constant 0 : i32
    %c0_i32_0 = arith.constant 0 : i32
    return %c0_i32 : i32
  }
  func.func @transform_4(%arg0: i32) -> (i32, i32) {
    %c0_i32 = arith.constant 0 : i32
    %c0_i32_0 = arith.constant 0 : i32
    return %arg0, %c0_i32 : i32, i32
  }
}

module attributes {stable_mosaic.version = 14 : i64} {
  func.func @_prep2_body(%arg0: i32, %arg1: memref<1000x128xf32, #tpu.memory_space<vmem>>, %arg2: memref<1000x2xf32, #tpu.memory_space<vmem>>, %arg3: memref<1000x128xf32, #tpu.memory_space<vmem>>) attributes {dimension_semantics = [#tpu.dimension_semantics<arbitrary>], iteration_bounds = array<i64: 10>, scalar_prefetch = 0 : i64, scratch_operands = 0 : i64, tpu.core_type = #tpu.core_type<tc>, window_params = [{transform_indices = @transform_0, window_bounds = array<i64: 1000, 128>}, {transform_indices = @transform_1, window_bounds = array<i64: 1000, 2>}, {transform_indices = @transform_2, window_bounds = array<i64: 1000, 128>}]} {
    %get3A = arith.constant 0 : index
    %get3A_0 = arith.constant 0 : index
    %get3A_1 = vector.load %arg2[%get3A, %get3A_0] : memref<1000x2xf32, #tpu.memory_space<vmem>>, vector<1000x2xf32>
    %reduce_sum3A = arith.constant dense<0.000000e+00> : vector<1000xf32>
    %reduce_sum3A_2 = vector.multi_reduction <add>, %get3A_1, %reduce_sum3A [1] : vector<1000x2xf32> to vector<1000xf32>
    %broadcast_in_dim3A = vector.shape_cast %reduce_sum3A_2 : vector<1000xf32> to vector<1000x1xf32>
    %add3A = arith.constant 1.000000e+00 : f32
    %add3A_3 = vector.broadcast %add3A : f32 to vector<1000x1xf32>
    %add3A_4 = arith.addf %broadcast_in_dim3A, %add3A_3 : vector<1000x1xf32>
    %get3A_5 = arith.constant 0 : index
    %get3A_6 = arith.constant 0 : index
    %get3A_7 = vector.load %arg1[%get3A_5, %get3A_6] : memref<1000x128xf32, #tpu.memory_space<vmem>>, vector<1000x128xf32>
    %rsqrt3A = math.rsqrt %add3A_4 : vector<1000x1xf32>
    %mul3A = vector.broadcast %rsqrt3A : vector<1000x1xf32> to vector<1000x128xf32>
    %mul3A_8 = arith.mulf %get3A_7, %mul3A : vector<1000x128xf32>
    %swap3A = arith.constant 0 : index
    %swap3A_9 = arith.constant 0 : index
    %swap3A_10 = vector.load %arg3[%swap3A, %swap3A_9] : memref<1000x128xf32, #tpu.memory_space<vmem>>, vector<1000x128xf32>
    tpu.vector_store %arg3[%swap3A, %swap3A_9], %mul3A_8 {strides = array<i32>} : memref<1000x128xf32, #tpu.memory_space<vmem>>, vector<1000x128xf32>,
    return
  }
  func.func @transform_0(%arg0: i32) -> (i32, i32) {
    %c0_i32 = arith.constant 0 : i32
    %c0_i32_0 = arith.constant 0 : i32
    return %arg0, %c0_i32 : i32, i32
  }
  func.func @transform_1(%arg0: i32) -> (i32, i32) {
    %c0_i32 = arith.constant 0 : i32
    %c0_i32_0 = arith.constant 0 : i32
    return %arg0, %c0_i32 : i32, i32
  }
  func.func @transform_2(%arg0: i32) -> (i32, i32) {
    %c0_i32 = arith.constant 0 : i32
    %c0_i32_0 = arith.constant 0 : i32
    return %arg0, %c0_i32 : i32, i32
  }
}

module attributes {stable_mosaic.version = 14 : i64} {
  func.func @_final_body(%arg0: i32, %arg1: memref<1000x128xf32, #tpu.memory_space<vmem>>, %arg2: memref<1000x128xf32, #tpu.memory_space<vmem>>, %arg3: memref<2x1000x128xf32, #tpu.memory_space<vmem>>, %arg4: memref<1000x2xf32, #tpu.memory_space<vmem>>, %arg5: memref<128xf32, #tpu.memory_space<vmem>>, %arg6: memref<1000x128xf32, #tpu.memory_space<vmem>>) attributes {dimension_semantics = [#tpu.dimension_semantics<arbitrary>], iteration_bounds = array<i64: 10>, scalar_prefetch = 0 : i64, scratch_operands = 0 : i64, tpu.core_type = #tpu.core_type<tc>, window_params = [{transform_indices = @transform_0, window_bounds = array<i64: 1000, 128>}, {transform_indices = @transform_1, window_bounds = array<i64: 1000, 128>}, {transform_indices = @transform_2, window_bounds = array<i64: 2, 1000, 128>}, {transform_indices = @transform_3, window_bounds = array<i64: 1000, 2>}, {pipeline_mode = #tpu.pipeline_mode<synchronous>, transform_indices = @transform_4, window_bounds = array<i64: 128>}, {transform_indices = @transform_5, window_bounds = array<i64: 1000, 128>}]} {
    %get3A = arith.constant 0 : index
    %get3A_0 = arith.constant 0 : index
    %get3A_1 = arith.constant 0 : index
    %get3A_2 = vector.load %arg3[%get3A, %get3A_0, %get3A_1] : memref<2x1000x128xf32, #tpu.memory_space<vmem>>, vector<1x1000x128xf32>
    %get3A_3 = vector.shape_cast %get3A_2 : vector<1x1000x128xf32> to vector<1000x128xf32>
    %get3A_4 = arith.constant 1 : index
    %get3A_5 = arith.constant 0 : index
    %get3A_6 = arith.constant 0 : index
    %get3A_7 = vector.load %arg3[%get3A_4, %get3A_5, %get3A_6] : memref<2x1000x128xf32, #tpu.memory_space<vmem>>, vector<1x1000x128xf32>
    %get3A_8 = vector.shape_cast %get3A_7 : vector<1x1000x128xf32> to vector<1000x128xf32>
    %add3A = arith.addf %get3A_3, %get3A_8 : vector<1000x128xf32>
    %get3A_9 = arith.constant 0 : index
    %get3A_10 = arith.constant 0 : index
    %get3A_11 = vector.load %arg2[%get3A_9, %get3A_10] : memref<1000x128xf32, #tpu.memory_space<vmem>>, vector<1000x128xf32>
    %add3A_12 = arith.addf %add3A, %get3A_11 : vector<1000x128xf32>
    %get3A_13 = arith.constant 0 : index
    %get3A_14 = arith.constant 0 : index
    %get3A_15 = vector.load %arg4[%get3A_13, %get3A_14] : memref<1000x2xf32, #tpu.memory_space<vmem>>, vector<1000x2xf32>
    %reduce_sum3A = arith.constant dense<0.000000e+00> : vector<1000xf32>
    %reduce_sum3A_16 = vector.multi_reduction <add>, %get3A_15, %reduce_sum3A [1] : vector<1000x2xf32> to vector<1000xf32>
    %broadcast_in_dim3A = vector.shape_cast %reduce_sum3A_16 : vector<1000xf32> to vector<1000x1xf32>
    %add3A_17 = arith.constant 1.000000e+00 : f32
    %add3A_18 = vector.broadcast %add3A_17 : f32 to vector<1000x1xf32>
    %add3A_19 = arith.addf %broadcast_in_dim3A, %add3A_18 : vector<1000x1xf32>
    %rsqrt3A = math.rsqrt %add3A_19 : vector<1000x1xf32>
    %mul3A = vector.broadcast %rsqrt3A : vector<1000x1xf32> to vector<1000x128xf32>
    %mul3A_20 = arith.mulf %add3A_12, %mul3A : vector<1000x128xf32>
    %get3A_21 = arith.constant 0 : index
    %get3A_22 = arith.constant 0 : index
    %get3A_23 = vector.load %arg1[%get3A_21, %get3A_22] : memref<1000x128xf32, #tpu.memory_space<vmem>>, vector<1000x128xf32>
    %get3A_24 = arith.constant 0 : index
    %get3A_25 = vector.load %arg5[%get3A_24] : memref<128xf32, #tpu.memory_space<vmem>>, vector<128xf32>
    %broadcast_in_dim3A_26 = vector.shape_cast %get3A_25 : vector<128xf32> to vector<1x128xf32>
    %add3A_27 = vector.broadcast %broadcast_in_dim3A_26 : vector<1x128xf32> to vector<1000x128xf32>
    %add3A_28 = arith.addf %mul3A_20, %add3A_27 : vector<1000x128xf32>
    %max3A = arith.constant 0.000000e+00 : f32
    %max3A_29 = vector.broadcast %max3A : f32 to vector<1000x128xf32>
    %max3A_30 = arith.maximumf %add3A_28, %max3A_29 : vector<1000x128xf32>
    %add3A_31 = arith.addf %get3A_23, %max3A_30 : vector<1000x128xf32>
    %swap3A = arith.constant 0 : index
    %swap3A_32 = arith.constant 0 : index
    %swap3A_33 = vector.load %arg6[%swap3A, %swap3A_32] : memref<1000x128xf32, #tpu.memory_space<vmem>>, vector<1000x128xf32>
    tpu.vector_store %arg6[%swap3A, %swap3A_32], %add3A_31 {strides = array<i32>} : memref<1000x128xf32, #tpu.memory_space<vmem>>, vector<1000x128xf32>,
    return
  }
  func.func @transform_0(%arg0: i32) -> (i32, i32) {
    %c0_i32 = arith.constant 0 : i32
    %c0_i32_0 = arith.constant 0 : i32
    return %arg0, %c0_i32 : i32, i32
  }
  func.func @transform_1(%arg0: i32) -> (i32, i32) {
    %c0_i32 = arith.constant 0 : i32
    %c0_i32_0 = arith.constant 0 : i32
    return %arg0, %c0_i32 : i32, i32
  }
  func.func @transform_2(%arg0: i32) -> (i32, i32, i32) {
    %c0_i32 = arith.constant 0 : i32
    %c0_i32_0 = arith.constant 0 : i32
    %c0_i32_1 = arith.constant 0 : i32
    return %c0_i32, %arg0, %c0_i32_0 : i32, i32, i32
  }
  func.func @transform_3(%arg0: i32) -> (i32, i32) {
    %c0_i32 = arith.constant 0 : i32
    %c0_i32_0 = arith.constant 0 : i32
    return %arg0, %c0_i32 : i32, i32
  }
  func.func @transform_4(%arg0: i32) -> i32 {
    %c0_i32 = arith.constant 0 : i32
    %c0_i32_0 = arith.constant 0 : i32
    return %c0_i32 : i32
  }
  func.func @transform_5(%arg0: i32) -> (i32, i32) {
    %c0_i32 = arith.constant 0 : i32
    %c0_i32_0 = arith.constant 0 : i32
    return %arg0, %c0_i32 : i32, i32
  }
}

</mosaic_0001>

<sc_bundles>
// kernel: kernel.10.cloned.1.call-start
scs
__scs_entry_jumppad:
0x0: {  	(pc) =	sbr.rel $0x88, $3  }
0x1: {  	(tag) =	ssettag $0x0;
	lr =	simm.s32 $0x1  }
0x2: {  	[smem:$0x3F9A] =	sst lr;
	_ =	strace $0xD0000000  }
0x3: {  	_ = 	snop  }
0x4: {  	_ = 	snop  }
0x5: {  	_ = 	snop  }
0x6: {  	_ = 	snop  }
0x7: {  	_ = 	snop  }
__scs_overlays_trampoline_lowered:
0x8: {  	[smem:$0x3FA9] =	sst s0  }
0x9: {  	[smem:$0x3FAA] =	sst s1  }
0xa: {  	[smem:$0x3FAB] =	sst s2  }
0xb: {  	[smem:$0x3FAC] =	sst s3  }
0xc: {  	[smem:$0x3FAD] =	sst s4  }
0xd: {  	[smem:$0x3FAE] =	sst s5  }
0xe: {  	[smem:$0x3FAF] =	sst s6  }
0xf: {  	[smem:$0x3FB0] =	sst s7  }
0x10: {  	[smem:$0x3FB1] =	sst s8  }
0x11: {  	[smem:$0x3FB2] =	sst s9;
	s0 =	simm.s32 @!p0 $0x0  }
0x12: {  	s1 =	sld [smem:$0x3F98];
	s0 =	simm.s32 @p0 $0x1  }
0x13: {  	[smem:$0x3FB3] =	sst s0;
	s0 =	simm.s32 @!p1 $0x0  }
0x14: {  	s2 =	sld [smem:$0x3F97];
	s0 =	simm.s32 @p1 $0x1  }
0x15: {  	[smem:$0x3FB4] =	sst s0;
	s0 =	simm.s32 @!p2 $0x0  }
0x16: {  	s3 =	sld [smem:$0x3FDB];
	s0 =	simm.s32 @p2 $0x1  }
0x17: {  	s4 =	simm.s32 $0x1BF5;
	[smem:$0x3FB6] =	sst s0  }
0x18: {  	s0 =	sld [smem:$0x3F99];
	_ =	swait.ge [sflag:s4], $0x0  }
0x19: {  	s7 =	sld [smem:$0x3F9A]  }
0x1a: {  	s8 =	sadd.s32 $0xFFFFE003, lr  }
0x1b: {  	s9 =	sadd.s32 $0xFFFFFEF7, lr;
	s5 =	simm.s32 $0xFFFFFFFF;
	p2 =	slt.u32 s8, $0xFFFFF086  }
0x1c: {  	p1 =	slt.u32 s9, $0xF7A;
	s5 =	simm.s32 @!p2 $0x0  }
0x1d: {  	s5 =	simm.s32 @p1 $0x1;
	p0 =	seq.s32 s7, s2  }
0x1e: {  	s7 =	smul.u32 @!p0 $0xF7A, s2;
	p2 =	seq.s32 @!p0 s5, $0x0  }
0x1f: {  	s9 =	smul.u32 $0xF7A, s1;
	s8 =	simm.s32 @!p0 $0x1BF5;
	p2 =	por !p2, p0  }
0x20: {  	[sflag:s8] =	ssyncset.s32 @!p0 $0xFFFFF086;
	s6 =	sadd.s32 @!p0 s3, s7;
	s7 =	simm.s32 @!p0 $0x108  }
0x21: {  	s3 =	sadd.s32 s3, s9;
	s6 =	sadd.s32 @!p0 $0x88, s6;
	s7 =	simm.s32 @p2 $0x1082  }
0x22: {  	[simem:s7], [sflag:s8] =	dma.local @!p0 [hbm:s6], $0xF7A  }
0x23: {  	s9 =	sor.u32 $0xD0000000, s2;
	s6 =	simm.s32 $0x108;
	_ =	swait.ge @!p0 [sflag:s8], $0x0  }
0x24: {  	s3 =	sadd.s32 $0x88, s3;
	s6 =	simm.s32 @!p1 $0x1082;
	[sflag:s4] =	ssyncset.s32 $0xFFFFF086  }
0x25: {  	[simem:s6], [sflag:s4] =	dma.local [hbm:s3], $0xF7A  }
0x26: {  	[smem:$0x3F9A] =	sst s1;
	(tag) =	ssettag s2;
	_ =	strace s9  }
0x27: {  	s1 =	sld [smem:$0x3FAA]  }
0x28: {  	s2 =	sld [smem:$0x3FAB]  }
0x29: {  	s4 =	sld [smem:$0x3FAD]  }
0x2a: {  	p0 =	seq.s32 s5, $0x0;
	s5 =	sld [smem:$0x3FAE]  }
0x2b: {  	s6 =	sld [smem:$0x3FAF]  }
0x2c: {  	s7 =	sld [smem:$0x3FB0]  }
0x2d: {  	s3 =	simm.s32 $0x108;
	s8 =	sld [smem:$0x3FB1]  }
0x2e: {  	s3 =	simm.s32 @!p0 $0x1082;
	s9 =	sld [smem:$0x3FB2]  }
0x2f: {  	lr =	sadd.s32 s0, s3;
	s0 =	sld [smem:$0x3FA9]  }
0x30: {  	s3 =	sld [smem:$0x3FAC]  }
0x31: {  	[smem:$0x3FB5] =	sst s10  }
0x32: {  	s10 =	sld [smem:$0x3FB3];
	_ =	sdelay $0x3  }
0x33: {  	p0 =	seq.s32 s10, $0x1;
	s10 =	sld [smem:$0x3FB5];
	_ =	sdelay $0x3  }
0x34: {  	[smem:$0x3FB5] =	sst s10  }
0x35: {  	s10 =	sld [smem:$0x3FB4];
	_ =	sdelay $0x3  }
0x36: {  	p1 =	seq.s32 s10, $0x1;
	s10 =	sld [smem:$0x3FB5];
	_ =	sdelay $0x3  }
0x37: {  	[smem:$0x3FB5] =	sst s10  }
0x38: {  	s10 =	sld [smem:$0x3FB6]  }
0x39: {  	_ = 	snop;
	(pc) =	sbr.ind lr, $3  }
0x3a: {  	_ = 	snop  }
0x3b: {  	_ = 	snop  }
0x3c: {  	p2 =	seq.s32 s10, $0x1;
	s10 =	sld [smem:$0x3FB5]  }
0x3d: {  	_ =	shalt  }
0x3e: {  	_ =	shalt  }
0x3f: {  	_ =	shalt  }
0x40: {  	_ =	shalt  }
0x41: {  	_ =	shalt  }
0x42: {  	_ =	shalt  }
0x43: {  	_ =	shalt  }
0x44: {  	_ =	shalt  }
0x45: {  	_ =	shalt  }
0x46: {  	_ =	shalt  }
0x47: {  	_ =	shalt  }
0x48: {  	_ =	shalt  }
0x49: {  	_ =	shalt  }
0x4a: {  	_ =	shalt  }
0x4b: {  	_ =	shalt  }
0x4c: {  	_ =	shalt  }
0x4d: {  	_ =	shalt  }
0x4e: {  	_ =	shalt  }
0x4f: {  	_ =	shalt  }
0x50: {  	_ =	shalt  }
0x51: {  	_ =	shalt  }
0x52: {  	_ =	shalt  }
0x53: {  	_ =	shalt  }
0x54: {  	_ =	shalt  }
0x55: {  	_ =	shalt  }
0x56: {  	_ =	shalt  }
0x57: {  	_ =	shalt  }
0x58: {  	_ =	shalt  }
0x59: {  	_ =	shalt  }
0x5a: {  	_ =	shalt  }
0x5b: {  	_ =	shalt  }
0x5c: {  	_ =	shalt  }
0x5d: {  	_ =	shalt  }
0x5e: {  	_ =	shalt  }
0x5f: {  	_ =	shalt  }
0x60: {  	_ =	shalt  }
0x61: {  	_ =	shalt  }
0x62: {  	_ =	shalt  }
0x63: {  	_ =	shalt  }
0x64: {  	_ =	shalt  }
0x65: {  	_ =	shalt  }
0x66: {  	_ =	shalt  }
0x67: {  	_ =	shalt  }
0x68: {  	_ =	shalt  }
0x69: {  	_ =	shalt  }
0x6a: {  	_ =	shalt  }
0x6b: {  	_ =	shalt  }
0x6c: {  	_ =	shalt  }
0x6d: {  	_ =	shalt  }
0x6e: {  	_ =	shalt  }
0x6f: {  	_ =	shalt  }
0x70: {  	_ =	shalt  }
0x71: {  	_ =	shalt  }
0x72: {  	_ =	shalt  }
0x73: {  	_ =	shalt  }
0x74: {  	_ =	shalt  }
0x75: {  	_ =	shalt  }
0x76: {  	_ =	shalt  }
0x77: {  	_ =	shalt  }
0x78: {  	_ =	shalt  }
0x79: {  	_ =	shalt  }
0x7a: {  	_ =	shalt  }
0x7b: {  	_ =	shalt  }
0x7c: {  	_ =	shalt  }
0x7d: {  	_ =	shalt  }
0x7e: {  	_ =	shalt  }
0x7f: {  	_ =	shalt  }
0x80: {  	_ =	shalt  }
0x81: {  	_ =	shalt  }
0x82: {  	_ =	shalt  }
0x83: {  	_ =	shalt  }
0x84: {  	_ =	shalt  }
0x85: {  	_ =	shalt  }
0x86: {  	_ =	shalt  }
0x87: {  	_ =	shalt  }
.Lfunc_end0:
.L_simem_size_0:
called_computation.1_lowered:
.L_overlay_start_0:
0x88: {  	s2 =	sld [smem:$0x3FD9]  }
0x89: {  	s3 =	sld [smem:$0x3FFE];
	_ =	sdelay $0x1  }
0x8a: {  	s1 =	srdreg.scid  }
0x8b: {  	s0 =	sand.u32 $0x1, s1  }
0x8c: {  	s14 =	sshll.u32 s0, $0xA;
	s2 =	sadd.s32 s3, s2  }
0x8d: {  	s2 =	sadd.s32 s2, s14  }
0x8e: {  	[smem:$0x3FC1] =	sst s2  }
0x8f: {  	_ = 	snop  }
0x90: {  	s2 =	sld [smem:$0x3FD0];
	_ =	sdelay $0x2  }
0x91: {  	s15 =	simm.s32 $0xA;
	s4 =	simm.s32 $0x10  }
0x92: {  	[smem:s4], [sflag:s15] =	dma.local [hbm:s2], $0x1  }
0x93: {  	_ =	swait.eq [sflag:s15], $0x1  }
0x94: {  	[sflag:s15] =	ssyncset.done $0x0  }
0x95: {  	s16 =	sld [smem:$0x10];
	[sflag:s15] =	ssyncadd.s32 $0xFFFFFFFF  }
0x96: {  	s17 =	sld [smem:$0x11];
	(tm) =	ssettm $0x1  }
0x97: {  	s18 =	sld [smem:$0x3FFB];
	_ =	sdelay $0x3  }
0x98: {  	_ =	strace s18  }
0x99: {  	s4 =	sld [smem:$0x3FFC];
	_ =	sdelay $0x3  }
0x9a: {  	_ =	strace s4  }
0x9b: {  	s4 =	sld [smem:$0x3FFD];
	_ =	sdelay $0x3  }
0x9c: {  	_ =	strace s4  }
0x9d: {  	_ =	strace $0x8FFFFFFF  }
0x9e: {  	s19 =	sld [smem:$0x3FDB];
	_ =	sdelay $0x1  }
0x9f: {  	s5 =	simm.s32 $_scs_section_size  }
0xa0: {  	s6 =	simm.s32 $_size__tile_overlayer_lowered;
	s7 =	simm.s32 $_tile_overlayer_lowered  }
0xa1: {  	s22 =	simm.s32 $0x1BFF;
	s21 =	sshll.u32 s7, $0x1;
	s4 =	sadd.s32 s5, s19  }
0xa2: {  	s8 =	simm.s32 $0x0;
	s20 =	sshll.u32 s6, $0x1;
	s6 =	sadd.s32 s21, s4  }
0xa3: {  	[timem:s8], [sflag:s22] =	dma.local [hbm:s6], s20  }
0xa4: {  	_ =	swait.ge [sflag:s22], s20  }
0xa5: {  	s5 =	ssub.s32 $0x0, s20;
	[sflag:s22] =	ssyncset.done $0x0  }
0xa6: {  	[sflag:s22] =	ssyncadd.s32 s5;
	_ =	sdelay $0x1  }
0xa7: {  	s23 =	simm.s32 $0x1B8B  }
0xa8: {  	_ =	swait.ge [sflag:s23], $0x1  }
0xa9: {  	[sflag:s23] =	ssyncset.done $0x0  }
0xaa: {  	s25 =	simm.s32 $0x1B8E;
	s24 =	sld [smem:$0x3FFE];
	[sflag:s23] =	ssyncadd.s32 $0xFFFFFFFF  }
0xab: {  	s26 =	simm.s32 $execute0_lowered;
	[smem:$0x3FD2] =	sst s25  }
0xac: {  	s6 =	sshll.u32 s26, $0x1;
	_ =	strace $0x80000049;
	[dreg:$0x1] =	wrdreg $0xFFFFFFFF  }
0xad: {  	s28 =	simm.s32 $_size_execute0_lowered;
	s4 =	sadd.s32 s4, s6;
	[dreg:$0x0] =	wrdreg $0x0  }
0xae: {  	s6 =	sshll.u32 s28, $0x1;
	[dreg:$0x2] =	wrdreg s4  }
0xaf: {  	[dreg:$0x3] =	wrdreg s6  }
0xb0: {  	[dreg:$0x4] =	wrdreg $0xC0  }
0xb1: {  	_ =	task [dreg:s8], $0x5FFFF  }
0xb2: {  	[dreg:$0x1] =	wrdreg $0xFFFFFFFF  }
0xb3: {  	[dreg:$0x0] =	wrdreg $0x60  }
0xb4: {  	[dreg:$0x2] =	wrdreg s24  }
0xb5: {  	[dreg:$0x3] =	wrdreg s16  }
0xb6: {  	[dreg:$0x4] =	wrdreg s17  }
0xb7: {  	[dreg:$0x5] =	wrdreg $0xB9000  }
0xb8: {  	[dreg:$0x6] =	wrdreg $0x9  }
0xb9: {  	_ =	task.clear_ibuf [dreg:s8], $0x7FFFF;
	_ =	strace $0x90000049  }
0xba: {  	s29 =	simm.s32 $0x9;
	_ =	strace $0x8000004B  }
0xbb: {  	_ =	swait.ge [sflag:s29], $0x1  }
0xbc: {  	[sflag:s29] =	ssyncadd.s32 $0xFFFFFFFF  }
0xbd: {  	_ =	strace $0x9000004B  }
0xbe: {  	_ =	sfence  }
0xbf: {  	s30 =	sld [smem:$0x0];
	_ =	sdelay $0x2  }
0xc0: {  	s31 =	sshll.u32 s1, $0xD;
	s1 =	sshrl.u32 s1, $0x2  }
0xc1: {  	s3 =	sand.u32 $0x4000, s31;
	s1 =	sadd.s32 s1, s30  }
0xc2: {  	s0 =	sor.u32 s3, s0;
	s1 =	sshll.u32 s1, $0x11  }
0xc3: {  	s0 =	sor.u32 s1, s0  }
0xc4: {  	s0 =	sadd.s32 $0x8F2B, s0  }
0xc5: {  	[sflag:s0] =	ssyncadd.remote.s32 $0x1  }
0xc6: {  	_ =	sfence.sel $0xFFFF  }
0xc7: {  	[dreg:$0x0] =	wrdreg $0xFFFFFFFF;
	(pc) =	sbr.abs _section_cstart, $3  }
0xc8: {  	[dreg:$0x1] =	wrdreg $0xFFFFFFFF  }
0xc9: {  	_ =	task.clear_ibuf [dreg:s8], $0x2FFFF;
	_ =	strace $0x9FFFFFFF  }
0xca: {  	(tm) =	ssettm $0x7FFFFFFF  }
0xcb: {  	_ =	shalt  }
tec
execute0_lowered:
.L_overlay_start_1:
0x0: {  	(tag) =	ssettag $0x1  }
0x1: {  	s0 =	rddreg [dreg:$0x0]  }
0x2: {  	s2 =	rddreg [dreg:$0x1]  }
0x3: {  	s1 =	rddreg [dreg:$0x2]  }
0x4: {  	s3 =	rddreg [dreg:$0x3]  }
0x5: {  	s4 =	srdreg.scid;
	s11 =	stileid.u32;
	s7 =	simm.s32 $0x0  }
0x6: {  	s20 =	simm.s32 $0x1900;
	s21 =	simm.s32 $0x2;
	s22 =	simm.s32 $0x50  }
0x7: {  	s23 =	simm.s32 $0x4100;
	s24 =	simm.s32 $0x6900;
	s25 =	simm.s32 $0x9100  }
0x8: {  	s28 =	simm.s32 $0x1800;
	s29 =	simm.s32 $0x1880;
	s30 =	simm.s32 $0x0  }
0x9: {  	s4 =	sand.u32 $0x1, s4;
	s5 =	sshll.u32 s11, $0x1;
	s6 =	smul.u32 $0x50000, s11  }
0xa: {  	[smem:$0x7FF] =	sst s7;
	s16 =	smul.u32 $0x14000, s11;
	s5 =	sor.u32 s4, s5  }
0xb: {  	_ =	strace $0x8000004A;
	s26 =	ssub.s32 $0x2, s4;
	s4 =	smul.u32 $0x140000, s4  }
0xc: {  	s5 =	smul.u32 $0x7D00, s5;
	s6 =	sshrl.u32 s6, $0x2;
	s9 =	sshrl.u32 s26, $0x1  }
0xd: {  	s19 =	ssub.s32 s26, s9;
	s4 =	sadd.s32 s16, s4;
	s26 =	simm.s32 $0x1  }
0xe: {  	s8 =	sshrl.u32 s5, $0x3;
	s5 =	sadd.s32 s6, s3;
	s31 =	sshrl.u32 s4, $0x3  }
0xf: {  	s19 =	smax.u32 s19, $0x1;
	s0 =	sadd.s32 s8, s0;
	s6 =	sadd.s32 $0x2800, s5  }
0x10: {  	s7 =	sadd.s32 $0x5000, s5;
	s8 =	sadd.s32 $0x7800, s5;
	s9 =	sadd.s32 $0xA000, s5  }
0x11: {  	s10 =	sadd.s32 $0xC800, s5;
	s11 =	sadd.s32 $0xF000, s5;
	s12 =	sadd.s32 $0x11800, s5  }
0x12: {  	s18 =	sadd.s32 s1, s31;
	s13 =	sadd.s32 $0x1400, s0;
	s14 =	sadd.s32 $0x1720, s0  }
0x13: {  	v0 =	vimm.f32 $0.0e+00;
	s15 =	sadd.s32 $0x1A40, s0;
	s16 =	sadd.s32 $0x1D60, s0;
	s17 =	sadd.s32 $0x2080, s0  }
.LBB2_1:
0x14: {  	s1 =	simm.s32 $0x0  }
0x15: {  	s0 =	simm.s32 $0x10;
	s1 =	sand.u32 $0x3FF0, s1  }
.LBB2_2:
0x16: {  	p0 =	sne.s32 s0, $0x27F0;
	[tilespmem:s1+$0x1900] =	vst v0;
	s1 =	smov.u32 s0;
	s0 =	sadd.s32 $0x10, s0  }
.Ltmp0:
0x17: {  	(pc) =	sbr.rel @p0 .LBB2_2-.Ltmp0, $2  }
0x18: {  	_ =	sdelay $0x2  }
0x19: {  	s1 =	sand.u32 $0x3FF0, s1  }
0x1a: {  	[tilespmem:s1+$0x1900] =	vst v0  }
0x1b: {  	[spmem:s5] =	stream.linear.scatter [tilespmem:s20], [sflag:$0x2], $0x2800, $0x38;
	[tilespmem:$0x1F900] =	vst v63  }
0x1c: {  	_ =	swait.ge [sflag:s21], $0x2800  }
0x1d: {  	[sflag:s21] =	ssyncset.done $0x0  }
0x1e: {  	[sflag:s21] =	ssyncadd.s32 $0xFFFFD800  }
0x1f: {  	[spmem:s6] =	stream.linear.scatter [tilespmem:s20], [sflag:$0x2], $0x2800, $0x38;
	[tilespmem:$0x1F900] =	vst v63  }
0x20: {  	_ =	swait.ge [sflag:s21], $0x2800  }
0x21: {  	[sflag:s21] =	ssyncset.done $0x0  }
0x22: {  	[sflag:s21] =	ssyncadd.s32 $0xFFFFD800  }
0x23: {  	[spmem:s7] =	stream.linear.scatter [tilespmem:s20], [sflag:$0x2], $0x2800, $0x38;
	[tilespmem:$0x1F900] =	vst v63  }
0x24: {  	_ =	swait.ge [sflag:s21], $0x2800  }
0x25: {  	[sflag:s21] =	ssyncset.done $0x0  }
0x26: {  	[sflag:s21] =	ssyncadd.s32 $0xFFFFD800  }
0x27: {  	[spmem:s8] =	stream.linear.scatter [tilespmem:s20], [sflag:$0x2], $0x2800, $0x38;
	[tilespmem:$0x1F900] =	vst v63  }
0x28: {  	_ =	swait.ge [sflag:s21], $0x2800  }
0x29: {  	[sflag:s21] =	ssyncset.done $0x0  }
0x2a: {  	[sflag:s21] =	ssyncadd.s32 $0xFFFFD800  }
0x2b: {  	[spmem:s9] =	stream.linear.scatter [tilespmem:s20], [sflag:$0x2], $0x2800, $0x38;
	[tilespmem:$0x1F900] =	vst v63  }
0x2c: {  	_ =	swait.ge [sflag:s21], $0x2800  }
0x2d: {  	[sflag:s21] =	ssyncset.done $0x0  }
0x2e: {  	[sflag:s21] =	ssyncadd.s32 $0xFFFFD800  }
0x2f: {  	[spmem:s10] =	stream.linear.scatter [tilespmem:s20], [sflag:$0x2], $0x2800, $0x38;
	[tilespmem:$0x1F900] =	vst v63  }
0x30: {  	_ =	swait.ge [sflag:s21], $0x2800  }
0x31: {  	[sflag:s21] =	ssyncset.done $0x0  }
0x32: {  	[sflag:s21] =	ssyncadd.s32 $0xFFFFD800  }
0x33: {  	[spmem:s11] =	stream.linear.scatter [tilespmem:s20], [sflag:$0x2], $0x2800, $0x38;
	[tilespmem:$0x1F900] =	vst v63  }
0x34: {  	_ =	swait.ge [sflag:s21], $0x2800  }
0x35: {  	[sflag:s21] =	ssyncset.done $0x0  }
0x36: {  	[sflag:s21] =	ssyncadd.s32 $0xFFFFD800  }
0x37: {  	[spmem:s12] =	stream.linear.scatter [tilespmem:s20], [sflag:$0x2], $0x2800, $0x38;
	[tilespmem:$0x1F900] =	vst v63  }
0x38: {  	_ =	swait.ge [sflag:s21], $0x2800  }
0x39: {  	[sflag:s21] =	ssyncset.done $0x0  }
0x3a: {  	[sflag:s21] =	ssyncadd.s32 $0xFFFFD800  }
0x3b: {  	s0 =	simm.s32 $0x0;
	[bflag:$0x0] =	sbarrier.arrive $0xFFFF  }
0x3c: {  	[tilespmem:s0], [sflag:$0x2] =	stream.linear.gather [hbm4b:s13+s0], $0x1900, $0x38;
	[tilespmem:$0x1F900] =	vst v63  }
0x3d: {  	_ =	swait.ge [sflag:s21], $0x1900  }
0x3e: {  	[sflag:s21] =	ssyncset.done $0x0  }
0x3f: {  	s1 =	simm.s32 $0x0;
	[sflag:s21] =	ssyncadd.s32 $0xFFFFE700  }
0x40: {  	[tilespmem:s20], [sflag:$0x1] =	stream.indirect.gather [hbm4b:s2+s22], $0x80, s1, s22, $0xb8;
	[tilespmem:$0x1F900] =	vst v63  }
0x41: {  	s4 =	simm.s32 $0x100  }
0x42: {  	[tilespmem:s23], [sflag:$0x1] =	stream.indirect.gather [hbm4b:s2+s22], $0x80, s4, s22, $0xb8;
	[tilespmem:$0x1F900] =	vst v63  }
0x43: {  	s1 =	simm.s32 $0x200  }
0x44: {  	[tilespmem:s24], [sflag:$0x1] =	stream.indirect.gather [hbm4b:s2+s22], $0x80, s1, s22, $0xb8;
	[tilespmem:$0x1F900] =	vst v63  }
0x45: {  	s4 =	simm.s32 $0x300  }
0x46: {  	[tilespmem:s25], [sflag:$0x1] =	stream.indirect.gather [hbm4b:s2+s22], $0x80, s4, s22, $0xb8;
	[tilespmem:$0x1F900] =	vst v63  }
0x47: {  	_ =	swait.ge [sflag:s26], $0x2800  }
0x48: {  	[sflag:s26] =	ssyncset.done $0x0  }
0x49: {  	s1 =	simm.s32 $0x80;
	[sflag:s26] =	ssyncadd.s32 $0xFFFFD800  }
0x4a: {  	[spmem:s3] =	stream.indirect.scatter.add.f32 [tilespmem:s20], [sflag:$0x2], $0x80, s1, s22, $0xb8;
	[tilespmem:$0x1F900] =	vst v63  }
0x4b: {  	_ =	swait.ge [sflag:s21], $0x2800  }
0x4c: {  	[sflag:s21] =	ssyncset.done $0x0  }
0x4d: {  	[sflag:s21] =	ssyncadd.s32 $0xFFFFD800  }
0x4e: {  	_ =	swait.ge [sflag:s26], $0x2800  }
0x4f: {  	[sflag:s26] =	ssyncset.done $0x0  }
0x50: {  	s4 =	simm.s32 $0x180;
	[sflag:s26] =	ssyncadd.s32 $0xFFFFD800  }
0x51: {  	[spmem:s3] =	stream.indirect.scatter.add.f32 [tilespmem:s23], [sflag:$0x2], $0x80, s4, s22, $0xb8;
	[tilespmem:$0x1F900] =	vst v63  }
0x52: {  	_ =	swait.ge [sflag:s21], $0x2800  }
0x53: {  	[sflag:s21] =	ssyncset.done $0x0  }
0x54: {  	[sflag:s21] =	ssyncadd.s32 $0xFFFFD800  }
0x55: {  	_ =	swait.ge [sflag:s26], $0x2800  }
0x56: {  	[sflag:s26] =	ssyncset.done $0x0  }
0x57: {  	s1 =	simm.s32 $0x280;
	[sflag:s26] =	ssyncadd.s32 $0xFFFFD800  }
0x58: {  	[spmem:s3] =	stream.indirect.scatter.add.f32 [tilespmem:s24], [sflag:$0x2], $0x80, s1, s22, $0xb8;
	[tilespmem:$0x1F900] =	vst v63  }
0x59: {  	_ =	swait.ge [sflag:s21], $0x2800  }
0x5a: {  	[sflag:s21] =	ssyncset.done $0x0  }
0x5b: {  	[sflag:s21] =	ssyncadd.s32 $0xFFFFD800  }
0x5c: {  	_ =	swait.ge [sflag:s26], $0x2800  }
0x5d: {  	[sflag:s26] =	ssyncset.done $0x0  }
0x5e: {  	s4 =	simm.s32 $0x380;
	[sflag:s26] =	ssyncadd.s32 $0xFFFFD800  }
0x5f: {  	[spmem:s3] =	stream.indirect.scatter.add.f32 [tilespmem:s25], [sflag:$0x2], $0x80, s4, s22, $0xb8;
	[tilespmem:$0x1F900] =	vst v63  }
0x60: {  	_ =	swait.ge [sflag:s21], $0x2800  }
0x61: {  	s31 =	simm.s32 $0x1000;
	s0 =	simm.s32 $0x2000;
	[sflag:s21] =	ssyncset.done $0x0  }
.LBB2_4:
0x62: {  	s4 =	sshra.s32 s31, $0x2  }
0x63: {  	[sflag:s21] =	ssyncadd.s32 $0xFFFFD800;
	s31 =	smov.u32 s0;
	s1 =	sadd.s32 $0x1000, s0  }
0x64: {  	[tilespmem:s20], [sflag:$0x1] =	stream.indirect.gather [hbm4b:s2+s22], $0x80, s4, s22, $0xb8;
	[tilespmem:$0x1F900] =	vst v63  }
0x65: {  	p0 =	sne.s32 s0, $0x5000;
	s0 =	sadd.s32 $0x100, s4  }
0x66: {  	[tilespmem:s23], [sflag:$0x1] =	stream.indirect.gather [hbm4b:s2+s22], $0x80, s0, s22, $0xb8;
	[tilespmem:$0x1F900] =	vst v63  }
0x67: {  	s0 =	sadd.s32 $0x200, s4  }
0x68: {  	[tilespmem:s24], [sflag:$0x1] =	stream.indirect.gather [hbm4b:s2+s22], $0x80, s0, s22, $0xb8;
	[tilespmem:$0x1F900] =	vst v63  }
0x69: {  	s0 =	sadd.s32 $0x300, s4  }
0x6a: {  	[tilespmem:s25], [sflag:$0x1] =	stream.indirect.gather [hbm4b:s2+s22], $0x80, s0, s22, $0xb8;
	[tilespmem:$0x1F900] =	vst v63  }
0x6b: {  	_ =	swait.ge [sflag:s26], $0x2800  }
0x6c: {  	[sflag:s26] =	ssyncset.done $0x0  }
0x6d: {  	s0 =	sadd.s32 $0x80, s4;
	[sflag:s26] =	ssyncadd.s32 $0xFFFFD800  }
0x6e: {  	[spmem:s3] =	stream.indirect.scatter.add.f32 [tilespmem:s20], [sflag:$0x2], $0x80, s0, s22, $0xb8;
	[tilespmem:$0x1F900] =	vst v63  }
0x6f: {  	_ =	swait.ge [sflag:s21], $0x2800  }
0x70: {  	[sflag:s21] =	ssyncset.done $0x0  }
0x71: {  	[sflag:s21] =	ssyncadd.s32 $0xFFFFD800  }
0x72: {  	_ =	swait.ge [sflag:s26], $0x2800  }
0x73: {  	[sflag:s26] =	ssyncset.done $0x0  }
0x74: {  	s0 =	sadd.s32 $0x180, s4;
	[sflag:s26] =	ssyncadd.s32 $0xFFFFD800  }
0x75: {  	[spmem:s3] =	stream.indirect.scatter.add.f32 [tilespmem:s23], [sflag:$0x2], $0x80, s0, s22, $0xb8;
	[tilespmem:$0x1F900] =	vst v63  }
0x76: {  	_ =	swait.ge [sflag:s21], $0x2800  }
0x77: {  	[sflag:s21] =	ssyncset.done $0x0  }
0x78: {  	[sflag:s21] =	ssyncadd.s32 $0xFFFFD800  }
0x79: {  	_ =	swait.ge [sflag:s26], $0x2800  }
0x7a: {  	[sflag:s26] =	ssyncset.done $0x0  }
0x7b: {  	s0 =	sadd.s32 $0x280, s4;
	[sflag:s26] =	ssyncadd.s32 $0xFFFFD800  }
0x7c: {  	[spmem:s3] =	stream.indirect.scatter.add.f32 [tilespmem:s24], [sflag:$0x2], $0x80, s0, s22, $0xb8;
	[tilespmem:$0x1F900] =	vst v63  }
0x7d: {  	_ =	swait.ge [sflag:s21], $0x2800  }
0x7e: {  	[sflag:s21] =	ssyncset.done $0x0  }
0x7f: {  	[sflag:s21] =	ssyncadd.s32 $0xFFFFD800  }
0x80: {  	_ =	swait.ge [sflag:s26], $0x2800  }
.Ltmp1:
0x81: {  	[sflag:s26] =	ssyncset.done $0x0;
	(pc) =	sbr.rel @p0 .LBB2_4-.Ltmp1, $4  }
0x82: {  	s0 =	sadd.s32 $0x380, s4;
	[sflag:s26] =	ssyncadd.s32 $0xFFFFD800  }
0x83: {  	[spmem:s3] =	stream.indirect.scatter.add.f32 [tilespmem:s25], [sflag:$0x2], $0x80, s0, s22, $0xb8;
	[tilespmem:$0x1F900] =	vst v63  }
0x84: {  	_ =	swait.ge [sflag:s21], $0x2800  }
0x85: {  	s0 =	smov.u32 s1;
	[sflag:s21] =	ssyncset.done $0x0  }
0x86: {  	s0 =	sshra.s32 s31, $0x2;
	[sflag:s21] =	ssyncadd.s32 $0xFFFFD800  }
0x87: {  	[tilespmem:s20], [sflag:$0x1] =	stream.indirect.gather [hbm4b:s2+s22], $0x80, s0, s22, $0xb8;
	[tilespmem:$0x1F900] =	vst v63  }
0x88: {  	s1 =	sadd.s32 $0x100, s0  }
0x89: {  	[tilespmem:s23], [sflag:$0x1] =	stream.indirect.gather [hbm4b:s2+s22], $0x80, s1, s22, $0xb8;
	[tilespmem:$0x1F900] =	vst v63  }
0x8a: {  	s4 =	sadd.s32 $0x200, s0  }
0x8b: {  	[tilespmem:s24], [sflag:$0x1] =	stream.indirect.gather [hbm4b:s2+s22], $0x80, s4, s22, $0xb8;
	[tilespmem:$0x1F900] =	vst v63  }
0x8c: {  	s4 =	sadd.s32 $0x300, s0  }
0x8d: {  	[tilespmem:s25], [sflag:$0x1] =	stream.indirect.gather [hbm4b:s2+s22], $0x80, s4, s22, $0xb8;
	[tilespmem:$0x1F900] =	vst v63  }
0x8e: {  	_ =	swait.ge [sflag:s26], $0x2800  }
0x8f: {  	[sflag:s26] =	ssyncset.done $0x0  }
0x90: {  	s4 =	sadd.s32 $0x80, s0;
	[sflag:s26] =	ssyncadd.s32 $0xFFFFD800  }
0x91: {  	[spmem:s3] =	stream.indirect.scatter.add.f32 [tilespmem:s20], [sflag:$0x2], $0x80, s4, s22, $0xb8;
	[tilespmem:$0x1F900] =	vst v63  }
0x92: {  	_ =	swait.ge [sflag:s21], $0x2800  }
0x93: {  	[sflag:s21] =	ssyncset.done $0x0  }
0x94: {  	[sflag:s21] =	ssyncadd.s32 $0xFFFFD800  }
0x95: {  	_ =	swait.ge [sflag:s26], $0x2800  }
0x96: {  	[sflag:s26] =	ssyncset.done $0x0  }
0x97: {  	s4 =	sadd.s32 $0x180, s0;
	[sflag:s26] =	ssyncadd.s32 $0xFFFFD800  }
0x98: {  	[spmem:s3] =	stream.indirect.scatter.add.f32 [tilespmem:s23], [sflag:$0x2], $0x80, s4, s22, $0xb8;
	[tilespmem:$0x1F900] =	vst v63  }
0x99: {  	_ =	swait.ge [sflag:s21], $0x2800  }
0x9a: {  	[sflag:s21] =	ssyncset.done $0x0  }
0x9b: {  	[sflag:s21] =	ssyncadd.s32 $0xFFFFD800  }
0x9c: {  	_ =	swait.ge [sflag:s26], $0x2800  }
0x9d: {  	[sflag:s26] =	ssyncset.done $0x0  }
0x9e: {  	s4 =	sadd.s32 $0x280, s0;
	[sflag:s26] =	ssyncadd.s32 $0xFFFFD800  }
0x9f: {  	[spmem:s3] =	stream.indirect.scatter.add.f32 [tilespmem:s24], [sflag:$0x2], $0x80, s4, s22, $0xb8;
	[tilespmem:$0x1F900] =	vst v63  }
0xa0: {  	_ =	swait.ge [sflag:s21], $0x2800  }
0xa1: {  	[sflag:s21] =	ssyncset.done $0x0  }
0xa2: {  	[sflag:s21] =	ssyncadd.s32 $0xFFFFD800  }
0xa3: {  	_ =	swait.ge [sflag:s26], $0x2800  }
0xa4: {  	[sflag:s26] =	ssyncset.done $0x0  }
0xa5: {  	s0 =	sadd.s32 $0x380, s0;
	[sflag:s26] =	ssyncadd.s32 $0xFFFFD800  }
0xa6: {  	[spmem:s3] =	stream.indirect.scatter.add.f32 [tilespmem:s25], [sflag:$0x2], $0x80, s0, s22, $0xb8;
	[tilespmem:$0x1F900] =	vst v63  }
0xa7: {  	_ =	swait.ge [sflag:s21], $0x2800  }
0xa8: {  	[sflag:s21] =	ssyncset.done $0x0  }
0xa9: {  	[sflag:s21] =	ssyncadd.s32 $0xFFFFD800  }
0xaa: {  	[tilespmem:s20], [sflag:$0x1] =	stream.indirect.gather [hbm4b:s2+s22], $0x80, s28, s22, $0xb8;
	[tilespmem:$0x1F900] =	vst v63  }
0xab: {  	_ =	swait.ge [sflag:s26], $0x2800  }
0xac: {  	[sflag:s26] =	ssyncset.done $0x0  }
0xad: {  	[sflag:s26] =	ssyncadd.s32 $0xFFFFD800  }
0xae: {  	[spmem:s3] =	stream.indirect.scatter.add.f32 [tilespmem:s20], [sflag:$0x2], $0x80, s29, s22, $0xb8;
	[tilespmem:$0x1F900] =	vst v63  }
0xaf: {  	_ =	swait.ge [sflag:s21], $0x2800  }
0xb0: {  	[sflag:s21] =	ssyncset.done $0x0  }
0xb1: {  	s4 =	simm.s32 $0x0;
	[sflag:s21] =	ssyncadd.s32 $0xFFFFD800  }
0xb2: {  	[tilespmem:s4], [sflag:$0x2] =	stream.linear.gather [hbm4b:s14+s4], $0x1900, $0x38;
	[tilespmem:$0x1F900] =	vst v63  }
0xb3: {  	_ =	swait.ge [sflag:s21], $0x1900  }
0xb4: {  	[sflag:s21] =	ssyncset.done $0x0  }
0xb5: {  	s1 =	simm.s32 $0x0;
	[sflag:s21] =	ssyncadd.s32 $0xFFFFE700  }
0xb6: {  	[tilespmem:s20], [sflag:$0x1] =	stream.indirect.gather [hbm4b:s2+s22], $0x80, s1, s22, $0xb8;
	[tilespmem:$0x1F900] =	vst v63  }
0xb7: {  	s4 =	simm.s32 $0x100  }
0xb8: {  	[tilespmem:s23], [sflag:$0x1] =	stream.indirect.gather [hbm4b:s2+s22], $0x80, s4, s22, $0xb8;
	[tilespmem:$0x1F900] =	vst v63  }
0xb9: {  	s1 =	simm.s32 $0x200  }
0xba: {  	[tilespmem:s24], [sflag:$0x1] =	stream.indirect.gather [hbm4b:s2+s22], $0x80, s1, s22, $0xb8;
	[tilespmem:$0x1F900] =	vst v63  }
0xbb: {  	s4 =	simm.s32 $0x300  }
0xbc: {  	[tilespmem:s25], [sflag:$0x1] =	stream.indirect.gather [hbm4b:s2+s22], $0x80, s4, s22, $0xb8;
	[tilespmem:$0x1F900] =	vst v63  }
0xbd: {  	_ =	swait.ge [sflag:s26], $0x2800  }
0xbe: {  	[sflag:s26] =	ssyncset.done $0x0  }
0xbf: {  	s1 =	simm.s32 $0x80;
	[sflag:s26] =	ssyncadd.s32 $0xFFFFD800  }
0xc0: {  	[spmem:s3] =	stream.indirect.scatter.add.f32 [tilespmem:s20], [sflag:$0x2], $0x80, s1, s22, $0xb8;
	[tilespmem:$0x1F900] =	vst v63  }
0xc1: {  	_ =	swait.ge [sflag:s21], $0x2800  }
0xc2: {  	[sflag:s21] =	ssyncset.done $0x0  }
0xc3: {  	[sflag:s21] =	ssyncadd.s32 $0xFFFFD800  }
0xc4: {  	_ =	swait.ge [sflag:s26], $0x2800  }
0xc5: {  	[sflag:s26] =	ssyncset.done $0x0  }
0xc6: {  	s4 =	simm.s32 $0x180;
	[sflag:s26] =	ssyncadd.s32 $0xFFFFD800  }
0xc7: {  	[spmem:s3] =	stream.indirect.scatter.add.f32 [tilespmem:s23], [sflag:$0x2], $0x80, s4, s22, $0xb8;
	[tilespmem:$0x1F900] =	vst v63  }
0xc8: {  	_ =	swait.ge [sflag:s21], $0x2800  }
0xc9: {  	[sflag:s21] =	ssyncset.done $0x0  }
0xca: {  	[sflag:s21] =	ssyncadd.s32 $0xFFFFD800  }
0xcb: {  	_ =	swait.ge [sflag:s26], $0x2800  }
0xcc: {  	[sflag:s26] =	ssyncset.done $0x0  }
0xcd: {  	s1 =	simm.s32 $0x280;
	[sflag:s26] =	ssyncadd.s32 $0xFFFFD800  }
0xce: {  	[spmem:s3] =	stream.indirect.scatter.add.f32 [tilespmem:s24], [sflag:$0x2], $0x80, s1, s22, $0xb8;
	[tilespmem:$0x1F900] =	vst v63  }
0xcf: {  	_ =	swait.ge [sflag:s21], $0x2800  }
0xd0: {  	[sflag:s21] =	ssyncset.done $0x0  }
0xd1: {  	[sflag:s21] =	ssyncadd.s32 $0xFFFFD800  }
0xd2: {  	_ =	swait.ge [sflag:s26], $0x2800  }
0xd3: {  	[sflag:s26] =	ssyncset.done $0x0  }
0xd4: {  	s4 =	simm.s32 $0x380;
	[sflag:s26] =	ssyncadd.s32 $0xFFFFD800  }
0xd5: {  	[spmem:s3] =	stream.indirect.scatter.add.f32 [tilespmem:s25], [sflag:$0x2], $0x80, s4, s22, $0xb8;
	[tilespmem:$0x1F900] =	vst v63  }
0xd6: {  	_ =	swait.ge [sflag:s21], $0x2800  }
0xd7: {  	s31 =	simm.s32 $0x1000;
	s1 =	simm.s32 $0x2000;
	[sflag:s21] =	ssyncset.done $0x0  }
.LBB2_6:
0xd8: {  	s4 =	sshra.s32 s31, $0x2  }
0xd9: {  	[sflag:s21] =	ssyncadd.s32 $0xFFFFD800;
	s31 =	smov.u32 s1;
	s0 =	sadd.s32 $0x1000, s1  }
0xda: {  	[tilespmem:s20], [sflag:$0x1] =	stream.indirect.gather [hbm4b:s2+s22], $0x80, s4, s22, $0xb8;
	[tilespmem:$0x1F900] =	vst v63  }
0xdb: {  	p0 =	sne.s32 s1, $0x5000;
	s1 =	sadd.s32 $0x100, s4  }
0xdc: {  	[tilespmem:s23], [sflag:$0x1] =	stream.indirect.gather [hbm4b:s2+s22], $0x80, s1, s22, $0xb8;
	[tilespmem:$0x1F900] =	vst v63  }
0xdd: {  	s1 =	sadd.s32 $0x200, s4  }
0xde: {  	[tilespmem:s24], [sflag:$0x1] =	stream.indirect.gather [hbm4b:s2+s22], $0x80, s1, s22, $0xb8;
	[tilespmem:$0x1F900] =	vst v63  }
0xdf: {  	s1 =	sadd.s32 $0x300, s4  }
0xe0: {  	[tilespmem:s25], [sflag:$0x1] =	stream.indirect.gather [hbm4b:s2+s22], $0x80, s1, s22, $0xb8;
	[tilespmem:$0x1F900] =	vst v63  }
0xe1: {  	_ =	swait.ge [sflag:s26], $0x2800  }
0xe2: {  	[sflag:s26] =	ssyncset.done $0x0  }
0xe3: {  	s1 =	sadd.s32 $0x80, s4;
	[sflag:s26] =	ssyncadd.s32 $0xFFFFD800  }
0xe4: {  	[spmem:s3] =	stream.indirect.scatter.add.f32 [tilespmem:s20], [sflag:$0x2], $0x80, s1, s22, $0xb8;
	[tilespmem:$0x1F900] =	vst v63  }
0xe5: {  	_ =	swait.ge [sflag:s21], $0x2800  }
0xe6: {  	[sflag:s21] =	ssyncset.done $0x0  }
0xe7: {  	[sflag:s21] =	ssyncadd.s32 $0xFFFFD800  }
0xe8: {  	_ =	swait.ge [sflag:s26], $0x2800  }
0xe9: {  	[sflag:s26] =	ssyncset.done $0x0  }
0xea: {  	s1 =	sadd.s32 $0x180, s4;
	[sflag:s26] =	ssyncadd.s32 $0xFFFFD800  }
0xeb: {  	[spmem:s3] =	stream.indirect.scatter.add.f32 [tilespmem:s23], [sflag:$0x2], $0x80, s1, s22, $0xb8;
	[tilespmem:$0x1F900] =	vst v63  }
0xec: {  	_ =	swait.ge [sflag:s21], $0x2800  }
0xed: {  	[sflag:s21] =	ssyncset.done $0x0  }
0xee: {  	[sflag:s21] =	ssyncadd.s32 $0xFFFFD800  }
0xef: {  	_ =	swait.ge [sflag:s26], $0x2800  }
0xf0: {  	[sflag:s26] =	ssyncset.done $0x0  }
0xf1: {  	s1 =	sadd.s32 $0x280, s4;
	[sflag:s26] =	ssyncadd.s32 $0xFFFFD800  }
0xf2: {  	[spmem:s3] =	stream.indirect.scatter.add.f32 [tilespmem:s24], [sflag:$0x2], $0x80, s1, s22, $0xb8;
	[tilespmem:$0x1F900] =	vst v63  }
0xf3: {  	_ =	swait.ge [sflag:s21], $0x2800  }
0xf4: {  	[sflag:s21] =	ssyncset.done $0x0  }
0xf5: {  	[sflag:s21] =	ssyncadd.s32 $0xFFFFD800  }
0xf6: {  	_ =	swait.ge [sflag:s26], $0x2800  }
.Ltmp2:
0xf7: {  	[sflag:s26] =	ssyncset.done $0x0;
	(pc) =	sbr.rel @p0 .LBB2_6-.Ltmp2, $4  }
0xf8: {  	s1 =	sadd.s32 $0x380, s4;
	[sflag:s26] =	ssyncadd.s32 $0xFFFFD800  }
0xf9: {  	[spmem:s3] =	stream.indirect.scatter.add.f32 [tilespmem:s25], [sflag:$0x2], $0x80, s1, s22, $0xb8;
	[tilespmem:$0x1F900] =	vst v63  }
0xfa: {  	_ =	swait.ge [sflag:s21], $0x2800  }
0xfb: {  	s1 =	smov.u32 s0;
	[sflag:s21] =	ssyncset.done $0x0  }
0xfc: {  	s0 =	sshra.s32 s31, $0x2;
	[sflag:s21] =	ssyncadd.s32 $0xFFFFD800  }
0xfd: {  	[tilespmem:s20], [sflag:$0x1] =	stream.indirect.gather [hbm4b:s2+s22], $0x80, s0, s22, $0xb8;
	[tilespmem:$0x1F900] =	vst v63  }
0xfe: {  	s1 =	sadd.s32 $0x100, s0  }
0xff: {  	[tilespmem:s23], [sflag:$0x1] =	stream.indirect.gather [hbm4b:s2+s22], $0x80, s1, s22, $0xb8;
	[tilespmem:$0x1F900] =	vst v63  }
0x100: {  	s4 =	sadd.s32 $0x200, s0  }
0x101: {  	[tilespmem:s24], [sflag:$0x1] =	stream.indirect.gather [hbm4b:s2+s22], $0x80, s4, s22, $0xb8;
	[tilespmem:$0x1F900] =	vst v63  }
0x102: {  	s4 =	sadd.s32 $0x300, s0  }
0x103: {  	[tilespmem:s25], [sflag:$0x1] =	stream.indirect.gather [hbm4b:s2+s22], $0x80, s4, s22, $0xb8;
	[tilespmem:$0x1F900] =	vst v63  }
0x104: {  	_ =	swait.ge [sflag:s26], $0x2800  }
0x105: {  	[sflag:s26] =	ssyncset.done $0x0  }
0x106: {  	s4 =	sadd.s32 $0x80, s0;
	[sflag:s26] =	ssyncadd.s32 $0xFFFFD800  }
0x107: {  	[spmem:s3] =	stream.indirect.scatter.add.f32 [tilespmem:s20], [sflag:$0x2], $0x80, s4, s22, $0xb8;
	[tilespmem:$0x1F900] =	vst v63  }
0x108: {  	_ =	swait.ge [sflag:s21], $0x2800  }
0x109: {  	[sflag:s21] =	ssyncset.done $0x0  }
0x10a: {  	[sflag:s21] =	ssyncadd.s32 $0xFFFFD800  }
0x10b: {  	_ =	swait.ge [sflag:s26], $0x2800  }
0x10c: {  	[sflag:s26] =	ssyncset.done $0x0  }
0x10d: {  	s4 =	sadd.s32 $0x180, s0;
	[sflag:s26] =	ssyncadd.s32 $0xFFFFD800  }
0x10e: {  	[spmem:s3] =	stream.indirect.scatter.add.f32 [tilespmem:s23], [sflag:$0x2], $0x80, s4, s22, $0xb8;
	[tilespmem:$0x1F900] =	vst v63  }
0x10f: {  	_ =	swait.ge [sflag:s21], $0x2800  }
0x110: {  	[sflag:s21] =	ssyncset.done $0x0  }
0x111: {  	[sflag:s21] =	ssyncadd.s32 $0xFFFFD800  }
0x112: {  	_ =	swait.ge [sflag:s26], $0x2800  }
0x113: {  	[sflag:s26] =	ssyncset.done $0x0  }
0x114: {  	s4 =	sadd.s32 $0x280, s0;
	[sflag:s26] =	ssyncadd.s32 $0xFFFFD800  }
0x115: {  	[spmem:s3] =	stream.indirect.scatter.add.f32 [tilespmem:s24], [sflag:$0x2], $0x80, s4, s22, $0xb8;
	[tilespmem:$0x1F900] =	vst v63  }
0x116: {  	_ =	swait.ge [sflag:s21], $0x2800  }
0x117: {  	[sflag:s21] =	ssyncset.done $0x0  }
0x118: {  	[sflag:s21] =	ssyncadd.s32 $0xFFFFD800  }
0x119: {  	_ =	swait.ge [sflag:s26], $0x2800  }
0x11a: {  	[sflag:s26] =	ssyncset.done $0x0  }
0x11b: {  	s0 =	sadd.s32 $0x380, s0;
	[sflag:s26] =	ssyncadd.s32 $0xFFFFD800  }
0x11c: {  	[spmem:s3] =	stream.indirect.scatter.add.f32 [tilespmem:s25], [sflag:$0x2], $0x80, s0, s22, $0xb8;
	[tilespmem:$0x1F900] =	vst v63  }
0x11d: {  	_ =	swait.ge [sflag:s21], $0x2800  }
0x11e: {  	[sflag:s21] =	ssyncset.done $0x0  }
0x11f: {  	[sflag:s21] =	ssyncadd.s32 $0xFFFFD800  }
0x120: {  	[tilespmem:s20], [sflag:$0x1] =	stream.indirect.gather [hbm4b:s2+s22], $0x80, s28, s22, $0xb8;
	[tilespmem:$0x1F900] =	vst v63  }
0x121: {  	_ =	swait.ge [sflag:s26], $0x2800  }
0x122: {  	[sflag:s26] =	ssyncset.done $0x0  }
0x123: {  	[sflag:s26] =	ssyncadd.s32 $0xFFFFD800  }
0x124: {  	[spmem:s3] =	stream.indirect.scatter.add.f32 [tilespmem:s20], [sflag:$0x2], $0x80, s29, s22, $0xb8;
	[tilespmem:$0x1F900] =	vst v63  }
0x125: {  	_ =	swait.ge [sflag:s21], $0x2800  }
0x126: {  	[sflag:s21] =	ssyncset.done $0x0  }
0x127: {  	s4 =	simm.s32 $0x0;
	[sflag:s21] =	ssyncadd.s32 $0xFFFFD800  }
0x128: {  	[tilespmem:s4], [sflag:$0x2] =	stream.linear.gather [hbm4b:s15+s4], $0x1900, $0x38;
	[tilespmem:$0x1F900] =	vst v63  }
0x129: {  	_ =	swait.ge [sflag:s21], $0x1900  }
0x12a: {  	[sflag:s21] =	ssyncset.done $0x0  }
0x12b: {  	s1 =	simm.s32 $0x0;
	[sflag:s21] =	ssyncadd.s32 $0xFFFFE700  }
0x12c: {  	[tilespmem:s20], [sflag:$0x1] =	stream.indirect.gather [hbm4b:s2+s22], $0x80, s1, s22, $0xb8;
	[tilespmem:$0x1F900] =	vst v63  }
0x12d: {  	s4 =	simm.s32 $0x100  }
0x12e: {  	[tilespmem:s23], [sflag:$0x1] =	stream.indirect.gather [hbm4b:s2+s22], $0x80, s4, s22, $0xb8;
	[tilespmem:$0x1F900] =	vst v63  }
0x12f: {  	s1 =	simm.s32 $0x200  }
0x130: {  	[tilespmem:s24], [sflag:$0x1] =	stream.indirect.gather [hbm4b:s2+s22], $0x80, s1, s22, $0xb8;
	[tilespmem:$0x1F900] =	vst v63  }
0x131: {  	s4 =	simm.s32 $0x300  }
0x132: {  	[tilespmem:s25], [sflag:$0x1] =	stream.indirect.gather [hbm4b:s2+s22], $0x80, s4, s22, $0xb8;
	[tilespmem:$0x1F900] =	vst v63  }
0x133: {  	_ =	swait.ge [sflag:s26], $0x2800  }
0x134: {  	[sflag:s26] =	ssyncset.done $0x0  }
0x135: {  	s1 =	simm.s32 $0x80;
	[sflag:s26] =	ssyncadd.s32 $0xFFFFD800  }
0x136: {  	[spmem:s3] =	stream.indirect.scatter.add.f32 [tilespmem:s20], [sflag:$0x2], $0x80, s1, s22, $0xb8;
	[tilespmem:$0x1F900] =	vst v63  }
0x137: {  	_ =	swait.ge [sflag:s21], $0x2800  }
0x138: {  	[sflag:s21] =	ssyncset.done $0x0  }
0x139: {  	[sflag:s21] =	ssyncadd.s32 $0xFFFFD800  }
0x13a: {  	_ =	swait.ge [sflag:s26], $0x2800  }
0x13b: {  	[sflag:s26] =	ssyncset.done $0x0  }
0x13c: {  	s4 =	simm.s32 $0x180;
	[sflag:s26] =	ssyncadd.s32 $0xFFFFD800  }
0x13d: {  	[spmem:s3] =	stream.indirect.scatter.add.f32 [tilespmem:s23], [sflag:$0x2], $0x80, s4, s22, $0xb8;
	[tilespmem:$0x1F900] =	vst v63  }
0x13e: {  	_ =	swait.ge [sflag:s21], $0x2800  }
0x13f: {  	[sflag:s21] =	ssyncset.done $0x0  }
0x140: {  	[sflag:s21] =	ssyncadd.s32 $0xFFFFD800  }
0x141: {  	_ =	swait.ge [sflag:s26], $0x2800  }
0x142: {  	[sflag:s26] =	ssyncset.done $0x0  }
0x143: {  	s1 =	simm.s32 $0x280;
	[sflag:s26] =	ssyncadd.s32 $0xFFFFD800  }
0x144: {  	[spmem:s3] =	stream.indirect.scatter.add.f32 [tilespmem:s24], [sflag:$0x2], $0x80, s1, s22, $0xb8;
	[tilespmem:$0x1F900] =	vst v63  }
0x145: {  	_ =	swait.ge [sflag:s21], $0x2800  }
0x146: {  	[sflag:s21] =	ssyncset.done $0x0  }
0x147: {  	[sflag:s21] =	ssyncadd.s32 $0xFFFFD800  }
0x148: {  	_ =	swait.ge [sflag:s26], $0x2800  }
0x149: {  	[sflag:s26] =	ssyncset.done $0x0  }
0x14a: {  	s4 =	simm.s32 $0x380;
	[sflag:s26] =	ssyncadd.s32 $0xFFFFD800  }
0x14b: {  	[spmem:s3] =	stream.indirect.scatter.add.f32 [tilespmem:s25], [sflag:$0x2], $0x80, s4, s22, $0xb8;
	[tilespmem:$0x1F900] =	vst v63  }
0x14c: {  	_ =	swait.ge [sflag:s21], $0x2800  }
0x14d: {  	s31 =	simm.s32 $0x1000;
	s1 =	simm.s32 $0x2000;
	[sflag:s21] =	ssyncset.done $0x0  }
.LBB2_8:
0x14e: {  	s4 =	sshra.s32 s31, $0x2  }
0x14f: {  	[sflag:s21] =	ssyncadd.s32 $0xFFFFD800;
	s31 =	smov.u32 s1;
	s0 =	sadd.s32 $0x1000, s1  }
0x150: {  	[tilespmem:s20], [sflag:$0x1] =	stream.indirect.gather [hbm4b:s2+s22], $0x80, s4, s22, $0xb8;
	[tilespmem:$0x1F900] =	vst v63  }
0x151: {  	p0 =	sne.s32 s1, $0x5000;
	s1 =	sadd.s32 $0x100, s4  }
0x152: {  	[tilespmem:s23], [sflag:$0x1] =	stream.indirect.gather [hbm4b:s2+s22], $0x80, s1, s22, $0xb8;
	[tilespmem:$0x1F900] =	vst v63  }
0x153: {  	s1 =	sadd.s32 $0x200, s4  }
0x154: {  	[tilespmem:s24], [sflag:$0x1] =	stream.indirect.gather [hbm4b:s2+s22], $0x80, s1, s22, $0xb8;
	[tilespmem:$0x1F900] =	vst v63  }
0x155: {  	s1 =	sadd.s32 $0x300, s4  }
0x156: {  	[tilespmem:s25], [sflag:$0x1] =	stream.indirect.gather [hbm4b:s2+s22], $0x80, s1, s22, $0xb8;
	[tilespmem:$0x1F900] =	vst v63  }
0x157: {  	_ =	swait.ge [sflag:s26], $0x2800  }
0x158: {  	[sflag:s26] =	ssyncset.done $0x0  }
0x159: {  	s1 =	sadd.s32 $0x80, s4;
	[sflag:s26] =	ssyncadd.s32 $0xFFFFD800  }
0x15a: {  	[spmem:s3] =	stream.indirect.scatter.add.f32 [tilespmem:s20], [sflag:$0x2], $0x80, s1, s22, $0xb8;
	[tilespmem:$0x1F900] =	vst v63  }
0x15b: {  	_ =	swait.ge [sflag:s21], $0x2800  }
0x15c: {  	[sflag:s21] =	ssyncset.done $0x0  }
0x15d: {  	[sflag:s21] =	ssyncadd.s32 $0xFFFFD800  }
0x15e: {  	_ =	swait.ge [sflag:s26], $0x2800  }
0x15f: {  	[sflag:s26] =	ssyncset.done $0x0  }
0x160: {  	s1 =	sadd.s32 $0x180, s4;
	[sflag:s26] =	ssyncadd.s32 $0xFFFFD800  }
0x161: {  	[spmem:s3] =	stream.indirect.scatter.add.f32 [tilespmem:s23], [sflag:$0x2], $0x80, s1, s22, $0xb8;
	[tilespmem:$0x1F900] =	vst v63  }
0x162: {  	_ =	swait.ge [sflag:s21], $0x2800  }
0x163: {  	[sflag:s21] =	ssyncset.done $0x0  }
0x164: {  	[sflag:s21] =	ssyncadd.s32 $0xFFFFD800  }
0x165: {  	_ =	swait.ge [sflag:s26], $0x2800  }
0x166: {  	[sflag:s26] =	ssyncset.done $0x0  }
0x167: {  	s1 =	sadd.s32 $0x280, s4;
	[sflag:s26] =	ssyncadd.s32 $0xFFFFD800  }
0x168: {  	[spmem:s3] =	stream.indirect.scatter.add.f32 [tilespmem:s24], [sflag:$0x2], $0x80, s1, s22, $0xb8;
	[tilespmem:$0x1F900] =	vst v63  }
0x169: {  	_ =	swait.ge [sflag:s21], $0x2800  }
0x16a: {  	[sflag:s21] =	ssyncset.done $0x0  }
0x16b: {  	[sflag:s21] =	ssyncadd.s32 $0xFFFFD800  }
0x16c: {  	_ =	swait.ge [sflag:s26], $0x2800  }
.Ltmp3:
0x16d: {  	[sflag:s26] =	ssyncset.done $0x0;
	(pc) =	sbr.rel @p0 .LBB2_8-.Ltmp3, $4  }
0x16e: {  	s1 =	sadd.s32 $0x380, s4;
	[sflag:s26] =	ssyncadd.s32 $0xFFFFD800  }
0x16f: {  	[spmem:s3] =	stream.indirect.scatter.add.f32 [tilespmem:s25], [sflag:$0x2], $0x80, s1, s22, $0xb8;
	[tilespmem:$0x1F900] =	vst v63  }
0x170: {  	_ =	swait.ge [sflag:s21], $0x2800  }
0x171: {  	s1 =	smov.u32 s0;
	[sflag:s21] =	ssyncset.done $0x0  }
0x172: {  	s0 =	sshra.s32 s31, $0x2;
	[sflag:s21] =	ssyncadd.s32 $0xFFFFD800  }
0x173: {  	[tilespmem:s20], [sflag:$0x1] =	stream.indirect.gather [hbm4b:s2+s22], $0x80, s0, s22, $0xb8;
	[tilespmem:$0x1F900] =	vst v63  }
0x174: {  	s1 =	sadd.s32 $0x100, s0  }
0x175: {  	[tilespmem:s23], [sflag:$0x1] =	stream.indirect.gather [hbm4b:s2+s22], $0x80, s1, s22, $0xb8;
	[tilespmem:$0x1F900] =	vst v63  }
0x176: {  	s4 =	sadd.s32 $0x200, s0  }
0x177: {  	[tilespmem:s24], [sflag:$0x1] =	stream.indirect.gather [hbm4b:s2+s22], $0x80, s4, s22, $0xb8;
	[tilespmem:$0x1F900] =	vst v63  }
0x178: {  	s4 =	sadd.s32 $0x300, s0  }
0x179: {  	[tilespmem:s25], [sflag:$0x1] =	stream.indirect.gather [hbm4b:s2+s22], $0x80, s4, s22, $0xb8;
	[tilespmem:$0x1F900] =	vst v63  }
0x17a: {  	_ =	swait.ge [sflag:s26], $0x2800  }
0x17b: {  	[sflag:s26] =	ssyncset.done $0x0  }
0x17c: {  	s4 =	sadd.s32 $0x80, s0;
	[sflag:s26] =	ssyncadd.s32 $0xFFFFD800  }
0x17d: {  	[spmem:s3] =	stream.indirect.scatter.add.f32 [tilespmem:s20], [sflag:$0x2], $0x80, s4, s22, $0xb8;
	[tilespmem:$0x1F900] =	vst v63  }
0x17e: {  	_ =	swait.ge [sflag:s21], $0x2800  }
0x17f: {  	[sflag:s21] =	ssyncset.done $0x0  }
0x180: {  	[sflag:s21] =	ssyncadd.s32 $0xFFFFD800  }
0x181: {  	_ =	swait.ge [sflag:s26], $0x2800  }
0x182: {  	[sflag:s26] =	ssyncset.done $0x0  }
0x183: {  	s4 =	sadd.s32 $0x180, s0;
	[sflag:s26] =	ssyncadd.s32 $0xFFFFD800  }
0x184: {  	[spmem:s3] =	stream.indirect.scatter.add.f32 [tilespmem:s23], [sflag:$0x2], $0x80, s4, s22, $0xb8;
	[tilespmem:$0x1F900] =	vst v63  }
0x185: {  	_ =	swait.ge [sflag:s21], $0x2800  }
0x186: {  	[sflag:s21] =	ssyncset.done $0x0  }
0x187: {  	[sflag:s21] =	ssyncadd.s32 $0xFFFFD800  }
0x188: {  	_ =	swait.ge [sflag:s26], $0x2800  }
0x189: {  	[sflag:s26] =	ssyncset.done $0x0  }
0x18a: {  	s4 =	sadd.s32 $0x280, s0;
	[sflag:s26] =	ssyncadd.s32 $0xFFFFD800  }
0x18b: {  	[spmem:s3] =	stream.indirect.scatter.add.f32 [tilespmem:s24], [sflag:$0x2], $0x80, s4, s22, $0xb8;
	[tilespmem:$0x1F900] =	vst v63  }
0x18c: {  	_ =	swait.ge [sflag:s21], $0x2800  }
0x18d: {  	[sflag:s21] =	ssyncset.done $0x0  }
0x18e: {  	[sflag:s21] =	ssyncadd.s32 $0xFFFFD800  }
0x18f: {  	_ =	swait.ge [sflag:s26], $0x2800  }
0x190: {  	[sflag:s26] =	ssyncset.done $0x0  }
0x191: {  	s0 =	sadd.s32 $0x380, s0;
	[sflag:s26] =	ssyncadd.s32 $0xFFFFD800  }
0x192: {  	[spmem:s3] =	stream.indirect.scatter.add.f32 [tilespmem:s25], [sflag:$0x2], $0x80, s0, s22, $0xb8;
	[tilespmem:$0x1F900] =	vst v63  }
0x193: {  	_ =	swait.ge [sflag:s21], $0x2800  }
0x194: {  	[sflag:s21] =	ssyncset.done $0x0  }
0x195: {  	[sflag:s21] =	ssyncadd.s32 $0xFFFFD800  }
0x196: {  	[tilespmem:s20], [sflag:$0x1] =	stream.indirect.gather [hbm4b:s2+s22], $0x80, s28, s22, $0xb8;
	[tilespmem:$0x1F900] =	vst v63  }
0x197: {  	_ =	swait.ge [sflag:s26], $0x2800  }
0x198: {  	[sflag:s26] =	ssyncset.done $0x0  }
0x199: {  	[sflag:s26] =	ssyncadd.s32 $0xFFFFD800  }
0x19a: {  	[spmem:s3] =	stream.indirect.scatter.add.f32 [tilespmem:s20], [sflag:$0x2], $0x80, s29, s22, $0xb8;
	[tilespmem:$0x1F900] =	vst v63  }
0x19b: {  	_ =	swait.ge [sflag:s21], $0x2800  }
0x19c: {  	[sflag:s21] =	ssyncset.done $0x0  }
0x19d: {  	s4 =	simm.s32 $0x0;
	[sflag:s21] =	ssyncadd.s32 $0xFFFFD800  }
0x19e: {  	[tilespmem:s4], [sflag:$0x2] =	stream.linear.gather [hbm4b:s16+s4], $0x1900, $0x38;
	[tilespmem:$0x1F900] =	vst v63  }
0x19f: {  	_ =	swait.ge [sflag:s21], $0x1900  }
0x1a0: {  	[sflag:s21] =	ssyncset.done $0x0  }
0x1a1: {  	s1 =	simm.s32 $0x0;
	[sflag:s21] =	ssyncadd.s32 $0xFFFFE700  }
0x1a2: {  	[tilespmem:s20], [sflag:$0x1] =	stream.indirect.gather [hbm4b:s2+s22], $0x80, s1, s22, $0xb8;
	[tilespmem:$0x1F900] =	vst v63  }
0x1a3: {  	s4 =	simm.s32 $0x100  }
0x1a4: {  	[tilespmem:s23], [sflag:$0x1] =	stream.indirect.gather [hbm4b:s2+s22], $0x80, s4, s22, $0xb8;
	[tilespmem:$0x1F900] =	vst v63  }
0x1a5: {  	s1 =	simm.s32 $0x200  }
0x1a6: {  	[tilespmem:s24], [sflag:$0x1] =	stream.indirect.gather [hbm4b:s2+s22], $0x80, s1, s22, $0xb8;
	[tilespmem:$0x1F900] =	vst v63  }
0x1a7: {  	s4 =	simm.s32 $0x300  }
0x1a8: {  	[tilespmem:s25], [sflag:$0x1] =	stream.indirect.gather [hbm4b:s2+s22], $0x80, s4, s22, $0xb8;
	[tilespmem:$0x1F900] =	vst v63  }
0x1a9: {  	_ =	swait.ge [sflag:s26], $0x2800  }
0x1aa: {  	[sflag:s26] =	ssyncset.done $0x0  }
0x1ab: {  	s1 =	simm.s32 $0x80;
	[sflag:s26] =	ssyncadd.s32 $0xFFFFD800  }
0x1ac: {  	[spmem:s3] =	stream.indirect.scatter.add.f32 [tilespmem:s20], [sflag:$0x2], $0x80, s1, s22, $0xb8;
	[tilespmem:$0x1F900] =	vst v63  }
0x1ad: {  	_ =	swait.ge [sflag:s21], $0x2800  }
0x1ae: {  	[sflag:s21] =	ssyncset.done $0x0  }
0x1af: {  	[sflag:s21] =	ssyncadd.s32 $0xFFFFD800  }
0x1b0: {  	_ =	swait.ge [sflag:s26], $0x2800  }
0x1b1: {  	[sflag:s26] =	ssyncset.done $0x0  }
0x1b2: {  	s4 =	simm.s32 $0x180;
	[sflag:s26] =	ssyncadd.s32 $0xFFFFD800  }
0x1b3: {  	[spmem:s3] =	stream.indirect.scatter.add.f32 [tilespmem:s23], [sflag:$0x2], $0x80, s4, s22, $0xb8;
	[tilespmem:$0x1F900] =	vst v63  }
0x1b4: {  	_ =	swait.ge [sflag:s21], $0x2800  }
0x1b5: {  	[sflag:s21] =	ssyncset.done $0x0  }
0x1b6: {  	[sflag:s21] =	ssyncadd.s32 $0xFFFFD800  }
0x1b7: {  	_ =	swait.ge [sflag:s26], $0x2800  }
0x1b8: {  	[sflag:s26] =	ssyncset.done $0x0  }
0x1b9: {  	s1 =	simm.s32 $0x280;
	[sflag:s26] =	ssyncadd.s32 $0xFFFFD800  }
0x1ba: {  	[spmem:s3] =	stream.indirect.scatter.add.f32 [tilespmem:s24], [sflag:$0x2], $0x80, s1, s22, $0xb8;
	[tilespmem:$0x1F900] =	vst v63  }
0x1bb: {  	_ =	swait.ge [sflag:s21], $0x2800  }
0x1bc: {  	[sflag:s21] =	ssyncset.done $0x0  }
0x1bd: {  	[sflag:s21] =	ssyncadd.s32 $0xFFFFD800  }
0x1be: {  	_ =	swait.ge [sflag:s26], $0x2800  }
0x1bf: {  	[sflag:s26] =	ssyncset.done $0x0  }
0x1c0: {  	s4 =	simm.s32 $0x380;
	[sflag:s26] =	ssyncadd.s32 $0xFFFFD800  }
0x1c1: {  	[spmem:s3] =	stream.indirect.scatter.add.f32 [tilespmem:s25], [sflag:$0x2], $0x80, s4, s22, $0xb8;
	[tilespmem:$0x1F900] =	vst v63  }
0x1c2: {  	_ =	swait.ge [sflag:s21], $0x2800  }
0x1c3: {  	s31 =	simm.s32 $0x1000;
	s1 =	simm.s32 $0x2000;
	[sflag:s21] =	ssyncset.done $0x0  }
.LBB2_10:
0x1c4: {  	s4 =	sshra.s32 s31, $0x2  }
0x1c5: {  	[sflag:s21] =	ssyncadd.s32 $0xFFFFD800;
	s31 =	smov.u32 s1;
	s0 =	sadd.s32 $0x1000, s1  }
0x1c6: {  	[tilespmem:s20], [sflag:$0x1] =	stream.indirect.gather [hbm4b:s2+s22], $0x80, s4, s22, $0xb8;
	[tilespmem:$0x1F900] =	vst v63  }
0x1c7: {  	p0 =	sne.s32 s1, $0x5000;
	s1 =	sadd.s32 $0x100, s4  }
0x1c8: {  	[tilespmem:s23], [sflag:$0x1] =	stream.indirect.gather [hbm4b:s2+s22], $0x80, s1, s22, $0xb8;
	[tilespmem:$0x1F900] =	vst v63  }
0x1c9: {  	s1 =	sadd.s32 $0x200, s4  }
0x1ca: {  	[tilespmem:s24], [sflag:$0x1] =	stream.indirect.gather [hbm4b:s2+s22], $0x80, s1, s22, $0xb8;
	[tilespmem:$0x1F900] =	vst v63  }
0x1cb: {  	s1 =	sadd.s32 $0x300, s4  }
0x1cc: {  	[tilespmem:s25], [sflag:$0x1] =	stream.indirect.gather [hbm4b:s2+s22], $0x80, s1, s22, $0xb8;
	[tilespmem:$0x1F900] =	vst v63  }
0x1cd: {  	_ =	swait.ge [sflag:s26], $0x2800  }
0x1ce: {  	[sflag:s26] =	ssyncset.done $0x0  }
0x1cf: {  	s1 =	sadd.s32 $0x80, s4;
	[sflag:s26] =	ssyncadd.s32 $0xFFFFD800  }
0x1d0: {  	[spmem:s3] =	stream.indirect.scatter.add.f32 [tilespmem:s20], [sflag:$0x2], $0x80, s1, s22, $0xb8;
	[tilespmem:$0x1F900] =	vst v63  }
0x1d1: {  	_ =	swait.ge [sflag:s21], $0x2800  }
0x1d2: {  	[sflag:s21] =	ssyncset.done $0x0  }
0x1d3: {  	[sflag:s21] =	ssyncadd.s32 $0xFFFFD800  }
0x1d4: {  	_ =	swait.ge [sflag:s26], $0x2800  }
0x1d5: {  	[sflag:s26] =	ssyncset.done $0x0  }
0x1d6: {  	s1 =	sadd.s32 $0x180, s4;
	[sflag:s26] =	ssyncadd.s32 $0xFFFFD800  }
0x1d7: {  	[spmem:s3] =	stream.indirect.scatter.add.f32 [tilespmem:s23], [sflag:$0x2], $0x80, s1, s22, $0xb8;
	[tilespmem:$0x1F900] =	vst v63  }
0x1d8: {  	_ =	swait.ge [sflag:s21], $0x2800  }
0x1d9: {  	[sflag:s21] =	ssyncset.done $0x0  }
0x1da: {  	[sflag:s21] =	ssyncadd.s32 $0xFFFFD800  }
0x1db: {  	_ =	swait.ge [sflag:s26], $0x2800  }
0x1dc: {  	[sflag:s26] =	ssyncset.done $0x0  }
0x1dd: {  	s1 =	sadd.s32 $0x280, s4;
	[sflag:s26] =	ssyncadd.s32 $0xFFFFD800  }
0x1de: {  	[spmem:s3] =	stream.indirect.scatter.add.f32 [tilespmem:s24], [sflag:$0x2], $0x80, s1, s22, $0xb8;
	[tilespmem:$0x1F900] =	vst v63  }
0x1df: {  	_ =	swait.ge [sflag:s21], $0x2800  }
0x1e0: {  	[sflag:s21] =	ssyncset.done $0x0  }
0x1e1: {  	[sflag:s21] =	ssyncadd.s32 $0xFFFFD800  }
0x1e2: {  	_ =	swait.ge [sflag:s26], $0x2800  }
.Ltmp4:
0x1e3: {  	[sflag:s26] =	ssyncset.done $0x0;
	(pc) =	sbr.rel @p0 .LBB2_10-.Ltmp4, $4  }
0x1e4: {  	s1 =	sadd.s32 $0x380, s4;
	[sflag:s26] =	ssyncadd.s32 $0xFFFFD800  }
0x1e5: {  	[spmem:s3] =	stream.indirect.scatter.add.f32 [tilespmem:s25], [sflag:$0x2], $0x80, s1, s22, $0xb8;
	[tilespmem:$0x1F900] =	vst v63  }
0x1e6: {  	_ =	swait.ge [sflag:s21], $0x2800  }
0x1e7: {  	s1 =	smov.u32 s0;
	[sflag:s21] =	ssyncset.done $0x0  }
0x1e8: {  	s0 =	sshra.s32 s31, $0x2;
	[sflag:s21] =	ssyncadd.s32 $0xFFFFD800  }
0x1e9: {  	[tilespmem:s20], [sflag:$0x1] =	stream.indirect.gather [hbm4b:s2+s22], $0x80, s0, s22, $0xb8;
	[tilespmem:$0x1F900] =	vst v63  }
0x1ea: {  	s1 =	sadd.s32 $0x100, s0  }
0x1eb: {  	[tilespmem:s23], [sflag:$0x1] =	stream.indirect.gather [hbm4b:s2+s22], $0x80, s1, s22, $0xb8;
	[tilespmem:$0x1F900] =	vst v63  }
0x1ec: {  	s4 =	sadd.s32 $0x200, s0  }
0x1ed: {  	[tilespmem:s24], [sflag:$0x1] =	stream.indirect.gather [hbm4b:s2+s22], $0x80, s4, s22, $0xb8;
	[tilespmem:$0x1F900] =	vst v63  }
0x1ee: {  	s4 =	sadd.s32 $0x300, s0  }
0x1ef: {  	[tilespmem:s25], [sflag:$0x1] =	stream.indirect.gather [hbm4b:s2+s22], $0x80, s4, s22, $0xb8;
	[tilespmem:$0x1F900] =	vst v63  }
0x1f0: {  	_ =	swait.ge [sflag:s26], $0x2800  }
0x1f1: {  	[sflag:s26] =	ssyncset.done $0x0  }
0x1f2: {  	s4 =	sadd.s32 $0x80, s0;
	[sflag:s26] =	ssyncadd.s32 $0xFFFFD800  }
0x1f3: {  	[spmem:s3] =	stream.indirect.scatter.add.f32 [tilespmem:s20], [sflag:$0x2], $0x80, s4, s22, $0xb8;
	[tilespmem:$0x1F900] =	vst v63  }
0x1f4: {  	_ =	swait.ge [sflag:s21], $0x2800  }
0x1f5: {  	[sflag:s21] =	ssyncset.done $0x0  }
0x1f6: {  	[sflag:s21] =	ssyncadd.s32 $0xFFFFD800  }
0x1f7: {  	_ =	swait.ge [sflag:s26], $0x2800  }
0x1f8: {  	[sflag:s26] =	ssyncset.done $0x0  }
0x1f9: {  	s4 =	sadd.s32 $0x180, s0;
	[sflag:s26] =	ssyncadd.s32 $0xFFFFD800  }
0x1fa: {  	[spmem:s3] =	stream.indirect.scatter.add.f32 [tilespmem:s23], [sflag:$0x2], $0x80, s4, s22, $0xb8;
	[tilespmem:$0x1F900] =	vst v63  }
0x1fb: {  	_ =	swait.ge [sflag:s21], $0x2800  }
0x1fc: {  	[sflag:s21] =	ssyncset.done $0x0  }
0x1fd: {  	[sflag:s21] =	ssyncadd.s32 $0xFFFFD800  }
0x1fe: {  	_ =	swait.ge [sflag:s26], $0x2800  }
0x1ff: {  	[sflag:s26] =	ssyncset.done $0x0  }
0x200: {  	s4 =	sadd.s32 $0x280, s0;
	[sflag:s26] =	ssyncadd.s32 $0xFFFFD800  }
0x201: {  	[spmem:s3] =	stream.indirect.scatter.add.f32 [tilespmem:s24], [sflag:$0x2], $0x80, s4, s22, $0xb8;
	[tilespmem:$0x1F900] =	vst v63  }
0x202: {  	_ =	swait.ge [sflag:s21], $0x2800  }
0x203: {  	[sflag:s21] =	ssyncset.done $0x0  }
0x204: {  	[sflag:s21] =	ssyncadd.s32 $0xFFFFD800  }
0x205: {  	_ =	swait.ge [sflag:s26], $0x2800  }
0x206: {  	[sflag:s26] =	ssyncset.done $0x0  }
0x207: {  	s0 =	sadd.s32 $0x380, s0;
	[sflag:s26] =	ssyncadd.s32 $0xFFFFD800  }
0x208: {  	[spmem:s3] =	stream.indirect.scatter.add.f32 [tilespmem:s25], [sflag:$0x2], $0x80, s0, s22, $0xb8;
	[tilespmem:$0x1F900] =	vst v63  }
0x209: {  	_ =	swait.ge [sflag:s21], $0x2800  }
0x20a: {  	[sflag:s21] =	ssyncset.done $0x0  }
0x20b: {  	[sflag:s21] =	ssyncadd.s32 $0xFFFFD800  }
0x20c: {  	[tilespmem:s20], [sflag:$0x1] =	stream.indirect.gather [hbm4b:s2+s22], $0x80, s28, s22, $0xb8;
	[tilespmem:$0x1F900] =	vst v63  }
0x20d: {  	_ =	swait.ge [sflag:s26], $0x2800  }
0x20e: {  	[sflag:s26] =	ssyncset.done $0x0  }
0x20f: {  	[sflag:s26] =	ssyncadd.s32 $0xFFFFD800  }
0x210: {  	[spmem:s3] =	stream.indirect.scatter.add.f32 [tilespmem:s20], [sflag:$0x2], $0x80, s29, s22, $0xb8;
	[tilespmem:$0x1F900] =	vst v63  }
0x211: {  	_ =	swait.ge [sflag:s21], $0x2800  }
0x212: {  	[sflag:s21] =	ssyncset.done $0x0  }
0x213: {  	s4 =	simm.s32 $0x0;
	[sflag:s21] =	ssyncadd.s32 $0xFFFFD800  }
0x214: {  	[tilespmem:s4], [sflag:$0x2] =	stream.linear.gather [hbm4b:s17+s4], $0x1900, $0x38;
	[tilespmem:$0x1F900] =	vst v63  }
0x215: {  	_ =	swait.ge [sflag:s21], $0x1900  }
0x216: {  	[sflag:s21] =	ssyncset.done $0x0  }
0x217: {  	s1 =	simm.s32 $0x0;
	[sflag:s21] =	ssyncadd.s32 $0xFFFFE700  }
0x218: {  	[tilespmem:s20], [sflag:$0x1] =	stream.indirect.gather [hbm4b:s2+s22], $0x80, s1, s22, $0xb8;
	[tilespmem:$0x1F900] =	vst v63  }
0x219: {  	s4 =	simm.s32 $0x100  }
0x21a: {  	[tilespmem:s23], [sflag:$0x1] =	stream.indirect.gather [hbm4b:s2+s22], $0x80, s4, s22, $0xb8;
	[tilespmem:$0x1F900] =	vst v63  }
0x21b: {  	s1 =	simm.s32 $0x200  }
0x21c: {  	[tilespmem:s24], [sflag:$0x1] =	stream.indirect.gather [hbm4b:s2+s22], $0x80, s1, s22, $0xb8;
	[tilespmem:$0x1F900] =	vst v63  }
0x21d: {  	s4 =	simm.s32 $0x300  }
0x21e: {  	[tilespmem:s25], [sflag:$0x1] =	stream.indirect.gather [hbm4b:s2+s22], $0x80, s4, s22, $0xb8;
	[tilespmem:$0x1F900] =	vst v63  }
0x21f: {  	_ =	swait.ge [sflag:s26], $0x2800  }
0x220: {  	[sflag:s26] =	ssyncset.done $0x0  }
0x221: {  	s1 =	simm.s32 $0x80;
	[sflag:s26] =	ssyncadd.s32 $0xFFFFD800  }
0x222: {  	[spmem:s3] =	stream.indirect.scatter.add.f32 [tilespmem:s20], [sflag:$0x2], $0x80, s1, s22, $0xb8;
	[tilespmem:$0x1F900] =	vst v63  }
0x223: {  	_ =	swait.ge [sflag:s21], $0x2800  }
0x224: {  	[sflag:s21] =	ssyncset.done $0x0  }
0x225: {  	[sflag:s21] =	ssyncadd.s32 $0xFFFFD800  }
0x226: {  	_ =	swait.ge [sflag:s26], $0x2800  }
0x227: {  	[sflag:s26] =	ssyncset.done $0x0  }
0x228: {  	s4 =	simm.s32 $0x180;
	[sflag:s26] =	ssyncadd.s32 $0xFFFFD800  }
0x229: {  	[spmem:s3] =	stream.indirect.scatter.add.f32 [tilespmem:s23], [sflag:$0x2], $0x80, s4, s22, $0xb8;
	[tilespmem:$0x1F900] =	vst v63  }
0x22a: {  	_ =	swait.ge [sflag:s21], $0x2800  }
0x22b: {  	[sflag:s21] =	ssyncset.done $0x0  }
0x22c: {  	[sflag:s21] =	ssyncadd.s32 $0xFFFFD800  }
0x22d: {  	_ =	swait.ge [sflag:s26], $0x2800  }
0x22e: {  	[sflag:s26] =	ssyncset.done $0x0  }
0x22f: {  	s1 =	simm.s32 $0x280;
	[sflag:s26] =	ssyncadd.s32 $0xFFFFD800  }
0x230: {  	[spmem:s3] =	stream.indirect.scatter.add.f32 [tilespmem:s24], [sflag:$0x2], $0x80, s1, s22, $0xb8;
	[tilespmem:$0x1F900] =	vst v63  }
0x231: {  	_ =	swait.ge [sflag:s21], $0x2800  }
0x232: {  	[sflag:s21] =	ssyncset.done $0x0  }
0x233: {  	[sflag:s21] =	ssyncadd.s32 $0xFFFFD800  }
0x234: {  	_ =	swait.ge [sflag:s26], $0x2800  }
0x235: {  	[sflag:s26] =	ssyncset.done $0x0  }
0x236: {  	s4 =	simm.s32 $0x380;
	[sflag:s26] =	ssyncadd.s32 $0xFFFFD800  }
0x237: {  	[spmem:s3] =	stream.indirect.scatter.add.f32 [tilespmem:s25], [sflag:$0x2], $0x80, s4, s22, $0xb8;
	[tilespmem:$0x1F900] =	vst v63  }
0x238: {  	_ =	swait.ge [sflag:s21], $0x2800  }
0x239: {  	s31 =	simm.s32 $0x1000;
	s1 =	simm.s32 $0x2000;
	[sflag:s21] =	ssyncset.done $0x0  }
.LBB2_12:
0x23a: {  	s4 =	sshra.s32 s31, $0x2  }
0x23b: {  	[sflag:s21] =	ssyncadd.s32 $0xFFFFD800;
	s31 =	smov.u32 s1;
	s0 =	sadd.s32 $0x1000, s1  }
0x23c: {  	[tilespmem:s20], [sflag:$0x1] =	stream.indirect.gather [hbm4b:s2+s22], $0x80, s4, s22, $0xb8;
	[tilespmem:$0x1F900] =	vst v63  }
0x23d: {  	p0 =	sne.s32 s1, $0x5000;
	s1 =	sadd.s32 $0x100, s4  }
0x23e: {  	[tilespmem:s23], [sflag:$0x1] =	stream.indirect.gather [hbm4b:s2+s22], $0x80, s1, s22, $0xb8;
	[tilespmem:$0x1F900] =	vst v63  }
0x23f: {  	s1 =	sadd.s32 $0x200, s4  }
0x240: {  	[tilespmem:s24], [sflag:$0x1] =	stream.indirect.gather [hbm4b:s2+s22], $0x80, s1, s22, $0xb8;
	[tilespmem:$0x1F900] =	vst v63  }
0x241: {  	s1 =	sadd.s32 $0x300, s4  }
0x242: {  	[tilespmem:s25], [sflag:$0x1] =	stream.indirect.gather [hbm4b:s2+s22], $0x80, s1, s22, $0xb8;
	[tilespmem:$0x1F900] =	vst v63  }
0x243: {  	_ =	swait.ge [sflag:s26], $0x2800  }
0x244: {  	[sflag:s26] =	ssyncset.done $0x0  }
0x245: {  	s1 =	sadd.s32 $0x80, s4;
	[sflag:s26] =	ssyncadd.s32 $0xFFFFD800  }
0x246: {  	[spmem:s3] =	stream.indirect.scatter.add.f32 [tilespmem:s20], [sflag:$0x2], $0x80, s1, s22, $0xb8;
	[tilespmem:$0x1F900] =	vst v63  }
0x247: {  	_ =	swait.ge [sflag:s21], $0x2800  }
0x248: {  	[sflag:s21] =	ssyncset.done $0x0  }
0x249: {  	[sflag:s21] =	ssyncadd.s32 $0xFFFFD800  }
0x24a: {  	_ =	swait.ge [sflag:s26], $0x2800  }
0x24b: {  	[sflag:s26] =	ssyncset.done $0x0  }
0x24c: {  	s1 =	sadd.s32 $0x180, s4;
	[sflag:s26] =	ssyncadd.s32 $0xFFFFD800  }
0x24d: {  	[spmem:s3] =	stream.indirect.scatter.add.f32 [tilespmem:s23], [sflag:$0x2], $0x80, s1, s22, $0xb8;
	[tilespmem:$0x1F900] =	vst v63  }
0x24e: {  	_ =	swait.ge [sflag:s21], $0x2800  }
0x24f: {  	[sflag:s21] =	ssyncset.done $0x0  }
0x250: {  	[sflag:s21] =	ssyncadd.s32 $0xFFFFD800  }
0x251: {  	_ =	swait.ge [sflag:s26], $0x2800  }
0x252: {  	[sflag:s26] =	ssyncset.done $0x0  }
0x253: {  	s1 =	sadd.s32 $0x280, s4;
	[sflag:s26] =	ssyncadd.s32 $0xFFFFD800  }
0x254: {  	[spmem:s3] =	stream.indirect.scatter.add.f32 [tilespmem:s24], [sflag:$0x2], $0x80, s1, s22, $0xb8;
	[tilespmem:$0x1F900] =	vst v63  }
0x255: {  	_ =	swait.ge [sflag:s21], $0x2800  }
0x256: {  	[sflag:s21] =	ssyncset.done $0x0  }
0x257: {  	[sflag:s21] =	ssyncadd.s32 $0xFFFFD800  }
0x258: {  	_ =	swait.ge [sflag:s26], $0x2800  }
.Ltmp5:
0x259: {  	[sflag:s26] =	ssyncset.done $0x0;
	(pc) =	sbr.rel @p0 .LBB2_12-.Ltmp5, $4  }
0x25a: {  	s1 =	sadd.s32 $0x380, s4;
	[sflag:s26] =	ssyncadd.s32 $0xFFFFD800  }
0x25b: {  	[spmem:s3] =	stream.indirect.scatter.add.f32 [tilespmem:s25], [sflag:$0x2], $0x80, s1, s22, $0xb8;
	[tilespmem:$0x1F900] =	vst v63  }
0x25c: {  	_ =	swait.ge [sflag:s21], $0x2800  }
0x25d: {  	s1 =	smov.u32 s0;
	[sflag:s21] =	ssyncset.done $0x0  }
0x25e: {  	s0 =	sshra.s32 s31, $0x2;
	[sflag:s21] =	ssyncadd.s32 $0xFFFFD800  }
0x25f: {  	[tilespmem:s20], [sflag:$0x1] =	stream.indirect.gather [hbm4b:s2+s22], $0x80, s0, s22, $0xb8;
	[tilespmem:$0x1F900] =	vst v63  }
0x260: {  	s1 =	sadd.s32 $0x100, s0  }
0x261: {  	[tilespmem:s23], [sflag:$0x1] =	stream.indirect.gather [hbm4b:s2+s22], $0x80, s1, s22, $0xb8;
	[tilespmem:$0x1F900] =	vst v63  }
0x262: {  	s31 =	sadd.s32 $0x200, s0  }
0x263: {  	[tilespmem:s24], [sflag:$0x1] =	stream.indirect.gather [hbm4b:s2+s22], $0x80, s31, s22, $0xb8;
	[tilespmem:$0x1F900] =	vst v63  }
0x264: {  	s4 =	sadd.s32 $0x300, s0  }
0x265: {  	[tilespmem:s25], [sflag:$0x1] =	stream.indirect.gather [hbm4b:s2+s22], $0x80, s4, s22, $0xb8;
	[tilespmem:$0x1F900] =	vst v63  }
0x266: {  	_ =	swait.ge [sflag:s26], $0x2800  }
0x267: {  	[sflag:s26] =	ssyncset.done $0x0  }
0x268: {  	s31 =	sadd.s32 $0x80, s0;
	[sflag:s26] =	ssyncadd.s32 $0xFFFFD800  }
0x269: {  	[spmem:s3] =	stream.indirect.scatter.add.f32 [tilespmem:s20], [sflag:$0x2], $0x80, s31, s22, $0xb8;
	[tilespmem:$0x1F900] =	vst v63  }
0x26a: {  	_ =	swait.ge [sflag:s21], $0x2800  }
0x26b: {  	[sflag:s21] =	ssyncset.done $0x0  }
0x26c: {  	[sflag:s21] =	ssyncadd.s32 $0xFFFFD800  }
0x26d: {  	_ =	swait.ge [sflag:s26], $0x2800  }
0x26e: {  	[sflag:s26] =	ssyncset.done $0x0  }
0x26f: {  	s4 =	sadd.s32 $0x180, s0;
	[sflag:s26] =	ssyncadd.s32 $0xFFFFD800  }
0x270: {  	[spmem:s3] =	stream.indirect.scatter.add.f32 [tilespmem:s23], [sflag:$0x2], $0x80, s4, s22, $0xb8;
	[tilespmem:$0x1F900] =	vst v63  }
0x271: {  	_ =	swait.ge [sflag:s21], $0x2800  }
0x272: {  	[sflag:s21] =	ssyncset.done $0x0  }
0x273: {  	[sflag:s21] =	ssyncadd.s32 $0xFFFFD800  }
0x274: {  	_ =	swait.ge [sflag:s26], $0x2800  }
0x275: {  	[sflag:s26] =	ssyncset.done $0x0  }
0x276: {  	s31 =	sadd.s32 $0x280, s0;
	[sflag:s26] =	ssyncadd.s32 $0xFFFFD800  }
0x277: {  	[spmem:s3] =	stream.indirect.scatter.add.f32 [tilespmem:s24], [sflag:$0x2], $0x80, s31, s22, $0xb8;
	[tilespmem:$0x1F900] =	vst v63  }
0x278: {  	_ =	swait.ge [sflag:s21], $0x2800  }
0x279: {  	[sflag:s21] =	ssyncset.done $0x0  }
0x27a: {  	[sflag:s21] =	ssyncadd.s32 $0xFFFFD800  }
0x27b: {  	_ =	swait.ge [sflag:s26], $0x2800  }
0x27c: {  	[sflag:s26] =	ssyncset.done $0x0  }
0x27d: {  	s0 =	sadd.s32 $0x380, s0;
	[sflag:s26] =	ssyncadd.s32 $0xFFFFD800  }
0x27e: {  	[spmem:s3] =	stream.indirect.scatter.add.f32 [tilespmem:s25], [sflag:$0x2], $0x80, s0, s22, $0xb8;
	[tilespmem:$0x1F900] =	vst v63  }
0x27f: {  	_ =	swait.ge [sflag:s21], $0x2800  }
0x280: {  	[sflag:s21] =	ssyncset.done $0x0  }
0x281: {  	[sflag:s21] =	ssyncadd.s32 $0xFFFFD800  }
0x282: {  	[tilespmem:s20], [sflag:$0x1] =	stream.indirect.gather [hbm4b:s2+s22], $0x80, s28, s22, $0xb8;
	[tilespmem:$0x1F900] =	vst v63  }
0x283: {  	_ =	swait.ge [sflag:s26], $0x2800  }
0x284: {  	[sflag:s26] =	ssyncset.done $0x0  }
0x285: {  	[sflag:s26] =	ssyncadd.s32 $0xFFFFD800  }
0x286: {  	[spmem:s3] =	stream.indirect.scatter.add.f32 [tilespmem:s20], [sflag:$0x2], $0x80, s29, s22, $0xb8;
	[tilespmem:$0x1F900] =	vst v63  }
0x287: {  	s30 =	sadd.s32 $0x1, s30;
	_ =	swait.ge [sflag:s21], $0x2800  }
0x288: {  	p0 =	sne.s32 s30, s19;
	s4 =	stileid.u32;
	[sflag:s21] =	ssyncset.done $0x0  }
0x289: {  	s31 =	sshrl.u32 s5, $0x3;
	s0 =	sshll.u32 s4, $0x6;
	[sflag:s21] =	ssyncadd.s32 $0xFFFFD800  }
.Ltmp6:
0x28a: {  	s0 =	sor.u32 $0x1C02, s0;
	[bflag:$0x0] =	sbarrier.arrive $0xFFFF;
	(pc) =	sbr.rel @p0 .LBB2_1-.Ltmp6, $4  }
0x28b: {  	[hbm:s18], [sflag:s0] =	dma.local [spmem:s31], $0x2800  }
0x28c: {  	_ =	swait.ge [sflag:s21], $0x2800  }
0x28d: {  	[sflag:s21] =	ssyncset.done $0x0  }
0x28e: {  	[sflag:s21] =	ssyncadd.s32 $0xFFFFD800  }
0x28f: {  	_ =	sfence.sel $0x180000  }
0x290: {  	[bflag:$0x0] =	sbarrier.arrive $0xFFFF  }
0x291: {  	_ =	strace $0x9000004A  }
0x292: {  	s0 =	stileid.u32;
	[bflag:$0x2] =	sbarrier.arrive $0xFFFF  }
0x293: {  	p0 =	sne.s32 s0, $0x0;
	s0 =	rddreg [dreg:$0x4]  }
0x294: {  	s0 =	sadd.s32 @!p0 $0x100000, s0  }
0x295: {  	[sflag:s0] =	ssyncadd.tile.s32 @!p0 $0x1;
	_ =	shalt  }
.Lfunc_end2:
_tile_overlayer_lowered:
.L_overlay_start_2:
0x296: {  	(tag) =	ssettag $0x2  }
0x297: {  	s0 =	rddreg [dreg:$0x0];
	s2 =	stileid.u32  }
0x298: {  	s1 =	rddreg [dreg:$0x1];
	p0 =	sne.s32 s2, $0x0  }
0x299: {  	s3 =	rddreg [dreg:$0x2];
	[bflag:$0x3] =	sbarrier.arrive $0xFFFF;
	s2 =	simm.s32 @!p0 $0x1C02  }
0x29a: {  	[timem:s3], [sflag:s2] =	dma.local @!p0 [hbm:s0], s1  }
0x29b: {  	s0 =	simm.s32 @!p0 $0x2  }
0x29c: {  	_ =	swait.ge @!p0 [sflag:s0], s1  }
0x29d: {  	s1 =	ssub.s32 @!p0 $0x0, s1;
	[sflag:s0] =	ssyncset.done @!p0 $0x0  }
0x29e: {  	[sflag:s0] =	ssyncadd.s32 @!p0 s1  }
0x29f: {  	[bflag:$0x3] =	sbarrier.arrive $0xFFFF  }
0x2a0: {  	_ =	shalt  }

// kernel: kernel.7.cloned.1.call-start
scs
__scs_entry_jumppad:
0x0: {  	(pc) =	sbr.rel $0x88, $3  }
0x1: {  	(tag) =	ssettag $0x0;
	lr =	simm.s32 $0x1  }
0x2: {  	[smem:$0x3F9A] =	sst lr;
	_ =	strace $0xD0000000  }
0x3: {  	_ = 	snop  }
0x4: {  	_ = 	snop  }
0x5: {  	_ = 	snop  }
0x6: {  	_ = 	snop  }
0x7: {  	_ = 	snop  }
__scs_overlays_trampoline_lowered:
0x8: {  	[smem:$0x3FA9] =	sst s0  }
0x9: {  	[smem:$0x3FAA] =	sst s1  }
0xa: {  	[smem:$0x3FAB] =	sst s2  }
0xb: {  	[smem:$0x3FAC] =	sst s3  }
0xc: {  	[smem:$0x3FAD] =	sst s4  }
0xd: {  	[smem:$0x3FAE] =	sst s5  }
0xe: {  	[smem:$0x3FAF] =	sst s6  }
0xf: {  	[smem:$0x3FB0] =	sst s7  }
0x10: {  	[smem:$0x3FB1] =	sst s8  }
0x11: {  	[smem:$0x3FB2] =	sst s9;
	s0 =	simm.s32 @!p0 $0x0  }
0x12: {  	s1 =	sld [smem:$0x3F98];
	s0 =	simm.s32 @p0 $0x1  }
0x13: {  	[smem:$0x3FB3] =	sst s0;
	s0 =	simm.s32 @!p1 $0x0  }
0x14: {  	s2 =	sld [smem:$0x3F97];
	s0 =	simm.s32 @p1 $0x1  }
0x15: {  	[smem:$0x3FB4] =	sst s0;
	s0 =	simm.s32 @!p2 $0x0  }
0x16: {  	s3 =	sld [smem:$0x3FDB];
	s0 =	simm.s32 @p2 $0x1  }
0x17: {  	s4 =	simm.s32 $0x1BF5;
	[smem:$0x3FB6] =	sst s0  }
0x18: {  	s0 =	sld [smem:$0x3F99];
	_ =	swait.ge [sflag:s4], $0x0  }
0x19: {  	s7 =	sld [smem:$0x3F9A]  }
0x1a: {  	s8 =	sadd.s32 $0xFFFFE003, lr  }
0x1b: {  	s9 =	sadd.s32 $0xFFFFFEF7, lr;
	s5 =	simm.s32 $0xFFFFFFFF;
	p2 =	slt.u32 s8, $0xFFFFF086  }
0x1c: {  	p1 =	slt.u32 s9, $0xF7A;
	s5 =	simm.s32 @!p2 $0x0  }
0x1d: {  	s5 =	simm.s32 @p1 $0x1;
	p0 =	seq.s32 s7, s2  }
0x1e: {  	s7 =	smul.u32 @!p0 $0xF7A, s2;
	p2 =	seq.s32 @!p0 s5, $0x0  }
0x1f: {  	s9 =	smul.u32 $0xF7A, s1;
	s8 =	simm.s32 @!p0 $0x1BF5;
	p2 =	por !p2, p0  }
0x20: {  	[sflag:s8] =	ssyncset.s32 @!p0 $0xFFFFF086;
	s6 =	sadd.s32 @!p0 s3, s7;
	s7 =	simm.s32 @!p0 $0x108  }
0x21: {  	s3 =	sadd.s32 s3, s9;
	s6 =	sadd.s32 @!p0 $0x88, s6;
	s7 =	simm.s32 @p2 $0x1082  }
0x22: {  	[simem:s7], [sflag:s8] =	dma.local @!p0 [hbm:s6], $0xF7A  }
0x23: {  	s9 =	sor.u32 $0xD0000000, s2;
	s6 =	simm.s32 $0x108;
	_ =	swait.ge @!p0 [sflag:s8], $0x0  }
0x24: {  	s3 =	sadd.s32 $0x88, s3;
	s6 =	simm.s32 @!p1 $0x1082;
	[sflag:s4] =	ssyncset.s32 $0xFFFFF086  }
0x25: {  	[simem:s6], [sflag:s4] =	dma.local [hbm:s3], $0xF7A  }
0x26: {  	[smem:$0x3F9A] =	sst s1;
	(tag) =	ssettag s2;
	_ =	strace s9  }
0x27: {  	s1 =	sld [smem:$0x3FAA]  }
0x28: {  	s2 =	sld [smem:$0x3FAB]  }
0x29: {  	s4 =	sld [smem:$0x3FAD]  }
0x2a: {  	p0 =	seq.s32 s5, $0x0;
	s5 =	sld [smem:$0x3FAE]  }
0x2b: {  	s6 =	sld [smem:$0x3FAF]  }
0x2c: {  	s7 =	sld [smem:$0x3FB0]  }
0x2d: {  	s3 =	simm.s32 $0x108;
	s8 =	sld [smem:$0x3FB1]  }
0x2e: {  	s3 =	simm.s32 @!p0 $0x1082;
	s9 =	sld [smem:$0x3FB2]  }
0x2f: {  	lr =	sadd.s32 s0, s3;
	s0 =	sld [smem:$0x3FA9]  }
0x30: {  	s3 =	sld [smem:$0x3FAC]  }
0x31: {  	[smem:$0x3FB5] =	sst s10  }
0x32: {  	s10 =	sld [smem:$0x3FB3];
	_ =	sdelay $0x3  }
0x33: {  	p0 =	seq.s32 s10, $0x1;
	s10 =	sld [smem:$0x3FB5];
	_ =	sdelay $0x3  }
0x34: {  	[smem:$0x3FB5] =	sst s10  }
0x35: {  	s10 =	sld [smem:$0x3FB4];
	_ =	sdelay $0x3  }
0x36: {  	p1 =	seq.s32 s10, $0x1;
	s10 =	sld [smem:$0x3FB5];
	_ =	sdelay $0x3  }
0x37: {  	[smem:$0x3FB5] =	sst s10  }
0x38: {  	s10 =	sld [smem:$0x3FB6]  }
0x39: {  	_ = 	snop;
	(pc) =	sbr.ind lr, $3  }
0x3a: {  	_ = 	snop  }
0x3b: {  	_ = 	snop  }
0x3c: {  	p2 =	seq.s32 s10, $0x1;
	s10 =	sld [smem:$0x3FB5]  }
0x3d: {  	_ =	shalt  }
0x3e: {  	_ =	shalt  }
0x3f: {  	_ =	shalt  }
0x40: {  	_ =	shalt  }
0x41: {  	_ =	shalt  }
0x42: {  	_ =	shalt  }
0x43: {  	_ =	shalt  }
0x44: {  	_ =	shalt  }
0x45: {  	_ =	shalt  }
0x46: {  	_ =	shalt  }
0x47: {  	_ =	shalt  }
0x48: {  	_ =	shalt  }
0x49: {  	_ =	shalt  }
0x4a: {  	_ =	shalt  }
0x4b: {  	_ =	shalt  }
0x4c: {  	_ =	shalt  }
0x4d: {  	_ =	shalt  }
0x4e: {  	_ =	shalt  }
0x4f: {  	_ =	shalt  }
0x50: {  	_ =	shalt  }
0x51: {  	_ =	shalt  }
0x52: {  	_ =	shalt  }
0x53: {  	_ =	shalt  }
0x54: {  	_ =	shalt  }
0x55: {  	_ =	shalt  }
0x56: {  	_ =	shalt  }
0x57: {  	_ =	shalt  }
0x58: {  	_ =	shalt  }
0x59: {  	_ =	shalt  }
0x5a: {  	_ =	shalt  }
0x5b: {  	_ =	shalt  }
0x5c: {  	_ =	shalt  }
0x5d: {  	_ =	shalt  }
0x5e: {  	_ =	shalt  }
0x5f: {  	_ =	shalt  }
0x60: {  	_ =	shalt  }
0x61: {  	_ =	shalt  }
0x62: {  	_ =	shalt  }
0x63: {  	_ =	shalt  }
0x64: {  	_ =	shalt  }
0x65: {  	_ =	shalt  }
0x66: {  	_ =	shalt  }
0x67: {  	_ =	shalt  }
0x68: {  	_ =	shalt  }
0x69: {  	_ =	shalt  }
0x6a: {  	_ =	shalt  }
0x6b: {  	_ =	shalt  }
0x6c: {  	_ =	shalt  }
0x6d: {  	_ =	shalt  }
0x6e: {  	_ =	shalt  }
0x6f: {  	_ =	shalt  }
0x70: {  	_ =	shalt  }
0x71: {  	_ =	shalt  }
0x72: {  	_ =	shalt  }
0x73: {  	_ =	shalt  }
0x74: {  	_ =	shalt  }
0x75: {  	_ =	shalt  }
0x76: {  	_ =	shalt  }
0x77: {  	_ =	shalt  }
0x78: {  	_ =	shalt  }
0x79: {  	_ =	shalt  }
0x7a: {  	_ =	shalt  }
0x7b: {  	_ =	shalt  }
0x7c: {  	_ =	shalt  }
0x7d: {  	_ =	shalt  }
0x7e: {  	_ =	shalt  }
0x7f: {  	_ =	shalt  }
0x80: {  	_ =	shalt  }
0x81: {  	_ =	shalt  }
0x82: {  	_ =	shalt  }
0x83: {  	_ =	shalt  }
0x84: {  	_ =	shalt  }
0x85: {  	_ =	shalt  }
0x86: {  	_ =	shalt  }
0x87: {  	_ =	shalt  }
.Lfunc_end0:
.L_simem_size_0:
called_computation_lowered:
.L_overlay_start_0:
0x88: {  	s2 =	sld [smem:$0x3FD9]  }
0x89: {  	s3 =	sld [smem:$0x3FFE];
	_ =	sdelay $0x1  }
0x8a: {  	s1 =	srdreg.scid  }
0x8b: {  	s0 =	sand.u32 $0x1, s1  }
0x8c: {  	s14 =	sshll.u32 s0, $0xA;
	s2 =	sadd.s32 s3, s2  }
0x8d: {  	s2 =	sadd.s32 s2, s14  }
0x8e: {  	[smem:$0x3FC1] =	sst s2  }
0x8f: {  	_ = 	snop  }
0x90: {  	s2 =	sld [smem:$0x3FD0];
	_ =	sdelay $0x2  }
0x91: {  	s15 =	simm.s32 $0xA;
	s4 =	simm.s32 $0x10  }
0x92: {  	[smem:s4], [sflag:s15] =	dma.local [hbm:s2], $0x1  }
0x93: {  	_ =	swait.eq [sflag:s15], $0x1  }
0x94: {  	[sflag:s15] =	ssyncset.done $0x0  }
0x95: {  	[sflag:s15] =	ssyncadd.s32 $0xFFFFFFFF  }
0x96: {  	s16 =	sld [smem:$0x10];
	(tm) =	ssettm $0x1  }
0x97: {  	s17 =	sld [smem:$0x3FFB];
	_ =	sdelay $0x3  }
0x98: {  	_ =	strace s17  }
0x99: {  	s3 =	sld [smem:$0x3FFC];
	_ =	sdelay $0x3  }
0x9a: {  	_ =	strace s3  }
0x9b: {  	s3 =	sld [smem:$0x3FFD];
	_ =	sdelay $0x3  }
0x9c: {  	_ =	strace s3  }
0x9d: {  	_ =	strace $0x8FFFFFFF  }
0x9e: {  	s18 =	sld [smem:$0x3FDB];
	_ =	sdelay $0x1  }
0x9f: {  	s19 =	simm.s32 $_scs_section_size  }
0xa0: {  	s5 =	simm.s32 $_size__tile_overlayer_lowered;
	s6 =	simm.s32 $_tile_overlayer_lowered  }
0xa1: {  	s22 =	simm.s32 $0x1BFF;
	s21 =	sshll.u32 s6, $0x1;
	s3 =	sadd.s32 s19, s18  }
0xa2: {  	s7 =	simm.s32 $0x0;
	s20 =	sshll.u32 s5, $0x1;
	s5 =	sadd.s32 s21, s3  }
0xa3: {  	[timem:s7], [sflag:s22] =	dma.local [hbm:s5], s20  }
0xa4: {  	_ =	swait.ge [sflag:s22], s20  }
0xa5: {  	s4 =	ssub.s32 $0x0, s20;
	[sflag:s22] =	ssyncset.done $0x0  }
0xa6: {  	[sflag:s22] =	ssyncadd.s32 s4;
	_ =	sdelay $0x1  }
0xa7: {  	s23 =	simm.s32 $0x1B8B  }
0xa8: {  	_ =	swait.ge [sflag:s23], $0x1  }
0xa9: {  	[sflag:s23] =	ssyncset.done $0x0  }
0xaa: {  	s25 =	simm.s32 $0x1B8E;
	s24 =	sld [smem:$0x3FFE];
	[sflag:s23] =	ssyncadd.s32 $0xFFFFFFFF  }
0xab: {  	s26 =	simm.s32 $execute0_lowered;
	[smem:$0x3FD2] =	sst s25  }
0xac: {  	s5 =	sshll.u32 s26, $0x1;
	_ =	strace $0x80000046;
	[dreg:$0x1] =	wrdreg $0xFFFFFFFF  }
0xad: {  	s28 =	simm.s32 $_size_execute0_lowered;
	s3 =	sadd.s32 s3, s5;
	[dreg:$0x0] =	wrdreg $0x0  }
0xae: {  	s5 =	sshll.u32 s28, $0x1;
	[dreg:$0x2] =	wrdreg s3  }
0xaf: {  	[dreg:$0x3] =	wrdreg s5  }
0xb0: {  	[dreg:$0x4] =	wrdreg $0xC0  }
0xb1: {  	_ =	task [dreg:s7], $0x5FFFF  }
0xb2: {  	[dreg:$0x1] =	wrdreg $0xFFFFFFFF  }
0xb3: {  	[dreg:$0x0] =	wrdreg $0x60  }
0xb4: {  	[dreg:$0x2] =	wrdreg s24  }
0xb5: {  	[dreg:$0x3] =	wrdreg s16  }
0xb6: {  	[dreg:$0x4] =	wrdreg $0x80000  }
0xb7: {  	[dreg:$0x5] =	wrdreg $0x9  }
0xb8: {  	_ =	task.clear_ibuf [dreg:s7], $0x6FFFF;
	_ =	strace $0x90000046  }
0xb9: {  	s29 =	simm.s32 $0x9;
	_ =	strace $0x80000048  }
0xba: {  	_ =	swait.ge [sflag:s29], $0x1  }
0xbb: {  	[sflag:s29] =	ssyncadd.s32 $0xFFFFFFFF  }
0xbc: {  	_ =	strace $0x90000048  }
0xbd: {  	_ =	sfence  }
0xbe: {  	s30 =	sld [smem:$0x0];
	_ =	sdelay $0x2  }
0xbf: {  	s31 =	sshll.u32 s1, $0xD;
	s1 =	sshrl.u32 s1, $0x2  }
0xc0: {  	s3 =	sand.u32 $0x4000, s31;
	s1 =	sadd.s32 s1, s30  }
0xc1: {  	s0 =	sor.u32 s3, s0;
	s1 =	sshll.u32 s1, $0x11  }
0xc2: {  	s0 =	sor.u32 s1, s0  }
0xc3: {  	s0 =	sadd.s32 $0x8F2B, s0  }
0xc4: {  	[sflag:s0] =	ssyncadd.remote.s32 $0x1  }
0xc5: {  	_ =	sfence.sel $0xFFFF  }
0xc6: {  	[dreg:$0x0] =	wrdreg $0xFFFFFFFF;
	(pc) =	sbr.abs _section_cstart, $3  }
0xc7: {  	[dreg:$0x1] =	wrdreg $0xFFFFFFFF  }
0xc8: {  	_ =	task.clear_ibuf [dreg:s7], $0x2FFFF;
	_ =	strace $0x9FFFFFFF  }
0xc9: {  	(tm) =	ssettm $0x7FFFFFFF  }
tec
execute0_lowered:
.L_overlay_start_1:
0x0: {  	(tag) =	ssettag $0x1  }
0x1: {  	s4 =	rddreg [dreg:$0x0]  }
0x2: {  	s6 =	rddreg [dreg:$0x1]  }
0x3: {  	s2 =	rddreg [dreg:$0x2]  }
0x4: {  	s0 =	rddreg [dreg:$0x3]  }
0x5: {  	s3 =	srdreg.scid;
	s1 =	stileid.u32  }
0x6: {  	s11 =	simm.s32 $0x7D00;
	s14 =	simm.s32 $0x0;
	s5 =	sand.u32 $0x1, s3  }
0x7: {  	s7 =	sshll.u32 s1, $0x1;
	s8 =	smul.u32 $0x280, s1;
	s3 =	simm.s32 $0x0  }
0x8: {  	s12 =	sshll.u32 s1, $0x6;
	s7 =	sor.u32 s5, s7;
	s9 =	smul.u32 $0x2800, s5  }
0x9: {  	[smem:$0x7FF] =	sst s3;
	s5 =	ssub.s32 $0x2, s5;
	s12 =	sor.u32 $0x1C01, s12  }
0xa: {  	s7 =	smul.u32 $0xFA0, s7;
	_ =	strace $0x80000047;
	s10 =	sshrl.u32 s5, $0x1  }
0xb: {  	s9 =	sadd.s32 s8, s9;
	s31 =	ssub.s32 s5, s10;
	s5 =	sadd.s32 s8, s2  }
0xc: {  	s8 =	simm.s32 $0x1;
	s10 =	simm.s32 $0x50;
	s4 =	sadd.s32 s7, s4  }
0xd: {  	s9 =	sshrl.u32 s9, $0x3;
	s7 =	smax.u32 s31, $0x1;
	s13 =	sshrl.u32 s5, $0x3  }
0xe: {  	v0 =	vimm.f32 $1.000000000e+00;
	v1 =	vimm.f32 $0.0e+00;
	s4 =	sadd.s32 $0x1400, s4;
	s6 =	sadd.s32 s6, s9;
	s9 =	simm.s32 $0x7D80  }
.LBB2_1:
0xf: {  	[tilespmem:s3], [sflag:$0x1] =	stream.linear.gather [hbm4b:s4+s3], $0x7D00, $0x38;
	[tilespmem:$0x8280] =	vst v63  }
0x10: {  	_ =	swait.ge [sflag:s8], $0x7D00  }
0x11: {  	[sflag:s8] =	ssyncset.done $0x0  }
0x12: {  	[sflag:s8] =	ssyncadd.s32 $0xFFFF8300  }
0x13: {  	[tilespmem:$0x7D00] =	vst v0  }
0x14: {  	[tilespmem:$0x7D10] =	vst v0  }
0x15: {  	[tilespmem:$0x7D20] =	vst v0  }
0x16: {  	[tilespmem:$0x7D30] =	vst v0  }
0x17: {  	[tilespmem:$0x7D40] =	vst v0  }
0x18: {  	[tilespmem:$0x7D80] =	vst v1  }
0x19: {  	[tilespmem:$0x7D90] =	vst v1  }
0x1a: {  	[tilespmem:$0x7DA0] =	vst v1  }
0x1b: {  	[tilespmem:$0x7DB0] =	vst v1  }
0x1c: {  	[tilespmem:$0x7DC0] =	vst v1  }
0x1d: {  	[tilespmem:$0x7DD0] =	vst v1  }
0x1e: {  	[tilespmem:$0x7DE0] =	vst v1  }
0x1f: {  	[tilespmem:$0x7DF0] =	vst v1  }
0x20: {  	[tilespmem:$0x7E00] =	vst v1  }
0x21: {  	[tilespmem:$0x7E10] =	vst v1  }
0x22: {  	[tilespmem:$0x7E20] =	vst v1  }
0x23: {  	[tilespmem:$0x7E30] =	vst v1  }
0x24: {  	[tilespmem:$0x7E40] =	vst v1  }
0x25: {  	[tilespmem:$0x7E50] =	vst v1  }
0x26: {  	[tilespmem:$0x7E60] =	vst v1  }
0x27: {  	[tilespmem:$0x7E70] =	vst v1  }
0x28: {  	[tilespmem:$0x7E80] =	vst v1  }
0x29: {  	[tilespmem:$0x7E90] =	vst v1  }
0x2a: {  	[tilespmem:$0x7EA0] =	vst v1  }
0x2b: {  	[tilespmem:$0x7EB0] =	vst v1  }
0x2c: {  	[tilespmem:$0x7EC0] =	vst v1  }
0x2d: {  	[tilespmem:$0x7ED0] =	vst v1  }
0x2e: {  	[tilespmem:$0x7EE0] =	vst v1  }
0x2f: {  	[tilespmem:$0x7EF0] =	vst v1  }
0x30: {  	[tilespmem:$0x7F00] =	vst v1  }
0x31: {  	[tilespmem:$0x7F10] =	vst v1  }
0x32: {  	[tilespmem:$0x7F20] =	vst v1  }
0x33: {  	[tilespmem:$0x7F30] =	vst v1  }
0x34: {  	[tilespmem:$0x7F40] =	vst v1  }
0x35: {  	[tilespmem:$0x7F50] =	vst v1  }
0x36: {  	[tilespmem:$0x7F60] =	vst v1  }
0x37: {  	[tilespmem:$0x7F70] =	vst v1  }
0x38: {  	[tilespmem:$0x7F80] =	vst v1  }
0x39: {  	[tilespmem:$0x7F90] =	vst v1  }
0x3a: {  	[tilespmem:$0x7FA0] =	vst v1  }
0x3b: {  	[tilespmem:$0x7FB0] =	vst v1  }
0x3c: {  	[tilespmem:$0x7FC0] =	vst v1  }
0x3d: {  	[tilespmem:$0x7FD0] =	vst v1  }
0x3e: {  	[tilespmem:$0x7FE0] =	vst v1  }
0x3f: {  	[tilespmem:$0x7FF0] =	vst v1  }
0x40: {  	[spmem:s5] =	stream.linear.scatter [tilespmem:s9], [sflag:$0x1], $0x280, $0x38;
	[tilespmem:$0x8280] =	vst v63  }
0x41: {  	_ =	swait.ge [sflag:s8], $0x280  }
0x42: {  	[sflag:s8] =	ssyncset.done $0x0  }
0x43: {  	[sflag:s8] =	ssyncadd.s32 $0xFFFFFD80  }
0x44: {  	s15 =	simm.s32 $0x80;
	[bflag:$0x0] =	sbarrier.arrive $0xFFFF  }
0x45: {  	[spmem:s2] =	stream.indirect.scatter.add.f32 [tilespmem:s11], [sflag:$0x1], $0x1, s15, s10, $0xb8;
	[tilespmem:$0x8280] =	vst v63  }
0x46: {  	_ =	swait.ge [sflag:s8], $0x50  }
0x47: {  	s15 =	simm.s32 $0x600;
	[sflag:s8] =	ssyncset.done $0x0  }
.LBB2_2:
0x48: {  	s16 =	sshra.s32 s15, $0x2;
	[sflag:s8] =	ssyncadd.s32 $0xFFFFFFB0;
	p0 =	sne.s32 s15, $0x1F200  }
0x49: {  	[spmem:s2] =	stream.indirect.scatter.add.f32 [tilespmem:s11], [sflag:$0x1], $0x1, s16, s10, $0xb8;
	[tilespmem:$0x8280] =	vst v63  }
.Ltmp0:
0x4a: {  	_ = 	snop;
	(pc) =	sbr.rel @p0 .LBB2_2-.Ltmp0, $4  }
0x4b: {  	_ = 	snop  }
0x4c: {  	s15 =	sadd.s32 $0x400, s15  }
0x4d: {  	_ =	swait.ge [sflag:s8], $0x50  }
0x4e: {  	[sflag:s8] =	ssyncset.done $0x0  }
0x4f: {  	s14 =	sadd.s32 $0x1, s14  }
0x50: {  	[sflag:s8] =	ssyncadd.s32 $0xFFFFFFB0;
	p0 =	sne.s32 s14, s7  }
.Ltmp1:
0x51: {  	[bflag:$0x0] =	sbarrier.arrive $0xFFFF;
	(pc) =	sbr.rel @p0 .LBB2_1-.Ltmp1, $4  }
0x52: {  	[hbm:s6], [sflag:s12] =	dma.local [spmem:s13], $0x50  }
0x53: {  	_ =	swait.ge [sflag:s8], $0x50  }
0x54: {  	[sflag:s8] =	ssyncset.done $0x0  }
0x55: {  	[sflag:s8] =	ssyncadd.s32 $0xFFFFFFB0  }
0x56: {  	_ =	sfence.sel $0x180000  }
0x57: {  	[bflag:$0x0] =	sbarrier.arrive $0xFFFF  }
0x58: {  	p0 =	sne.s32 s1, $0x0;
	_ =	strace $0x90000047  }
0x59: {  	s0 =	sadd.s32 @!p0 $0x100000, s0;
	[bflag:$0x2] =	sbarrier.arrive $0xFFFF  }
0x5a: {  	[sflag:s0] =	ssyncadd.tile.s32 @!p0 $0x1;
	_ =	shalt  }
.Lfunc_end2:
_tile_overlayer_lowered:
.L_overlay_start_2:
0x5b: {  	(tag) =	ssettag $0x2  }
0x5c: {  	s0 =	rddreg [dreg:$0x0];
	s2 =	stileid.u32  }
0x5d: {  	s1 =	rddreg [dreg:$0x1];
	p0 =	sne.s32 s2, $0x0  }
0x5e: {  	s3 =	rddreg [dreg:$0x2];
	[bflag:$0x3] =	sbarrier.arrive $0xFFFF;
	s2 =	simm.s32 @!p0 $0x1C01  }
0x5f: {  	[timem:s3], [sflag:s2] =	dma.local @!p0 [hbm:s0], s1  }
0x60: {  	s0 =	simm.s32 @!p0 $0x1  }
0x61: {  	_ =	swait.ge @!p0 [sflag:s0], s1  }
0x62: {  	s1 =	ssub.s32 @!p0 $0x0, s1;
	[sflag:s0] =	ssyncset.done @!p0 $0x0  }
0x63: {  	[sflag:s0] =	ssyncadd.s32 @!p0 s1  }
0x64: {  	[bflag:$0x3] =	sbarrier.arrive $0xFFFF  }
0x65: {  	_ =	shalt  }

</sc_bundles>
